<compile_context>
chip_gen: v7x
topology: tpu7x:2x2x1
jax: 0.10.2.dev20260603
libtpu: 0.0.44.dev20260713+nightly
codegen_flags: <defaults>
</compile_context>

<pallas_src>
import jax
import jax.numpy as jnp
from jax import lax
from jax.experimental import pallas as pl
from jax.experimental.pallas import tpu as pltpu
from jax.experimental.pallas import tpu_sc as plsc

_EMB_DIM = 32
_BATCH = 16384
_NC = 2
_NS = 16
_NW = _NC * _NS
_B_PER_W = _BATCH // _NW
_CHUNK = 128
_NCHUNK = _B_PER_W // _CHUNK
_GROUPS = _B_PER_W // 16
_NBUF = 8


def _mf_body(uidx_hbm, iidx_hbm, ut_hbm, it_hbm, ubias_hbm, ibias_hbm,
             out_hbm,
             uidx_v, iidx_v, ublk, iblk, bu_v, bi_v, pbuf, out_v,
             usem, isem, bsem):
    wid = lax.axis_index("s") * _NC + lax.axis_index("c")

    pltpu.sync_copy(uidx_hbm.at[wid], uidx_v)
    pltpu.sync_copy(iidx_hbm.at[wid], iidx_v)

    bias_copies = []
    for j in range(_NCHUNK):
        sl = pl.ds(j * _CHUNK, _CHUNK)
        bias_copies.append(
            pltpu.async_copy(ubias_hbm.at[uidx_v.at[sl]], bu_v.at[sl], bsem))
        bias_copies.append(
            pltpu.async_copy(ibias_hbm.at[iidx_v.at[sl]], bi_v.at[sl], bsem))

    iota16 = lax.iota(jnp.int32, 16)

    def _issue(ucol, icol, slot):
        pltpu.async_copy(ut_hbm.at[:, pl.ds(pl.multiple_of(ucol, 128), 128)],
                         ublk.at[slot], usem.at[slot])
        pltpu.async_copy(it_hbm.at[:, pl.ds(pl.multiple_of(icol, 128), 128)],
                         iblk.at[slot], isem.at[slot])

    def _drain(slot):
        pltpu.make_async_copy(ut_hbm.at[:, pl.ds(0, 128)], ublk.at[slot],
                              usem.at[slot]).wait()
        pltpu.make_async_copy(it_hbm.at[:, pl.ds(0, 128)], iblk.at[slot],
                              isem.at[slot]).wait()

    def _cols_lanes(g):
        uvec = uidx_v[pl.ds(g * 16, 16)]
        ivec = iidx_v[pl.ds(g * 16, 16)]
        return ((uvec >> 7) * 128, uvec & 127, (ivec >> 7) * 128, ivec & 127)

    ucol0, _, icol0, _ = _cols_lanes(0)
    for b in range(_NBUF):
        _issue(ucol0[b], icol0[b], b % _NBUF)

    def group_body(g, carry):
        ucolv, ulanev, icolv, ilanev = _cols_lanes(g)
        for b in range(16):
            slot = b % _NBUF
            _drain(slot)
            ul = jnp.broadcast_to(ulanev[b], (16,))
            il = jnp.broadcast_to(ilanev[b], (16,))
            u0 = plsc.load_gather(ublk.at[slot], [iota16, ul])
            u1 = plsc.load_gather(ublk.at[slot], [iota16 + 16, ul])
            i0 = plsc.load_gather(iblk.at[slot], [iota16, il])
            i1 = plsc.load_gather(iblk.at[slot], [iota16 + 16, il])
            pbuf[pl.ds(b * 16, 16)] = u0 * i0 + u1 * i1

            if b < 16 - _NBUF:
                _issue(ucolv[b + _NBUF], icolv[b + _NBUF], slot)
            else:

                @pl.when(g < _GROUPS - 1)
                def _():
                    ucolvn, _, icolvn, _ = _cols_lanes(g + 1)
                    _issue(ucolvn[b + _NBUF - 16], icolvn[b + _NBUF - 16],
                           slot)

        acc = bu_v[pl.ds(g * 16, 16)] + bi_v[pl.ds(g * 16, 16)]
        for c in range(16):
            acc = acc + plsc.load_gather(pbuf, [iota16 * 16 + c])
        out_v[pl.ds(g * 16, 16)] = acc
        return carry

    for c in bias_copies:
        c.wait()

    lax.fori_loop(0, _GROUPS, group_body, 0)

    pltpu.sync_copy(out_v, out_hbm.at[pl.ds(wid * _B_PER_W, _B_PER_W)])


def kernel(edge_index, user_emb, item_emb, user_bias, item_bias):
    ut = user_emb.T
    it = item_emb.T
    uidx = edge_index[0].astype(jnp.int32).reshape(_NW, _B_PER_W)
    iidx = edge_index[1].astype(jnp.int32).reshape(_NW, _B_PER_W)
    ub = user_bias.reshape(-1)
    ib = item_bias.reshape(-1)

    mesh = plsc.VectorSubcoreMesh(core_axis_name="c", subcore_axis_name="s")
    run = pl.kernel(
        _mf_body,
        mesh=mesh,
        compiler_params=pltpu.CompilerParams(
            needs_layout_passes=False,
            use_tc_tiling_on_sc=True,
        ),
        out_type=jax.ShapeDtypeStruct((_BATCH,), jnp.float32),
        scratch_types=[
            pltpu.VMEM((_B_PER_W,), jnp.int32),
            pltpu.VMEM((_B_PER_W,), jnp.int32),
            pltpu.VMEM((_NBUF, _EMB_DIM, 128), jnp.float32),
            pltpu.VMEM((_NBUF, _EMB_DIM, 128), jnp.float32),
            pltpu.VMEM((_B_PER_W,), jnp.float32),
            pltpu.VMEM((_B_PER_W,), jnp.float32),
            pltpu.VMEM((256,), jnp.float32),
            pltpu.VMEM((_B_PER_W,), jnp.float32),
            pltpu.SemaphoreType.DMA((_NBUF,)),
            pltpu.SemaphoreType.DMA((_NBUF,)),
            pltpu.SemaphoreType.DMA,
        ],
    )
    return run(uidx, iidx, ut, it, ub, ib)

# --- scband reference (transcript-rebuilt; emitter-appended) ---
"""Pipeline reference for scband-mfmodel-16690242912303 (READ-ONLY COPY).

The authoritative reference and input builder live on the scoring server;
editing this copy changes nothing except your own understanding.
"""

import jax, jax.numpy as jnp
import numpy as np

NUM_USERS = 1000000
NUM_ITEMS = 1000000
EMB_DIM = 32
BATCH = 16384

def setup_inputs(seed: int = 0) -> dict:
    key = jax.random.key(seed)
    k1, k2, k3, k4, k5 = jax.random.split(key, 5)
    edge_index = jax.random.randint(k1, (2, BATCH), 0, NUM_USERS, dtype=jnp.int64) if jax.config.jax_enable_x64 else jax.random.randint(k1, (2, BATCH), 0, NUM_USERS).astype(jnp.int32)
    # xavier_uniform bound = sqrt(6/(fan_in+fan_out))
    bu = float(np.sqrt(6.0 / (NUM_USERS + EMB_DIM)))
    bi = float(np.sqrt(6.0 / (NUM_ITEMS + EMB_DIM)))
    user_emb = jax.random.uniform(k2, (NUM_USERS, EMB_DIM), jnp.float32, -bu, bu)
    item_emb = jax.random.uniform(k3, (NUM_ITEMS, EMB_DIM), jnp.float32, -bi, bi)
    user_bias = jax.random.normal(k4, (NUM_USERS, 1), jnp.float32) * 0.01
    item_bias = jax.random.normal(k5, (NUM_ITEMS, 1), jnp.float32) * 0.01
    return {"edge_index": edge_index, "user_emb": user_emb, "item_emb": item_emb, "user_bias": user_bias, "item_bias": item_bias}

def reference(edge_index, user_emb, item_emb, user_bias, item_bias):
    # Faithful translation of MFModel.forward (eval mode: dropout is identity)
    user_idx = edge_index[0]
    item_idx = edge_index[1]
    u = jnp.take(user_emb, user_idx, axis=0)
    i = jnp.take(item_emb, item_idx, axis=0)
    b_u = jnp.take(user_bias, user_idx, axis=0).squeeze(-1)
    b_i = jnp.take(item_bias, item_idx, axis=0).squeeze(-1)
    return (u * i).sum(axis=1) + b_u + b_i

if __name__ == "__main__":
    import jax
    _d = setup_inputs()
    print(jax.jit(kernel)(*tuple(_d.values())))

</pallas_src>

<mosaic_0001>
#map = affine_map<(d0, d1) -> (0, 0)>
#map1 = affine_map<(d0, d1) -> (0)>
module attributes {stable_mosaic.version = 14 : i64} {
  func.func @_mf_body(%arg0: i32, %arg1: i32, %arg2: memref<32x512xi32, #tpu.memory_space<hbm>>, %arg3: memref<32x512xi32, #tpu.memory_space<hbm>>, %arg4: memref<32x1000000xf32, #tpu.memory_space<hbm>>, %arg5: memref<32x1000000xf32, #tpu.memory_space<hbm>>, %arg6: memref<1000000xf32, #tpu.memory_space<hbm>>, %arg7: memref<1000000xf32, #tpu.memory_space<hbm>>, %arg8: memref<16384xf32, #tpu.memory_space<hbm>>, %arg9: memref<512xi32, #tpu.memory_space<vmem>>, %arg10: memref<512xi32, #tpu.memory_space<vmem>>, %arg11: memref<8x32x128xf32, #tpu.memory_space<vmem>>, %arg12: memref<8x32x128xf32, #tpu.memory_space<vmem>>, %arg13: memref<512xf32, #tpu.memory_space<vmem>>, %arg14: memref<512xf32, #tpu.memory_space<vmem>>, %arg15: memref<256xf32, #tpu.memory_space<vmem>>, %arg16: memref<512xf32, #tpu.memory_space<vmem>>, %arg17: memref<8x!tpu.dma_semaphore, #tpu.memory_space<semaphore_mem>>, %arg18: memref<8x!tpu.dma_semaphore, #tpu.memory_space<semaphore_mem>>, %arg19: memref<!tpu.dma_semaphore, #tpu.memory_space<semaphore_mem>>) attributes {dimension_semantics = [#tpu.dimension_semantics<core_parallel>, #tpu.dimension_semantics<subcore_parallel>], iteration_bounds = array<i64: 2, 16>, scalar_prefetch = 0 : i64, scratch_operands = 11 : i64, tpu.core_type = #tpu.core_type<sc_vector_subcore>, window_params = [{transform_indices = #map}, {transform_indices = #map}, {transform_indices = #map}, {transform_indices = #map}, {transform_indices = #map1}, {transform_indices = #map1}, {transform_indices = #map1}]} {
    %mul3A = arith.constant 2 : i32
    %mul3A_0 = arith.muli %arg1, %mul3A : i32
    %add3A = arith.addi %mul3A_0, %arg0 : i32
    "tpu.region"() ({
      %run_scoped3A = tpu.sem_alloc : memref<!tpu.dma_semaphore, #tpu.memory_space<semaphore_mem>>
      %dma_start3A_422 = arith.constant 0 : i32
      %dma_start3A_423 = tpu.memref_slice %arg2[%add3A, %dma_start3A_422] : memref<32x512xi32, #tpu.memory_space<hbm>> -> memref<1x512xi32, #tpu.memory_space<hbm>>
      %dma_start3A_424 = tpu.memref_squeeze %dma_start3A_423 : memref<1x512xi32, #tpu.memory_space<hbm>> -> memref<512xi32, #tpu.memory_space<hbm>>
      %dma_start3A_425 = arith.constant 0 : i32
      %dma_start3A_426 = tpu.memref_slice %arg2[%add3A, %dma_start3A_425] : memref<32x512xi32, #tpu.memory_space<hbm>> -> memref<1x512xi32, #tpu.memory_space<hbm>>
      %dma_start3A_427 = tpu.memref_squeeze %dma_start3A_426 : memref<1x512xi32, #tpu.memory_space<hbm>> -> memref<512xi32, #tpu.memory_space<hbm>>
      tpu.enqueue_dma source(%dma_start3A_427 : memref<512xi32, #tpu.memory_space<hbm>>) target(%arg9 : memref<512xi32, #tpu.memory_space<vmem>>) target_semaphore(%run_scoped3A : memref<!tpu.dma_semaphore, #tpu.memory_space<semaphore_mem>>)
      %dma_wait3A_428 = arith.constant 0 : i32
      %dma_wait3A_429 = tpu.memref_slice %arg2[%add3A, %dma_wait3A_428] : memref<32x512xi32, #tpu.memory_space<hbm>> -> memref<1x512xi32, #tpu.memory_space<hbm>>
      %dma_wait3A_430 = tpu.memref_squeeze %dma_wait3A_429 : memref<1x512xi32, #tpu.memory_space<hbm>> -> memref<512xi32, #tpu.memory_space<hbm>>
      %dma_wait3A_431 = arith.constant 0 : i32
      %dma_wait3A_432 = tpu.memref_slice %arg2[%add3A, %dma_wait3A_431] : memref<32x512xi32, #tpu.memory_space<hbm>> -> memref<1x512xi32, #tpu.memory_space<hbm>>
      %dma_wait3A_433 = tpu.memref_squeeze %dma_wait3A_432 : memref<1x512xi32, #tpu.memory_space<hbm>> -> memref<512xi32, #tpu.memory_space<hbm>>
      tpu.wait_dma2 semaphore(%run_scoped3A : memref<!tpu.dma_semaphore, #tpu.memory_space<semaphore_mem>>) src(%dma_wait3A_433 : memref<512xi32, #tpu.memory_space<hbm>>) dst(%arg9 : memref<512xi32, #tpu.memory_space<vmem>>)
      tpu.yield
    }) : () -> ()
    "tpu.region"() ({
      %run_scoped3A = tpu.sem_alloc : memref<!tpu.dma_semaphore, #tpu.memory_space<semaphore_mem>>
      %dma_start3A_422 = arith.constant 0 : i32
      %dma_start3A_423 = tpu.memref_slice %arg3[%add3A, %dma_start3A_422] : memref<32x512xi32, #tpu.memory_space<hbm>> -> memref<1x512xi32, #tpu.memory_space<hbm>>
      %dma_start3A_424 = tpu.memref_squeeze %dma_start3A_423 : memref<1x512xi32, #tpu.memory_space<hbm>> -> memref<512xi32, #tpu.memory_space<hbm>>
      %dma_start3A_425 = arith.constant 0 : i32
      %dma_start3A_426 = tpu.memref_slice %arg3[%add3A, %dma_start3A_425] : memref<32x512xi32, #tpu.memory_space<hbm>> -> memref<1x512xi32, #tpu.memory_space<hbm>>
      %dma_start3A_427 = tpu.memref_squeeze %dma_start3A_426 : memref<1x512xi32, #tpu.memory_space<hbm>> -> memref<512xi32, #tpu.memory_space<hbm>>
      tpu.enqueue_dma source(%dma_start3A_427 : memref<512xi32, #tpu.memory_space<hbm>>) target(%arg10 : memref<512xi32, #tpu.memory_space<vmem>>) target_semaphore(%run_scoped3A : memref<!tpu.dma_semaphore, #tpu.memory_space<semaphore_mem>>)
      %dma_wait3A_428 = arith.constant 0 : i32
      %dma_wait3A_429 = tpu.memref_slice %arg3[%add3A, %dma_wait3A_428] : memref<32x512xi32, #tpu.memory_space<hbm>> -> memref<1x512xi32, #tpu.memory_space<hbm>>
      %dma_wait3A_430 = tpu.memref_squeeze %dma_wait3A_429 : memref<1x512xi32, #tpu.memory_space<hbm>> -> memref<512xi32, #tpu.memory_space<hbm>>
      %dma_wait3A_431 = arith.constant 0 : i32
      %dma_wait3A_432 = tpu.memref_slice %arg3[%add3A, %dma_wait3A_431] : memref<32x512xi32, #tpu.memory_space<hbm>> -> memref<1x512xi32, #tpu.memory_space<hbm>>
      %dma_wait3A_433 = tpu.memref_squeeze %dma_wait3A_432 : memref<1x512xi32, #tpu.memory_space<hbm>> -> memref<512xi32, #tpu.memory_space<hbm>>
      tpu.wait_dma2 semaphore(%run_scoped3A : memref<!tpu.dma_semaphore, #tpu.memory_space<semaphore_mem>>) src(%dma_wait3A_433 : memref<512xi32, #tpu.memory_space<hbm>>) dst(%arg10 : memref<512xi32, #tpu.memory_space<vmem>>)
      tpu.yield
    }) : () -> ()
    %dma_start3A = arith.constant 0 : i32
    %dma_start3A_1 = tpu.memref_slice %arg13[%dma_start3A] : memref<512xf32, #tpu.memory_space<vmem>> -> memref<128xf32, #tpu.memory_space<vmem>>
    %dma_start3A_2 = arith.constant 0 : i32
    %dma_start3A_3 = tpu.memref_slice %arg9[%dma_start3A_2] : memref<512xi32, #tpu.memory_space<vmem>> -> memref<128xi32, #tpu.memory_space<vmem>>
    %dma_start3A_4 = arith.constant 0 : i32
    %dma_start3A_5 = tpu.memref_slice %arg6[%dma_start3A_4] : memref<1000000xf32, #tpu.memory_space<hbm>> -> memref<1000000xf32, #tpu.memory_space<hbm>>
    tpu.enqueue_indirect_dma source(%dma_start3A_5 : memref<1000000xf32, #tpu.memory_space<hbm>>) target(%dma_start3A_1 : memref<128xf32, #tpu.memory_space<vmem>>) offsets(%dma_start3A_3 : memref<128xi32, #tpu.memory_space<vmem>>) semaphore(%arg19 : memref<!tpu.dma_semaphore, #tpu.memory_space<semaphore_mem>>)
    %dma_start3A_6 = arith.constant 0 : i32
    %dma_start3A_7 = tpu.memref_slice %arg14[%dma_start3A_6] : memref<512xf32, #tpu.memory_space<vmem>> -> memref<128xf32, #tpu.memory_space<vmem>>
    %dma_start3A_8 = arith.constant 0 : i32
    %dma_start3A_9 = tpu.memref_slice %arg10[%dma_start3A_8] : memref<512xi32, #tpu.memory_space<vmem>> -> memref<128xi32, #tpu.memory_space<vmem>>
    %dma_start3A_10 = arith.constant 0 : i32
    %dma_start3A_11 = tpu.memref_slice %arg7[%dma_start3A_10] : memref<1000000xf32, #tpu.memory_space<hbm>> -> memref<1000000xf32, #tpu.memory_space<hbm>>
    tpu.enqueue_indirect_dma source(%dma_start3A_11 : memref<1000000xf32, #tpu.memory_space<hbm>>) target(%dma_start3A_7 : memref<128xf32, #tpu.memory_space<vmem>>) offsets(%dma_start3A_9 : memref<128xi32, #tpu.memory_space<vmem>>) semaphore(%arg19 : memref<!tpu.dma_semaphore, #tpu.memory_space<semaphore_mem>>)
    %dma_start3A_12 = arith.constant 128 : i32
    %dma_start3A_13 = tpu.memref_slice %arg13[%dma_start3A_12] : memref<512xf32, #tpu.memory_space<vmem>> -> memref<128xf32, #tpu.memory_space<vmem>>
    %dma_start3A_14 = arith.constant 128 : i32
    %dma_start3A_15 = tpu.memref_slice %arg9[%dma_start3A_14] : memref<512xi32, #tpu.memory_space<vmem>> -> memref<128xi32, #tpu.memory_space<vmem>>
    %dma_start3A_16 = arith.constant 0 : i32
    %dma_start3A_17 = tpu.memref_slice %arg6[%dma_start3A_16] : memref<1000000xf32, #tpu.memory_space<hbm>> -> memref<1000000xf32, #tpu.memory_space<hbm>>
    tpu.enqueue_indirect_dma source(%dma_start3A_17 : memref<1000000xf32, #tpu.memory_space<hbm>>) target(%dma_start3A_13 : memref<128xf32, #tpu.memory_space<vmem>>) offsets(%dma_start3A_15 : memref<128xi32, #tpu.memory_space<vmem>>) semaphore(%arg19 : memref<!tpu.dma_semaphore, #tpu.memory_space<semaphore_mem>>)
    %dma_start3A_18 = arith.constant 128 : i32
    %dma_start3A_19 = tpu.memref_slice %arg14[%dma_start3A_18] : memref<512xf32, #tpu.memory_space<vmem>> -> memref<128xf32, #tpu.memory_space<vmem>>
    %dma_start3A_20 = arith.constant 128 : i32
    %dma_start3A_21 = tpu.memref_slice %arg10[%dma_start3A_20] : memref<512xi32, #tpu.memory_space<vmem>> -> memref<128xi32, #tpu.memory_space<vmem>>
    %dma_start3A_22 = arith.constant 0 : i32
    %dma_start3A_23 = tpu.memref_slice %arg7[%dma_start3A_22] : memref<1000000xf32, #tpu.memory_space<hbm>> -> memref<1000000xf32, #tpu.memory_space<hbm>>
    tpu.enqueue_indirect_dma source(%dma_start3A_23 : memref<1000000xf32, #tpu.memory_space<hbm>>) target(%dma_start3A_19 : memref<128xf32, #tpu.memory_space<vmem>>) offsets(%dma_start3A_21 : memref<128xi32, #tpu.memory_space<vmem>>) semaphore(%arg19 : memref<!tpu.dma_semaphore, #tpu.memory_space<semaphore_mem>>)
    %dma_start3A_24 = arith.constant 256 : i32
    %dma_start3A_25 = tpu.memref_slice %arg13[%dma_start3A_24] : memref<512xf32, #tpu.memory_space<vmem>> -> memref<128xf32, #tpu.memory_space<vmem>>
    %dma_start3A_26 = arith.constant 256 : i32
    %dma_start3A_27 = tpu.memref_slice %arg9[%dma_start3A_26] : memref<512xi32, #tpu.memory_space<vmem>> -> memref<128xi32, #tpu.memory_space<vmem>>
    %dma_start3A_28 = arith.constant 0 : i32
    %dma_start3A_29 = tpu.memref_slice %arg6[%dma_start3A_28] : memref<1000000xf32, #tpu.memory_space<hbm>> -> memref<1000000xf32, #tpu.memory_space<hbm>>
    tpu.enqueue_indirect_dma source(%dma_start3A_29 : memref<1000000xf32, #tpu.memory_space<hbm>>) target(%dma_start3A_25 : memref<128xf32, #tpu.memory_space<vmem>>) offsets(%dma_start3A_27 : memref<128xi32, #tpu.memory_space<vmem>>) semaphore(%arg19 : memref<!tpu.dma_semaphore, #tpu.memory_space<semaphore_mem>>)
    %dma_start3A_30 = arith.constant 256 : i32
    %dma_start3A_31 = tpu.memref_slice %arg14[%dma_start3A_30] : memref<512xf32, #tpu.memory_space<vmem>> -> memref<128xf32, #tpu.memory_space<vmem>>
    %dma_start3A_32 = arith.constant 256 : i32
    %dma_start3A_33 = tpu.memref_slice %arg10[%dma_start3A_32] : memref<512xi32, #tpu.memory_space<vmem>> -> memref<128xi32, #tpu.memory_space<vmem>>
    %dma_start3A_34 = arith.constant 0 : i32
    %dma_start3A_35 = tpu.memref_slice %arg7[%dma_start3A_34] : memref<1000000xf32, #tpu.memory_space<hbm>> -> memref<1000000xf32, #tpu.memory_space<hbm>>
    tpu.enqueue_indirect_dma source(%dma_start3A_35 : memref<1000000xf32, #tpu.memory_space<hbm>>) target(%dma_start3A_31 : memref<128xf32, #tpu.memory_space<vmem>>) offsets(%dma_start3A_33 : memref<128xi32, #tpu.memory_space<vmem>>) semaphore(%arg19 : memref<!tpu.dma_semaphore, #tpu.memory_space<semaphore_mem>>)
    %dma_start3A_36 = arith.constant 384 : i32
    %dma_start3A_37 = tpu.memref_slice %arg13[%dma_start3A_36] : memref<512xf32, #tpu.memory_space<vmem>> -> memref<128xf32, #tpu.memory_space<vmem>>
    %dma_start3A_38 = arith.constant 384 : i32
    %dma_start3A_39 = tpu.memref_slice %arg9[%dma_start3A_38] : memref<512xi32, #tpu.memory_space<vmem>> -> memref<128xi32, #tpu.memory_space<vmem>>
    %dma_start3A_40 = arith.constant 0 : i32
    %dma_start3A_41 = tpu.memref_slice %arg6[%dma_start3A_40] : memref<1000000xf32, #tpu.memory_space<hbm>> -> memref<1000000xf32, #tpu.memory_space<hbm>>
    tpu.enqueue_indirect_dma source(%dma_start3A_41 : memref<1000000xf32, #tpu.memory_space<hbm>>) target(%dma_start3A_37 : memref<128xf32, #tpu.memory_space<vmem>>) offsets(%dma_start3A_39 : memref<128xi32, #tpu.memory_space<vmem>>) semaphore(%arg19 : memref<!tpu.dma_semaphore, #tpu.memory_space<semaphore_mem>>)
    %dma_start3A_42 = arith.constant 384 : i32
    %dma_start3A_43 = tpu.memref_slice %arg14[%dma_start3A_42] : memref<512xf32, #tpu.memory_space<vmem>> -> memref<128xf32, #tpu.memory_space<vmem>>
    %dma_start3A_44 = arith.constant 384 : i32
    %dma_start3A_45 = tpu.memref_slice %arg10[%dma_start3A_44] : memref<512xi32, #tpu.memory_space<vmem>> -> memref<128xi32, #tpu.memory_space<vmem>>
    %dma_start3A_46 = arith.constant 0 : i32
    %dma_start3A_47 = tpu.memref_slice %arg7[%dma_start3A_46] : memref<1000000xf32, #tpu.memory_space<hbm>> -> memref<1000000xf32, #tpu.memory_space<hbm>>
    tpu.enqueue_indirect_dma source(%dma_start3A_47 : memref<1000000xf32, #tpu.memory_space<hbm>>) target(%dma_start3A_43 : memref<128xf32, #tpu.memory_space<vmem>>) offsets(%dma_start3A_45 : memref<128xi32, #tpu.memory_space<vmem>>) semaphore(%arg19 : memref<!tpu.dma_semaphore, #tpu.memory_space<semaphore_mem>>)
    %iota3A = tpu.iota {dimensions = array<i32: 0>} : vector<16xi32>
    %get3A = arith.constant 0 : index
    %get3A_48 = tpu.vector_load %arg9[%get3A] {strides = array<i32>} : memref<512xi32, #tpu.memory_space<vmem>>, vector<16xi32>,
    %get3A_49 = arith.constant 0 : index
    %get3A_50 = tpu.vector_load %arg10[%get3A_49] {strides = array<i32>} : memref<512xi32, #tpu.memory_space<vmem>>, vector<16xi32>,
    %shift_right_arithmetic3A = arith.constant 7 : i32
    %shift_right_arithmetic3A_51 = vector.broadcast %shift_right_arithmetic3A : i32 to vector<16xi32>
    %shift_right_arithmetic3A_52 = arith.shrsi %get3A_48, %shift_right_arithmetic3A_51 : vector<16xi32>
    %mul3A_53 = arith.constant 128 : i32
    %mul3A_54 = vector.broadcast %mul3A_53 : i32 to vector<16xi32>
    %mul3A_55 = arith.muli %shift_right_arithmetic3A_52, %mul3A_54 : vector<16xi32>
    %and3A = arith.constant 127 : i32
    %and3A_56 = vector.broadcast %and3A : i32 to vector<16xi32>
    %and3A_57 = arith.andi %get3A_48, %and3A_56 : vector<16xi32>
    %shift_right_arithmetic3A_58 = arith.constant 7 : i32
    %shift_right_arithmetic3A_59 = vector.broadcast %shift_right_arithmetic3A_58 : i32 to vector<16xi32>
    %shift_right_arithmetic3A_60 = arith.shrsi %get3A_50, %shift_right_arithmetic3A_59 : vector<16xi32>
    %mul3A_61 = arith.constant 128 : i32
    %mul3A_62 = vector.broadcast %mul3A_61 : i32 to vector<16xi32>
    %mul3A_63 = arith.muli %shift_right_arithmetic3A_60, %mul3A_62 : vector<16xi32>
    %and3A_64 = arith.constant 127 : i32
    %and3A_65 = vector.broadcast %and3A_64 : i32 to vector<16xi32>
    %and3A_66 = arith.andi %get3A_50, %and3A_65 : vector<16xi32>
    %slice3A = vector.extract_strided_slice %mul3A_55 {offsets = [0], sizes = [1], strides = [1]} : vector<16xi32> to vector<1xi32>
    %squeeze3A = vector.extract %slice3A[0] : i32 from vector<1xi32>
    %slice3A_67 = vector.extract_strided_slice %mul3A_63 {offsets = [0], sizes = [1], strides = [1]} : vector<16xi32> to vector<1xi32>
    %squeeze3A_68 = vector.extract %slice3A_67[0] : i32 from vector<1xi32>
    %multiple_of3A = tpu.assume_multiple %squeeze3A, 128 : i32
    %dma_start3A_69 = arith.constant 0 : i32
    %dma_start3A_70 = arith.constant 0 : i32
    %dma_start3A_71 = arith.constant 0 : i32
    %dma_start3A_72 = arith.constant 0 : i32
    %dma_start3A_73 = tpu.memref_slice %arg11[%dma_start3A_69, %dma_start3A_71, %dma_start3A_72] : memref<8x32x128xf32, #tpu.memory_space<vmem>> -> memref<1x32x128xf32, #tpu.memory_space<vmem>>
    %dma_start3A_74 = tpu.memref_squeeze %dma_start3A_73 : memref<1x32x128xf32, #tpu.memory_space<vmem>> -> memref<32x128xf32, #tpu.memory_space<vmem>>
    %dma_start3A_75 = arith.constant 0 : i32
    %dma_start3A_76 = tpu.memref_slice %arg4[%dma_start3A_75, %multiple_of3A] : memref<32x1000000xf32, #tpu.memory_space<hbm>> -> memref<32x128xf32, #tpu.memory_space<hbm>>
    %dma_start3A_77 = tpu.memref_slice %arg17[%dma_start3A_70] : memref<8x!tpu.dma_semaphore, #tpu.memory_space<semaphore_mem>> -> memref<1x!tpu.dma_semaphore, #tpu.memory_space<semaphore_mem>>
    %dma_start3A_78 = tpu.memref_squeeze %dma_start3A_77 : memref<1x!tpu.dma_semaphore, #tpu.memory_space<semaphore_mem>> -> memref<!tpu.dma_semaphore, #tpu.memory_space<semaphore_mem>>
    %dma_start3A_79 = arith.constant 0 : i32
    %dma_start3A_80 = arith.constant 0 : i32
    %dma_start3A_81 = tpu.memref_slice %arg11[%dma_start3A_69, %dma_start3A_79, %dma_start3A_80] : memref<8x32x128xf32, #tpu.memory_space<vmem>> -> memref<1x32x128xf32, #tpu.memory_space<vmem>>
    %dma_start3A_82 = tpu.memref_squeeze %dma_start3A_81 : memref<1x32x128xf32, #tpu.memory_space<vmem>> -> memref<32x128xf32, #tpu.memory_space<vmem>>
    %dma_start3A_83 = arith.constant 0 : i32
    %dma_start3A_84 = tpu.memref_slice %arg4[%dma_start3A_83, %multiple_of3A] : memref<32x1000000xf32, #tpu.memory_space<hbm>> -> memref<32x128xf32, #tpu.memory_space<hbm>>
    tpu.enqueue_dma source(%dma_start3A_84 : memref<32x128xf32, #tpu.memory_space<hbm>>) target(%dma_start3A_82 : memref<32x128xf32, #tpu.memory_space<vmem>>) target_semaphore(%dma_start3A_78 : memref<!tpu.dma_semaphore, #tpu.memory_space<semaphore_mem>>)
    %multiple_of3A_85 = tpu.assume_multiple %squeeze3A_68, 128 : i32
    %dma_start3A_86 = arith.constant 0 : i32
    %dma_start3A_87 = arith.constant 0 : i32
    %dma_start3A_88 = arith.constant 0 : i32
    %dma_start3A_89 = arith.constant 0 : i32
    %dma_start3A_90 = tpu.memref_slice %arg12[%dma_start3A_86, %dma_start3A_88, %dma_start3A_89] : memref<8x32x128xf32, #tpu.memory_space<vmem>> -> memref<1x32x128xf32, #tpu.memory_space<vmem>>
    %dma_start3A_91 = tpu.memref_squeeze %dma_start3A_90 : memref<1x32x128xf32, #tpu.memory_space<vmem>> -> memref<32x128xf32, #tpu.memory_space<vmem>>
    %dma_start3A_92 = arith.constant 0 : i32
    %dma_start3A_93 = tpu.memref_slice %arg5[%dma_start3A_92, %multiple_of3A_85] : memref<32x1000000xf32, #tpu.memory_space<hbm>> -> memref<32x128xf32, #tpu.memory_space<hbm>>
    %dma_start3A_94 = tpu.memref_slice %arg18[%dma_start3A_87] : memref<8x!tpu.dma_semaphore, #tpu.memory_space<semaphore_mem>> -> memref<1x!tpu.dma_semaphore, #tpu.memory_space<semaphore_mem>>
    %dma_start3A_95 = tpu.memref_squeeze %dma_start3A_94 : memref<1x!tpu.dma_semaphore, #tpu.memory_space<semaphore_mem>> -> memref<!tpu.dma_semaphore, #tpu.memory_space<semaphore_mem>>
    %dma_start3A_96 = arith.constant 0 : i32
    %dma_start3A_97 = arith.constant 0 : i32
    %dma_start3A_98 = tpu.memref_slice %arg12[%dma_start3A_86, %dma_start3A_96, %dma_start3A_97] : memref<8x32x128xf32, #tpu.memory_space<vmem>> -> memref<1x32x128xf32, #tpu.memory_space<vmem>>
    %dma_start3A_99 = tpu.memref_squeeze %dma_start3A_98 : memref<1x32x128xf32, #tpu.memory_space<vmem>> -> memref<32x128xf32, #tpu.memory_space<vmem>>
    %dma_start3A_100 = arith.constant 0 : i32
    %dma_start3A_101 = tpu.memref_slice %arg5[%dma_start3A_100, %multiple_of3A_85] : memref<32x1000000xf32, #tpu.memory_space<hbm>> -> memref<32x128xf32, #tpu.memory_space<hbm>>
    tpu.enqueue_dma source(%dma_start3A_101 : memref<32x128xf32, #tpu.memory_space<hbm>>) target(%dma_start3A_99 : memref<32x128xf32, #tpu.memory_space<vmem>>) target_semaphore(%dma_start3A_95 : memref<!tpu.dma_semaphore, #tpu.memory_space<semaphore_mem>>)
    %slice3A_102 = vector.extract_strided_slice %mul3A_55 {offsets = [1], sizes = [1], strides = [1]} : vector<16xi32> to vector<1xi32>
    %squeeze3A_103 = vector.extract %slice3A_102[0] : i32 from vector<1xi32>
    %slice3A_104 = vector.extract_strided_slice %mul3A_63 {offsets = [1], sizes = [1], strides = [1]} : vector<16xi32> to vector<1xi32>
    %squeeze3A_105 = vector.extract %slice3A_104[0] : i32 from vector<1xi32>
    %multiple_of3A_106 = tpu.assume_multiple %squeeze3A_103, 128 : i32
    %dma_start3A_107 = arith.constant 1 : i32
    %dma_start3A_108 = arith.constant 1 : i32
    %dma_start3A_109 = arith.constant 0 : i32
    %dma_start3A_110 = arith.constant 0 : i32
    %dma_start3A_111 = tpu.memref_slice %arg11[%dma_start3A_107, %dma_start3A_109, %dma_start3A_110] : memref<8x32x128xf32, #tpu.memory_space<vmem>> -> memref<1x32x128xf32, #tpu.memory_space<vmem>>
    %dma_start3A_112 = tpu.memref_squeeze %dma_start3A_111 : memref<1x32x128xf32, #tpu.memory_space<vmem>> -> memref<32x128xf32, #tpu.memory_space<vmem>>
    %dma_start3A_113 = arith.constant 0 : i32
    %dma_start3A_114 = tpu.memref_slice %arg4[%dma_start3A_113, %multiple_of3A_106] : memref<32x1000000xf32, #tpu.memory_space<hbm>> -> memref<32x128xf32, #tpu.memory_space<hbm>>
    %dma_start3A_115 = tpu.memref_slice %arg17[%dma_start3A_108] : memref<8x!tpu.dma_semaphore, #tpu.memory_space<semaphore_mem>> -> memref<1x!tpu.dma_semaphore, #tpu.memory_space<semaphore_mem>>
    %dma_start3A_116 = tpu.memref_squeeze %dma_start3A_115 : memref<1x!tpu.dma_semaphore, #tpu.memory_space<semaphore_mem>> -> memref<!tpu.dma_semaphore, #tpu.memory_space<semaphore_mem>>
    %dma_start3A_117 = arith.constant 0 : i32
    %dma_start3A_118 = arith.constant 0 : i32
    %dma_start3A_119 = tpu.memref_slice %arg11[%dma_start3A_107, %dma_start3A_117, %dma_start3A_118] : memref<8x32x128xf32, #tpu.memory_space<vmem>> -> memref<1x32x128xf32, #tpu.memory_space<vmem>>
    %dma_start3A_120 = tpu.memref_squeeze %dma_start3A_119 : memref<1x32x128xf32, #tpu.memory_space<vmem>> -> memref<32x128xf32, #tpu.memory_space<vmem>>
    %dma_start3A_121 = arith.constant 0 : i32
    %dma_start3A_122 = tpu.memref_slice %arg4[%dma_start3A_121, %multiple_of3A_106] : memref<32x1000000xf32, #tpu.memory_space<hbm>> -> memref<32x128xf32, #tpu.memory_space<hbm>>
    tpu.enqueue_dma source(%dma_start3A_122 : memref<32x128xf32, #tpu.memory_space<hbm>>) target(%dma_start3A_120 : memref<32x128xf32, #tpu.memory_space<vmem>>) target_semaphore(%dma_start3A_116 : memref<!tpu.dma_semaphore, #tpu.memory_space<semaphore_mem>>)
    %multiple_of3A_123 = tpu.assume_multiple %squeeze3A_105, 128 : i32
    %dma_start3A_124 = arith.constant 1 : i32
    %dma_start3A_125 = arith.constant 1 : i32
    %dma_start3A_126 = arith.constant 0 : i32
    %dma_start3A_127 = arith.constant 0 : i32
    %dma_start3A_128 = tpu.memref_slice %arg12[%dma_start3A_124, %dma_start3A_126, %dma_start3A_127] : memref<8x32x128xf32, #tpu.memory_space<vmem>> -> memref<1x32x128xf32, #tpu.memory_space<vmem>>
    %dma_start3A_129 = tpu.memref_squeeze %dma_start3A_128 : memref<1x32x128xf32, #tpu.memory_space<vmem>> -> memref<32x128xf32, #tpu.memory_space<vmem>>
    %dma_start3A_130 = arith.constant 0 : i32
    %dma_start3A_131 = tpu.memref_slice %arg5[%dma_start3A_130, %multiple_of3A_123] : memref<32x1000000xf32, #tpu.memory_space<hbm>> -> memref<32x128xf32, #tpu.memory_space<hbm>>
    %dma_start3A_132 = tpu.memref_slice %arg18[%dma_start3A_125] : memref<8x!tpu.dma_semaphore, #tpu.memory_space<semaphore_mem>> -> memref<1x!tpu.dma_semaphore, #tpu.memory_space<semaphore_mem>>
    %dma_start3A_133 = tpu.memref_squeeze %dma_start3A_132 : memref<1x!tpu.dma_semaphore, #tpu.memory_space<semaphore_mem>> -> memref<!tpu.dma_semaphore, #tpu.memory_space<semaphore_mem>>
    %dma_start3A_134 = arith.constant 0 : i32
    %dma_start3A_135 = arith.constant 0 : i32
    %dma_start3A_136 = tpu.memref_slice %arg12[%dma_start3A_124, %dma_start3A_134, %dma_start3A_135] : memref<8x32x128xf32, #tpu.memory_space<vmem>> -> memref<1x32x128xf32, #tpu.memory_space<vmem>>
    %dma_start3A_137 = tpu.memref_squeeze %dma_start3A_136 : memref<1x32x128xf32, #tpu.memory_space<vmem>> -> memref<32x128xf32, #tpu.memory_space<vmem>>
    %dma_start3A_138 = arith.constant 0 : i32
    %dma_start3A_139 = tpu.memref_slice %arg5[%dma_start3A_138, %multiple_of3A_123] : memref<32x1000000xf32, #tpu.memory_space<hbm>> -> memref<32x128xf32, #tpu.memory_space<hbm>>
    tpu.enqueue_dma source(%dma_start3A_139 : memref<32x128xf32, #tpu.memory_space<hbm>>) target(%dma_start3A_137 : memref<32x128xf32, #tpu.memory_space<vmem>>) target_semaphore(%dma_start3A_133 : memref<!tpu.dma_semaphore, #tpu.memory_space<semaphore_mem>>)
    %slice3A_140 = vector.extract_strided_slice %mul3A_55 {offsets = [2], sizes = [1], strides = [1]} : vector<16xi32> to vector<1xi32>
    %squeeze3A_141 = vector.extract %slice3A_140[0] : i32 from vector<1xi32>
    %slice3A_142 = vector.extract_strided_slice %mul3A_63 {offsets = [2], sizes = [1], strides = [1]} : vector<16xi32> to vector<1xi32>
    %squeeze3A_143 = vector.extract %slice3A_142[0] : i32 from vector<1xi32>
    %multiple_of3A_144 = tpu.assume_multiple %squeeze3A_141, 128 : i32
    %dma_start3A_145 = arith.constant 2 : i32
    %dma_start3A_146 = arith.constant 2 : i32
    %dma_start3A_147 = arith.constant 0 : i32
    %dma_start3A_148 = arith.constant 0 : i32
    %dma_start3A_149 = tpu.memref_slice %arg11[%dma_start3A_145, %dma_start3A_147, %dma_start3A_148] : memref<8x32x128xf32, #tpu.memory_space<vmem>> -> memref<1x32x128xf32, #tpu.memory_space<vmem>>
    %dma_start3A_150 = tpu.memref_squeeze %dma_start3A_149 : memref<1x32x128xf32, #tpu.memory_space<vmem>> -> memref<32x128xf32, #tpu.memory_space<vmem>>
    %dma_start3A_151 = arith.constant 0 : i32
    %dma_start3A_152 = tpu.memref_slice %arg4[%dma_start3A_151, %multiple_of3A_144] : memref<32x1000000xf32, #tpu.memory_space<hbm>> -> memref<32x128xf32, #tpu.memory_space<hbm>>
    %dma_start3A_153 = tpu.memref_slice %arg17[%dma_start3A_146] : memref<8x!tpu.dma_semaphore, #tpu.memory_space<semaphore_mem>> -> memref<1x!tpu.dma_semaphore, #tpu.memory_space<semaphore_mem>>
    %dma_start3A_154 = tpu.memref_squeeze %dma_start3A_153 : memref<1x!tpu.dma_semaphore, #tpu.memory_space<semaphore_mem>> -> memref<!tpu.dma_semaphore, #tpu.memory_space<semaphore_mem>>
    %dma_start3A_155 = arith.constant 0 : i32
    %dma_start3A_156 = arith.constant 0 : i32
    %dma_start3A_157 = tpu.memref_slice %arg11[%dma_start3A_145, %dma_start3A_155, %dma_start3A_156] : memref<8x32x128xf32, #tpu.memory_space<vmem>> -> memref<1x32x128xf32, #tpu.memory_space<vmem>>
    %dma_start3A_158 = tpu.memref_squeeze %dma_start3A_157 : memref<1x32x128xf32, #tpu.memory_space<vmem>> -> memref<32x128xf32, #tpu.memory_space<vmem>>
    %dma_start3A_159 = arith.constant 0 : i32
    %dma_start3A_160 = tpu.memref_slice %arg4[%dma_start3A_159, %multiple_of3A_144] : memref<32x1000000xf32, #tpu.memory_space<hbm>> -> memref<32x128xf32, #tpu.memory_space<hbm>>
    tpu.enqueue_dma source(%dma_start3A_160 : memref<32x128xf32, #tpu.memory_space<hbm>>) target(%dma_start3A_158 : memref<32x128xf32, #tpu.memory_space<vmem>>) target_semaphore(%dma_start3A_154 : memref<!tpu.dma_semaphore, #tpu.memory_space<semaphore_mem>>)
    %multiple_of3A_161 = tpu.assume_multiple %squeeze3A_143, 128 : i32
    %dma_start3A_162 = arith.constant 2 : i32
    %dma_start3A_163 = arith.constant 2 : i32
    %dma_start3A_164 = arith.constant 0 : i32
    %dma_start3A_165 = arith.constant 0 : i32
    %dma_start3A_166 = tpu.memref_slice %arg12[%dma_start3A_162, %dma_start3A_164, %dma_start3A_165] : memref<8x32x128xf32, #tpu.memory_space<vmem>> -> memref<1x32x128xf32, #tpu.memory_space<vmem>>
    %dma_start3A_167 = tpu.memref_squeeze %dma_start3A_166 : memref<1x32x128xf32, #tpu.memory_space<vmem>> -> memref<32x128xf32, #tpu.memory_space<vmem>>
    %dma_start3A_168 = arith.constant 0 : i32
    %dma_start3A_169 = tpu.memref_slice %arg5[%dma_start3A_168, %multiple_of3A_161] : memref<32x1000000xf32, #tpu.memory_space<hbm>> -> memref<32x128xf32, #tpu.memory_space<hbm>>
    %dma_start3A_170 = tpu.memref_slice %arg18[%dma_start3A_163] : memref<8x!tpu.dma_semaphore, #tpu.memory_space<semaphore_mem>> -> memref<1x!tpu.dma_semaphore, #tpu.memory_space<semaphore_mem>>
    %dma_start3A_171 = tpu.memref_squeeze %dma_start3A_170 : memref<1x!tpu.dma_semaphore, #tpu.memory_space<semaphore_mem>> -> memref<!tpu.dma_semaphore, #tpu.memory_space<semaphore_mem>>
    %dma_start3A_172 = arith.constant 0 : i32
    %dma_start3A_173 = arith.constant 0 : i32
    %dma_start3A_174 = tpu.memref_slice %arg12[%dma_start3A_162, %dma_start3A_172, %dma_start3A_173] : memref<8x32x128xf32, #tpu.memory_space<vmem>> -> memref<1x32x128xf32, #tpu.memory_space<vmem>>
    %dma_start3A_175 = tpu.memref_squeeze %dma_start3A_174 : memref<1x32x128xf32, #tpu.memory_space<vmem>> -> memref<32x128xf32, #tpu.memory_space<vmem>>
    %dma_start3A_176 = arith.constant 0 : i32
    %dma_start3A_177 = tpu.memref_slice %arg5[%dma_start3A_176, %multiple_of3A_161] : memref<32x1000000xf32, #tpu.memory_space<hbm>> -> memref<32x128xf32, #tpu.memory_space<hbm>>
    tpu.enqueue_dma source(%dma_start3A_177 : memref<32x128xf32, #tpu.memory_space<hbm>>) target(%dma_start3A_175 : memref<32x128xf32, #tpu.memory_space<vmem>>) target_semaphore(%dma_start3A_171 : memref<!tpu.dma_semaphore, #tpu.memory_space<semaphore_mem>>)
    %slice3A_178 = vector.extract_strided_slice %mul3A_55 {offsets = [3], sizes = [1], strides = [1]} : vector<16xi32> to vector<1xi32>
    %squeeze3A_179 = vector.extract %slice3A_178[0] : i32 from vector<1xi32>
    %slice3A_180 = vector.extract_strided_slice %mul3A_63 {offsets = [3], sizes = [1], strides = [1]} : vector<16xi32> to vector<1xi32>
    %squeeze3A_181 = vector.extract %slice3A_180[0] : i32 from vector<1xi32>
    %multiple_of3A_182 = tpu.assume_multiple %squeeze3A_179, 128 : i32
    %dma_start3A_183 = arith.constant 3 : i32
    %dma_start3A_184 = arith.constant 3 : i32
    %dma_start3A_185 = arith.constant 0 : i32
    %dma_start3A_186 = arith.constant 0 : i32
    %dma_start3A_187 = tpu.memref_slice %arg11[%dma_start3A_183, %dma_start3A_185, %dma_start3A_186] : memref<8x32x128xf32, #tpu.memory_space<vmem>> -> memref<1x32x128xf32, #tpu.memory_space<vmem>>
    %dma_start3A_188 = tpu.memref_squeeze %dma_start3A_187 : memref<1x32x128xf32, #tpu.memory_space<vmem>> -> memref<32x128xf32, #tpu.memory_space<vmem>>
    %dma_start3A_189 = arith.constant 0 : i32
    %dma_start3A_190 = tpu.memref_slice %arg4[%dma_start3A_189, %multiple_of3A_182] : memref<32x1000000xf32, #tpu.memory_space<hbm>> -> memref<32x128xf32, #tpu.memory_space<hbm>>
    %dma_start3A_191 = tpu.memref_slice %arg17[%dma_start3A_184] : memref<8x!tpu.dma_semaphore, #tpu.memory_space<semaphore_mem>> -> memref<1x!tpu.dma_semaphore, #tpu.memory_space<semaphore_mem>>
    %dma_start3A_192 = tpu.memref_squeeze %dma_start3A_191 : memref<1x!tpu.dma_semaphore, #tpu.memory_space<semaphore_mem>> -> memref<!tpu.dma_semaphore, #tpu.memory_space<semaphore_mem>>
    %dma_start3A_193 = arith.constant 0 : i32
    %dma_start3A_194 = arith.constant 0 : i32
    %dma_start3A_195 = tpu.memref_slice %arg11[%dma_start3A_183, %dma_start3A_193, %dma_start3A_194] : memref<8x32x128xf32, #tpu.memory_space<vmem>> -> memref<1x32x128xf32, #tpu.memory_space<vmem>>
    %dma_start3A_196 = tpu.memref_squeeze %dma_start3A_195 : memref<1x32x128xf32, #tpu.memory_space<vmem>> -> memref<32x128xf32, #tpu.memory_space<vmem>>
    %dma_start3A_197 = arith.constant 0 : i32
    %dma_start3A_198 = tpu.memref_slice %arg4[%dma_start3A_197, %multiple_of3A_182] : memref<32x1000000xf32, #tpu.memory_space<hbm>> -> memref<32x128xf32, #tpu.memory_space<hbm>>
    tpu.enqueue_dma source(%dma_start3A_198 : memref<32x128xf32, #tpu.memory_space<hbm>>) target(%dma_start3A_196 : memref<32x128xf32, #tpu.memory_space<vmem>>) target_semaphore(%dma_start3A_192 : memref<!tpu.dma_semaphore, #tpu.memory_space<semaphore_mem>>)
    %multiple_of3A_199 = tpu.assume_multiple %squeeze3A_181, 128 : i32
    %dma_start3A_200 = arith.constant 3 : i32
    %dma_start3A_201 = arith.constant 3 : i32
    %dma_start3A_202 = arith.constant 0 : i32
    %dma_start3A_203 = arith.constant 0 : i32
    %dma_start3A_204 = tpu.memref_slice %arg12[%dma_start3A_200, %dma_start3A_202, %dma_start3A_203] : memref<8x32x128xf32, #tpu.memory_space<vmem>> -> memref<1x32x128xf32, #tpu.memory_space<vmem>>
    %dma_start3A_205 = tpu.memref_squeeze %dma_start3A_204 : memref<1x32x128xf32, #tpu.memory_space<vmem>> -> memref<32x128xf32, #tpu.memory_space<vmem>>
    %dma_start3A_206 = arith.constant 0 : i32
    %dma_start3A_207 = tpu.memref_slice %arg5[%dma_start3A_206, %multiple_of3A_199] : memref<32x1000000xf32, #tpu.memory_space<hbm>> -> memref<32x128xf32, #tpu.memory_space<hbm>>
    %dma_start3A_208 = tpu.memref_slice %arg18[%dma_start3A_201] : memref<8x!tpu.dma_semaphore, #tpu.memory_space<semaphore_mem>> -> memref<1x!tpu.dma_semaphore, #tpu.memory_space<semaphore_mem>>
    %dma_start3A_209 = tpu.memref_squeeze %dma_start3A_208 : memref<1x!tpu.dma_semaphore, #tpu.memory_space<semaphore_mem>> -> memref<!tpu.dma_semaphore, #tpu.memory_space<semaphore_mem>>
    %dma_start3A_210 = arith.constant 0 : i32
    %dma_start3A_211 = arith.constant 0 : i32
    %dma_start3A_212 = tpu.memref_slice %arg12[%dma_start3A_200, %dma_start3A_210, %dma_start3A_211] : memref<8x32x128xf32, #tpu.memory_space<vmem>> -> memref<1x32x128xf32, #tpu.memory_space<vmem>>
    %dma_start3A_213 = tpu.memref_squeeze %dma_start3A_212 : memref<1x32x128xf32, #tpu.memory_space<vmem>> -> memref<32x128xf32, #tpu.memory_space<vmem>>
    %dma_start3A_214 = arith.constant 0 : i32
    %dma_start3A_215 = tpu.memref_slice %arg5[%dma_start3A_214, %multiple_of3A_199] : memref<32x1000000xf32, #tpu.memory_space<hbm>> -> memref<32x128xf32, #tpu.memory_space<hbm>>
    tpu.enqueue_dma source(%dma_start3A_215 : memref<32x128xf32, #tpu.memory_space<hbm>>) target(%dma_start3A_213 : memref<32x128xf32, #tpu.memory_space<vmem>>) target_semaphore(%dma_start3A_209 : memref<!tpu.dma_semaphore, #tpu.memory_space<semaphore_mem>>)
    %slice3A_216 = vector.extract_strided_slice %mul3A_55 {offsets = [4], sizes = [1], strides = [1]} : vector<16xi32> to vector<1xi32>
    %squeeze3A_217 = vector.extract %slice3A_216[0] : i32 from vector<1xi32>
    %slice3A_218 = vector.extract_strided_slice %mul3A_63 {offsets = [4], sizes = [1], strides = [1]} : vector<16xi32> to vector<1xi32>
    %squeeze3A_219 = vector.extract %slice3A_218[0] : i32 from vector<1xi32>
    %multiple_of3A_220 = tpu.assume_multiple %squeeze3A_217, 128 : i32
    %dma_start3A_221 = arith.constant 4 : i32
    %dma_start3A_222 = arith.constant 4 : i32
    %dma_start3A_223 = arith.constant 0 : i32
    %dma_start3A_224 = arith.constant 0 : i32
    %dma_start3A_225 = tpu.memref_slice %arg11[%dma_start3A_221, %dma_start3A_223, %dma_start3A_224] : memref<8x32x128xf32, #tpu.memory_space<vmem>> -> memref<1x32x128xf32, #tpu.memory_space<vmem>>
    %dma_start3A_226 = tpu.memref_squeeze %dma_start3A_225 : memref<1x32x128xf32, #tpu.memory_space<vmem>> -> memref<32x128xf32, #tpu.memory_space<vmem>>
    %dma_start3A_227 = arith.constant 0 : i32
    %dma_start3A_228 = tpu.memref_slice %arg4[%dma_start3A_227, %multiple_of3A_220] : memref<32x1000000xf32, #tpu.memory_space<hbm>> -> memref<32x128xf32, #tpu.memory_space<hbm>>
    %dma_start3A_229 = tpu.memref_slice %arg17[%dma_start3A_222] : memref<8x!tpu.dma_semaphore, #tpu.memory_space<semaphore_mem>> -> memref<1x!tpu.dma_semaphore, #tpu.memory_space<semaphore_mem>>
    %dma_start3A_230 = tpu.memref_squeeze %dma_start3A_229 : memref<1x!tpu.dma_semaphore, #tpu.memory_space<semaphore_mem>> -> memref<!tpu.dma_semaphore, #tpu.memory_space<semaphore_mem>>
    %dma_start3A_231 = arith.constant 0 : i32
    %dma_start3A_232 = arith.constant 0 : i32
    %dma_start3A_233 = tpu.memref_slice %arg11[%dma_start3A_221, %dma_start3A_231, %dma_start3A_232] : memref<8x32x128xf32, #tpu.memory_space<vmem>> -> memref<1x32x128xf32, #tpu.memory_space<vmem>>
    %dma_start3A_234 = tpu.memref_squeeze %dma_start3A_233 : memref<1x32x128xf32, #tpu.memory_space<vmem>> -> memref<32x128xf32, #tpu.memory_space<vmem>>
    %dma_start3A_235 = arith.constant 0 : i32
    %dma_start3A_236 = tpu.memref_slice %arg4[%dma_start3A_235, %multiple_of3A_220] : memref<32x1000000xf32, #tpu.memory_space<hbm>> -> memref<32x128xf32, #tpu.memory_space<hbm>>
    tpu.enqueue_dma source(%dma_start3A_236 : memref<32x128xf32, #tpu.memory_space<hbm>>) target(%dma_start3A_234 : memref<32x128xf32, #tpu.memory_space<vmem>>) target_semaphore(%dma_start3A_230 : memref<!tpu.dma_semaphore, #tpu.memory_space<semaphore_mem>>)
    %multiple_of3A_237 = tpu.assume_multiple %squeeze3A_219, 128 : i32
    %dma_start3A_238 = arith.constant 4 : i32
    %dma_start3A_239 = arith.constant 4 : i32
    %dma_start3A_240 = arith.constant 0 : i32
    %dma_start3A_241 = arith.constant 0 : i32
    %dma_start3A_242 = tpu.memref_slice %arg12[%dma_start3A_238, %dma_start3A_240, %dma_start3A_241] : memref<8x32x128xf32, #tpu.memory_space<vmem>> -> memref<1x32x128xf32, #tpu.memory_space<vmem>>
    %dma_start3A_243 = tpu.memref_squeeze %dma_start3A_242 : memref<1x32x128xf32, #tpu.memory_space<vmem>> -> memref<32x128xf32, #tpu.memory_space<vmem>>
    %dma_start3A_244 = arith.constant 0 : i32
    %dma_start3A_245 = tpu.memref_slice %arg5[%dma_start3A_244, %multiple_of3A_237] : memref<32x1000000xf32, #tpu.memory_space<hbm>> -> memref<32x128xf32, #tpu.memory_space<hbm>>
    %dma_start3A_246 = tpu.memref_slice %arg18[%dma_start3A_239] : memref<8x!tpu.dma_semaphore, #tpu.memory_space<semaphore_mem>> -> memref<1x!tpu.dma_semaphore, #tpu.memory_space<semaphore_mem>>
    %dma_start3A_247 = tpu.memref_squeeze %dma_start3A_246 : memref<1x!tpu.dma_semaphore, #tpu.memory_space<semaphore_mem>> -> memref<!tpu.dma_semaphore, #tpu.memory_space<semaphore_mem>>
    %dma_start3A_248 = arith.constant 0 : i32
    %dma_start3A_249 = arith.constant 0 : i32
    %dma_start3A_250 = tpu.memref_slice %arg12[%dma_start3A_238, %dma_start3A_248, %dma_start3A_249] : memref<8x32x128xf32, #tpu.memory_space<vmem>> -> memref<1x32x128xf32, #tpu.memory_space<vmem>>
    %dma_start3A_251 = tpu.memref_squeeze %dma_start3A_250 : memref<1x32x128xf32, #tpu.memory_space<vmem>> -> memref<32x128xf32, #tpu.memory_space<vmem>>
    %dma_start3A_252 = arith.constant 0 : i32
    %dma_start3A_253 = tpu.memref_slice %arg5[%dma_start3A_252, %multiple_of3A_237] : memref<32x1000000xf32, #tpu.memory_space<hbm>> -> memref<32x128xf32, #tpu.memory_space<hbm>>
    tpu.enqueue_dma source(%dma_start3A_253 : memref<32x128xf32, #tpu.memory_space<hbm>>) target(%dma_start3A_251 : memref<32x128xf32, #tpu.memory_space<vmem>>) target_semaphore(%dma_start3A_247 : memref<!tpu.dma_semaphore, #tpu.memory_space<semaphore_mem>>)
    %slice3A_254 = vector.extract_strided_slice %mul3A_55 {offsets = [5], sizes = [1], strides = [1]} : vector<16xi32> to vector<1xi32>
    %squeeze3A_255 = vector.extract %slice3A_254[0] : i32 from vector<1xi32>
    %slice3A_256 = vector.extract_strided_slice %mul3A_63 {offsets = [5], sizes = [1], strides = [1]} : vector<16xi32> to vector<1xi32>
    %squeeze3A_257 = vector.extract %slice3A_256[0] : i32 from vector<1xi32>
    %multiple_of3A_258 = tpu.assume_multiple %squeeze3A_255, 128 : i32
    %dma_start3A_259 = arith.constant 5 : i32
    %dma_start3A_260 = arith.constant 5 : i32
    %dma_start3A_261 = arith.constant 0 : i32
    %dma_start3A_262 = arith.constant 0 : i32
    %dma_start3A_263 = tpu.memref_slice %arg11[%dma_start3A_259, %dma_start3A_261, %dma_start3A_262] : memref<8x32x128xf32, #tpu.memory_space<vmem>> -> memref<1x32x128xf32, #tpu.memory_space<vmem>>
    %dma_start3A_264 = tpu.memref_squeeze %dma_start3A_263 : memref<1x32x128xf32, #tpu.memory_space<vmem>> -> memref<32x128xf32, #tpu.memory_space<vmem>>
    %dma_start3A_265 = arith.constant 0 : i32
    %dma_start3A_266 = tpu.memref_slice %arg4[%dma_start3A_265, %multiple_of3A_258] : memref<32x1000000xf32, #tpu.memory_space<hbm>> -> memref<32x128xf32, #tpu.memory_space<hbm>>
    %dma_start3A_267 = tpu.memref_slice %arg17[%dma_start3A_260] : memref<8x!tpu.dma_semaphore, #tpu.memory_space<semaphore_mem>> -> memref<1x!tpu.dma_semaphore, #tpu.memory_space<semaphore_mem>>
    %dma_start3A_268 = tpu.memref_squeeze %dma_start3A_267 : memref<1x!tpu.dma_semaphore, #tpu.memory_space<semaphore_mem>> -> memref<!tpu.dma_semaphore, #tpu.memory_space<semaphore_mem>>
    %dma_start3A_269 = arith.constant 0 : i32
    %dma_start3A_270 = arith.constant 0 : i32
    %dma_start3A_271 = tpu.memref_slice %arg11[%dma_start3A_259, %dma_start3A_269, %dma_start3A_270] : memref<8x32x128xf32, #tpu.memory_space<vmem>> -> memref<1x32x128xf32, #tpu.memory_space<vmem>>
    %dma_start3A_272 = tpu.memref_squeeze %dma_start3A_271 : memref<1x32x128xf32, #tpu.memory_space<vmem>> -> memref<32x128xf32, #tpu.memory_space<vmem>>
    %dma_start3A_273 = arith.constant 0 : i32
    %dma_start3A_274 = tpu.memref_slice %arg4[%dma_start3A_273, %multiple_of3A_258] : memref<32x1000000xf32, #tpu.memory_space<hbm>> -> memref<32x128xf32, #tpu.memory_space<hbm>>
    tpu.enqueue_dma source(%dma_start3A_274 : memref<32x128xf32, #tpu.memory_space<hbm>>) target(%dma_start3A_272 : memref<32x128xf32, #tpu.memory_space<vmem>>) target_semaphore(%dma_start3A_268 : memref<!tpu.dma_semaphore, #tpu.memory_space<semaphore_mem>>)
    %multiple_of3A_275 = tpu.assume_multiple %squeeze3A_257, 128 : i32
    %dma_start3A_276 = arith.constant 5 : i32
    %dma_start3A_277 = arith.constant 5 : i32
    %dma_start3A_278 = arith.constant 0 : i32
    %dma_start3A_279 = arith.constant 0 : i32
    %dma_start3A_280 = tpu.memref_slice %arg12[%dma_start3A_276, %dma_start3A_278, %dma_start3A_279] : memref<8x32x128xf32, #tpu.memory_space<vmem>> -> memref<1x32x128xf32, #tpu.memory_space<vmem>>
    %dma_start3A_281 = tpu.memref_squeeze %dma_start3A_280 : memref<1x32x128xf32, #tpu.memory_space<vmem>> -> memref<32x128xf32, #tpu.memory_space<vmem>>
    %dma_start3A_282 = arith.constant 0 : i32
    %dma_start3A_283 = tpu.memref_slice %arg5[%dma_start3A_282, %multiple_of3A_275] : memref<32x1000000xf32, #tpu.memory_space<hbm>> -> memref<32x128xf32, #tpu.memory_space<hbm>>
    %dma_start3A_284 = tpu.memref_slice %arg18[%dma_start3A_277] : memref<8x!tpu.dma_semaphore, #tpu.memory_space<semaphore_mem>> -> memref<1x!tpu.dma_semaphore, #tpu.memory_space<semaphore_mem>>
    %dma_start3A_285 = tpu.memref_squeeze %dma_start3A_284 : memref<1x!tpu.dma_semaphore, #tpu.memory_space<semaphore_mem>> -> memref<!tpu.dma_semaphore, #tpu.memory_space<semaphore_mem>>
    %dma_start3A_286 = arith.constant 0 : i32
    %dma_start3A_287 = arith.constant 0 : i32
    %dma_start3A_288 = tpu.memref_slice %arg12[%dma_start3A_276, %dma_start3A_286, %dma_start3A_287] : memref<8x32x128xf32, #tpu.memory_space<vmem>> -> memref<1x32x128xf32, #tpu.memory_space<vmem>>
    %dma_start3A_289 = tpu.memref_squeeze %dma_start3A_288 : memref<1x32x128xf32, #tpu.memory_space<vmem>> -> memref<32x128xf32, #tpu.memory_space<vmem>>
    %dma_start3A_290 = arith.constant 0 : i32
    %dma_start3A_291 = tpu.memref_slice %arg5[%dma_start3A_290, %multiple_of3A_275] : memref<32x1000000xf32, #tpu.memory_space<hbm>> -> memref<32x128xf32, #tpu.memory_space<hbm>>
    tpu.enqueue_dma source(%dma_start3A_291 : memref<32x128xf32, #tpu.memory_space<hbm>>) target(%dma_start3A_289 : memref<32x128xf32, #tpu.memory_space<vmem>>) target_semaphore(%dma_start3A_285 : memref<!tpu.dma_semaphore, #tpu.memory_space<semaphore_mem>>)
    %slice3A_292 = vector.extract_strided_slice %mul3A_55 {offsets = [6], sizes = [1], strides = [1]} : vector<16xi32> to vector<1xi32>
    %squeeze3A_293 = vector.extract %slice3A_292[0] : i32 from vector<1xi32>
    %slice3A_294 = vector.extract_strided_slice %mul3A_63 {offsets = [6], sizes = [1], strides = [1]} : vector<16xi32> to vector<1xi32>
    %squeeze3A_295 = vector.extract %slice3A_294[0] : i32 from vector<1xi32>
    %multiple_of3A_296 = tpu.assume_multiple %squeeze3A_293, 128 : i32
    %dma_start3A_297 = arith.constant 6 : i32
    %dma_start3A_298 = arith.constant 6 : i32
    %dma_start3A_299 = arith.constant 0 : i32
    %dma_start3A_300 = arith.constant 0 : i32
    %dma_start3A_301 = tpu.memref_slice %arg11[%dma_start3A_297, %dma_start3A_299, %dma_start3A_300] : memref<8x32x128xf32, #tpu.memory_space<vmem>> -> memref<1x32x128xf32, #tpu.memory_space<vmem>>
    %dma_start3A_302 = tpu.memref_squeeze %dma_start3A_301 : memref<1x32x128xf32, #tpu.memory_space<vmem>> -> memref<32x128xf32, #tpu.memory_space<vmem>>
    %dma_start3A_303 = arith.constant 0 : i32
    %dma_start3A_304 = tpu.memref_slice %arg4[%dma_start3A_303, %multiple_of3A_296] : memref<32x1000000xf32, #tpu.memory_space<hbm>> -> memref<32x128xf32, #tpu.memory_space<hbm>>
    %dma_start3A_305 = tpu.memref_slice %arg17[%dma_start3A_298] : memref<8x!tpu.dma_semaphore, #tpu.memory_space<semaphore_mem>> -> memref<1x!tpu.dma_semaphore, #tpu.memory_space<semaphore_mem>>
    %dma_start3A_306 = tpu.memref_squeeze %dma_start3A_305 : memref<1x!tpu.dma_semaphore, #tpu.memory_space<semaphore_mem>> -> memref<!tpu.dma_semaphore, #tpu.memory_space<semaphore_mem>>
    %dma_start3A_307 = arith.constant 0 : i32
    %dma_start3A_308 = arith.constant 0 : i32
    %dma_start3A_309 = tpu.memref_slice %arg11[%dma_start3A_297, %dma_start3A_307, %dma_start3A_308] : memref<8x32x128xf32, #tpu.memory_space<vmem>> -> memref<1x32x128xf32, #tpu.memory_space<vmem>>
    %dma_start3A_310 = tpu.memref_squeeze %dma_start3A_309 : memref<1x32x128xf32, #tpu.memory_space<vmem>> -> memref<32x128xf32, #tpu.memory_space<vmem>>
    %dma_start3A_311 = arith.constant 0 : i32
    %dma_start3A_312 = tpu.memref_slice %arg4[%dma_start3A_311, %multiple_of3A_296] : memref<32x1000000xf32, #tpu.memory_space<hbm>> -> memref<32x128xf32, #tpu.memory_space<hbm>>
    tpu.enqueue_dma source(%dma_start3A_312 : memref<32x128xf32, #tpu.memory_space<hbm>>) target(%dma_start3A_310 : memref<32x128xf32, #tpu.memory_space<vmem>>) target_semaphore(%dma_start3A_306 : memref<!tpu.dma_semaphore, #tpu.memory_space<semaphore_mem>>)
    %multiple_of3A_313 = tpu.assume_multiple %squeeze3A_295, 128 : i32
    %dma_start3A_314 = arith.constant 6 : i32
    %dma_start3A_315 = arith.constant 6 : i32
    %dma_start3A_316 = arith.constant 0 : i32
    %dma_start3A_317 = arith.constant 0 : i32
    %dma_start3A_318 = tpu.memref_slice %arg12[%dma_start3A_314, %dma_start3A_316, %dma_start3A_317] : memref<8x32x128xf32, #tpu.memory_space<vmem>> -> memref<1x32x128xf32, #tpu.memory_space<vmem>>
    %dma_start3A_319 = tpu.memref_squeeze %dma_start3A_318 : memref<1x32x128xf32, #tpu.memory_space<vmem>> -> memref<32x128xf32, #tpu.memory_space<vmem>>
    %dma_start3A_320 = arith.constant 0 : i32
    %dma_start3A_321 = tpu.memref_slice %arg5[%dma_start3A_320, %multiple_of3A_313] : memref<32x1000000xf32, #tpu.memory_space<hbm>> -> memref<32x128xf32, #tpu.memory_space<hbm>>
    %dma_start3A_322 = tpu.memref_slice %arg18[%dma_start3A_315] : memref<8x!tpu.dma_semaphore, #tpu.memory_space<semaphore_mem>> -> memref<1x!tpu.dma_semaphore, #tpu.memory_space<semaphore_mem>>
    %dma_start3A_323 = tpu.memref_squeeze %dma_start3A_322 : memref<1x!tpu.dma_semaphore, #tpu.memory_space<semaphore_mem>> -> memref<!tpu.dma_semaphore, #tpu.memory_space<semaphore_mem>>
    %dma_start3A_324 = arith.constant 0 : i32
    %dma_start3A_325 = arith.constant 0 : i32
    %dma_start3A_326 = tpu.memref_slice %arg12[%dma_start3A_314, %dma_start3A_324, %dma_start3A_325] : memref<8x32x128xf32, #tpu.memory_space<vmem>> -> memref<1x32x128xf32, #tpu.memory_space<vmem>>
    %dma_start3A_327 = tpu.memref_squeeze %dma_start3A_326 : memref<1x32x128xf32, #tpu.memory_space<vmem>> -> memref<32x128xf32, #tpu.memory_space<vmem>>
    %dma_start3A_328 = arith.constant 0 : i32
    %dma_start3A_329 = tpu.memref_slice %arg5[%dma_start3A_328, %multiple_of3A_313] : memref<32x1000000xf32, #tpu.memory_space<hbm>> -> memref<32x128xf32, #tpu.memory_space<hbm>>
    tpu.enqueue_dma source(%dma_start3A_329 : memref<32x128xf32, #tpu.memory_space<hbm>>) target(%dma_start3A_327 : memref<32x128xf32, #tpu.memory_space<vmem>>) target_semaphore(%dma_start3A_323 : memref<!tpu.dma_semaphore, #tpu.memory_space<semaphore_mem>>)
    %slice3A_330 = vector.extract_strided_slice %mul3A_55 {offsets = [7], sizes = [1], strides = [1]} : vector<16xi32> to vector<1xi32>
    %squeeze3A_331 = vector.extract %slice3A_330[0] : i32 from vector<1xi32>
    %slice3A_332 = vector.extract_strided_slice %mul3A_63 {offsets = [7], sizes = [1], strides = [1]} : vector<16xi32> to vector<1xi32>
    %squeeze3A_333 = vector.extract %slice3A_332[0] : i32 from vector<1xi32>
    %multiple_of3A_334 = tpu.assume_multiple %squeeze3A_331, 128 : i32
    %dma_start3A_335 = arith.constant 7 : i32
    %dma_start3A_336 = arith.constant 7 : i32
    %dma_start3A_337 = arith.constant 0 : i32
    %dma_start3A_338 = arith.constant 0 : i32
    %dma_start3A_339 = tpu.memref_slice %arg11[%dma_start3A_335, %dma_start3A_337, %dma_start3A_338] : memref<8x32x128xf32, #tpu.memory_space<vmem>> -> memref<1x32x128xf32, #tpu.memory_space<vmem>>
    %dma_start3A_340 = tpu.memref_squeeze %dma_start3A_339 : memref<1x32x128xf32, #tpu.memory_space<vmem>> -> memref<32x128xf32, #tpu.memory_space<vmem>>
    %dma_start3A_341 = arith.constant 0 : i32
    %dma_start3A_342 = tpu.memref_slice %arg4[%dma_start3A_341, %multiple_of3A_334] : memref<32x1000000xf32, #tpu.memory_space<hbm>> -> memref<32x128xf32, #tpu.memory_space<hbm>>
    %dma_start3A_343 = tpu.memref_slice %arg17[%dma_start3A_336] : memref<8x!tpu.dma_semaphore, #tpu.memory_space<semaphore_mem>> -> memref<1x!tpu.dma_semaphore, #tpu.memory_space<semaphore_mem>>
    %dma_start3A_344 = tpu.memref_squeeze %dma_start3A_343 : memref<1x!tpu.dma_semaphore, #tpu.memory_space<semaphore_mem>> -> memref<!tpu.dma_semaphore, #tpu.memory_space<semaphore_mem>>
    %dma_start3A_345 = arith.constant 0 : i32
    %dma_start3A_346 = arith.constant 0 : i32
    %dma_start3A_347 = tpu.memref_slice %arg11[%dma_start3A_335, %dma_start3A_345, %dma_start3A_346] : memref<8x32x128xf32, #tpu.memory_space<vmem>> -> memref<1x32x128xf32, #tpu.memory_space<vmem>>
    %dma_start3A_348 = tpu.memref_squeeze %dma_start3A_347 : memref<1x32x128xf32, #tpu.memory_space<vmem>> -> memref<32x128xf32, #tpu.memory_space<vmem>>
    %dma_start3A_349 = arith.constant 0 : i32
    %dma_start3A_350 = tpu.memref_slice %arg4[%dma_start3A_349, %multiple_of3A_334] : memref<32x1000000xf32, #tpu.memory_space<hbm>> -> memref<32x128xf32, #tpu.memory_space<hbm>>
    tpu.enqueue_dma source(%dma_start3A_350 : memref<32x128xf32, #tpu.memory_space<hbm>>) target(%dma_start3A_348 : memref<32x128xf32, #tpu.memory_space<vmem>>) target_semaphore(%dma_start3A_344 : memref<!tpu.dma_semaphore, #tpu.memory_space<semaphore_mem>>)
    %multiple_of3A_351 = tpu.assume_multiple %squeeze3A_333, 128 : i32
    %dma_start3A_352 = arith.constant 7 : i32
    %dma_start3A_353 = arith.constant 7 : i32
    %dma_start3A_354 = arith.constant 0 : i32
    %dma_start3A_355 = arith.constant 0 : i32
    %dma_start3A_356 = tpu.memref_slice %arg12[%dma_start3A_352, %dma_start3A_354, %dma_start3A_355] : memref<8x32x128xf32, #tpu.memory_space<vmem>> -> memref<1x32x128xf32, #tpu.memory_space<vmem>>
    %dma_start3A_357 = tpu.memref_squeeze %dma_start3A_356 : memref<1x32x128xf32, #tpu.memory_space<vmem>> -> memref<32x128xf32, #tpu.memory_space<vmem>>
    %dma_start3A_358 = arith.constant 0 : i32
    %dma_start3A_359 = tpu.memref_slice %arg5[%dma_start3A_358, %multiple_of3A_351] : memref<32x1000000xf32, #tpu.memory_space<hbm>> -> memref<32x128xf32, #tpu.memory_space<hbm>>
    %dma_start3A_360 = tpu.memref_slice %arg18[%dma_start3A_353] : memref<8x!tpu.dma_semaphore, #tpu.memory_space<semaphore_mem>> -> memref<1x!tpu.dma_semaphore, #tpu.memory_space<semaphore_mem>>
    %dma_start3A_361 = tpu.memref_squeeze %dma_start3A_360 : memref<1x!tpu.dma_semaphore, #tpu.memory_space<semaphore_mem>> -> memref<!tpu.dma_semaphore, #tpu.memory_space<semaphore_mem>>
    %dma_start3A_362 = arith.constant 0 : i32
    %dma_start3A_363 = arith.constant 0 : i32
    %dma_start3A_364 = tpu.memref_slice %arg12[%dma_start3A_352, %dma_start3A_362, %dma_start3A_363] : memref<8x32x128xf32, #tpu.memory_space<vmem>> -> memref<1x32x128xf32, #tpu.memory_space<vmem>>
    %dma_start3A_365 = tpu.memref_squeeze %dma_start3A_364 : memref<1x32x128xf32, #tpu.memory_space<vmem>> -> memref<32x128xf32, #tpu.memory_space<vmem>>
    %dma_start3A_366 = arith.constant 0 : i32
    %dma_start3A_367 = tpu.memref_slice %arg5[%dma_start3A_366, %multiple_of3A_351] : memref<32x1000000xf32, #tpu.memory_space<hbm>> -> memref<32x128xf32, #tpu.memory_space<hbm>>
    tpu.enqueue_dma source(%dma_start3A_367 : memref<32x128xf32, #tpu.memory_space<hbm>>) target(%dma_start3A_365 : memref<32x128xf32, #tpu.memory_space<vmem>>) target_semaphore(%dma_start3A_361 : memref<!tpu.dma_semaphore, #tpu.memory_space<semaphore_mem>>)
    %dma_wait3A = arith.constant 0 : i32
    %dma_wait3A_368 = tpu.memref_slice %arg13[%dma_wait3A] : memref<512xf32, #tpu.memory_space<vmem>> -> memref<128xf32, #tpu.memory_space<vmem>>
    %dma_wait3A_369 = arith.constant 0 : i32
    %dma_wait3A_370 = tpu.memref_slice %arg9[%dma_wait3A_369] : memref<512xi32, #tpu.memory_space<vmem>> -> memref<128xi32, #tpu.memory_space<vmem>>
    %dma_wait3A_371 = arith.constant 0 : i32
    %dma_wait3A_372 = tpu.memref_slice %arg6[%dma_wait3A_371] : memref<1000000xf32, #tpu.memory_space<hbm>> -> memref<1000000xf32, #tpu.memory_space<hbm>>
    tpu.wait_indirect_dma semaphore(%arg19 : memref<!tpu.dma_semaphore, #tpu.memory_space<semaphore_mem>>) src(%dma_wait3A_372 : memref<1000000xf32, #tpu.memory_space<hbm>>) dst(%dma_wait3A_368 : memref<128xf32, #tpu.memory_space<vmem>>)
    %dma_wait3A_373 = arith.constant 0 : i32
    %dma_wait3A_374 = tpu.memref_slice %arg14[%dma_wait3A_373] : memref<512xf32, #tpu.memory_space<vmem>> -> memref<128xf32, #tpu.memory_space<vmem>>
    %dma_wait3A_375 = arith.constant 0 : i32
    %dma_wait3A_376 = tpu.memref_slice %arg10[%dma_wait3A_375] : memref<512xi32, #tpu.memory_space<vmem>> -> memref<128xi32, #tpu.memory_space<vmem>>
    %dma_wait3A_377 = arith.constant 0 : i32
    %dma_wait3A_378 = tpu.memref_slice %arg7[%dma_wait3A_377] : memref<1000000xf32, #tpu.memory_space<hbm>> -> memref<1000000xf32, #tpu.memory_space<hbm>>
    tpu.wait_indirect_dma semaphore(%arg19 : memref<!tpu.dma_semaphore, #tpu.memory_space<semaphore_mem>>) src(%dma_wait3A_378 : memref<1000000xf32, #tpu.memory_space<hbm>>) dst(%dma_wait3A_374 : memref<128xf32, #tpu.memory_space<vmem>>)
    %dma_wait3A_379 = arith.constant 128 : i32
    %dma_wait3A_380 = tpu.memref_slice %arg13[%dma_wait3A_379] : memref<512xf32, #tpu.memory_space<vmem>> -> memref<128xf32, #tpu.memory_space<vmem>>
    %dma_wait3A_381 = arith.constant 128 : i32
    %dma_wait3A_382 = tpu.memref_slice %arg9[%dma_wait3A_381] : memref<512xi32, #tpu.memory_space<vmem>> -> memref<128xi32, #tpu.memory_space<vmem>>
    %dma_wait3A_383 = arith.constant 0 : i32
    %dma_wait3A_384 = tpu.memref_slice %arg6[%dma_wait3A_383] : memref<1000000xf32, #tpu.memory_space<hbm>> -> memref<1000000xf32, #tpu.memory_space<hbm>>
    tpu.wait_indirect_dma semaphore(%arg19 : memref<!tpu.dma_semaphore, #tpu.memory_space<semaphore_mem>>) src(%dma_wait3A_384 : memref<1000000xf32, #tpu.memory_space<hbm>>) dst(%dma_wait3A_380 : memref<128xf32, #tpu.memory_space<vmem>>)
    %dma_wait3A_385 = arith.constant 128 : i32
    %dma_wait3A_386 = tpu.memref_slice %arg14[%dma_wait3A_385] : memref<512xf32, #tpu.memory_space<vmem>> -> memref<128xf32, #tpu.memory_space<vmem>>
    %dma_wait3A_387 = arith.constant 128 : i32
    %dma_wait3A_388 = tpu.memref_slice %arg10[%dma_wait3A_387] : memref<512xi32, #tpu.memory_space<vmem>> -> memref<128xi32, #tpu.memory_space<vmem>>
    %dma_wait3A_389 = arith.constant 0 : i32
    %dma_wait3A_390 = tpu.memref_slice %arg7[%dma_wait3A_389] : memref<1000000xf32, #tpu.memory_space<hbm>> -> memref<1000000xf32, #tpu.memory_space<hbm>>
    tpu.wait_indirect_dma semaphore(%arg19 : memref<!tpu.dma_semaphore, #tpu.memory_space<semaphore_mem>>) src(%dma_wait3A_390 : memref<1000000xf32, #tpu.memory_space<hbm>>) dst(%dma_wait3A_386 : memref<128xf32, #tpu.memory_space<vmem>>)
    %dma_wait3A_391 = arith.constant 256 : i32
    %dma_wait3A_392 = tpu.memref_slice %arg13[%dma_wait3A_391] : memref<512xf32, #tpu.memory_space<vmem>> -> memref<128xf32, #tpu.memory_space<vmem>>
    %dma_wait3A_393 = arith.constant 256 : i32
    %dma_wait3A_394 = tpu.memref_slice %arg9[%dma_wait3A_393] : memref<512xi32, #tpu.memory_space<vmem>> -> memref<128xi32, #tpu.memory_space<vmem>>
    %dma_wait3A_395 = arith.constant 0 : i32
    %dma_wait3A_396 = tpu.memref_slice %arg6[%dma_wait3A_395] : memref<1000000xf32, #tpu.memory_space<hbm>> -> memref<1000000xf32, #tpu.memory_space<hbm>>
    tpu.wait_indirect_dma semaphore(%arg19 : memref<!tpu.dma_semaphore, #tpu.memory_space<semaphore_mem>>) src(%dma_wait3A_396 : memref<1000000xf32, #tpu.memory_space<hbm>>) dst(%dma_wait3A_392 : memref<128xf32, #tpu.memory_space<vmem>>)
    %dma_wait3A_397 = arith.constant 256 : i32
    %dma_wait3A_398 = tpu.memref_slice %arg14[%dma_wait3A_397] : memref<512xf32, #tpu.memory_space<vmem>> -> memref<128xf32, #tpu.memory_space<vmem>>
    %dma_wait3A_399 = arith.constant 256 : i32
    %dma_wait3A_400 = tpu.memref_slice %arg10[%dma_wait3A_399] : memref<512xi32, #tpu.memory_space<vmem>> -> memref<128xi32, #tpu.memory_space<vmem>>
    %dma_wait3A_401 = arith.constant 0 : i32
    %dma_wait3A_402 = tpu.memref_slice %arg7[%dma_wait3A_401] : memref<1000000xf32, #tpu.memory_space<hbm>> -> memref<1000000xf32, #tpu.memory_space<hbm>>
    tpu.wait_indirect_dma semaphore(%arg19 : memref<!tpu.dma_semaphore, #tpu.memory_space<semaphore_mem>>) src(%dma_wait3A_402 : memref<1000000xf32, #tpu.memory_space<hbm>>) dst(%dma_wait3A_398 : memref<128xf32, #tpu.memory_space<vmem>>)
    %dma_wait3A_403 = arith.constant 384 : i32
    %dma_wait3A_404 = tpu.memref_slice %arg13[%dma_wait3A_403] : memref<512xf32, #tpu.memory_space<vmem>> -> memref<128xf32, #tpu.memory_space<vmem>>
    %dma_wait3A_405 = arith.constant 384 : i32
    %dma_wait3A_406 = tpu.memref_slice %arg9[%dma_wait3A_405] : memref<512xi32, #tpu.memory_space<vmem>> -> memref<128xi32, #tpu.memory_space<vmem>>
    %dma_wait3A_407 = arith.constant 0 : i32
    %dma_wait3A_408 = tpu.memref_slice %arg6[%dma_wait3A_407] : memref<1000000xf32, #tpu.memory_space<hbm>> -> memref<1000000xf32, #tpu.memory_space<hbm>>
    tpu.wait_indirect_dma semaphore(%arg19 : memref<!tpu.dma_semaphore, #tpu.memory_space<semaphore_mem>>) src(%dma_wait3A_408 : memref<1000000xf32, #tpu.memory_space<hbm>>) dst(%dma_wait3A_404 : memref<128xf32, #tpu.memory_space<vmem>>)
    %dma_wait3A_409 = arith.constant 384 : i32
    %dma_wait3A_410 = tpu.memref_slice %arg14[%dma_wait3A_409] : memref<512xf32, #tpu.memory_space<vmem>> -> memref<128xf32, #tpu.memory_space<vmem>>
    %dma_wait3A_411 = arith.constant 384 : i32
    %dma_wait3A_412 = tpu.memref_slice %arg10[%dma_wait3A_411] : memref<512xi32, #tpu.memory_space<vmem>> -> memref<128xi32, #tpu.memory_space<vmem>>
    %dma_wait3A_413 = arith.constant 0 : i32
    %dma_wait3A_414 = tpu.memref_slice %arg7[%dma_wait3A_413] : memref<1000000xf32, #tpu.memory_space<hbm>> -> memref<1000000xf32, #tpu.memory_space<hbm>>
    tpu.wait_indirect_dma semaphore(%arg19 : memref<!tpu.dma_semaphore, #tpu.memory_space<semaphore_mem>>) src(%dma_wait3A_414 : memref<1000000xf32, #tpu.memory_space<hbm>>) dst(%dma_wait3A_410 : memref<128xf32, #tpu.memory_space<vmem>>)
    %scan3A = arith.constant 0 : i32
    %scan3A_415 = arith.constant 0 : i32
    %scan3A_416 = arith.constant 32 : i32
    %scan3A_417 = arith.addi %scan3A_415, %scan3A_416 : i32
    %scan3A_418 = arith.constant 1 : i32
    scf.for %scan3A_422 = %scan3A_415 to %scan3A_417 step %scan3A_418  : i32 {
      %mul3A_423 = arith.constant 16 : i32
      %mul3A_424 = arith.muli %scan3A_422, %mul3A_423 : i32
      %get3A_425 = arith.index_cast %mul3A_424 : i32 to index
      %get3A_426 = tpu.vector_load %arg9[%get3A_425] {strides = array<i32>} : memref<512xi32, #tpu.memory_space<vmem>>, vector<16xi32>,
      %mul3A_427 = arith.constant 16 : i32
      %mul3A_428 = arith.muli %scan3A_422, %mul3A_427 : i32
      %get3A_429 = arith.index_cast %mul3A_428 : i32 to index
      %get3A_430 = tpu.vector_load %arg10[%get3A_429] {strides = array<i32>} : memref<512xi32, #tpu.memory_space<vmem>>, vector<16xi32>,
      %shift_right_arithmetic3A_431 = arith.constant 7 : i32
      %shift_right_arithmetic3A_432 = vector.broadcast %shift_right_arithmetic3A_431 : i32 to vector<16xi32>
      %shift_right_arithmetic3A_433 = arith.shrsi %get3A_426, %shift_right_arithmetic3A_432 : vector<16xi32>
      %mul3A_434 = arith.constant 128 : i32
      %mul3A_435 = vector.broadcast %mul3A_434 : i32 to vector<16xi32>
      %mul3A_436 = arith.muli %shift_right_arithmetic3A_433, %mul3A_435 : vector<16xi32>
      %and3A_437 = arith.constant 127 : i32
      %and3A_438 = vector.broadcast %and3A_437 : i32 to vector<16xi32>
      %and3A_439 = arith.andi %get3A_426, %and3A_438 : vector<16xi32>
      %shift_right_arithmetic3A_440 = arith.constant 7 : i32
      %shift_right_arithmetic3A_441 = vector.broadcast %shift_right_arithmetic3A_440 : i32 to vector<16xi32>
      %shift_right_arithmetic3A_442 = arith.shrsi %get3A_430, %shift_right_arithmetic3A_441 : vector<16xi32>
      %mul3A_443 = arith.constant 128 : i32
      %mul3A_444 = vector.broadcast %mul3A_443 : i32 to vector<16xi32>
      %mul3A_445 = arith.muli %shift_right_arithmetic3A_442, %mul3A_444 : vector<16xi32>
      %and3A_446 = arith.constant 127 : i32
      %and3A_447 = vector.broadcast %and3A_446 : i32 to vector<16xi32>
      %and3A_448 = arith.andi %get3A_430, %and3A_447 : vector<16xi32>
      %dma_wait3A_449 = arith.constant 0 : i32
      %dma_wait3A_450 = arith.constant 0 : i32
      %dma_wait3A_451 = arith.constant 0 : i32
      %dma_wait3A_452 = arith.constant 0 : i32
      %dma_wait3A_453 = tpu.memref_slice %arg11[%dma_wait3A_449, %dma_wait3A_451, %dma_wait3A_452] : memref<8x32x128xf32, #tpu.memory_space<vmem>> -> memref<1x32x128xf32, #tpu.memory_space<vmem>>
      %dma_wait3A_454 = tpu.memref_squeeze %dma_wait3A_453 : memref<1x32x128xf32, #tpu.memory_space<vmem>> -> memref<32x128xf32, #tpu.memory_space<vmem>>
      %dma_wait3A_455 = arith.constant 0 : i32
      %dma_wait3A_456 = arith.constant 0 : i32
      %dma_wait3A_457 = tpu.memref_slice %arg4[%dma_wait3A_455, %dma_wait3A_456] : memref<32x1000000xf32, #tpu.memory_space<hbm>> -> memref<32x128xf32, #tpu.memory_space<hbm>>
      %dma_wait3A_458 = tpu.memref_slice %arg17[%dma_wait3A_450] : memref<8x!tpu.dma_semaphore, #tpu.memory_space<semaphore_mem>> -> memref<1x!tpu.dma_semaphore, #tpu.memory_space<semaphore_mem>>
      %dma_wait3A_459 = tpu.memref_squeeze %dma_wait3A_458 : memref<1x!tpu.dma_semaphore, #tpu.memory_space<semaphore_mem>> -> memref<!tpu.dma_semaphore, #tpu.memory_space<semaphore_mem>>
      %dma_wait3A_460 = arith.constant 0 : i32
      %dma_wait3A_461 = arith.constant 0 : i32
      %dma_wait3A_462 = tpu.memref_slice %arg11[%dma_wait3A_449, %dma_wait3A_460, %dma_wait3A_461] : memref<8x32x128xf32, #tpu.memory_space<vmem>> -> memref<1x32x128xf32, #tpu.memory_space<vmem>>
      %dma_wait3A_463 = tpu.memref_squeeze %dma_wait3A_462 : memref<1x32x128xf32, #tpu.memory_space<vmem>> -> memref<32x128xf32, #tpu.memory_space<vmem>>
      %dma_wait3A_464 = arith.constant 0 : i32
      %dma_wait3A_465 = arith.constant 0 : i32
      %dma_wait3A_466 = tpu.memref_slice %arg4[%dma_wait3A_464, %dma_wait3A_465] : memref<32x1000000xf32, #tpu.memory_space<hbm>> -> memref<32x128xf32, #tpu.memory_space<hbm>>
      tpu.wait_dma2 semaphore(%dma_wait3A_459 : memref<!tpu.dma_semaphore, #tpu.memory_space<semaphore_mem>>) src(%dma_wait3A_466 : memref<32x128xf32, #tpu.memory_space<hbm>>) dst(%dma_wait3A_463 : memref<32x128xf32, #tpu.memory_space<vmem>>)
      %dma_wait3A_467 = arith.constant 0 : i32
      %dma_wait3A_468 = arith.constant 0 : i32
      %dma_wait3A_469 = arith.constant 0 : i32
      %dma_wait3A_470 = arith.constant 0 : i32
      %dma_wait3A_471 = tpu.memref_slice %arg12[%dma_wait3A_467, %dma_wait3A_469, %dma_wait3A_470] : memref<8x32x128xf32, #tpu.memory_space<vmem>> -> memref<1x32x128xf32, #tpu.memory_space<vmem>>
      %dma_wait3A_472 = tpu.memref_squeeze %dma_wait3A_471 : memref<1x32x128xf32, #tpu.memory_space<vmem>> -> memref<32x128xf32, #tpu.memory_space<vmem>>
      %dma_wait3A_473 = arith.constant 0 : i32
      %dma_wait3A_474 = arith.constant 0 : i32
      %dma_wait3A_475 = tpu.memref_slice %arg5[%dma_wait3A_473, %dma_wait3A_474] : memref<32x1000000xf32, #tpu.memory_space<hbm>> -> memref<32x128xf32, #tpu.memory_space<hbm>>
      %dma_wait3A_476 = tpu.memref_slice %arg18[%dma_wait3A_468] : memref<8x!tpu.dma_semaphore, #tpu.memory_space<semaphore_mem>> -> memref<1x!tpu.dma_semaphore, #tpu.memory_space<semaphore_mem>>
      %dma_wait3A_477 = tpu.memref_squeeze %dma_wait3A_476 : memref<1x!tpu.dma_semaphore, #tpu.memory_space<semaphore_mem>> -> memref<!tpu.dma_semaphore, #tpu.memory_space<semaphore_mem>>
      %dma_wait3A_478 = arith.constant 0 : i32
      %dma_wait3A_479 = arith.constant 0 : i32
      %dma_wait3A_480 = tpu.memref_slice %arg12[%dma_wait3A_467, %dma_wait3A_478, %dma_wait3A_479] : memref<8x32x128xf32, #tpu.memory_space<vmem>> -> memref<1x32x128xf32, #tpu.memory_space<vmem>>
      %dma_wait3A_481 = tpu.memref_squeeze %dma_wait3A_480 : memref<1x32x128xf32, #tpu.memory_space<vmem>> -> memref<32x128xf32, #tpu.memory_space<vmem>>
      %dma_wait3A_482 = arith.constant 0 : i32
      %dma_wait3A_483 = arith.constant 0 : i32
      %dma_wait3A_484 = tpu.memref_slice %arg5[%dma_wait3A_482, %dma_wait3A_483] : memref<32x1000000xf32, #tpu.memory_space<hbm>> -> memref<32x128xf32, #tpu.memory_space<hbm>>
      tpu.wait_dma2 semaphore(%dma_wait3A_477 : memref<!tpu.dma_semaphore, #tpu.memory_space<semaphore_mem>>) src(%dma_wait3A_484 : memref<32x128xf32, #tpu.memory_space<hbm>>) dst(%dma_wait3A_481 : memref<32x128xf32, #tpu.memory_space<vmem>>)
      %slice3A_485 = vector.extract_strided_slice %and3A_439 {offsets = [0], sizes = [1], strides = [1]} : vector<16xi32> to vector<1xi32>
      %squeeze3A_486 = vector.extract %slice3A_485[0] : i32 from vector<1xi32>
      %broadcast_in_dim3A = vector.broadcast %squeeze3A_486 : i32 to vector<16xi32>
      %slice3A_487 = vector.extract_strided_slice %and3A_448 {offsets = [0], sizes = [1], strides = [1]} : vector<16xi32> to vector<1xi32>
      %squeeze3A_488 = vector.extract %slice3A_487[0] : i32 from vector<1xi32>
      %broadcast_in_dim3A_489 = vector.broadcast %squeeze3A_488 : i32 to vector<16xi32>
      %gather3A = arith.constant 0 : i32
      %gather3A_490 = arith.constant 0 : i32
      %gather3A_491 = arith.constant 0 : i32
      %gather3A_492 = tpu.memref_slice %arg11[%gather3A, %gather3A_490, %gather3A_491] : memref<8x32x128xf32, #tpu.memory_space<vmem>> -> memref<1x32x128xf32, #tpu.memory_space<vmem>>
      %gather3A_493 = tpu.memref_squeeze %gather3A_492 : memref<1x32x128xf32, #tpu.memory_space<vmem>> -> memref<32x128xf32, #tpu.memory_space<vmem>>
      %gather3A_494 = tpu.vector_load_idx %gather3A_493[%iota3A, %broadcast_in_dim3A] : memref<32x128xf32, #tpu.memory_space<vmem>>[vector<16xi32>, vector<16xi32>], vector<16xf32>,
      %add3A_495 = arith.constant 16 : i32
      %add3A_496 = vector.broadcast %add3A_495 : i32 to vector<16xi32>
      %add3A_497 = arith.addi %iota3A, %add3A_496 : vector<16xi32>
      %gather3A_498 = arith.constant 0 : i32
      %gather3A_499 = arith.constant 0 : i32
      %gather3A_500 = arith.constant 0 : i32
      %gather3A_501 = tpu.memref_slice %arg11[%gather3A_498, %gather3A_499, %gather3A_500] : memref<8x32x128xf32, #tpu.memory_space<vmem>> -> memref<1x32x128xf32, #tpu.memory_space<vmem>>
      %gather3A_502 = tpu.memref_squeeze %gather3A_501 : memref<1x32x128xf32, #tpu.memory_space<vmem>> -> memref<32x128xf32, #tpu.memory_space<vmem>>
      %gather3A_503 = tpu.vector_load_idx %gather3A_502[%add3A_497, %broadcast_in_dim3A] : memref<32x128xf32, #tpu.memory_space<vmem>>[vector<16xi32>, vector<16xi32>], vector<16xf32>,
      %gather3A_504 = arith.constant 0 : i32
      %gather3A_505 = arith.constant 0 : i32
      %gather3A_506 = arith.constant 0 : i32
      %gather3A_507 = tpu.memref_slice %arg12[%gather3A_504, %gather3A_505, %gather3A_506] : memref<8x32x128xf32, #tpu.memory_space<vmem>> -> memref<1x32x128xf32, #tpu.memory_space<vmem>>
      %gather3A_508 = tpu.memref_squeeze %gather3A_507 : memref<1x32x128xf32, #tpu.memory_space<vmem>> -> memref<32x128xf32, #tpu.memory_space<vmem>>
      %gather3A_509 = tpu.vector_load_idx %gather3A_508[%iota3A, %broadcast_in_dim3A_489] : memref<32x128xf32, #tpu.memory_space<vmem>>[vector<16xi32>, vector<16xi32>], vector<16xf32>,
      %add3A_510 = arith.constant 16 : i32
      %add3A_511 = vector.broadcast %add3A_510 : i32 to vector<16xi32>
      %add3A_512 = arith.addi %iota3A, %add3A_511 : vector<16xi32>
      %gather3A_513 = arith.constant 0 : i32
      %gather3A_514 = arith.constant 0 : i32
      %gather3A_515 = arith.constant 0 : i32
      %gather3A_516 = tpu.memref_slice %arg12[%gather3A_513, %gather3A_514, %gather3A_515] : memref<8x32x128xf32, #tpu.memory_space<vmem>> -> memref<1x32x128xf32, #tpu.memory_space<vmem>>
      %gather3A_517 = tpu.memref_squeeze %gather3A_516 : memref<1x32x128xf32, #tpu.memory_space<vmem>> -> memref<32x128xf32, #tpu.memory_space<vmem>>
      %gather3A_518 = tpu.vector_load_idx %gather3A_517[%add3A_512, %broadcast_in_dim3A_489] : memref<32x128xf32, #tpu.memory_space<vmem>>[vector<16xi32>, vector<16xi32>], vector<16xf32>,
      %mul3A_519 = arith.mulf %gather3A_494, %gather3A_509 : vector<16xf32>
      %mul3A_520 = arith.mulf %gather3A_503, %gather3A_518 : vector<16xf32>
      %add3A_521 = arith.addf %mul3A_519, %mul3A_520 : vector<16xf32>
      %swap3A = arith.constant 0 : index
      %swap3A_522 = tpu.vector_load %arg15[%swap3A] {strides = array<i32>} : memref<256xf32, #tpu.memory_space<vmem>>, vector<16xf32>,
      tpu.vector_store %arg15[%swap3A], %add3A_521 {strides = array<i32>} : memref<256xf32, #tpu.memory_space<vmem>>, vector<16xf32>,
      %slice3A_523 = vector.extract_strided_slice %mul3A_436 {offsets = [8], sizes = [1], strides = [1]} : vector<16xi32> to vector<1xi32>
      %squeeze3A_524 = vector.extract %slice3A_523[0] : i32 from vector<1xi32>
      %slice3A_525 = vector.extract_strided_slice %mul3A_445 {offsets = [8], sizes = [1], strides = [1]} : vector<16xi32> to vector<1xi32>
      %squeeze3A_526 = vector.extract %slice3A_525[0] : i32 from vector<1xi32>
      %multiple_of3A_527 = tpu.assume_multiple %squeeze3A_524, 128 : i32
      %dma_start3A_528 = arith.constant 0 : i32
      %dma_start3A_529 = arith.constant 0 : i32
      %dma_start3A_530 = arith.constant 0 : i32
      %dma_start3A_531 = arith.constant 0 : i32
      %dma_start3A_532 = tpu.memref_slice %arg11[%dma_start3A_528, %dma_start3A_530, %dma_start3A_531] : memref<8x32x128xf32, #tpu.memory_space<vmem>> -> memref<1x32x128xf32, #tpu.memory_space<vmem>>
      %dma_start3A_533 = tpu.memref_squeeze %dma_start3A_532 : memref<1x32x128xf32, #tpu.memory_space<vmem>> -> memref<32x128xf32, #tpu.memory_space<vmem>>
      %dma_start3A_534 = arith.constant 0 : i32
      %dma_start3A_535 = tpu.memref_slice %arg4[%dma_start3A_534, %multiple_of3A_527] : memref<32x1000000xf32, #tpu.memory_space<hbm>> -> memref<32x128xf32, #tpu.memory_space<hbm>>
      %dma_start3A_536 = tpu.memref_slice %arg17[%dma_start3A_529] : memref<8x!tpu.dma_semaphore, #tpu.memory_space<semaphore_mem>> -> memref<1x!tpu.dma_semaphore, #tpu.memory_space<semaphore_mem>>
      %dma_start3A_537 = tpu.memref_squeeze %dma_start3A_536 : memref<1x!tpu.dma_semaphore, #tpu.memory_space<semaphore_mem>> -> memref<!tpu.dma_semaphore, #tpu.memory_space<semaphore_mem>>
      %dma_start3A_538 = arith.constant 0 : i32
      %dma_start3A_539 = arith.constant 0 : i32
      %dma_start3A_540 = tpu.memref_slice %arg11[%dma_start3A_528, %dma_start3A_538, %dma_start3A_539] : memref<8x32x128xf32, #tpu.memory_space<vmem>> -> memref<1x32x128xf32, #tpu.memory_space<vmem>>
      %dma_start3A_541 = tpu.memref_squeeze %dma_start3A_540 : memref<1x32x128xf32, #tpu.memory_space<vmem>> -> memref<32x128xf32, #tpu.memory_space<vmem>>
      %dma_start3A_542 = arith.constant 0 : i32
      %dma_start3A_543 = tpu.memref_slice %arg4[%dma_start3A_542, %multiple_of3A_527] : memref<32x1000000xf32, #tpu.memory_space<hbm>> -> memref<32x128xf32, #tpu.memory_space<hbm>>
      tpu.enqueue_dma source(%dma_start3A_543 : memref<32x128xf32, #tpu.memory_space<hbm>>) target(%dma_start3A_541 : memref<32x128xf32, #tpu.memory_space<vmem>>) target_semaphore(%dma_start3A_537 : memref<!tpu.dma_semaphore, #tpu.memory_space<semaphore_mem>>)
      %multiple_of3A_544 = tpu.assume_multiple %squeeze3A_526, 128 : i32
      %dma_start3A_545 = arith.constant 0 : i32
      %dma_start3A_546 = arith.constant 0 : i32
      %dma_start3A_547 = arith.constant 0 : i32
      %dma_start3A_548 = arith.constant 0 : i32
      %dma_start3A_549 = tpu.memref_slice %arg12[%dma_start3A_545, %dma_start3A_547, %dma_start3A_548] : memref<8x32x128xf32, #tpu.memory_space<vmem>> -> memref<1x32x128xf32, #tpu.memory_space<vmem>>
      %dma_start3A_550 = tpu.memref_squeeze %dma_start3A_549 : memref<1x32x128xf32, #tpu.memory_space<vmem>> -> memref<32x128xf32, #tpu.memory_space<vmem>>
      %dma_start3A_551 = arith.constant 0 : i32
      %dma_start3A_552 = tpu.memref_slice %arg5[%dma_start3A_551, %multiple_of3A_544] : memref<32x1000000xf32, #tpu.memory_space<hbm>> -> memref<32x128xf32, #tpu.memory_space<hbm>>
      %dma_start3A_553 = tpu.memref_slice %arg18[%dma_start3A_546] : memref<8x!tpu.dma_semaphore, #tpu.memory_space<semaphore_mem>> -> memref<1x!tpu.dma_semaphore, #tpu.memory_space<semaphore_mem>>
      %dma_start3A_554 = tpu.memref_squeeze %dma_start3A_553 : memref<1x!tpu.dma_semaphore, #tpu.memory_space<semaphore_mem>> -> memref<!tpu.dma_semaphore, #tpu.memory_space<semaphore_mem>>
      %dma_start3A_555 = arith.constant 0 : i32
      %dma_start3A_556 = arith.constant 0 : i32
      %dma_start3A_557 = tpu.memref_slice %arg12[%dma_start3A_545, %dma_start3A_555, %dma_start3A_556] : memref<8x32x128xf32, #tpu.memory_space<vmem>> -> memref<1x32x128xf32, #tpu.memory_space<vmem>>
      %dma_start3A_558 = tpu.memref_squeeze %dma_start3A_557 : memref<1x32x128xf32, #tpu.memory_space<vmem>> -> memref<32x128xf32, #tpu.memory_space<vmem>>
      %dma_start3A_559 = arith.constant 0 : i32
      %dma_start3A_560 = tpu.memref_slice %arg5[%dma_start3A_559, %multiple_of3A_544] : memref<32x1000000xf32, #tpu.memory_space<hbm>> -> memref<32x128xf32, #tpu.memory_space<hbm>>
      tpu.enqueue_dma source(%dma_start3A_560 : memref<32x128xf32, #tpu.memory_space<hbm>>) target(%dma_start3A_558 : memref<32x128xf32, #tpu.memory_space<vmem>>) target_semaphore(%dma_start3A_554 : memref<!tpu.dma_semaphore, #tpu.memory_space<semaphore_mem>>)
      %dma_wait3A_561 = arith.constant 1 : i32
      %dma_wait3A_562 = arith.constant 1 : i32
      %dma_wait3A_563 = arith.constant 0 : i32
      %dma_wait3A_564 = arith.constant 0 : i32
      %dma_wait3A_565 = tpu.memref_slice %arg11[%dma_wait3A_561, %dma_wait3A_563, %dma_wait3A_564] : memref<8x32x128xf32, #tpu.memory_space<vmem>> -> memref<1x32x128xf32, #tpu.memory_space<vmem>>
      %dma_wait3A_566 = tpu.memref_squeeze %dma_wait3A_565 : memref<1x32x128xf32, #tpu.memory_space<vmem>> -> memref<32x128xf32, #tpu.memory_space<vmem>>
      %dma_wait3A_567 = arith.constant 0 : i32
      %dma_wait3A_568 = arith.constant 0 : i32
      %dma_wait3A_569 = tpu.memref_slice %arg4[%dma_wait3A_567, %dma_wait3A_568] : memref<32x1000000xf32, #tpu.memory_space<hbm>> -> memref<32x128xf32, #tpu.memory_space<hbm>>
      %dma_wait3A_570 = tpu.memref_slice %arg17[%dma_wait3A_562] : memref<8x!tpu.dma_semaphore, #tpu.memory_space<semaphore_mem>> -> memref<1x!tpu.dma_semaphore, #tpu.memory_space<semaphore_mem>>
      %dma_wait3A_571 = tpu.memref_squeeze %dma_wait3A_570 : memref<1x!tpu.dma_semaphore, #tpu.memory_space<semaphore_mem>> -> memref<!tpu.dma_semaphore, #tpu.memory_space<semaphore_mem>>
      %dma_wait3A_572 = arith.constant 0 : i32
      %dma_wait3A_573 = arith.constant 0 : i32
      %dma_wait3A_574 = tpu.memref_slice %arg11[%dma_wait3A_561, %dma_wait3A_572, %dma_wait3A_573] : memref<8x32x128xf32, #tpu.memory_space<vmem>> -> memref<1x32x128xf32, #tpu.memory_space<vmem>>
      %dma_wait3A_575 = tpu.memref_squeeze %dma_wait3A_574 : memref<1x32x128xf32, #tpu.memory_space<vmem>> -> memref<32x128xf32, #tpu.memory_space<vmem>>
      %dma_wait3A_576 = arith.constant 0 : i32
      %dma_wait3A_577 = arith.constant 0 : i32
      %dma_wait3A_578 = tpu.memref_slice %arg4[%dma_wait3A_576, %dma_wait3A_577] : memref<32x1000000xf32, #tpu.memory_space<hbm>> -> memref<32x128xf32, #tpu.memory_space<hbm>>
      tpu.wait_dma2 semaphore(%dma_wait3A_571 : memref<!tpu.dma_semaphore, #tpu.memory_space<semaphore_mem>>) src(%dma_wait3A_578 : memref<32x128xf32, #tpu.memory_space<hbm>>) dst(%dma_wait3A_575 : memref<32x128xf32, #tpu.memory_space<vmem>>)
      %dma_wait3A_579 = arith.constant 1 : i32
      %dma_wait3A_580 = arith.constant 1 : i32
      %dma_wait3A_581 = arith.constant 0 : i32
      %dma_wait3A_582 = arith.constant 0 : i32
      %dma_wait3A_583 = tpu.memref_slice %arg12[%dma_wait3A_579, %dma_wait3A_581, %dma_wait3A_582] : memref<8x32x128xf32, #tpu.memory_space<vmem>> -> memref<1x32x128xf32, #tpu.memory_space<vmem>>
      %dma_wait3A_584 = tpu.memref_squeeze %dma_wait3A_583 : memref<1x32x128xf32, #tpu.memory_space<vmem>> -> memref<32x128xf32, #tpu.memory_space<vmem>>
      %dma_wait3A_585 = arith.constant 0 : i32
      %dma_wait3A_586 = arith.constant 0 : i32
      %dma_wait3A_587 = tpu.memref_slice %arg5[%dma_wait3A_585, %dma_wait3A_586] : memref<32x1000000xf32, #tpu.memory_space<hbm>> -> memref<32x128xf32, #tpu.memory_space<hbm>>
      %dma_wait3A_588 = tpu.memref_slice %arg18[%dma_wait3A_580] : memref<8x!tpu.dma_semaphore, #tpu.memory_space<semaphore_mem>> -> memref<1x!tpu.dma_semaphore, #tpu.memory_space<semaphore_mem>>
      %dma_wait3A_589 = tpu.memref_squeeze %dma_wait3A_588 : memref<1x!tpu.dma_semaphore, #tpu.memory_space<semaphore_mem>> -> memref<!tpu.dma_semaphore, #tpu.memory_space<semaphore_mem>>
      %dma_wait3A_590 = arith.constant 0 : i32
      %dma_wait3A_591 = arith.constant 0 : i32
      %dma_wait3A_592 = tpu.memref_slice %arg12[%dma_wait3A_579, %dma_wait3A_590, %dma_wait3A_591] : memref<8x32x128xf32, #tpu.memory_space<vmem>> -> memref<1x32x128xf32, #tpu.memory_space<vmem>>
      %dma_wait3A_593 = tpu.memref_squeeze %dma_wait3A_592 : memref<1x32x128xf32, #tpu.memory_space<vmem>> -> memref<32x128xf32, #tpu.memory_space<vmem>>
      %dma_wait3A_594 = arith.constant 0 : i32
      %dma_wait3A_595 = arith.constant 0 : i32
      %dma_wait3A_596 = tpu.memref_slice %arg5[%dma_wait3A_594, %dma_wait3A_595] : memref<32x1000000xf32, #tpu.memory_space<hbm>> -> memref<32x128xf32, #tpu.memory_space<hbm>>
      tpu.wait_dma2 semaphore(%dma_wait3A_589 : memref<!tpu.dma_semaphore, #tpu.memory_space<semaphore_mem>>) src(%dma_wait3A_596 : memref<32x128xf32, #tpu.memory_space<hbm>>) dst(%dma_wait3A_593 : memref<32x128xf32, #tpu.memory_space<vmem>>)
      %slice3A_597 = vector.extract_strided_slice %and3A_439 {offsets = [1], sizes = [1], strides = [1]} : vector<16xi32> to vector<1xi32>
      %squeeze3A_598 = vector.extract %slice3A_597[0] : i32 from vector<1xi32>
      %broadcast_in_dim3A_599 = vector.broadcast %squeeze3A_598 : i32 to vector<16xi32>
      %slice3A_600 = vector.extract_strided_slice %and3A_448 {offsets = [1], sizes = [1], strides = [1]} : vector<16xi32> to vector<1xi32>
      %squeeze3A_601 = vector.extract %slice3A_600[0] : i32 from vector<1xi32>
      %broadcast_in_dim3A_602 = vector.broadcast %squeeze3A_601 : i32 to vector<16xi32>
      %gather3A_603 = arith.constant 1 : i32
      %gather3A_604 = arith.constant 0 : i32
      %gather3A_605 = arith.constant 0 : i32
      %gather3A_606 = tpu.memref_slice %arg11[%gather3A_603, %gather3A_604, %gather3A_605] : memref<8x32x128xf32, #tpu.memory_space<vmem>> -> memref<1x32x128xf32, #tpu.memory_space<vmem>>
      %gather3A_607 = tpu.memref_squeeze %gather3A_606 : memref<1x32x128xf32, #tpu.memory_space<vmem>> -> memref<32x128xf32, #tpu.memory_space<vmem>>
      %gather3A_608 = tpu.vector_load_idx %gather3A_607[%iota3A, %broadcast_in_dim3A_599] : memref<32x128xf32, #tpu.memory_space<vmem>>[vector<16xi32>, vector<16xi32>], vector<16xf32>,
      %add3A_609 = arith.constant 16 : i32
      %add3A_610 = vector.broadcast %add3A_609 : i32 to vector<16xi32>
      %add3A_611 = arith.addi %iota3A, %add3A_610 : vector<16xi32>
      %gather3A_612 = arith.constant 1 : i32
      %gather3A_613 = arith.constant 0 : i32
      %gather3A_614 = arith.constant 0 : i32
      %gather3A_615 = tpu.memref_slice %arg11[%gather3A_612, %gather3A_613, %gather3A_614] : memref<8x32x128xf32, #tpu.memory_space<vmem>> -> memref<1x32x128xf32, #tpu.memory_space<vmem>>
      %gather3A_616 = tpu.memref_squeeze %gather3A_615 : memref<1x32x128xf32, #tpu.memory_space<vmem>> -> memref<32x128xf32, #tpu.memory_space<vmem>>
      %gather3A_617 = tpu.vector_load_idx %gather3A_616[%add3A_611, %broadcast_in_dim3A_599] : memref<32x128xf32, #tpu.memory_space<vmem>>[vector<16xi32>, vector<16xi32>], vector<16xf32>,
      %gather3A_618 = arith.constant 1 : i32
      %gather3A_619 = arith.constant 0 : i32
      %gather3A_620 = arith.constant 0 : i32
      %gather3A_621 = tpu.memref_slice %arg12[%gather3A_618, %gather3A_619, %gather3A_620] : memref<8x32x128xf32, #tpu.memory_space<vmem>> -> memref<1x32x128xf32, #tpu.memory_space<vmem>>
      %gather3A_622 = tpu.memref_squeeze %gather3A_621 : memref<1x32x128xf32, #tpu.memory_space<vmem>> -> memref<32x128xf32, #tpu.memory_space<vmem>>
      %gather3A_623 = tpu.vector_load_idx %gather3A_622[%iota3A, %broadcast_in_dim3A_602] : memref<32x128xf32, #tpu.memory_space<vmem>>[vector<16xi32>, vector<16xi32>], vector<16xf32>,
      %add3A_624 = arith.constant 16 : i32
      %add3A_625 = vector.broadcast %add3A_624 : i32 to vector<16xi32>
      %add3A_626 = arith.addi %iota3A, %add3A_625 : vector<16xi32>
      %gather3A_627 = arith.constant 1 : i32
      %gather3A_628 = arith.constant 0 : i32
      %gather3A_629 = arith.constant 0 : i32
      %gather3A_630 = tpu.memref_slice %arg12[%gather3A_627, %gather3A_628, %gather3A_629] : memref<8x32x128xf32, #tpu.memory_space<vmem>> -> memref<1x32x128xf32, #tpu.memory_space<vmem>>
      %gather3A_631 = tpu.memref_squeeze %gather3A_630 : memref<1x32x128xf32, #tpu.memory_space<vmem>> -> memref<32x128xf32, #tpu.memory_space<vmem>>
      %gather3A_632 = tpu.vector_load_idx %gather3A_631[%add3A_626, %broadcast_in_dim3A_602] : memref<32x128xf32, #tpu.memory_space<vmem>>[vector<16xi32>, vector<16xi32>], vector<16xf32>,
      %mul3A_633 = arith.mulf %gather3A_608, %gather3A_623 : vector<16xf32>
      %mul3A_634 = arith.mulf %gather3A_617, %gather3A_632 : vector<16xf32>
      %add3A_635 = arith.addf %mul3A_633, %mul3A_634 : vector<16xf32>
      %swap3A_636 = arith.constant 16 : index
      %swap3A_637 = tpu.vector_load %arg15[%swap3A_636] {strides = array<i32>} : memref<256xf32, #tpu.memory_space<vmem>>, vector<16xf32>,
      tpu.vector_store %arg15[%swap3A_636], %add3A_635 {strides = array<i32>} : memref<256xf32, #tpu.memory_space<vmem>>, vector<16xf32>,
      %slice3A_638 = vector.extract_strided_slice %mul3A_436 {offsets = [9], sizes = [1], strides = [1]} : vector<16xi32> to vector<1xi32>
      %squeeze3A_639 = vector.extract %slice3A_638[0] : i32 from vector<1xi32>
      %slice3A_640 = vector.extract_strided_slice %mul3A_445 {offsets = [9], sizes = [1], strides = [1]} : vector<16xi32> to vector<1xi32>
      %squeeze3A_641 = vector.extract %slice3A_640[0] : i32 from vector<1xi32>
      %multiple_of3A_642 = tpu.assume_multiple %squeeze3A_639, 128 : i32
      %dma_start3A_643 = arith.constant 1 : i32
      %dma_start3A_644 = arith.constant 1 : i32
      %dma_start3A_645 = arith.constant 0 : i32
      %dma_start3A_646 = arith.constant 0 : i32
      %dma_start3A_647 = tpu.memref_slice %arg11[%dma_start3A_643, %dma_start3A_645, %dma_start3A_646] : memref<8x32x128xf32, #tpu.memory_space<vmem>> -> memref<1x32x128xf32, #tpu.memory_space<vmem>>
      %dma_start3A_648 = tpu.memref_squeeze %dma_start3A_647 : memref<1x32x128xf32, #tpu.memory_space<vmem>> -> memref<32x128xf32, #tpu.memory_space<vmem>>
      %dma_start3A_649 = arith.constant 0 : i32
      %dma_start3A_650 = tpu.memref_slice %arg4[%dma_start3A_649, %multiple_of3A_642] : memref<32x1000000xf32, #tpu.memory_space<hbm>> -> memref<32x128xf32, #tpu.memory_space<hbm>>
      %dma_start3A_651 = tpu.memref_slice %arg17[%dma_start3A_644] : memref<8x!tpu.dma_semaphore, #tpu.memory_space<semaphore_mem>> -> memref<1x!tpu.dma_semaphore, #tpu.memory_space<semaphore_mem>>
      %dma_start3A_652 = tpu.memref_squeeze %dma_start3A_651 : memref<1x!tpu.dma_semaphore, #tpu.memory_space<semaphore_mem>> -> memref<!tpu.dma_semaphore, #tpu.memory_space<semaphore_mem>>
      %dma_start3A_653 = arith.constant 0 : i32
      %dma_start3A_654 = arith.constant 0 : i32
      %dma_start3A_655 = tpu.memref_slice %arg11[%dma_start3A_643, %dma_start3A_653, %dma_start3A_654] : memref<8x32x128xf32, #tpu.memory_space<vmem>> -> memref<1x32x128xf32, #tpu.memory_space<vmem>>
      %dma_start3A_656 = tpu.memref_squeeze %dma_start3A_655 : memref<1x32x128xf32, #tpu.memory_space<vmem>> -> memref<32x128xf32, #tpu.memory_space<vmem>>
      %dma_start3A_657 = arith.constant 0 : i32
      %dma_start3A_658 = tpu.memref_slice %arg4[%dma_start3A_657, %multiple_of3A_642] : memref<32x1000000xf32, #tpu.memory_space<hbm>> -> memref<32x128xf32, #tpu.memory_space<hbm>>
      tpu.enqueue_dma source(%dma_start3A_658 : memref<32x128xf32, #tpu.memory_space<hbm>>) target(%dma_start3A_656 : memref<32x128xf32, #tpu.memory_space<vmem>>) target_semaphore(%dma_start3A_652 : memref<!tpu.dma_semaphore, #tpu.memory_space<semaphore_mem>>)
      %multiple_of3A_659 = tpu.assume_multiple %squeeze3A_641, 128 : i32
      %dma_start3A_660 = arith.constant 1 : i32
      %dma_start3A_661 = arith.constant 1 : i32
      %dma_start3A_662 = arith.constant 0 : i32
      %dma_start3A_663 = arith.constant 0 : i32
      %dma_start3A_664 = tpu.memref_slice %arg12[%dma_start3A_660, %dma_start3A_662, %dma_start3A_663] : memref<8x32x128xf32, #tpu.memory_space<vmem>> -> memref<1x32x128xf32, #tpu.memory_space<vmem>>
      %dma_start3A_665 = tpu.memref_squeeze %dma_start3A_664 : memref<1x32x128xf32, #tpu.memory_space<vmem>> -> memref<32x128xf32, #tpu.memory_space<vmem>>
      %dma_start3A_666 = arith.constant 0 : i32
      %dma_start3A_667 = tpu.memref_slice %arg5[%dma_start3A_666, %multiple_of3A_659] : memref<32x1000000xf32, #tpu.memory_space<hbm>> -> memref<32x128xf32, #tpu.memory_space<hbm>>
      %dma_start3A_668 = tpu.memref_slice %arg18[%dma_start3A_661] : memref<8x!tpu.dma_semaphore, #tpu.memory_space<semaphore_mem>> -> memref<1x!tpu.dma_semaphore, #tpu.memory_space<semaphore_mem>>
      %dma_start3A_669 = tpu.memref_squeeze %dma_start3A_668 : memref<1x!tpu.dma_semaphore, #tpu.memory_space<semaphore_mem>> -> memref<!tpu.dma_semaphore, #tpu.memory_space<semaphore_mem>>
      %dma_start3A_670 = arith.constant 0 : i32
      %dma_start3A_671 = arith.constant 0 : i32
      %dma_start3A_672 = tpu.memref_slice %arg12[%dma_start3A_660, %dma_start3A_670, %dma_start3A_671] : memref<8x32x128xf32, #tpu.memory_space<vmem>> -> memref<1x32x128xf32, #tpu.memory_space<vmem>>
      %dma_start3A_673 = tpu.memref_squeeze %dma_start3A_672 : memref<1x32x128xf32, #tpu.memory_space<vmem>> -> memref<32x128xf32, #tpu.memory_space<vmem>>
      %dma_start3A_674 = arith.constant 0 : i32
      %dma_start3A_675 = tpu.memref_slice %arg5[%dma_start3A_674, %multiple_of3A_659] : memref<32x1000000xf32, #tpu.memory_space<hbm>> -> memref<32x128xf32, #tpu.memory_space<hbm>>
      tpu.enqueue_dma source(%dma_start3A_675 : memref<32x128xf32, #tpu.memory_space<hbm>>) target(%dma_start3A_673 : memref<32x128xf32, #tpu.memory_space<vmem>>) target_semaphore(%dma_start3A_669 : memref<!tpu.dma_semaphore, #tpu.memory_space<semaphore_mem>>)
      %dma_wait3A_676 = arith.constant 2 : i32
      %dma_wait3A_677 = arith.constant 2 : i32
      %dma_wait3A_678 = arith.constant 0 : i32
      %dma_wait3A_679 = arith.constant 0 : i32
      %dma_wait3A_680 = tpu.memref_slice %arg11[%dma_wait3A_676, %dma_wait3A_678, %dma_wait3A_679] : memref<8x32x128xf32, #tpu.memory_space<vmem>> -> memref<1x32x128xf32, #tpu.memory_space<vmem>>
      %dma_wait3A_681 = tpu.memref_squeeze %dma_wait3A_680 : memref<1x32x128xf32, #tpu.memory_space<vmem>> -> memref<32x128xf32, #tpu.memory_space<vmem>>
      %dma_wait3A_682 = arith.constant 0 : i32
      %dma_wait3A_683 = arith.constant 0 : i32
      %dma_wait3A_684 = tpu.memref_slice %arg4[%dma_wait3A_682, %dma_wait3A_683] : memref<32x1000000xf32, #tpu.memory_space<hbm>> -> memref<32x128xf32, #tpu.memory_space<hbm>>
      %dma_wait3A_685 = tpu.memref_slice %arg17[%dma_wait3A_677] : memref<8x!tpu.dma_semaphore, #tpu.memory_space<semaphore_mem>> -> memref<1x!tpu.dma_semaphore, #tpu.memory_space<semaphore_mem>>
      %dma_wait3A_686 = tpu.memref_squeeze %dma_wait3A_685 : memref<1x!tpu.dma_semaphore, #tpu.memory_space<semaphore_mem>> -> memref<!tpu.dma_semaphore, #tpu.memory_space<semaphore_mem>>
      %dma_wait3A_687 = arith.constant 0 : i32
      %dma_wait3A_688 = arith.constant 0 : i32
      %dma_wait3A_689 = tpu.memref_slice %arg11[%dma_wait3A_676, %dma_wait3A_687, %dma_wait3A_688] : memref<8x32x128xf32, #tpu.memory_space<vmem>> -> memref<1x32x128xf32, #tpu.memory_space<vmem>>
      %dma_wait3A_690 = tpu.memref_squeeze %dma_wait3A_689 : memref<1x32x128xf32, #tpu.memory_space<vmem>> -> memref<32x128xf32, #tpu.memory_space<vmem>>
      %dma_wait3A_691 = arith.constant 0 : i32
      %dma_wait3A_692 = arith.constant 0 : i32
      %dma_wait3A_693 = tpu.memref_slice %arg4[%dma_wait3A_691, %dma_wait3A_692] : memref<32x1000000xf32, #tpu.memory_space<hbm>> -> memref<32x128xf32, #tpu.memory_space<hbm>>
      tpu.wait_dma2 semaphore(%dma_wait3A_686 : memref<!tpu.dma_semaphore, #tpu.memory_space<semaphore_mem>>) src(%dma_wait3A_693 : memref<32x128xf32, #tpu.memory_space<hbm>>) dst(%dma_wait3A_690 : memref<32x128xf32, #tpu.memory_space<vmem>>)
      %dma_wait3A_694 = arith.constant 2 : i32
      %dma_wait3A_695 = arith.constant 2 : i32
      %dma_wait3A_696 = arith.constant 0 : i32
      %dma_wait3A_697 = arith.constant 0 : i32
      %dma_wait3A_698 = tpu.memref_slice %arg12[%dma_wait3A_694, %dma_wait3A_696, %dma_wait3A_697] : memref<8x32x128xf32, #tpu.memory_space<vmem>> -> memref<1x32x128xf32, #tpu.memory_space<vmem>>
      %dma_wait3A_699 = tpu.memref_squeeze %dma_wait3A_698 : memref<1x32x128xf32, #tpu.memory_space<vmem>> -> memref<32x128xf32, #tpu.memory_space<vmem>>
      %dma_wait3A_700 = arith.constant 0 : i32
      %dma_wait3A_701 = arith.constant 0 : i32
      %dma_wait3A_702 = tpu.memref_slice %arg5[%dma_wait3A_700, %dma_wait3A_701] : memref<32x1000000xf32, #tpu.memory_space<hbm>> -> memref<32x128xf32, #tpu.memory_space<hbm>>
      %dma_wait3A_703 = tpu.memref_slice %arg18[%dma_wait3A_695] : memref<8x!tpu.dma_semaphore, #tpu.memory_space<semaphore_mem>> -> memref<1x!tpu.dma_semaphore, #tpu.memory_space<semaphore_mem>>
      %dma_wait3A_704 = tpu.memref_squeeze %dma_wait3A_703 : memref<1x!tpu.dma_semaphore, #tpu.memory_space<semaphore_mem>> -> memref<!tpu.dma_semaphore, #tpu.memory_space<semaphore_mem>>
      %dma_wait3A_705 = arith.constant 0 : i32
      %dma_wait3A_706 = arith.constant 0 : i32
      %dma_wait3A_707 = tpu.memref_slice %arg12[%dma_wait3A_694, %dma_wait3A_705, %dma_wait3A_706] : memref<8x32x128xf32, #tpu.memory_space<vmem>> -> memref<1x32x128xf32, #tpu.memory_space<vmem>>
      %dma_wait3A_708 = tpu.memref_squeeze %dma_wait3A_707 : memref<1x32x128xf32, #tpu.memory_space<vmem>> -> memref<32x128xf32, #tpu.memory_space<vmem>>
      %dma_wait3A_709 = arith.constant 0 : i32
      %dma_wait3A_710 = arith.constant 0 : i32
      %dma_wait3A_711 = tpu.memref_slice %arg5[%dma_wait3A_709, %dma_wait3A_710] : memref<32x1000000xf32, #tpu.memory_space<hbm>> -> memref<32x128xf32, #tpu.memory_space<hbm>>
      tpu.wait_dma2 semaphore(%dma_wait3A_704 : memref<!tpu.dma_semaphore, #tpu.memory_space<semaphore_mem>>) src(%dma_wait3A_711 : memref<32x128xf32, #tpu.memory_space<hbm>>) dst(%dma_wait3A_708 : memref<32x128xf32, #tpu.memory_space<vmem>>)
      %slice3A_712 = vector.extract_strided_slice %and3A_439 {offsets = [2], sizes = [1], strides = [1]} : vector<16xi32> to vector<1xi32>
      %squeeze3A_713 = vector.extract %slice3A_712[0] : i32 from vector<1xi32>
      %broadcast_in_dim3A_714 = vector.broadcast %squeeze3A_713 : i32 to vector<16xi32>
      %slice3A_715 = vector.extract_strided_slice %and3A_448 {offsets = [2], sizes = [1], strides = [1]} : vector<16xi32> to vector<1xi32>
      %squeeze3A_716 = vector.extract %slice3A_715[0] : i32 from vector<1xi32>
      %broadcast_in_dim3A_717 = vector.broadcast %squeeze3A_716 : i32 to vector<16xi32>
      %gather3A_718 = arith.constant 2 : i32
      %gather3A_719 = arith.constant 0 : i32
      %gather3A_720 = arith.constant 0 : i32
      %gather3A_721 = tpu.memref_slice %arg11[%gather3A_718, %gather3A_719, %gather3A_720] : memref<8x32x128xf32, #tpu.memory_space<vmem>> -> memref<1x32x128xf32, #tpu.memory_space<vmem>>
      %gather3A_722 = tpu.memref_squeeze %gather3A_721 : memref<1x32x128xf32, #tpu.memory_space<vmem>> -> memref<32x128xf32, #tpu.memory_space<vmem>>
      %gather3A_723 = tpu.vector_load_idx %gather3A_722[%iota3A, %broadcast_in_dim3A_714] : memref<32x128xf32, #tpu.memory_space<vmem>>[vector<16xi32>, vector<16xi32>], vector<16xf32>,
      %add3A_724 = arith.constant 16 : i32
      %add3A_725 = vector.broadcast %add3A_724 : i32 to vector<16xi32>
      %add3A_726 = arith.addi %iota3A, %add3A_725 : vector<16xi32>
      %gather3A_727 = arith.constant 2 : i32
      %gather3A_728 = arith.constant 0 : i32
      %gather3A_729 = arith.constant 0 : i32
      %gather3A_730 = tpu.memref_slice %arg11[%gather3A_727, %gather3A_728, %gather3A_729] : memref<8x32x128xf32, #tpu.memory_space<vmem>> -> memref<1x32x128xf32, #tpu.memory_space<vmem>>
      %gather3A_731 = tpu.memref_squeeze %gather3A_730 : memref<1x32x128xf32, #tpu.memory_space<vmem>> -> memref<32x128xf32, #tpu.memory_space<vmem>>
      %gather3A_732 = tpu.vector_load_idx %gather3A_731[%add3A_726, %broadcast_in_dim3A_714] : memref<32x128xf32, #tpu.memory_space<vmem>>[vector<16xi32>, vector<16xi32>], vector<16xf32>,
      %gather3A_733 = arith.constant 2 : i32
      %gather3A_734 = arith.constant 0 : i32
      %gather3A_735 = arith.constant 0 : i32
      %gather3A_736 = tpu.memref_slice %arg12[%gather3A_733, %gather3A_734, %gather3A_735] : memref<8x32x128xf32, #tpu.memory_space<vmem>> -> memref<1x32x128xf32, #tpu.memory_space<vmem>>
      %gather3A_737 = tpu.memref_squeeze %gather3A_736 : memref<1x32x128xf32, #tpu.memory_space<vmem>> -> memref<32x128xf32, #tpu.memory_space<vmem>>
      %gather3A_738 = tpu.vector_load_idx %gather3A_737[%iota3A, %broadcast_in_dim3A_717] : memref<32x128xf32, #tpu.memory_space<vmem>>[vector<16xi32>, vector<16xi32>], vector<16xf32>,
      %add3A_739 = arith.constant 16 : i32
      %add3A_740 = vector.broadcast %add3A_739 : i32 to vector<16xi32>
      %add3A_741 = arith.addi %iota3A, %add3A_740 : vector<16xi32>
      %gather3A_742 = arith.constant 2 : i32
      %gather3A_743 = arith.constant 0 : i32
      %gather3A_744 = arith.constant 0 : i32
      %gather3A_745 = tpu.memref_slice %arg12[%gather3A_742, %gather3A_743, %gather3A_744] : memref<8x32x128xf32, #tpu.memory_space<vmem>> -> memref<1x32x128xf32, #tpu.memory_space<vmem>>
      %gather3A_746 = tpu.memref_squeeze %gather3A_745 : memref<1x32x128xf32, #tpu.memory_space<vmem>> -> memref<32x128xf32, #tpu.memory_space<vmem>>
      %gather3A_747 = tpu.vector_load_idx %gather3A_746[%add3A_741, %broadcast_in_dim3A_717] : memref<32x128xf32, #tpu.memory_space<vmem>>[vector<16xi32>, vector<16xi32>], vector<16xf32>,
      %mul3A_748 = arith.mulf %gather3A_723, %gather3A_738 : vector<16xf32>
      %mul3A_749 = arith.mulf %gather3A_732, %gather3A_747 : vector<16xf32>
      %add3A_750 = arith.addf %mul3A_748, %mul3A_749 : vector<16xf32>
      %swap3A_751 = arith.constant 32 : index
      %swap3A_752 = tpu.vector_load %arg15[%swap3A_751] {strides = array<i32>} : memref<256xf32, #tpu.memory_space<vmem>>, vector<16xf32>,
      tpu.vector_store %arg15[%swap3A_751], %add3A_750 {strides = array<i32>} : memref<256xf32, #tpu.memory_space<vmem>>, vector<16xf32>,
      %slice3A_753 = vector.extract_strided_slice %mul3A_436 {offsets = [10], sizes = [1], strides = [1]} : vector<16xi32> to vector<1xi32>
      %squeeze3A_754 = vector.extract %slice3A_753[0] : i32 from vector<1xi32>
      %slice3A_755 = vector.extract_strided_slice %mul3A_445 {offsets = [10], sizes = [1], strides = [1]} : vector<16xi32> to vector<1xi32>
      %squeeze3A_756 = vector.extract %slice3A_755[0] : i32 from vector<1xi32>
      %multiple_of3A_757 = tpu.assume_multiple %squeeze3A_754, 128 : i32
      %dma_start3A_758 = arith.constant 2 : i32
      %dma_start3A_759 = arith.constant 2 : i32
      %dma_start3A_760 = arith.constant 0 : i32
      %dma_start3A_761 = arith.constant 0 : i32
      %dma_start3A_762 = tpu.memref_slice %arg11[%dma_start3A_758, %dma_start3A_760, %dma_start3A_761] : memref<8x32x128xf32, #tpu.memory_space<vmem>> -> memref<1x32x128xf32, #tpu.memory_space<vmem>>
      %dma_start3A_763 = tpu.memref_squeeze %dma_start3A_762 : memref<1x32x128xf32, #tpu.memory_space<vmem>> -> memref<32x128xf32, #tpu.memory_space<vmem>>
      %dma_start3A_764 = arith.constant 0 : i32
      %dma_start3A_765 = tpu.memref_slice %arg4[%dma_start3A_764, %multiple_of3A_757] : memref<32x1000000xf32, #tpu.memory_space<hbm>> -> memref<32x128xf32, #tpu.memory_space<hbm>>
      %dma_start3A_766 = tpu.memref_slice %arg17[%dma_start3A_759] : memref<8x!tpu.dma_semaphore, #tpu.memory_space<semaphore_mem>> -> memref<1x!tpu.dma_semaphore, #tpu.memory_space<semaphore_mem>>
      %dma_start3A_767 = tpu.memref_squeeze %dma_start3A_766 : memref<1x!tpu.dma_semaphore, #tpu.memory_space<semaphore_mem>> -> memref<!tpu.dma_semaphore, #tpu.memory_space<semaphore_mem>>
      %dma_start3A_768 = arith.constant 0 : i32
      %dma_start3A_769 = arith.constant 0 : i32
      %dma_start3A_770 = tpu.memref_slice %arg11[%dma_start3A_758, %dma_start3A_768, %dma_start3A_769] : memref<8x32x128xf32, #tpu.memory_space<vmem>> -> memref<1x32x128xf32, #tpu.memory_space<vmem>>
      %dma_start3A_771 = tpu.memref_squeeze %dma_start3A_770 : memref<1x32x128xf32, #tpu.memory_space<vmem>> -> memref<32x128xf32, #tpu.memory_space<vmem>>
      %dma_start3A_772 = arith.constant 0 : i32
      %dma_start3A_773 = tpu.memref_slice %arg4[%dma_start3A_772, %multiple_of3A_757] : memref<32x1000000xf32, #tpu.memory_space<hbm>> -> memref<32x128xf32, #tpu.memory_space<hbm>>
      tpu.enqueue_dma source(%dma_start3A_773 : memref<32x128xf32, #tpu.memory_space<hbm>>) target(%dma_start3A_771 : memref<32x128xf32, #tpu.memory_space<vmem>>) target_semaphore(%dma_start3A_767 : memref<!tpu.dma_semaphore, #tpu.memory_space<semaphore_mem>>)
      %multiple_of3A_774 = tpu.assume_multiple %squeeze3A_756, 128 : i32
      %dma_start3A_775 = arith.constant 2 : i32
      %dma_start3A_776 = arith.constant 2 : i32
      %dma_start3A_777 = arith.constant 0 : i32
      %dma_start3A_778 = arith.constant 0 : i32
      %dma_start3A_779 = tpu.memref_slice %arg12[%dma_start3A_775, %dma_start3A_777, %dma_start3A_778] : memref<8x32x128xf32, #tpu.memory_space<vmem>> -> memref<1x32x128xf32, #tpu.memory_space<vmem>>
      %dma_start3A_780 = tpu.memref_squeeze %dma_start3A_779 : memref<1x32x128xf32, #tpu.memory_space<vmem>> -> memref<32x128xf32, #tpu.memory_space<vmem>>
      %dma_start3A_781 = arith.constant 0 : i32
      %dma_start3A_782 = tpu.memref_slice %arg5[%dma_start3A_781, %multiple_of3A_774] : memref<32x1000000xf32, #tpu.memory_space<hbm>> -> memref<32x128xf32, #tpu.memory_space<hbm>>
      %dma_start3A_783 = tpu.memref_slice %arg18[%dma_start3A_776] : memref<8x!tpu.dma_semaphore, #tpu.memory_space<semaphore_mem>> -> memref<1x!tpu.dma_semaphore, #tpu.memory_space<semaphore_mem>>
      %dma_start3A_784 = tpu.memref_squeeze %dma_start3A_783 : memref<1x!tpu.dma_semaphore, #tpu.memory_space<semaphore_mem>> -> memref<!tpu.dma_semaphore, #tpu.memory_space<semaphore_mem>>
      %dma_start3A_785 = arith.constant 0 : i32
      %dma_start3A_786 = arith.constant 0 : i32
      %dma_start3A_787 = tpu.memref_slice %arg12[%dma_start3A_775, %dma_start3A_785, %dma_start3A_786] : memref<8x32x128xf32, #tpu.memory_space<vmem>> -> memref<1x32x128xf32, #tpu.memory_space<vmem>>
      %dma_start3A_788 = tpu.memref_squeeze %dma_start3A_787 : memref<1x32x128xf32, #tpu.memory_space<vmem>> -> memref<32x128xf32, #tpu.memory_space<vmem>>
      %dma_start3A_789 = arith.constant 0 : i32
      %dma_start3A_790 = tpu.memref_slice %arg5[%dma_start3A_789, %multiple_of3A_774] : memref<32x1000000xf32, #tpu.memory_space<hbm>> -> memref<32x128xf32, #tpu.memory_space<hbm>>
      tpu.enqueue_dma source(%dma_start3A_790 : memref<32x128xf32, #tpu.memory_space<hbm>>) target(%dma_start3A_788 : memref<32x128xf32, #tpu.memory_space<vmem>>) target_semaphore(%dma_start3A_784 : memref<!tpu.dma_semaphore, #tpu.memory_space<semaphore_mem>>)
      %dma_wait3A_791 = arith.constant 3 : i32
      %dma_wait3A_792 = arith.constant 3 : i32
      %dma_wait3A_793 = arith.constant 0 : i32
      %dma_wait3A_794 = arith.constant 0 : i32
      %dma_wait3A_795 = tpu.memref_slice %arg11[%dma_wait3A_791, %dma_wait3A_793, %dma_wait3A_794] : memref<8x32x128xf32, #tpu.memory_space<vmem>> -> memref<1x32x128xf32, #tpu.memory_space<vmem>>
      %dma_wait3A_796 = tpu.memref_squeeze %dma_wait3A_795 : memref<1x32x128xf32, #tpu.memory_space<vmem>> -> memref<32x128xf32, #tpu.memory_space<vmem>>
      %dma_wait3A_797 = arith.constant 0 : i32
      %dma_wait3A_798 = arith.constant 0 : i32
      %dma_wait3A_799 = tpu.memref_slice %arg4[%dma_wait3A_797, %dma_wait3A_798] : memref<32x1000000xf32, #tpu.memory_space<hbm>> -> memref<32x128xf32, #tpu.memory_space<hbm>>
      %dma_wait3A_800 = tpu.memref_slice %arg17[%dma_wait3A_792] : memref<8x!tpu.dma_semaphore, #tpu.memory_space<semaphore_mem>> -> memref<1x!tpu.dma_semaphore, #tpu.memory_space<semaphore_mem>>
      %dma_wait3A_801 = tpu.memref_squeeze %dma_wait3A_800 : memref<1x!tpu.dma_semaphore, #tpu.memory_space<semaphore_mem>> -> memref<!tpu.dma_semaphore, #tpu.memory_space<semaphore_mem>>
      %dma_wait3A_802 = arith.constant 0 : i32
      %dma_wait3A_803 = arith.constant 0 : i32
      %dma_wait3A_804 = tpu.memref_slice %arg11[%dma_wait3A_791, %dma_wait3A_802, %dma_wait3A_803] : memref<8x32x128xf32, #tpu.memory_space<vmem>> -> memref<1x32x128xf32, #tpu.memory_space<vmem>>
      %dma_wait3A_805 = tpu.memref_squeeze %dma_wait3A_804 : memref<1x32x128xf32, #tpu.memory_space<vmem>> -> memref<32x128xf32, #tpu.memory_space<vmem>>
      %dma_wait3A_806 = arith.constant 0 : i32
      %dma_wait3A_807 = arith.constant 0 : i32
      %dma_wait3A_808 = tpu.memref_slice %arg4[%dma_wait3A_806, %dma_wait3A_807] : memref<32x1000000xf32, #tpu.memory_space<hbm>> -> memref<32x128xf32, #tpu.memory_space<hbm>>
      tpu.wait_dma2 semaphore(%dma_wait3A_801 : memref<!tpu.dma_semaphore, #tpu.memory_space<semaphore_mem>>) src(%dma_wait3A_808 : memref<32x128xf32, #tpu.memory_space<hbm>>) dst(%dma_wait3A_805 : memref<32x128xf32, #tpu.memory_space<vmem>>)
      %dma_wait3A_809 = arith.constant 3 : i32
      %dma_wait3A_810 = arith.constant 3 : i32
      %dma_wait3A_811 = arith.constant 0 : i32
      %dma_wait3A_812 = arith.constant 0 : i32
      %dma_wait3A_813 = tpu.memref_slice %arg12[%dma_wait3A_809, %dma_wait3A_811, %dma_wait3A_812] : memref<8x32x128xf32, #tpu.memory_space<vmem>> -> memref<1x32x128xf32, #tpu.memory_space<vmem>>
      %dma_wait3A_814 = tpu.memref_squeeze %dma_wait3A_813 : memref<1x32x128xf32, #tpu.memory_space<vmem>> -> memref<32x128xf32, #tpu.memory_space<vmem>>
      %dma_wait3A_815 = arith.constant 0 : i32
      %dma_wait3A_816 = arith.constant 0 : i32
      %dma_wait3A_817 = tpu.memref_slice %arg5[%dma_wait3A_815, %dma_wait3A_816] : memref<32x1000000xf32, #tpu.memory_space<hbm>> -> memref<32x128xf32, #tpu.memory_space<hbm>>
      %dma_wait3A_818 = tpu.memref_slice %arg18[%dma_wait3A_810] : memref<8x!tpu.dma_semaphore, #tpu.memory_space<semaphore_mem>> -> memref<1x!tpu.dma_semaphore, #tpu.memory_space<semaphore_mem>>
      %dma_wait3A_819 = tpu.memref_squeeze %dma_wait3A_818 : memref<1x!tpu.dma_semaphore, #tpu.memory_space<semaphore_mem>> -> memref<!tpu.dma_semaphore, #tpu.memory_space<semaphore_mem>>
      %dma_wait3A_820 = arith.constant 0 : i32
      %dma_wait3A_821 = arith.constant 0 : i32
      %dma_wait3A_822 = tpu.memref_slice %arg12[%dma_wait3A_809, %dma_wait3A_820, %dma_wait3A_821] : memref<8x32x128xf32, #tpu.memory_space<vmem>> -> memref<1x32x128xf32, #tpu.memory_space<vmem>>
      %dma_wait3A_823 = tpu.memref_squeeze %dma_wait3A_822 : memref<1x32x128xf32, #tpu.memory_space<vmem>> -> memref<32x128xf32, #tpu.memory_space<vmem>>
      %dma_wait3A_824 = arith.constant 0 : i32
      %dma_wait3A_825 = arith.constant 0 : i32
      %dma_wait3A_826 = tpu.memref_slice %arg5[%dma_wait3A_824, %dma_wait3A_825] : memref<32x1000000xf32, #tpu.memory_space<hbm>> -> memref<32x128xf32, #tpu.memory_space<hbm>>
      tpu.wait_dma2 semaphore(%dma_wait3A_819 : memref<!tpu.dma_semaphore, #tpu.memory_space<semaphore_mem>>) src(%dma_wait3A_826 : memref<32x128xf32, #tpu.memory_space<hbm>>) dst(%dma_wait3A_823 : memref<32x128xf32, #tpu.memory_space<vmem>>)
      %slice3A_827 = vector.extract_strided_slice %and3A_439 {offsets = [3], sizes = [1], strides = [1]} : vector<16xi32> to vector<1xi32>
      %squeeze3A_828 = vector.extract %slice3A_827[0] : i32 from vector<1xi32>
      %broadcast_in_dim3A_829 = vector.broadcast %squeeze3A_828 : i32 to vector<16xi32>
      %slice3A_830 = vector.extract_strided_slice %and3A_448 {offsets = [3], sizes = [1], strides = [1]} : vector<16xi32> to vector<1xi32>
      %squeeze3A_831 = vector.extract %slice3A_830[0] : i32 from vector<1xi32>
      %broadcast_in_dim3A_832 = vector.broadcast %squeeze3A_831 : i32 to vector<16xi32>
      %gather3A_833 = arith.constant 3 : i32
      %gather3A_834 = arith.constant 0 : i32
      %gather3A_835 = arith.constant 0 : i32
      %gather3A_836 = tpu.memref_slice %arg11[%gather3A_833, %gather3A_834, %gather3A_835] : memref<8x32x128xf32, #tpu.memory_space<vmem>> -> memref<1x32x128xf32, #tpu.memory_space<vmem>>
      %gather3A_837 = tpu.memref_squeeze %gather3A_836 : memref<1x32x128xf32, #tpu.memory_space<vmem>> -> memref<32x128xf32, #tpu.memory_space<vmem>>
      %gather3A_838 = tpu.vector_load_idx %gather3A_837[%iota3A, %broadcast_in_dim3A_829] : memref<32x128xf32, #tpu.memory_space<vmem>>[vector<16xi32>, vector<16xi32>], vector<16xf32>,
      %add3A_839 = arith.constant 16 : i32
      %add3A_840 = vector.broadcast %add3A_839 : i32 to vector<16xi32>
      %add3A_841 = arith.addi %iota3A, %add3A_840 : vector<16xi32>
      %gather3A_842 = arith.constant 3 : i32
      %gather3A_843 = arith.constant 0 : i32
      %gather3A_844 = arith.constant 0 : i32
      %gather3A_845 = tpu.memref_slice %arg11[%gather3A_842, %gather3A_843, %gather3A_844] : memref<8x32x128xf32, #tpu.memory_space<vmem>> -> memref<1x32x128xf32, #tpu.memory_space<vmem>>
      %gather3A_846 = tpu.memref_squeeze %gather3A_845 : memref<1x32x128xf32, #tpu.memory_space<vmem>> -> memref<32x128xf32, #tpu.memory_space<vmem>>
      %gather3A_847 = tpu.vector_load_idx %gather3A_846[%add3A_841, %broadcast_in_dim3A_829] : memref<32x128xf32, #tpu.memory_space<vmem>>[vector<16xi32>, vector<16xi32>], vector<16xf32>,
      %gather3A_848 = arith.constant 3 : i32
      %gather3A_849 = arith.constant 0 : i32
      %gather3A_850 = arith.constant 0 : i32
      %gather3A_851 = tpu.memref_slice %arg12[%gather3A_848, %gather3A_849, %gather3A_850] : memref<8x32x128xf32, #tpu.memory_space<vmem>> -> memref<1x32x128xf32, #tpu.memory_space<vmem>>
      %gather3A_852 = tpu.memref_squeeze %gather3A_851 : memref<1x32x128xf32, #tpu.memory_space<vmem>> -> memref<32x128xf32, #tpu.memory_space<vmem>>
      %gather3A_853 = tpu.vector_load_idx %gather3A_852[%iota3A, %broadcast_in_dim3A_832] : memref<32x128xf32, #tpu.memory_space<vmem>>[vector<16xi32>, vector<16xi32>], vector<16xf32>,
      %add3A_854 = arith.constant 16 : i32
      %add3A_855 = vector.broadcast %add3A_854 : i32 to vector<16xi32>
      %add3A_856 = arith.addi %iota3A, %add3A_855 : vector<16xi32>
      %gather3A_857 = arith.constant 3 : i32
      %gather3A_858 = arith.constant 0 : i32
      %gather3A_859 = arith.constant 0 : i32
      %gather3A_860 = tpu.memref_slice %arg12[%gather3A_857, %gather3A_858, %gather3A_859] : memref<8x32x128xf32, #tpu.memory_space<vmem>> -> memref<1x32x128xf32, #tpu.memory_space<vmem>>
      %gather3A_861 = tpu.memref_squeeze %gather3A_860 : memref<1x32x128xf32, #tpu.memory_space<vmem>> -> memref<32x128xf32, #tpu.memory_space<vmem>>
      %gather3A_862 = tpu.vector_load_idx %gather3A_861[%add3A_856, %broadcast_in_dim3A_832] : memref<32x128xf32, #tpu.memory_space<vmem>>[vector<16xi32>, vector<16xi32>], vector<16xf32>,
      %mul3A_863 = arith.mulf %gather3A_838, %gather3A_853 : vector<16xf32>
      %mul3A_864 = arith.mulf %gather3A_847, %gather3A_862 : vector<16xf32>
      %add3A_865 = arith.addf %mul3A_863, %mul3A_864 : vector<16xf32>
      %swap3A_866 = arith.constant 48 : index
      %swap3A_867 = tpu.vector_load %arg15[%swap3A_866] {strides = array<i32>} : memref<256xf32, #tpu.memory_space<vmem>>, vector<16xf32>,
      tpu.vector_store %arg15[%swap3A_866], %add3A_865 {strides = array<i32>} : memref<256xf32, #tpu.memory_space<vmem>>, vector<16xf32>,
      %slice3A_868 = vector.extract_strided_slice %mul3A_436 {offsets = [11], sizes = [1], strides = [1]} : vector<16xi32> to vector<1xi32>
      %squeeze3A_869 = vector.extract %slice3A_868[0] : i32 from vector<1xi32>
      %slice3A_870 = vector.extract_strided_slice %mul3A_445 {offsets = [11], sizes = [1], strides = [1]} : vector<16xi32> to vector<1xi32>
      %squeeze3A_871 = vector.extract %slice3A_870[0] : i32 from vector<1xi32>
      %multiple_of3A_872 = tpu.assume_multiple %squeeze3A_869, 128 : i32
      %dma_start3A_873 = arith.constant 3 : i32
      %dma_start3A_874 = arith.constant 3 : i32
      %dma_start3A_875 = arith.constant 0 : i32
      %dma_start3A_876 = arith.constant 0 : i32
      %dma_start3A_877 = tpu.memref_slice %arg11[%dma_start3A_873, %dma_start3A_875, %dma_start3A_876] : memref<8x32x128xf32, #tpu.memory_space<vmem>> -> memref<1x32x128xf32, #tpu.memory_space<vmem>>
      %dma_start3A_878 = tpu.memref_squeeze %dma_start3A_877 : memref<1x32x128xf32, #tpu.memory_space<vmem>> -> memref<32x128xf32, #tpu.memory_space<vmem>>
      %dma_start3A_879 = arith.constant 0 : i32
      %dma_start3A_880 = tpu.memref_slice %arg4[%dma_start3A_879, %multiple_of3A_872] : memref<32x1000000xf32, #tpu.memory_space<hbm>> -> memref<32x128xf32, #tpu.memory_space<hbm>>
      %dma_start3A_881 = tpu.memref_slice %arg17[%dma_start3A_874] : memref<8x!tpu.dma_semaphore, #tpu.memory_space<semaphore_mem>> -> memref<1x!tpu.dma_semaphore, #tpu.memory_space<semaphore_mem>>
      %dma_start3A_882 = tpu.memref_squeeze %dma_start3A_881 : memref<1x!tpu.dma_semaphore, #tpu.memory_space<semaphore_mem>> -> memref<!tpu.dma_semaphore, #tpu.memory_space<semaphore_mem>>
      %dma_start3A_883 = arith.constant 0 : i32
      %dma_start3A_884 = arith.constant 0 : i32
      %dma_start3A_885 = tpu.memref_slice %arg11[%dma_start3A_873, %dma_start3A_883, %dma_start3A_884] : memref<8x32x128xf32, #tpu.memory_space<vmem>> -> memref<1x32x128xf32, #tpu.memory_space<vmem>>
      %dma_start3A_886 = tpu.memref_squeeze %dma_start3A_885 : memref<1x32x128xf32, #tpu.memory_space<vmem>> -> memref<32x128xf32, #tpu.memory_space<vmem>>
      %dma_start3A_887 = arith.constant 0 : i32
      %dma_start3A_888 = tpu.memref_slice %arg4[%dma_start3A_887, %multiple_of3A_872] : memref<32x1000000xf32, #tpu.memory_space<hbm>> -> memref<32x128xf32, #tpu.memory_space<hbm>>
      tpu.enqueue_dma source(%dma_start3A_888 : memref<32x128xf32, #tpu.memory_space<hbm>>) target(%dma_start3A_886 : memref<32x128xf32, #tpu.memory_space<vmem>>) target_semaphore(%dma_start3A_882 : memref<!tpu.dma_semaphore, #tpu.memory_space<semaphore_mem>>)
      %multiple_of3A_889 = tpu.assume_multiple %squeeze3A_871, 128 : i32
      %dma_start3A_890 = arith.constant 3 : i32
      %dma_start3A_891 = arith.constant 3 : i32
      %dma_start3A_892 = arith.constant 0 : i32
      %dma_start3A_893 = arith.constant 0 : i32
      %dma_start3A_894 = tpu.memref_slice %arg12[%dma_start3A_890, %dma_start3A_892, %dma_start3A_893] : memref<8x32x128xf32, #tpu.memory_space<vmem>> -> memref<1x32x128xf32, #tpu.memory_space<vmem>>
      %dma_start3A_895 = tpu.memref_squeeze %dma_start3A_894 : memref<1x32x128xf32, #tpu.memory_space<vmem>> -> memref<32x128xf32, #tpu.memory_space<vmem>>
      %dma_start3A_896 = arith.constant 0 : i32
      %dma_start3A_897 = tpu.memref_slice %arg5[%dma_start3A_896, %multiple_of3A_889] : memref<32x1000000xf32, #tpu.memory_space<hbm>> -> memref<32x128xf32, #tpu.memory_space<hbm>>
      %dma_start3A_898 = tpu.memref_slice %arg18[%dma_start3A_891] : memref<8x!tpu.dma_semaphore, #tpu.memory_space<semaphore_mem>> -> memref<1x!tpu.dma_semaphore, #tpu.memory_space<semaphore_mem>>
      %dma_start3A_899 = tpu.memref_squeeze %dma_start3A_898 : memref<1x!tpu.dma_semaphore, #tpu.memory_space<semaphore_mem>> -> memref<!tpu.dma_semaphore, #tpu.memory_space<semaphore_mem>>
      %dma_start3A_900 = arith.constant 0 : i32
      %dma_start3A_901 = arith.constant 0 : i32
      %dma_start3A_902 = tpu.memref_slice %arg12[%dma_start3A_890, %dma_start3A_900, %dma_start3A_901] : memref<8x32x128xf32, #tpu.memory_space<vmem>> -> memref<1x32x128xf32, #tpu.memory_space<vmem>>
      %dma_start3A_903 = tpu.memref_squeeze %dma_start3A_902 : memref<1x32x128xf32, #tpu.memory_space<vmem>> -> memref<32x128xf32, #tpu.memory_space<vmem>>
      %dma_start3A_904 = arith.constant 0 : i32
      %dma_start3A_905 = tpu.memref_slice %arg5[%dma_start3A_904, %multiple_of3A_889] : memref<32x1000000xf32, #tpu.memory_space<hbm>> -> memref<32x128xf32, #tpu.memory_space<hbm>>
      tpu.enqueue_dma source(%dma_start3A_905 : memref<32x128xf32, #tpu.memory_space<hbm>>) target(%dma_start3A_903 : memref<32x128xf32, #tpu.memory_space<vmem>>) target_semaphore(%dma_start3A_899 : memref<!tpu.dma_semaphore, #tpu.memory_space<semaphore_mem>>)
      %dma_wait3A_906 = arith.constant 4 : i32
      %dma_wait3A_907 = arith.constant 4 : i32
      %dma_wait3A_908 = arith.constant 0 : i32
      %dma_wait3A_909 = arith.constant 0 : i32
      %dma_wait3A_910 = tpu.memref_slice %arg11[%dma_wait3A_906, %dma_wait3A_908, %dma_wait3A_909] : memref<8x32x128xf32, #tpu.memory_space<vmem>> -> memref<1x32x128xf32, #tpu.memory_space<vmem>>
      %dma_wait3A_911 = tpu.memref_squeeze %dma_wait3A_910 : memref<1x32x128xf32, #tpu.memory_space<vmem>> -> memref<32x128xf32, #tpu.memory_space<vmem>>
      %dma_wait3A_912 = arith.constant 0 : i32
      %dma_wait3A_913 = arith.constant 0 : i32
      %dma_wait3A_914 = tpu.memref_slice %arg4[%dma_wait3A_912, %dma_wait3A_913] : memref<32x1000000xf32, #tpu.memory_space<hbm>> -> memref<32x128xf32, #tpu.memory_space<hbm>>
      %dma_wait3A_915 = tpu.memref_slice %arg17[%dma_wait3A_907] : memref<8x!tpu.dma_semaphore, #tpu.memory_space<semaphore_mem>> -> memref<1x!tpu.dma_semaphore, #tpu.memory_space<semaphore_mem>>
      %dma_wait3A_916 = tpu.memref_squeeze %dma_wait3A_915 : memref<1x!tpu.dma_semaphore, #tpu.memory_space<semaphore_mem>> -> memref<!tpu.dma_semaphore, #tpu.memory_space<semaphore_mem>>
      %dma_wait3A_917 = arith.constant 0 : i32
      %dma_wait3A_918 = arith.constant 0 : i32
      %dma_wait3A_919 = tpu.memref_slice %arg11[%dma_wait3A_906, %dma_wait3A_917, %dma_wait3A_918] : memref<8x32x128xf32, #tpu.memory_space<vmem>> -> memref<1x32x128xf32, #tpu.memory_space<vmem>>
      %dma_wait3A_920 = tpu.memref_squeeze %dma_wait3A_919 : memref<1x32x128xf32, #tpu.memory_space<vmem>> -> memref<32x128xf32, #tpu.memory_space<vmem>>
      %dma_wait3A_921 = arith.constant 0 : i32
      %dma_wait3A_922 = arith.constant 0 : i32
      %dma_wait3A_923 = tpu.memref_slice %arg4[%dma_wait3A_921, %dma_wait3A_922] : memref<32x1000000xf32, #tpu.memory_space<hbm>> -> memref<32x128xf32, #tpu.memory_space<hbm>>
      tpu.wait_dma2 semaphore(%dma_wait3A_916 : memref<!tpu.dma_semaphore, #tpu.memory_space<semaphore_mem>>) src(%dma_wait3A_923 : memref<32x128xf32, #tpu.memory_space<hbm>>) dst(%dma_wait3A_920 : memref<32x128xf32, #tpu.memory_space<vmem>>)
      %dma_wait3A_924 = arith.constant 4 : i32
      %dma_wait3A_925 = arith.constant 4 : i32
      %dma_wait3A_926 = arith.constant 0 : i32
      %dma_wait3A_927 = arith.constant 0 : i32
      %dma_wait3A_928 = tpu.memref_slice %arg12[%dma_wait3A_924, %dma_wait3A_926, %dma_wait3A_927] : memref<8x32x128xf32, #tpu.memory_space<vmem>> -> memref<1x32x128xf32, #tpu.memory_space<vmem>>
      %dma_wait3A_929 = tpu.memref_squeeze %dma_wait3A_928 : memref<1x32x128xf32, #tpu.memory_space<vmem>> -> memref<32x128xf32, #tpu.memory_space<vmem>>
      %dma_wait3A_930 = arith.constant 0 : i32
      %dma_wait3A_931 = arith.constant 0 : i32
      %dma_wait3A_932 = tpu.memref_slice %arg5[%dma_wait3A_930, %dma_wait3A_931] : memref<32x1000000xf32, #tpu.memory_space<hbm>> -> memref<32x128xf32, #tpu.memory_space<hbm>>
      %dma_wait3A_933 = tpu.memref_slice %arg18[%dma_wait3A_925] : memref<8x!tpu.dma_semaphore, #tpu.memory_space<semaphore_mem>> -> memref<1x!tpu.dma_semaphore, #tpu.memory_space<semaphore_mem>>
      %dma_wait3A_934 = tpu.memref_squeeze %dma_wait3A_933 : memref<1x!tpu.dma_semaphore, #tpu.memory_space<semaphore_mem>> -> memref<!tpu.dma_semaphore, #tpu.memory_space<semaphore_mem>>
      %dma_wait3A_935 = arith.constant 0 : i32
      %dma_wait3A_936 = arith.constant 0 : i32
      %dma_wait3A_937 = tpu.memref_slice %arg12[%dma_wait3A_924, %dma_wait3A_935, %dma_wait3A_936] : memref<8x32x128xf32, #tpu.memory_space<vmem>> -> memref<1x32x128xf32, #tpu.memory_space<vmem>>
      %dma_wait3A_938 = tpu.memref_squeeze %dma_wait3A_937 : memref<1x32x128xf32, #tpu.memory_space<vmem>> -> memref<32x128xf32, #tpu.memory_space<vmem>>
      %dma_wait3A_939 = arith.constant 0 : i32
      %dma_wait3A_940 = arith.constant 0 : i32
      %dma_wait3A_941 = tpu.memref_slice %arg5[%dma_wait3A_939, %dma_wait3A_940] : memref<32x1000000xf32, #tpu.memory_space<hbm>> -> memref<32x128xf32, #tpu.memory_space<hbm>>
      tpu.wait_dma2 semaphore(%dma_wait3A_934 : memref<!tpu.dma_semaphore, #tpu.memory_space<semaphore_mem>>) src(%dma_wait3A_941 : memref<32x128xf32, #tpu.memory_space<hbm>>) dst(%dma_wait3A_938 : memref<32x128xf32, #tpu.memory_space<vmem>>)
      %slice3A_942 = vector.extract_strided_slice %and3A_439 {offsets = [4], sizes = [1], strides = [1]} : vector<16xi32> to vector<1xi32>
      %squeeze3A_943 = vector.extract %slice3A_942[0] : i32 from vector<1xi32>
      %broadcast_in_dim3A_944 = vector.broadcast %squeeze3A_943 : i32 to vector<16xi32>
      %slice3A_945 = vector.extract_strided_slice %and3A_448 {offsets = [4], sizes = [1], strides = [1]} : vector<16xi32> to vector<1xi32>
      %squeeze3A_946 = vector.extract %slice3A_945[0] : i32 from vector<1xi32>
      %broadcast_in_dim3A_947 = vector.broadcast %squeeze3A_946 : i32 to vector<16xi32>
      %gather3A_948 = arith.constant 4 : i32
      %gather3A_949 = arith.constant 0 : i32
      %gather3A_950 = arith.constant 0 : i32
      %gather3A_951 = tpu.memref_slice %arg11[%gather3A_948, %gather3A_949, %gather3A_950] : memref<8x32x128xf32, #tpu.memory_space<vmem>> -> memref<1x32x128xf32, #tpu.memory_space<vmem>>
      %gather3A_952 = tpu.memref_squeeze %gather3A_951 : memref<1x32x128xf32, #tpu.memory_space<vmem>> -> memref<32x128xf32, #tpu.memory_space<vmem>>
      %gather3A_953 = tpu.vector_load_idx %gather3A_952[%iota3A, %broadcast_in_dim3A_944] : memref<32x128xf32, #tpu.memory_space<vmem>>[vector<16xi32>, vector<16xi32>], vector<16xf32>,
      %add3A_954 = arith.constant 16 : i32
      %add3A_955 = vector.broadcast %add3A_954 : i32 to vector<16xi32>
      %add3A_956 = arith.addi %iota3A, %add3A_955 : vector<16xi32>
      %gather3A_957 = arith.constant 4 : i32
      %gather3A_958 = arith.constant 0 : i32
      %gather3A_959 = arith.constant 0 : i32
      %gather3A_960 = tpu.memref_slice %arg11[%gather3A_957, %gather3A_958, %gather3A_959] : memref<8x32x128xf32, #tpu.memory_space<vmem>> -> memref<1x32x128xf32, #tpu.memory_space<vmem>>
      %gather3A_961 = tpu.memref_squeeze %gather3A_960 : memref<1x32x128xf32, #tpu.memory_space<vmem>> -> memref<32x128xf32, #tpu.memory_space<vmem>>
      %gather3A_962 = tpu.vector_load_idx %gather3A_961[%add3A_956, %broadcast_in_dim3A_944] : memref<32x128xf32, #tpu.memory_space<vmem>>[vector<16xi32>, vector<16xi32>], vector<16xf32>,
      %gather3A_963 = arith.constant 4 : i32
      %gather3A_964 = arith.constant 0 : i32
      %gather3A_965 = arith.constant 0 : i32
      %gather3A_966 = tpu.memref_slice %arg12[%gather3A_963, %gather3A_964, %gather3A_965] : memref<8x32x128xf32, #tpu.memory_space<vmem>> -> memref<1x32x128xf32, #tpu.memory_space<vmem>>
      %gather3A_967 = tpu.memref_squeeze %gather3A_966 : memref<1x32x128xf32, #tpu.memory_space<vmem>> -> memref<32x128xf32, #tpu.memory_space<vmem>>
      %gather3A_968 = tpu.vector_load_idx %gather3A_967[%iota3A, %broadcast_in_dim3A_947] : memref<32x128xf32, #tpu.memory_space<vmem>>[vector<16xi32>, vector<16xi32>], vector<16xf32>,
      %add3A_969 = arith.constant 16 : i32
      %add3A_970 = vector.broadcast %add3A_969 : i32 to vector<16xi32>
      %add3A_971 = arith.addi %iota3A, %add3A_970 : vector<16xi32>
      %gather3A_972 = arith.constant 4 : i32
      %gather3A_973 = arith.constant 0 : i32
      %gather3A_974 = arith.constant 0 : i32
      %gather3A_975 = tpu.memref_slice %arg12[%gather3A_972, %gather3A_973, %gather3A_974] : memref<8x32x128xf32, #tpu.memory_space<vmem>> -> memref<1x32x128xf32, #tpu.memory_space<vmem>>
      %gather3A_976 = tpu.memref_squeeze %gather3A_975 : memref<1x32x128xf32, #tpu.memory_space<vmem>> -> memref<32x128xf32, #tpu.memory_space<vmem>>
      %gather3A_977 = tpu.vector_load_idx %gather3A_976[%add3A_971, %broadcast_in_dim3A_947] : memref<32x128xf32, #tpu.memory_space<vmem>>[vector<16xi32>, vector<16xi32>], vector<16xf32>,
      %mul3A_978 = arith.mulf %gather3A_953, %gather3A_968 : vector<16xf32>
      %mul3A_979 = arith.mulf %gather3A_962, %gather3A_977 : vector<16xf32>
      %add3A_980 = arith.addf %mul3A_978, %mul3A_979 : vector<16xf32>
      %swap3A_981 = arith.constant 64 : index
      %swap3A_982 = tpu.vector_load %arg15[%swap3A_981] {strides = array<i32>} : memref<256xf32, #tpu.memory_space<vmem>>, vector<16xf32>,
      tpu.vector_store %arg15[%swap3A_981], %add3A_980 {strides = array<i32>} : memref<256xf32, #tpu.memory_space<vmem>>, vector<16xf32>,
      %slice3A_983 = vector.extract_strided_slice %mul3A_436 {offsets = [12], sizes = [1], strides = [1]} : vector<16xi32> to vector<1xi32>
      %squeeze3A_984 = vector.extract %slice3A_983[0] : i32 from vector<1xi32>
      %slice3A_985 = vector.extract_strided_slice %mul3A_445 {offsets = [12], sizes = [1], strides = [1]} : vector<16xi32> to vector<1xi32>
      %squeeze3A_986 = vector.extract %slice3A_985[0] : i32 from vector<1xi32>
      %multiple_of3A_987 = tpu.assume_multiple %squeeze3A_984, 128 : i32
      %dma_start3A_988 = arith.constant 4 : i32
      %dma_start3A_989 = arith.constant 4 : i32
      %dma_start3A_990 = arith.constant 0 : i32
      %dma_start3A_991 = arith.constant 0 : i32
      %dma_start3A_992 = tpu.memref_slice %arg11[%dma_start3A_988, %dma_start3A_990, %dma_start3A_991] : memref<8x32x128xf32, #tpu.memory_space<vmem>> -> memref<1x32x128xf32, #tpu.memory_space<vmem>>
      %dma_start3A_993 = tpu.memref_squeeze %dma_start3A_992 : memref<1x32x128xf32, #tpu.memory_space<vmem>> -> memref<32x128xf32, #tpu.memory_space<vmem>>
      %dma_start3A_994 = arith.constant 0 : i32
      %dma_start3A_995 = tpu.memref_slice %arg4[%dma_start3A_994, %multiple_of3A_987] : memref<32x1000000xf32, #tpu.memory_space<hbm>> -> memref<32x128xf32, #tpu.memory_space<hbm>>
      %dma_start3A_996 = tpu.memref_slice %arg17[%dma_start3A_989] : memref<8x!tpu.dma_semaphore, #tpu.memory_space<semaphore_mem>> -> memref<1x!tpu.dma_semaphore, #tpu.memory_space<semaphore_mem>>
      %dma_start3A_997 = tpu.memref_squeeze %dma_start3A_996 : memref<1x!tpu.dma_semaphore, #tpu.memory_space<semaphore_mem>> -> memref<!tpu.dma_semaphore, #tpu.memory_space<semaphore_mem>>
      %dma_start3A_998 = arith.constant 0 : i32
      %dma_start3A_999 = arith.constant 0 : i32
      %dma_start3A_1000 = tpu.memref_slice %arg11[%dma_start3A_988, %dma_start3A_998, %dma_start3A_999] : memref<8x32x128xf32, #tpu.memory_space<vmem>> -> memref<1x32x128xf32, #tpu.memory_space<vmem>>
      %dma_start3A_1001 = tpu.memref_squeeze %dma_start3A_1000 : memref<1x32x128xf32, #tpu.memory_space<vmem>> -> memref<32x128xf32, #tpu.memory_space<vmem>>
      %dma_start3A_1002 = arith.constant 0 : i32
      %dma_start3A_1003 = tpu.memref_slice %arg4[%dma_start3A_1002, %multiple_of3A_987] : memref<32x1000000xf32, #tpu.memory_space<hbm>> -> memref<32x128xf32, #tpu.memory_space<hbm>>
      tpu.enqueue_dma source(%dma_start3A_1003 : memref<32x128xf32, #tpu.memory_space<hbm>>) target(%dma_start3A_1001 : memref<32x128xf32, #tpu.memory_space<vmem>>) target_semaphore(%dma_start3A_997 : memref<!tpu.dma_semaphore, #tpu.memory_space<semaphore_mem>>)
      %multiple_of3A_1004 = tpu.assume_multiple %squeeze3A_986, 128 : i32
      %dma_start3A_1005 = arith.constant 4 : i32
      %dma_start3A_1006 = arith.constant 4 : i32
      %dma_start3A_1007 = arith.constant 0 : i32
      %dma_start3A_1008 = arith.constant 0 : i32
      %dma_start3A_1009 = tpu.memref_slice %arg12[%dma_start3A_1005, %dma_start3A_1007, %dma_start3A_1008] : memref<8x32x128xf32, #tpu.memory_space<vmem>> -> memref<1x32x128xf32, #tpu.memory_space<vmem>>
      %dma_start3A_1010 = tpu.memref_squeeze %dma_start3A_1009 : memref<1x32x128xf32, #tpu.memory_space<vmem>> -> memref<32x128xf32, #tpu.memory_space<vmem>>
      %dma_start3A_1011 = arith.constant 0 : i32
      %dma_start3A_1012 = tpu.memref_slice %arg5[%dma_start3A_1011, %multiple_of3A_1004] : memref<32x1000000xf32, #tpu.memory_space<hbm>> -> memref<32x128xf32, #tpu.memory_space<hbm>>
      %dma_start3A_1013 = tpu.memref_slice %arg18[%dma_start3A_1006] : memref<8x!tpu.dma_semaphore, #tpu.memory_space<semaphore_mem>> -> memref<1x!tpu.dma_semaphore, #tpu.memory_space<semaphore_mem>>
      %dma_start3A_1014 = tpu.memref_squeeze %dma_start3A_1013 : memref<1x!tpu.dma_semaphore, #tpu.memory_space<semaphore_mem>> -> memref<!tpu.dma_semaphore, #tpu.memory_space<semaphore_mem>>
      %dma_start3A_1015 = arith.constant 0 : i32
      %dma_start3A_1016 = arith.constant 0 : i32
      %dma_start3A_1017 = tpu.memref_slice %arg12[%dma_start3A_1005, %dma_start3A_1015, %dma_start3A_1016] : memref<8x32x128xf32, #tpu.memory_space<vmem>> -> memref<1x32x128xf32, #tpu.memory_space<vmem>>
      %dma_start3A_1018 = tpu.memref_squeeze %dma_start3A_1017 : memref<1x32x128xf32, #tpu.memory_space<vmem>> -> memref<32x128xf32, #tpu.memory_space<vmem>>
      %dma_start3A_1019 = arith.constant 0 : i32
      %dma_start3A_1020 = tpu.memref_slice %arg5[%dma_start3A_1019, %multiple_of3A_1004] : memref<32x1000000xf32, #tpu.memory_space<hbm>> -> memref<32x128xf32, #tpu.memory_space<hbm>>
      tpu.enqueue_dma source(%dma_start3A_1020 : memref<32x128xf32, #tpu.memory_space<hbm>>) target(%dma_start3A_1018 : memref<32x128xf32, #tpu.memory_space<vmem>>) target_semaphore(%dma_start3A_1014 : memref<!tpu.dma_semaphore, #tpu.memory_space<semaphore_mem>>)
      %dma_wait3A_1021 = arith.constant 5 : i32
      %dma_wait3A_1022 = arith.constant 5 : i32
      %dma_wait3A_1023 = arith.constant 0 : i32
      %dma_wait3A_1024 = arith.constant 0 : i32
      %dma_wait3A_1025 = tpu.memref_slice %arg11[%dma_wait3A_1021, %dma_wait3A_1023, %dma_wait3A_1024] : memref<8x32x128xf32, #tpu.memory_space<vmem>> -> memref<1x32x128xf32, #tpu.memory_space<vmem>>
      %dma_wait3A_1026 = tpu.memref_squeeze %dma_wait3A_1025 : memref<1x32x128xf32, #tpu.memory_space<vmem>> -> memref<32x128xf32, #tpu.memory_space<vmem>>
      %dma_wait3A_1027 = arith.constant 0 : i32
      %dma_wait3A_1028 = arith.constant 0 : i32
      %dma_wait3A_1029 = tpu.memref_slice %arg4[%dma_wait3A_1027, %dma_wait3A_1028] : memref<32x1000000xf32, #tpu.memory_space<hbm>> -> memref<32x128xf32, #tpu.memory_space<hbm>>
      %dma_wait3A_1030 = tpu.memref_slice %arg17[%dma_wait3A_1022] : memref<8x!tpu.dma_semaphore, #tpu.memory_space<semaphore_mem>> -> memref<1x!tpu.dma_semaphore, #tpu.memory_space<semaphore_mem>>
      %dma_wait3A_1031 = tpu.memref_squeeze %dma_wait3A_1030 : memref<1x!tpu.dma_semaphore, #tpu.memory_space<semaphore_mem>> -> memref<!tpu.dma_semaphore, #tpu.memory_space<semaphore_mem>>
      %dma_wait3A_1032 = arith.constant 0 : i32
      %dma_wait3A_1033 = arith.constant 0 : i32
      %dma_wait3A_1034 = tpu.memref_slice %arg11[%dma_wait3A_1021, %dma_wait3A_1032, %dma_wait3A_1033] : memref<8x32x128xf32, #tpu.memory_space<vmem>> -> memref<1x32x128xf32, #tpu.memory_space<vmem>>
      %dma_wait3A_1035 = tpu.memref_squeeze %dma_wait3A_1034 : memref<1x32x128xf32, #tpu.memory_space<vmem>> -> memref<32x128xf32, #tpu.memory_space<vmem>>
      %dma_wait3A_1036 = arith.constant 0 : i32
      %dma_wait3A_1037 = arith.constant 0 : i32
      %dma_wait3A_1038 = tpu.memref_slice %arg4[%dma_wait3A_1036, %dma_wait3A_1037] : memref<32x1000000xf32, #tpu.memory_space<hbm>> -> memref<32x128xf32, #tpu.memory_space<hbm>>
      tpu.wait_dma2 semaphore(%dma_wait3A_1031 : memref<!tpu.dma_semaphore, #tpu.memory_space<semaphore_mem>>) src(%dma_wait3A_1038 : memref<32x128xf32, #tpu.memory_space<hbm>>) dst(%dma_wait3A_1035 : memref<32x128xf32, #tpu.memory_space<vmem>>)
      %dma_wait3A_1039 = arith.constant 5 : i32
      %dma_wait3A_1040 = arith.constant 5 : i32
      %dma_wait3A_1041 = arith.constant 0 : i32
      %dma_wait3A_1042 = arith.constant 0 : i32
      %dma_wait3A_1043 = tpu.memref_slice %arg12[%dma_wait3A_1039, %dma_wait3A_1041, %dma_wait3A_1042] : memref<8x32x128xf32, #tpu.memory_space<vmem>> -> memref<1x32x128xf32, #tpu.memory_space<vmem>>
      %dma_wait3A_1044 = tpu.memref_squeeze %dma_wait3A_1043 : memref<1x32x128xf32, #tpu.memory_space<vmem>> -> memref<32x128xf32, #tpu.memory_space<vmem>>
      %dma_wait3A_1045 = arith.constant 0 : i32
      %dma_wait3A_1046 = arith.constant 0 : i32
      %dma_wait3A_1047 = tpu.memref_slice %arg5[%dma_wait3A_1045, %dma_wait3A_1046] : memref<32x1000000xf32, #tpu.memory_space<hbm>> -> memref<32x128xf32, #tpu.memory_space<hbm>>
      %dma_wait3A_1048 = tpu.memref_slice %arg18[%dma_wait3A_1040] : memref<8x!tpu.dma_semaphore, #tpu.memory_space<semaphore_mem>> -> memref<1x!tpu.dma_semaphore, #tpu.memory_space<semaphore_mem>>
      %dma_wait3A_1049 = tpu.memref_squeeze %dma_wait3A_1048 : memref<1x!tpu.dma_semaphore, #tpu.memory_space<semaphore_mem>> -> memref<!tpu.dma_semaphore, #tpu.memory_space<semaphore_mem>>
      %dma_wait3A_1050 = arith.constant 0 : i32
      %dma_wait3A_1051 = arith.constant 0 : i32
      %dma_wait3A_1052 = tpu.memref_slice %arg12[%dma_wait3A_1039, %dma_wait3A_1050, %dma_wait3A_1051] : memref<8x32x128xf32, #tpu.memory_space<vmem>> -> memref<1x32x128xf32, #tpu.memory_space<vmem>>
      %dma_wait3A_1053 = tpu.memref_squeeze %dma_wait3A_1052 : memref<1x32x128xf32, #tpu.memory_space<vmem>> -> memref<32x128xf32, #tpu.memory_space<vmem>>
      %dma_wait3A_1054 = arith.constant 0 : i32
      %dma_wait3A_1055 = arith.constant 0 : i32
      %dma_wait3A_1056 = tpu.memref_slice %arg5[%dma_wait3A_1054, %dma_wait3A_1055] : memref<32x1000000xf32, #tpu.memory_space<hbm>> -> memref<32x128xf32, #tpu.memory_space<hbm>>
      tpu.wait_dma2 semaphore(%dma_wait3A_1049 : memref<!tpu.dma_semaphore, #tpu.memory_space<semaphore_mem>>) src(%dma_wait3A_1056 : memref<32x128xf32, #tpu.memory_space<hbm>>) dst(%dma_wait3A_1053 : memref<32x128xf32, #tpu.memory_space<vmem>>)
      %slice3A_1057 = vector.extract_strided_slice %and3A_439 {offsets = [5], sizes = [1], strides = [1]} : vector<16xi32> to vector<1xi32>
      %squeeze3A_1058 = vector.extract %slice3A_1057[0] : i32 from vector<1xi32>
      %broadcast_in_dim3A_1059 = vector.broadcast %squeeze3A_1058 : i32 to vector<16xi32>
      %slice3A_1060 = vector.extract_strided_slice %and3A_448 {offsets = [5], sizes = [1], strides = [1]} : vector<16xi32> to vector<1xi32>
      %squeeze3A_1061 = vector.extract %slice3A_1060[0] : i32 from vector<1xi32>
      %broadcast_in_dim3A_1062 = vector.broadcast %squeeze3A_1061 : i32 to vector<16xi32>
      %gather3A_1063 = arith.constant 5 : i32
      %gather3A_1064 = arith.constant 0 : i32
      %gather3A_1065 = arith.constant 0 : i32
      %gather3A_1066 = tpu.memref_slice %arg11[%gather3A_1063, %gather3A_1064, %gather3A_1065] : memref<8x32x128xf32, #tpu.memory_space<vmem>> -> memref<1x32x128xf32, #tpu.memory_space<vmem>>
      %gather3A_1067 = tpu.memref_squeeze %gather3A_1066 : memref<1x32x128xf32, #tpu.memory_space<vmem>> -> memref<32x128xf32, #tpu.memory_space<vmem>>
      %gather3A_1068 = tpu.vector_load_idx %gather3A_1067[%iota3A, %broadcast_in_dim3A_1059] : memref<32x128xf32, #tpu.memory_space<vmem>>[vector<16xi32>, vector<16xi32>], vector<16xf32>,
      %add3A_1069 = arith.constant 16 : i32
      %add3A_1070 = vector.broadcast %add3A_1069 : i32 to vector<16xi32>
      %add3A_1071 = arith.addi %iota3A, %add3A_1070 : vector<16xi32>
      %gather3A_1072 = arith.constant 5 : i32
      %gather3A_1073 = arith.constant 0 : i32
      %gather3A_1074 = arith.constant 0 : i32
      %gather3A_1075 = tpu.memref_slice %arg11[%gather3A_1072, %gather3A_1073, %gather3A_1074] : memref<8x32x128xf32, #tpu.memory_space<vmem>> -> memref<1x32x128xf32, #tpu.memory_space<vmem>>
      %gather3A_1076 = tpu.memref_squeeze %gather3A_1075 : memref<1x32x128xf32, #tpu.memory_space<vmem>> -> memref<32x128xf32, #tpu.memory_space<vmem>>
      %gather3A_1077 = tpu.vector_load_idx %gather3A_1076[%add3A_1071, %broadcast_in_dim3A_1059] : memref<32x128xf32, #tpu.memory_space<vmem>>[vector<16xi32>, vector<16xi32>], vector<16xf32>,
      %gather3A_1078 = arith.constant 5 : i32
      %gather3A_1079 = arith.constant 0 : i32
      %gather3A_1080 = arith.constant 0 : i32
      %gather3A_1081 = tpu.memref_slice %arg12[%gather3A_1078, %gather3A_1079, %gather3A_1080] : memref<8x32x128xf32, #tpu.memory_space<vmem>> -> memref<1x32x128xf32, #tpu.memory_space<vmem>>
      %gather3A_1082 = tpu.memref_squeeze %gather3A_1081 : memref<1x32x128xf32, #tpu.memory_space<vmem>> -> memref<32x128xf32, #tpu.memory_space<vmem>>
      %gather3A_1083 = tpu.vector_load_idx %gather3A_1082[%iota3A, %broadcast_in_dim3A_1062] : memref<32x128xf32, #tpu.memory_space<vmem>>[vector<16xi32>, vector<16xi32>], vector<16xf32>,
      %add3A_1084 = arith.constant 16 : i32
      %add3A_1085 = vector.broadcast %add3A_1084 : i32 to vector<16xi32>
      %add3A_1086 = arith.addi %iota3A, %add3A_1085 : vector<16xi32>
      %gather3A_1087 = arith.constant 5 : i32
      %gather3A_1088 = arith.constant 0 : i32
      %gather3A_1089 = arith.constant 0 : i32
      %gather3A_1090 = tpu.memref_slice %arg12[%gather3A_1087, %gather3A_1088, %gather3A_1089] : memref<8x32x128xf32, #tpu.memory_space<vmem>> -> memref<1x32x128xf32, #tpu.memory_space<vmem>>
      %gather3A_1091 = tpu.memref_squeeze %gather3A_1090 : memref<1x32x128xf32, #tpu.memory_space<vmem>> -> memref<32x128xf32, #tpu.memory_space<vmem>>
      %gather3A_1092 = tpu.vector_load_idx %gather3A_1091[%add3A_1086, %broadcast_in_dim3A_1062] : memref<32x128xf32, #tpu.memory_space<vmem>>[vector<16xi32>, vector<16xi32>], vector<16xf32>,
      %mul3A_1093 = arith.mulf %gather3A_1068, %gather3A_1083 : vector<16xf32>
      %mul3A_1094 = arith.mulf %gather3A_1077, %gather3A_1092 : vector<16xf32>
      %add3A_1095 = arith.addf %mul3A_1093, %mul3A_1094 : vector<16xf32>
      %swap3A_1096 = arith.constant 80 : index
      %swap3A_1097 = tpu.vector_load %arg15[%swap3A_1096] {strides = array<i32>} : memref<256xf32, #tpu.memory_space<vmem>>, vector<16xf32>,
      tpu.vector_store %arg15[%swap3A_1096], %add3A_1095 {strides = array<i32>} : memref<256xf32, #tpu.memory_space<vmem>>, vector<16xf32>,
      %slice3A_1098 = vector.extract_strided_slice %mul3A_436 {offsets = [13], sizes = [1], strides = [1]} : vector<16xi32> to vector<1xi32>
      %squeeze3A_1099 = vector.extract %slice3A_1098[0] : i32 from vector<1xi32>
      %slice3A_1100 = vector.extract_strided_slice %mul3A_445 {offsets = [13], sizes = [1], strides = [1]} : vector<16xi32> to vector<1xi32>
      %squeeze3A_1101 = vector.extract %slice3A_1100[0] : i32 from vector<1xi32>
      %multiple_of3A_1102 = tpu.assume_multiple %squeeze3A_1099, 128 : i32
      %dma_start3A_1103 = arith.constant 5 : i32
      %dma_start3A_1104 = arith.constant 5 : i32
      %dma_start3A_1105 = arith.constant 0 : i32
      %dma_start3A_1106 = arith.constant 0 : i32
      %dma_start3A_1107 = tpu.memref_slice %arg11[%dma_start3A_1103, %dma_start3A_1105, %dma_start3A_1106] : memref<8x32x128xf32, #tpu.memory_space<vmem>> -> memref<1x32x128xf32, #tpu.memory_space<vmem>>
      %dma_start3A_1108 = tpu.memref_squeeze %dma_start3A_1107 : memref<1x32x128xf32, #tpu.memory_space<vmem>> -> memref<32x128xf32, #tpu.memory_space<vmem>>
      %dma_start3A_1109 = arith.constant 0 : i32
      %dma_start3A_1110 = tpu.memref_slice %arg4[%dma_start3A_1109, %multiple_of3A_1102] : memref<32x1000000xf32, #tpu.memory_space<hbm>> -> memref<32x128xf32, #tpu.memory_space<hbm>>
      %dma_start3A_1111 = tpu.memref_slice %arg17[%dma_start3A_1104] : memref<8x!tpu.dma_semaphore, #tpu.memory_space<semaphore_mem>> -> memref<1x!tpu.dma_semaphore, #tpu.memory_space<semaphore_mem>>
      %dma_start3A_1112 = tpu.memref_squeeze %dma_start3A_1111 : memref<1x!tpu.dma_semaphore, #tpu.memory_space<semaphore_mem>> -> memref<!tpu.dma_semaphore, #tpu.memory_space<semaphore_mem>>
      %dma_start3A_1113 = arith.constant 0 : i32
      %dma_start3A_1114 = arith.constant 0 : i32
      %dma_start3A_1115 = tpu.memref_slice %arg11[%dma_start3A_1103, %dma_start3A_1113, %dma_start3A_1114] : memref<8x32x128xf32, #tpu.memory_space<vmem>> -> memref<1x32x128xf32, #tpu.memory_space<vmem>>
      %dma_start3A_1116 = tpu.memref_squeeze %dma_start3A_1115 : memref<1x32x128xf32, #tpu.memory_space<vmem>> -> memref<32x128xf32, #tpu.memory_space<vmem>>
      %dma_start3A_1117 = arith.constant 0 : i32
      %dma_start3A_1118 = tpu.memref_slice %arg4[%dma_start3A_1117, %multiple_of3A_1102] : memref<32x1000000xf32, #tpu.memory_space<hbm>> -> memref<32x128xf32, #tpu.memory_space<hbm>>
      tpu.enqueue_dma source(%dma_start3A_1118 : memref<32x128xf32, #tpu.memory_space<hbm>>) target(%dma_start3A_1116 : memref<32x128xf32, #tpu.memory_space<vmem>>) target_semaphore(%dma_start3A_1112 : memref<!tpu.dma_semaphore, #tpu.memory_space<semaphore_mem>>)
      %multiple_of3A_1119 = tpu.assume_multiple %squeeze3A_1101, 128 : i32
      %dma_start3A_1120 = arith.constant 5 : i32
      %dma_start3A_1121 = arith.constant 5 : i32
      %dma_start3A_1122 = arith.constant 0 : i32
      %dma_start3A_1123 = arith.constant 0 : i32
      %dma_start3A_1124 = tpu.memref_slice %arg12[%dma_start3A_1120, %dma_start3A_1122, %dma_start3A_1123] : memref<8x32x128xf32, #tpu.memory_space<vmem>> -> memref<1x32x128xf32, #tpu.memory_space<vmem>>
      %dma_start3A_1125 = tpu.memref_squeeze %dma_start3A_1124 : memref<1x32x128xf32, #tpu.memory_space<vmem>> -> memref<32x128xf32, #tpu.memory_space<vmem>>
      %dma_start3A_1126 = arith.constant 0 : i32
      %dma_start3A_1127 = tpu.memref_slice %arg5[%dma_start3A_1126, %multiple_of3A_1119] : memref<32x1000000xf32, #tpu.memory_space<hbm>> -> memref<32x128xf32, #tpu.memory_space<hbm>>
      %dma_start3A_1128 = tpu.memref_slice %arg18[%dma_start3A_1121] : memref<8x!tpu.dma_semaphore, #tpu.memory_space<semaphore_mem>> -> memref<1x!tpu.dma_semaphore, #tpu.memory_space<semaphore_mem>>
      %dma_start3A_1129 = tpu.memref_squeeze %dma_start3A_1128 : memref<1x!tpu.dma_semaphore, #tpu.memory_space<semaphore_mem>> -> memref<!tpu.dma_semaphore, #tpu.memory_space<semaphore_mem>>
      %dma_start3A_1130 = arith.constant 0 : i32
      %dma_start3A_1131 = arith.constant 0 : i32
      %dma_start3A_1132 = tpu.memref_slice %arg12[%dma_start3A_1120, %dma_start3A_1130, %dma_start3A_1131] : memref<8x32x128xf32, #tpu.memory_space<vmem>> -> memref<1x32x128xf32, #tpu.memory_space<vmem>>
      %dma_start3A_1133 = tpu.memref_squeeze %dma_start3A_1132 : memref<1x32x128xf32, #tpu.memory_space<vmem>> -> memref<32x128xf32, #tpu.memory_space<vmem>>
      %dma_start3A_1134 = arith.constant 0 : i32
      %dma_start3A_1135 = tpu.memref_slice %arg5[%dma_start3A_1134, %multiple_of3A_1119] : memref<32x1000000xf32, #tpu.memory_space<hbm>> -> memref<32x128xf32, #tpu.memory_space<hbm>>
      tpu.enqueue_dma source(%dma_start3A_1135 : memref<32x128xf32, #tpu.memory_space<hbm>>) target(%dma_start3A_1133 : memref<32x128xf32, #tpu.memory_space<vmem>>) target_semaphore(%dma_start3A_1129 : memref<!tpu.dma_semaphore, #tpu.memory_space<semaphore_mem>>)
      %dma_wait3A_1136 = arith.constant 6 : i32
      %dma_wait3A_1137 = arith.constant 6 : i32
      %dma_wait3A_1138 = arith.constant 0 : i32
      %dma_wait3A_1139 = arith.constant 0 : i32
      %dma_wait3A_1140 = tpu.memref_slice %arg11[%dma_wait3A_1136, %dma_wait3A_1138, %dma_wait3A_1139] : memref<8x32x128xf32, #tpu.memory_space<vmem>> -> memref<1x32x128xf32, #tpu.memory_space<vmem>>
      %dma_wait3A_1141 = tpu.memref_squeeze %dma_wait3A_1140 : memref<1x32x128xf32, #tpu.memory_space<vmem>> -> memref<32x128xf32, #tpu.memory_space<vmem>>
      %dma_wait3A_1142 = arith.constant 0 : i32
      %dma_wait3A_1143 = arith.constant 0 : i32
      %dma_wait3A_1144 = tpu.memref_slice %arg4[%dma_wait3A_1142, %dma_wait3A_1143] : memref<32x1000000xf32, #tpu.memory_space<hbm>> -> memref<32x128xf32, #tpu.memory_space<hbm>>
      %dma_wait3A_1145 = tpu.memref_slice %arg17[%dma_wait3A_1137] : memref<8x!tpu.dma_semaphore, #tpu.memory_space<semaphore_mem>> -> memref<1x!tpu.dma_semaphore, #tpu.memory_space<semaphore_mem>>
      %dma_wait3A_1146 = tpu.memref_squeeze %dma_wait3A_1145 : memref<1x!tpu.dma_semaphore, #tpu.memory_space<semaphore_mem>> -> memref<!tpu.dma_semaphore, #tpu.memory_space<semaphore_mem>>
      %dma_wait3A_1147 = arith.constant 0 : i32
      %dma_wait3A_1148 = arith.constant 0 : i32
      %dma_wait3A_1149 = tpu.memref_slice %arg11[%dma_wait3A_1136, %dma_wait3A_1147, %dma_wait3A_1148] : memref<8x32x128xf32, #tpu.memory_space<vmem>> -> memref<1x32x128xf32, #tpu.memory_space<vmem>>
      %dma_wait3A_1150 = tpu.memref_squeeze %dma_wait3A_1149 : memref<1x32x128xf32, #tpu.memory_space<vmem>> -> memref<32x128xf32, #tpu.memory_space<vmem>>
      %dma_wait3A_1151 = arith.constant 0 : i32
      %dma_wait3A_1152 = arith.constant 0 : i32
      %dma_wait3A_1153 = tpu.memref_slice %arg4[%dma_wait3A_1151, %dma_wait3A_1152] : memref<32x1000000xf32, #tpu.memory_space<hbm>> -> memref<32x128xf32, #tpu.memory_space<hbm>>
      tpu.wait_dma2 semaphore(%dma_wait3A_1146 : memref<!tpu.dma_semaphore, #tpu.memory_space<semaphore_mem>>) src(%dma_wait3A_1153 : memref<32x128xf32, #tpu.memory_space<hbm>>) dst(%dma_wait3A_1150 : memref<32x128xf32, #tpu.memory_space<vmem>>)
      %dma_wait3A_1154 = arith.constant 6 : i32
      %dma_wait3A_1155 = arith.constant 6 : i32
      %dma_wait3A_1156 = arith.constant 0 : i32
      %dma_wait3A_1157 = arith.constant 0 : i32
      %dma_wait3A_1158 = tpu.memref_slice %arg12[%dma_wait3A_1154, %dma_wait3A_1156, %dma_wait3A_1157] : memref<8x32x128xf32, #tpu.memory_space<vmem>> -> memref<1x32x128xf32, #tpu.memory_space<vmem>>
      %dma_wait3A_1159 = tpu.memref_squeeze %dma_wait3A_1158 : memref<1x32x128xf32, #tpu.memory_space<vmem>> -> memref<32x128xf32, #tpu.memory_space<vmem>>
      %dma_wait3A_1160 = arith.constant 0 : i32
      %dma_wait3A_1161 = arith.constant 0 : i32
      %dma_wait3A_1162 = tpu.memref_slice %arg5[%dma_wait3A_1160, %dma_wait3A_1161] : memref<32x1000000xf32, #tpu.memory_space<hbm>> -> memref<32x128xf32, #tpu.memory_space<hbm>>
      %dma_wait3A_1163 = tpu.memref_slice %arg18[%dma_wait3A_1155] : memref<8x!tpu.dma_semaphore, #tpu.memory_space<semaphore_mem>> -> memref<1x!tpu.dma_semaphore, #tpu.memory_space<semaphore_mem>>
      %dma_wait3A_1164 = tpu.memref_squeeze %dma_wait3A_1163 : memref<1x!tpu.dma_semaphore, #tpu.memory_space<semaphore_mem>> -> memref<!tpu.dma_semaphore, #tpu.memory_space<semaphore_mem>>
      %dma_wait3A_1165 = arith.constant 0 : i32
      %dma_wait3A_1166 = arith.constant 0 : i32
      %dma_wait3A_1167 = tpu.memref_slice %arg12[%dma_wait3A_1154, %dma_wait3A_1165, %dma_wait3A_1166] : memref<8x32x128xf32, #tpu.memory_space<vmem>> -> memref<1x32x128xf32, #tpu.memory_space<vmem>>
      %dma_wait3A_1168 = tpu.memref_squeeze %dma_wait3A_1167 : memref<1x32x128xf32, #tpu.memory_space<vmem>> -> memref<32x128xf32, #tpu.memory_space<vmem>>
      %dma_wait3A_1169 = arith.constant 0 : i32
      %dma_wait3A_1170 = arith.constant 0 : i32
      %dma_wait3A_1171 = tpu.memref_slice %arg5[%dma_wait3A_1169, %dma_wait3A_1170] : memref<32x1000000xf32, #tpu.memory_space<hbm>> -> memref<32x128xf32, #tpu.memory_space<hbm>>
      tpu.wait_dma2 semaphore(%dma_wait3A_1164 : memref<!tpu.dma_semaphore, #tpu.memory_space<semaphore_mem>>) src(%dma_wait3A_1171 : memref<32x128xf32, #tpu.memory_space<hbm>>) dst(%dma_wait3A_1168 : memref<32x128xf32, #tpu.memory_space<vmem>>)
      %slice3A_1172 = vector.extract_strided_slice %and3A_439 {offsets = [6], sizes = [1], strides = [1]} : vector<16xi32> to vector<1xi32>
      %squeeze3A_1173 = vector.extract %slice3A_1172[0] : i32 from vector<1xi32>
      %broadcast_in_dim3A_1174 = vector.broadcast %squeeze3A_1173 : i32 to vector<16xi32>
      %slice3A_1175 = vector.extract_strided_slice %and3A_448 {offsets = [6], sizes = [1], strides = [1]} : vector<16xi32> to vector<1xi32>
      %squeeze3A_1176 = vector.extract %slice3A_1175[0] : i32 from vector<1xi32>
      %broadcast_in_dim3A_1177 = vector.broadcast %squeeze3A_1176 : i32 to vector<16xi32>
      %gather3A_1178 = arith.constant 6 : i32
      %gather3A_1179 = arith.constant 0 : i32
      %gather3A_1180 = arith.constant 0 : i32
      %gather3A_1181 = tpu.memref_slice %arg11[%gather3A_1178, %gather3A_1179, %gather3A_1180] : memref<8x32x128xf32, #tpu.memory_space<vmem>> -> memref<1x32x128xf32, #tpu.memory_space<vmem>>
      %gather3A_1182 = tpu.memref_squeeze %gather3A_1181 : memref<1x32x128xf32, #tpu.memory_space<vmem>> -> memref<32x128xf32, #tpu.memory_space<vmem>>
      %gather3A_1183 = tpu.vector_load_idx %gather3A_1182[%iota3A, %broadcast_in_dim3A_1174] : memref<32x128xf32, #tpu.memory_space<vmem>>[vector<16xi32>, vector<16xi32>], vector<16xf32>,
      %add3A_1184 = arith.constant 16 : i32
      %add3A_1185 = vector.broadcast %add3A_1184 : i32 to vector<16xi32>
      %add3A_1186 = arith.addi %iota3A, %add3A_1185 : vector<16xi32>
      %gather3A_1187 = arith.constant 6 : i32
      %gather3A_1188 = arith.constant 0 : i32
      %gather3A_1189 = arith.constant 0 : i32
      %gather3A_1190 = tpu.memref_slice %arg11[%gather3A_1187, %gather3A_1188, %gather3A_1189] : memref<8x32x128xf32, #tpu.memory_space<vmem>> -> memref<1x32x128xf32, #tpu.memory_space<vmem>>
      %gather3A_1191 = tpu.memref_squeeze %gather3A_1190 : memref<1x32x128xf32, #tpu.memory_space<vmem>> -> memref<32x128xf32, #tpu.memory_space<vmem>>
      %gather3A_1192 = tpu.vector_load_idx %gather3A_1191[%add3A_1186, %broadcast_in_dim3A_1174] : memref<32x128xf32, #tpu.memory_space<vmem>>[vector<16xi32>, vector<16xi32>], vector<16xf32>,
      %gather3A_1193 = arith.constant 6 : i32
      %gather3A_1194 = arith.constant 0 : i32
      %gather3A_1195 = arith.constant 0 : i32
      %gather3A_1196 = tpu.memref_slice %arg12[%gather3A_1193, %gather3A_1194, %gather3A_1195] : memref<8x32x128xf32, #tpu.memory_space<vmem>> -> memref<1x32x128xf32, #tpu.memory_space<vmem>>
      %gather3A_1197 = tpu.memref_squeeze %gather3A_1196 : memref<1x32x128xf32, #tpu.memory_space<vmem>> -> memref<32x128xf32, #tpu.memory_space<vmem>>
      %gather3A_1198 = tpu.vector_load_idx %gather3A_1197[%iota3A, %broadcast_in_dim3A_1177] : memref<32x128xf32, #tpu.memory_space<vmem>>[vector<16xi32>, vector<16xi32>], vector<16xf32>,
      %add3A_1199 = arith.constant 16 : i32
      %add3A_1200 = vector.broadcast %add3A_1199 : i32 to vector<16xi32>
      %add3A_1201 = arith.addi %iota3A, %add3A_1200 : vector<16xi32>
      %gather3A_1202 = arith.constant 6 : i32
      %gather3A_1203 = arith.constant 0 : i32
      %gather3A_1204 = arith.constant 0 : i32
      %gather3A_1205 = tpu.memref_slice %arg12[%gather3A_1202, %gather3A_1203, %gather3A_1204] : memref<8x32x128xf32, #tpu.memory_space<vmem>> -> memref<1x32x128xf32, #tpu.memory_space<vmem>>
      %gather3A_1206 = tpu.memref_squeeze %gather3A_1205 : memref<1x32x128xf32, #tpu.memory_space<vmem>> -> memref<32x128xf32, #tpu.memory_space<vmem>>
      %gather3A_1207 = tpu.vector_load_idx %gather3A_1206[%add3A_1201, %broadcast_in_dim3A_1177] : memref<32x128xf32, #tpu.memory_space<vmem>>[vector<16xi32>, vector<16xi32>], vector<16xf32>,
      %mul3A_1208 = arith.mulf %gather3A_1183, %gather3A_1198 : vector<16xf32>
      %mul3A_1209 = arith.mulf %gather3A_1192, %gather3A_1207 : vector<16xf32>
      %add3A_1210 = arith.addf %mul3A_1208, %mul3A_1209 : vector<16xf32>
      %swap3A_1211 = arith.constant 96 : index
      %swap3A_1212 = tpu.vector_load %arg15[%swap3A_1211] {strides = array<i32>} : memref<256xf32, #tpu.memory_space<vmem>>, vector<16xf32>,
      tpu.vector_store %arg15[%swap3A_1211], %add3A_1210 {strides = array<i32>} : memref<256xf32, #tpu.memory_space<vmem>>, vector<16xf32>,
      %slice3A_1213 = vector.extract_strided_slice %mul3A_436 {offsets = [14], sizes = [1], strides = [1]} : vector<16xi32> to vector<1xi32>
      %squeeze3A_1214 = vector.extract %slice3A_1213[0] : i32 from vector<1xi32>
      %slice3A_1215 = vector.extract_strided_slice %mul3A_445 {offsets = [14], sizes = [1], strides = [1]} : vector<16xi32> to vector<1xi32>
      %squeeze3A_1216 = vector.extract %slice3A_1215[0] : i32 from vector<1xi32>
      %multiple_of3A_1217 = tpu.assume_multiple %squeeze3A_1214, 128 : i32
      %dma_start3A_1218 = arith.constant 6 : i32
      %dma_start3A_1219 = arith.constant 6 : i32
      %dma_start3A_1220 = arith.constant 0 : i32
      %dma_start3A_1221 = arith.constant 0 : i32
      %dma_start3A_1222 = tpu.memref_slice %arg11[%dma_start3A_1218, %dma_start3A_1220, %dma_start3A_1221] : memref<8x32x128xf32, #tpu.memory_space<vmem>> -> memref<1x32x128xf32, #tpu.memory_space<vmem>>
      %dma_start3A_1223 = tpu.memref_squeeze %dma_start3A_1222 : memref<1x32x128xf32, #tpu.memory_space<vmem>> -> memref<32x128xf32, #tpu.memory_space<vmem>>
      %dma_start3A_1224 = arith.constant 0 : i32
      %dma_start3A_1225 = tpu.memref_slice %arg4[%dma_start3A_1224, %multiple_of3A_1217] : memref<32x1000000xf32, #tpu.memory_space<hbm>> -> memref<32x128xf32, #tpu.memory_space<hbm>>
      %dma_start3A_1226 = tpu.memref_slice %arg17[%dma_start3A_1219] : memref<8x!tpu.dma_semaphore, #tpu.memory_space<semaphore_mem>> -> memref<1x!tpu.dma_semaphore, #tpu.memory_space<semaphore_mem>>
      %dma_start3A_1227 = tpu.memref_squeeze %dma_start3A_1226 : memref<1x!tpu.dma_semaphore, #tpu.memory_space<semaphore_mem>> -> memref<!tpu.dma_semaphore, #tpu.memory_space<semaphore_mem>>
      %dma_start3A_1228 = arith.constant 0 : i32
      %dma_start3A_1229 = arith.constant 0 : i32
      %dma_start3A_1230 = tpu.memref_slice %arg11[%dma_start3A_1218, %dma_start3A_1228, %dma_start3A_1229] : memref<8x32x128xf32, #tpu.memory_space<vmem>> -> memref<1x32x128xf32, #tpu.memory_space<vmem>>
      %dma_start3A_1231 = tpu.memref_squeeze %dma_start3A_1230 : memref<1x32x128xf32, #tpu.memory_space<vmem>> -> memref<32x128xf32, #tpu.memory_space<vmem>>
      %dma_start3A_1232 = arith.constant 0 : i32
      %dma_start3A_1233 = tpu.memref_slice %arg4[%dma_start3A_1232, %multiple_of3A_1217] : memref<32x1000000xf32, #tpu.memory_space<hbm>> -> memref<32x128xf32, #tpu.memory_space<hbm>>
      tpu.enqueue_dma source(%dma_start3A_1233 : memref<32x128xf32, #tpu.memory_space<hbm>>) target(%dma_start3A_1231 : memref<32x128xf32, #tpu.memory_space<vmem>>) target_semaphore(%dma_start3A_1227 : memref<!tpu.dma_semaphore, #tpu.memory_space<semaphore_mem>>)
      %multiple_of3A_1234 = tpu.assume_multiple %squeeze3A_1216, 128 : i32
      %dma_start3A_1235 = arith.constant 6 : i32
      %dma_start3A_1236 = arith.constant 6 : i32
      %dma_start3A_1237 = arith.constant 0 : i32
      %dma_start3A_1238 = arith.constant 0 : i32
      %dma_start3A_1239 = tpu.memref_slice %arg12[%dma_start3A_1235, %dma_start3A_1237, %dma_start3A_1238] : memref<8x32x128xf32, #tpu.memory_space<vmem>> -> memref<1x32x128xf32, #tpu.memory_space<vmem>>
      %dma_start3A_1240 = tpu.memref_squeeze %dma_start3A_1239 : memref<1x32x128xf32, #tpu.memory_space<vmem>> -> memref<32x128xf32, #tpu.memory_space<vmem>>
      %dma_start3A_1241 = arith.constant 0 : i32
      %dma_start3A_1242 = tpu.memref_slice %arg5[%dma_start3A_1241, %multiple_of3A_1234] : memref<32x1000000xf32, #tpu.memory_space<hbm>> -> memref<32x128xf32, #tpu.memory_space<hbm>>
      %dma_start3A_1243 = tpu.memref_slice %arg18[%dma_start3A_1236] : memref<8x!tpu.dma_semaphore, #tpu.memory_space<semaphore_mem>> -> memref<1x!tpu.dma_semaphore, #tpu.memory_space<semaphore_mem>>
      %dma_start3A_1244 = tpu.memref_squeeze %dma_start3A_1243 : memref<1x!tpu.dma_semaphore, #tpu.memory_space<semaphore_mem>> -> memref<!tpu.dma_semaphore, #tpu.memory_space<semaphore_mem>>
      %dma_start3A_1245 = arith.constant 0 : i32
      %dma_start3A_1246 = arith.constant 0 : i32
      %dma_start3A_1247 = tpu.memref_slice %arg12[%dma_start3A_1235, %dma_start3A_1245, %dma_start3A_1246] : memref<8x32x128xf32, #tpu.memory_space<vmem>> -> memref<1x32x128xf32, #tpu.memory_space<vmem>>
      %dma_start3A_1248 = tpu.memref_squeeze %dma_start3A_1247 : memref<1x32x128xf32, #tpu.memory_space<vmem>> -> memref<32x128xf32, #tpu.memory_space<vmem>>
      %dma_start3A_1249 = arith.constant 0 : i32
      %dma_start3A_1250 = tpu.memref_slice %arg5[%dma_start3A_1249, %multiple_of3A_1234] : memref<32x1000000xf32, #tpu.memory_space<hbm>> -> memref<32x128xf32, #tpu.memory_space<hbm>>
      tpu.enqueue_dma source(%dma_start3A_1250 : memref<32x128xf32, #tpu.memory_space<hbm>>) target(%dma_start3A_1248 : memref<32x128xf32, #tpu.memory_space<vmem>>) target_semaphore(%dma_start3A_1244 : memref<!tpu.dma_semaphore, #tpu.memory_space<semaphore_mem>>)
      %dma_wait3A_1251 = arith.constant 7 : i32
      %dma_wait3A_1252 = arith.constant 7 : i32
      %dma_wait3A_1253 = arith.constant 0 : i32
      %dma_wait3A_1254 = arith.constant 0 : i32
      %dma_wait3A_1255 = tpu.memref_slice %arg11[%dma_wait3A_1251, %dma_wait3A_1253, %dma_wait3A_1254] : memref<8x32x128xf32, #tpu.memory_space<vmem>> -> memref<1x32x128xf32, #tpu.memory_space<vmem>>
      %dma_wait3A_1256 = tpu.memref_squeeze %dma_wait3A_1255 : memref<1x32x128xf32, #tpu.memory_space<vmem>> -> memref<32x128xf32, #tpu.memory_space<vmem>>
      %dma_wait3A_1257 = arith.constant 0 : i32
      %dma_wait3A_1258 = arith.constant 0 : i32
      %dma_wait3A_1259 = tpu.memref_slice %arg4[%dma_wait3A_1257, %dma_wait3A_1258] : memref<32x1000000xf32, #tpu.memory_space<hbm>> -> memref<32x128xf32, #tpu.memory_space<hbm>>
      %dma_wait3A_1260 = tpu.memref_slice %arg17[%dma_wait3A_1252] : memref<8x!tpu.dma_semaphore, #tpu.memory_space<semaphore_mem>> -> memref<1x!tpu.dma_semaphore, #tpu.memory_space<semaphore_mem>>
      %dma_wait3A_1261 = tpu.memref_squeeze %dma_wait3A_1260 : memref<1x!tpu.dma_semaphore, #tpu.memory_space<semaphore_mem>> -> memref<!tpu.dma_semaphore, #tpu.memory_space<semaphore_mem>>
      %dma_wait3A_1262 = arith.constant 0 : i32
      %dma_wait3A_1263 = arith.constant 0 : i32
      %dma_wait3A_1264 = tpu.memref_slice %arg11[%dma_wait3A_1251, %dma_wait3A_1262, %dma_wait3A_1263] : memref<8x32x128xf32, #tpu.memory_space<vmem>> -> memref<1x32x128xf32, #tpu.memory_space<vmem>>
      %dma_wait3A_1265 = tpu.memref_squeeze %dma_wait3A_1264 : memref<1x32x128xf32, #tpu.memory_space<vmem>> -> memref<32x128xf32, #tpu.memory_space<vmem>>
      %dma_wait3A_1266 = arith.constant 0 : i32
      %dma_wait3A_1267 = arith.constant 0 : i32
      %dma_wait3A_1268 = tpu.memref_slice %arg4[%dma_wait3A_1266, %dma_wait3A_1267] : memref<32x1000000xf32, #tpu.memory_space<hbm>> -> memref<32x128xf32, #tpu.memory_space<hbm>>
      tpu.wait_dma2 semaphore(%dma_wait3A_1261 : memref<!tpu.dma_semaphore, #tpu.memory_space<semaphore_mem>>) src(%dma_wait3A_1268 : memref<32x128xf32, #tpu.memory_space<hbm>>) dst(%dma_wait3A_1265 : memref<32x128xf32, #tpu.memory_space<vmem>>)
      %dma_wait3A_1269 = arith.constant 7 : i32
      %dma_wait3A_1270 = arith.constant 7 : i32
      %dma_wait3A_1271 = arith.constant 0 : i32
      %dma_wait3A_1272 = arith.constant 0 : i32
      %dma_wait3A_1273 = tpu.memref_slice %arg12[%dma_wait3A_1269, %dma_wait3A_1271, %dma_wait3A_1272] : memref<8x32x128xf32, #tpu.memory_space<vmem>> -> memref<1x32x128xf32, #tpu.memory_space<vmem>>
      %dma_wait3A_1274 = tpu.memref_squeeze %dma_wait3A_1273 : memref<1x32x128xf32, #tpu.memory_space<vmem>> -> memref<32x128xf32, #tpu.memory_space<vmem>>
      %dma_wait3A_1275 = arith.constant 0 : i32
      %dma_wait3A_1276 = arith.constant 0 : i32
      %dma_wait3A_1277 = tpu.memref_slice %arg5[%dma_wait3A_1275, %dma_wait3A_1276] : memref<32x1000000xf32, #tpu.memory_space<hbm>> -> memref<32x128xf32, #tpu.memory_space<hbm>>
      %dma_wait3A_1278 = tpu.memref_slice %arg18[%dma_wait3A_1270] : memref<8x!tpu.dma_semaphore, #tpu.memory_space<semaphore_mem>> -> memref<1x!tpu.dma_semaphore, #tpu.memory_space<semaphore_mem>>
      %dma_wait3A_1279 = tpu.memref_squeeze %dma_wait3A_1278 : memref<1x!tpu.dma_semaphore, #tpu.memory_space<semaphore_mem>> -> memref<!tpu.dma_semaphore, #tpu.memory_space<semaphore_mem>>
      %dma_wait3A_1280 = arith.constant 0 : i32
      %dma_wait3A_1281 = arith.constant 0 : i32
      %dma_wait3A_1282 = tpu.memref_slice %arg12[%dma_wait3A_1269, %dma_wait3A_1280, %dma_wait3A_1281] : memref<8x32x128xf32, #tpu.memory_space<vmem>> -> memref<1x32x128xf32, #tpu.memory_space<vmem>>
      %dma_wait3A_1283 = tpu.memref_squeeze %dma_wait3A_1282 : memref<1x32x128xf32, #tpu.memory_space<vmem>> -> memref<32x128xf32, #tpu.memory_space<vmem>>
      %dma_wait3A_1284 = arith.constant 0 : i32
      %dma_wait3A_1285 = arith.constant 0 : i32
      %dma_wait3A_1286 = tpu.memref_slice %arg5[%dma_wait3A_1284, %dma_wait3A_1285] : memref<32x1000000xf32, #tpu.memory_space<hbm>> -> memref<32x128xf32, #tpu.memory_space<hbm>>
      tpu.wait_dma2 semaphore(%dma_wait3A_1279 : memref<!tpu.dma_semaphore, #tpu.memory_space<semaphore_mem>>) src(%dma_wait3A_1286 : memref<32x128xf32, #tpu.memory_space<hbm>>) dst(%dma_wait3A_1283 : memref<32x128xf32, #tpu.memory_space<vmem>>)
      %slice3A_1287 = vector.extract_strided_slice %and3A_439 {offsets = [7], sizes = [1], strides = [1]} : vector<16xi32> to vector<1xi32>
      %squeeze3A_1288 = vector.extract %slice3A_1287[0] : i32 from vector<1xi32>
      %broadcast_in_dim3A_1289 = vector.broadcast %squeeze3A_1288 : i32 to vector<16xi32>
      %slice3A_1290 = vector.extract_strided_slice %and3A_448 {offsets = [7], sizes = [1], strides = [1]} : vector<16xi32> to vector<1xi32>
      %squeeze3A_1291 = vector.extract %slice3A_1290[0] : i32 from vector<1xi32>
      %broadcast_in_dim3A_1292 = vector.broadcast %squeeze3A_1291 : i32 to vector<16xi32>
      %gather3A_1293 = arith.constant 7 : i32
      %gather3A_1294 = arith.constant 0 : i32
      %gather3A_1295 = arith.constant 0 : i32
      %gather3A_1296 = tpu.memref_slice %arg11[%gather3A_1293, %gather3A_1294, %gather3A_1295] : memref<8x32x128xf32, #tpu.memory_space<vmem>> -> memref<1x32x128xf32, #tpu.memory_space<vmem>>
      %gather3A_1297 = tpu.memref_squeeze %gather3A_1296 : memref<1x32x128xf32, #tpu.memory_space<vmem>> -> memref<32x128xf32, #tpu.memory_space<vmem>>
      %gather3A_1298 = tpu.vector_load_idx %gather3A_1297[%iota3A, %broadcast_in_dim3A_1289] : memref<32x128xf32, #tpu.memory_space<vmem>>[vector<16xi32>, vector<16xi32>], vector<16xf32>,
      %add3A_1299 = arith.constant 16 : i32
      %add3A_1300 = vector.broadcast %add3A_1299 : i32 to vector<16xi32>
      %add3A_1301 = arith.addi %iota3A, %add3A_1300 : vector<16xi32>
      %gather3A_1302 = arith.constant 7 : i32
      %gather3A_1303 = arith.constant 0 : i32
      %gather3A_1304 = arith.constant 0 : i32
      %gather3A_1305 = tpu.memref_slice %arg11[%gather3A_1302, %gather3A_1303, %gather3A_1304] : memref<8x32x128xf32, #tpu.memory_space<vmem>> -> memref<1x32x128xf32, #tpu.memory_space<vmem>>
      %gather3A_1306 = tpu.memref_squeeze %gather3A_1305 : memref<1x32x128xf32, #tpu.memory_space<vmem>> -> memref<32x128xf32, #tpu.memory_space<vmem>>
      %gather3A_1307 = tpu.vector_load_idx %gather3A_1306[%add3A_1301, %broadcast_in_dim3A_1289] : memref<32x128xf32, #tpu.memory_space<vmem>>[vector<16xi32>, vector<16xi32>], vector<16xf32>,
      %gather3A_1308 = arith.constant 7 : i32
      %gather3A_1309 = arith.constant 0 : i32
      %gather3A_1310 = arith.constant 0 : i32
      %gather3A_1311 = tpu.memref_slice %arg12[%gather3A_1308, %gather3A_1309, %gather3A_1310] : memref<8x32x128xf32, #tpu.memory_space<vmem>> -> memref<1x32x128xf32, #tpu.memory_space<vmem>>
      %gather3A_1312 = tpu.memref_squeeze %gather3A_1311 : memref<1x32x128xf32, #tpu.memory_space<vmem>> -> memref<32x128xf32, #tpu.memory_space<vmem>>
      %gather3A_1313 = tpu.vector_load_idx %gather3A_1312[%iota3A, %broadcast_in_dim3A_1292] : memref<32x128xf32, #tpu.memory_space<vmem>>[vector<16xi32>, vector<16xi32>], vector<16xf32>,
      %add3A_1314 = arith.constant 16 : i32
      %add3A_1315 = vector.broadcast %add3A_1314 : i32 to vector<16xi32>
      %add3A_1316 = arith.addi %iota3A, %add3A_1315 : vector<16xi32>
      %gather3A_1317 = arith.constant 7 : i32
      %gather3A_1318 = arith.constant 0 : i32
      %gather3A_1319 = arith.constant 0 : i32
      %gather3A_1320 = tpu.memref_slice %arg12[%gather3A_1317, %gather3A_1318, %gather3A_1319] : memref<8x32x128xf32, #tpu.memory_space<vmem>> -> memref<1x32x128xf32, #tpu.memory_space<vmem>>
      %gather3A_1321 = tpu.memref_squeeze %gather3A_1320 : memref<1x32x128xf32, #tpu.memory_space<vmem>> -> memref<32x128xf32, #tpu.memory_space<vmem>>
      %gather3A_1322 = tpu.vector_load_idx %gather3A_1321[%add3A_1316, %broadcast_in_dim3A_1292] : memref<32x128xf32, #tpu.memory_space<vmem>>[vector<16xi32>, vector<16xi32>], vector<16xf32>,
      %mul3A_1323 = arith.mulf %gather3A_1298, %gather3A_1313 : vector<16xf32>
      %mul3A_1324 = arith.mulf %gather3A_1307, %gather3A_1322 : vector<16xf32>
      %add3A_1325 = arith.addf %mul3A_1323, %mul3A_1324 : vector<16xf32>
      %swap3A_1326 = arith.constant 112 : index
      %swap3A_1327 = tpu.vector_load %arg15[%swap3A_1326] {strides = array<i32>} : memref<256xf32, #tpu.memory_space<vmem>>, vector<16xf32>,
      tpu.vector_store %arg15[%swap3A_1326], %add3A_1325 {strides = array<i32>} : memref<256xf32, #tpu.memory_space<vmem>>, vector<16xf32>,
      %slice3A_1328 = vector.extract_strided_slice %mul3A_436 {offsets = [15], sizes = [1], strides = [1]} : vector<16xi32> to vector<1xi32>
      %squeeze3A_1329 = vector.extract %slice3A_1328[0] : i32 from vector<1xi32>
      %slice3A_1330 = vector.extract_strided_slice %mul3A_445 {offsets = [15], sizes = [1], strides = [1]} : vector<16xi32> to vector<1xi32>
      %squeeze3A_1331 = vector.extract %slice3A_1330[0] : i32 from vector<1xi32>
      %multiple_of3A_1332 = tpu.assume_multiple %squeeze3A_1329, 128 : i32
      %dma_start3A_1333 = arith.constant 7 : i32
      %dma_start3A_1334 = arith.constant 7 : i32
      %dma_start3A_1335 = arith.constant 0 : i32
      %dma_start3A_1336 = arith.constant 0 : i32
      %dma_start3A_1337 = tpu.memref_slice %arg11[%dma_start3A_1333, %dma_start3A_1335, %dma_start3A_1336] : memref<8x32x128xf32, #tpu.memory_space<vmem>> -> memref<1x32x128xf32, #tpu.memory_space<vmem>>
      %dma_start3A_1338 = tpu.memref_squeeze %dma_start3A_1337 : memref<1x32x128xf32, #tpu.memory_space<vmem>> -> memref<32x128xf32, #tpu.memory_space<vmem>>
      %dma_start3A_1339 = arith.constant 0 : i32
      %dma_start3A_1340 = tpu.memref_slice %arg4[%dma_start3A_1339, %multiple_of3A_1332] : memref<32x1000000xf32, #tpu.memory_space<hbm>> -> memref<32x128xf32, #tpu.memory_space<hbm>>
      %dma_start3A_1341 = tpu.memref_slice %arg17[%dma_start3A_1334] : memref<8x!tpu.dma_semaphore, #tpu.memory_space<semaphore_mem>> -> memref<1x!tpu.dma_semaphore, #tpu.memory_space<semaphore_mem>>
      %dma_start3A_1342 = tpu.memref_squeeze %dma_start3A_1341 : memref<1x!tpu.dma_semaphore, #tpu.memory_space<semaphore_mem>> -> memref<!tpu.dma_semaphore, #tpu.memory_space<semaphore_mem>>
      %dma_start3A_1343 = arith.constant 0 : i32
      %dma_start3A_1344 = arith.constant 0 : i32
      %dma_start3A_1345 = tpu.memref_slice %arg11[%dma_start3A_1333, %dma_start3A_1343, %dma_start3A_1344] : memref<8x32x128xf32, #tpu.memory_space<vmem>> -> memref<1x32x128xf32, #tpu.memory_space<vmem>>
      %dma_start3A_1346 = tpu.memref_squeeze %dma_start3A_1345 : memref<1x32x128xf32, #tpu.memory_space<vmem>> -> memref<32x128xf32, #tpu.memory_space<vmem>>
      %dma_start3A_1347 = arith.constant 0 : i32
      %dma_start3A_1348 = tpu.memref_slice %arg4[%dma_start3A_1347, %multiple_of3A_1332] : memref<32x1000000xf32, #tpu.memory_space<hbm>> -> memref<32x128xf32, #tpu.memory_space<hbm>>
      tpu.enqueue_dma source(%dma_start3A_1348 : memref<32x128xf32, #tpu.memory_space<hbm>>) target(%dma_start3A_1346 : memref<32x128xf32, #tpu.memory_space<vmem>>) target_semaphore(%dma_start3A_1342 : memref<!tpu.dma_semaphore, #tpu.memory_space<semaphore_mem>>)
      %multiple_of3A_1349 = tpu.assume_multiple %squeeze3A_1331, 128 : i32
      %dma_start3A_1350 = arith.constant 7 : i32
      %dma_start3A_1351 = arith.constant 7 : i32
      %dma_start3A_1352 = arith.constant 0 : i32
      %dma_start3A_1353 = arith.constant 0 : i32
      %dma_start3A_1354 = tpu.memref_slice %arg12[%dma_start3A_1350, %dma_start3A_1352, %dma_start3A_1353] : memref<8x32x128xf32, #tpu.memory_space<vmem>> -> memref<1x32x128xf32, #tpu.memory_space<vmem>>
      %dma_start3A_1355 = tpu.memref_squeeze %dma_start3A_1354 : memref<1x32x128xf32, #tpu.memory_space<vmem>> -> memref<32x128xf32, #tpu.memory_space<vmem>>
      %dma_start3A_1356 = arith.constant 0 : i32
      %dma_start3A_1357 = tpu.memref_slice %arg5[%dma_start3A_1356, %multiple_of3A_1349] : memref<32x1000000xf32, #tpu.memory_space<hbm>> -> memref<32x128xf32, #tpu.memory_space<hbm>>
      %dma_start3A_1358 = tpu.memref_slice %arg18[%dma_start3A_1351] : memref<8x!tpu.dma_semaphore, #tpu.memory_space<semaphore_mem>> -> memref<1x!tpu.dma_semaphore, #tpu.memory_space<semaphore_mem>>
      %dma_start3A_1359 = tpu.memref_squeeze %dma_start3A_1358 : memref<1x!tpu.dma_semaphore, #tpu.memory_space<semaphore_mem>> -> memref<!tpu.dma_semaphore, #tpu.memory_space<semaphore_mem>>
      %dma_start3A_1360 = arith.constant 0 : i32
      %dma_start3A_1361 = arith.constant 0 : i32
      %dma_start3A_1362 = tpu.memref_slice %arg12[%dma_start3A_1350, %dma_start3A_1360, %dma_start3A_1361] : memref<8x32x128xf32, #tpu.memory_space<vmem>> -> memref<1x32x128xf32, #tpu.memory_space<vmem>>
      %dma_start3A_1363 = tpu.memref_squeeze %dma_start3A_1362 : memref<1x32x128xf32, #tpu.memory_space<vmem>> -> memref<32x128xf32, #tpu.memory_space<vmem>>
      %dma_start3A_1364 = arith.constant 0 : i32
      %dma_start3A_1365 = tpu.memref_slice %arg5[%dma_start3A_1364, %multiple_of3A_1349] : memref<32x1000000xf32, #tpu.memory_space<hbm>> -> memref<32x128xf32, #tpu.memory_space<hbm>>
      tpu.enqueue_dma source(%dma_start3A_1365 : memref<32x128xf32, #tpu.memory_space<hbm>>) target(%dma_start3A_1363 : memref<32x128xf32, #tpu.memory_space<vmem>>) target_semaphore(%dma_start3A_1359 : memref<!tpu.dma_semaphore, #tpu.memory_space<semaphore_mem>>)
      %dma_wait3A_1366 = arith.constant 0 : i32
      %dma_wait3A_1367 = arith.constant 0 : i32
      %dma_wait3A_1368 = arith.constant 0 : i32
      %dma_wait3A_1369 = arith.constant 0 : i32
      %dma_wait3A_1370 = tpu.memref_slice %arg11[%dma_wait3A_1366, %dma_wait3A_1368, %dma_wait3A_1369] : memref<8x32x128xf32, #tpu.memory_space<vmem>> -> memref<1x32x128xf32, #tpu.memory_space<vmem>>
      %dma_wait3A_1371 = tpu.memref_squeeze %dma_wait3A_1370 : memref<1x32x128xf32, #tpu.memory_space<vmem>> -> memref<32x128xf32, #tpu.memory_space<vmem>>
      %dma_wait3A_1372 = arith.constant 0 : i32
      %dma_wait3A_1373 = arith.constant 0 : i32
      %dma_wait3A_1374 = tpu.memref_slice %arg4[%dma_wait3A_1372, %dma_wait3A_1373] : memref<32x1000000xf32, #tpu.memory_space<hbm>> -> memref<32x128xf32, #tpu.memory_space<hbm>>
      %dma_wait3A_1375 = tpu.memref_slice %arg17[%dma_wait3A_1367] : memref<8x!tpu.dma_semaphore, #tpu.memory_space<semaphore_mem>> -> memref<1x!tpu.dma_semaphore, #tpu.memory_space<semaphore_mem>>
      %dma_wait3A_1376 = tpu.memref_squeeze %dma_wait3A_1375 : memref<1x!tpu.dma_semaphore, #tpu.memory_space<semaphore_mem>> -> memref<!tpu.dma_semaphore, #tpu.memory_space<semaphore_mem>>
      %dma_wait3A_1377 = arith.constant 0 : i32
      %dma_wait3A_1378 = arith.constant 0 : i32
      %dma_wait3A_1379 = tpu.memref_slice %arg11[%dma_wait3A_1366, %dma_wait3A_1377, %dma_wait3A_1378] : memref<8x32x128xf32, #tpu.memory_space<vmem>> -> memref<1x32x128xf32, #tpu.memory_space<vmem>>
      %dma_wait3A_1380 = tpu.memref_squeeze %dma_wait3A_1379 : memref<1x32x128xf32, #tpu.memory_space<vmem>> -> memref<32x128xf32, #tpu.memory_space<vmem>>
      %dma_wait3A_1381 = arith.constant 0 : i32
      %dma_wait3A_1382 = arith.constant 0 : i32
      %dma_wait3A_1383 = tpu.memref_slice %arg4[%dma_wait3A_1381, %dma_wait3A_1382] : memref<32x1000000xf32, #tpu.memory_space<hbm>> -> memref<32x128xf32, #tpu.memory_space<hbm>>
      tpu.wait_dma2 semaphore(%dma_wait3A_1376 : memref<!tpu.dma_semaphore, #tpu.memory_space<semaphore_mem>>) src(%dma_wait3A_1383 : memref<32x128xf32, #tpu.memory_space<hbm>>) dst(%dma_wait3A_1380 : memref<32x128xf32, #tpu.memory_space<vmem>>)
      %dma_wait3A_1384 = arith.constant 0 : i32
      %dma_wait3A_1385 = arith.constant 0 : i32
      %dma_wait3A_1386 = arith.constant 0 : i32
      %dma_wait3A_1387 = arith.constant 0 : i32
      %dma_wait3A_1388 = tpu.memref_slice %arg12[%dma_wait3A_1384, %dma_wait3A_1386, %dma_wait3A_1387] : memref<8x32x128xf32, #tpu.memory_space<vmem>> -> memref<1x32x128xf32, #tpu.memory_space<vmem>>
      %dma_wait3A_1389 = tpu.memref_squeeze %dma_wait3A_1388 : memref<1x32x128xf32, #tpu.memory_space<vmem>> -> memref<32x128xf32, #tpu.memory_space<vmem>>
      %dma_wait3A_1390 = arith.constant 0 : i32
      %dma_wait3A_1391 = arith.constant 0 : i32
      %dma_wait3A_1392 = tpu.memref_slice %arg5[%dma_wait3A_1390, %dma_wait3A_1391] : memref<32x1000000xf32, #tpu.memory_space<hbm>> -> memref<32x128xf32, #tpu.memory_space<hbm>>
      %dma_wait3A_1393 = tpu.memref_slice %arg18[%dma_wait3A_1385] : memref<8x!tpu.dma_semaphore, #tpu.memory_space<semaphore_mem>> -> memref<1x!tpu.dma_semaphore, #tpu.memory_space<semaphore_mem>>
      %dma_wait3A_1394 = tpu.memref_squeeze %dma_wait3A_1393 : memref<1x!tpu.dma_semaphore, #tpu.memory_space<semaphore_mem>> -> memref<!tpu.dma_semaphore, #tpu.memory_space<semaphore_mem>>
      %dma_wait3A_1395 = arith.constant 0 : i32
      %dma_wait3A_1396 = arith.constant 0 : i32
      %dma_wait3A_1397 = tpu.memref_slice %arg12[%dma_wait3A_1384, %dma_wait3A_1395, %dma_wait3A_1396] : memref<8x32x128xf32, #tpu.memory_space<vmem>> -> memref<1x32x128xf32, #tpu.memory_space<vmem>>
      %dma_wait3A_1398 = tpu.memref_squeeze %dma_wait3A_1397 : memref<1x32x128xf32, #tpu.memory_space<vmem>> -> memref<32x128xf32, #tpu.memory_space<vmem>>
      %dma_wait3A_1399 = arith.constant 0 : i32
      %dma_wait3A_1400 = arith.constant 0 : i32
      %dma_wait3A_1401 = tpu.memref_slice %arg5[%dma_wait3A_1399, %dma_wait3A_1400] : memref<32x1000000xf32, #tpu.memory_space<hbm>> -> memref<32x128xf32, #tpu.memory_space<hbm>>
      tpu.wait_dma2 semaphore(%dma_wait3A_1394 : memref<!tpu.dma_semaphore, #tpu.memory_space<semaphore_mem>>) src(%dma_wait3A_1401 : memref<32x128xf32, #tpu.memory_space<hbm>>) dst(%dma_wait3A_1398 : memref<32x128xf32, #tpu.memory_space<vmem>>)
      %slice3A_1402 = vector.extract_strided_slice %and3A_439 {offsets = [8], sizes = [1], strides = [1]} : vector<16xi32> to vector<1xi32>
      %squeeze3A_1403 = vector.extract %slice3A_1402[0] : i32 from vector<1xi32>
      %broadcast_in_dim3A_1404 = vector.broadcast %squeeze3A_1403 : i32 to vector<16xi32>
      %slice3A_1405 = vector.extract_strided_slice %and3A_448 {offsets = [8], sizes = [1], strides = [1]} : vector<16xi32> to vector<1xi32>
      %squeeze3A_1406 = vector.extract %slice3A_1405[0] : i32 from vector<1xi32>
      %broadcast_in_dim3A_1407 = vector.broadcast %squeeze3A_1406 : i32 to vector<16xi32>
      %gather3A_1408 = arith.constant 0 : i32
      %gather3A_1409 = arith.constant 0 : i32
      %gather3A_1410 = arith.constant 0 : i32
      %gather3A_1411 = tpu.memref_slice %arg11[%gather3A_1408, %gather3A_1409, %gather3A_1410] : memref<8x32x128xf32, #tpu.memory_space<vmem>> -> memref<1x32x128xf32, #tpu.memory_space<vmem>>
      %gather3A_1412 = tpu.memref_squeeze %gather3A_1411 : memref<1x32x128xf32, #tpu.memory_space<vmem>> -> memref<32x128xf32, #tpu.memory_space<vmem>>
      %gather3A_1413 = tpu.vector_load_idx %gather3A_1412[%iota3A, %broadcast_in_dim3A_1404] : memref<32x128xf32, #tpu.memory_space<vmem>>[vector<16xi32>, vector<16xi32>], vector<16xf32>,
      %add3A_1414 = arith.constant 16 : i32
      %add3A_1415 = vector.broadcast %add3A_1414 : i32 to vector<16xi32>
      %add3A_1416 = arith.addi %iota3A, %add3A_1415 : vector<16xi32>
      %gather3A_1417 = arith.constant 0 : i32
      %gather3A_1418 = arith.constant 0 : i32
      %gather3A_1419 = arith.constant 0 : i32
      %gather3A_1420 = tpu.memref_slice %arg11[%gather3A_1417, %gather3A_1418, %gather3A_1419] : memref<8x32x128xf32, #tpu.memory_space<vmem>> -> memref<1x32x128xf32, #tpu.memory_space<vmem>>
      %gather3A_1421 = tpu.memref_squeeze %gather3A_1420 : memref<1x32x128xf32, #tpu.memory_space<vmem>> -> memref<32x128xf32, #tpu.memory_space<vmem>>
      %gather3A_1422 = tpu.vector_load_idx %gather3A_1421[%add3A_1416, %broadcast_in_dim3A_1404] : memref<32x128xf32, #tpu.memory_space<vmem>>[vector<16xi32>, vector<16xi32>], vector<16xf32>,
      %gather3A_1423 = arith.constant 0 : i32
      %gather3A_1424 = arith.constant 0 : i32
      %gather3A_1425 = arith.constant 0 : i32
      %gather3A_1426 = tpu.memref_slice %arg12[%gather3A_1423, %gather3A_1424, %gather3A_1425] : memref<8x32x128xf32, #tpu.memory_space<vmem>> -> memref<1x32x128xf32, #tpu.memory_space<vmem>>
      %gather3A_1427 = tpu.memref_squeeze %gather3A_1426 : memref<1x32x128xf32, #tpu.memory_space<vmem>> -> memref<32x128xf32, #tpu.memory_space<vmem>>
      %gather3A_1428 = tpu.vector_load_idx %gather3A_1427[%iota3A, %broadcast_in_dim3A_1407] : memref<32x128xf32, #tpu.memory_space<vmem>>[vector<16xi32>, vector<16xi32>], vector<16xf32>,
      %add3A_1429 = arith.constant 16 : i32
      %add3A_1430 = vector.broadcast %add3A_1429 : i32 to vector<16xi32>
      %add3A_1431 = arith.addi %iota3A, %add3A_1430 : vector<16xi32>
      %gather3A_1432 = arith.constant 0 : i32
      %gather3A_1433 = arith.constant 0 : i32
      %gather3A_1434 = arith.constant 0 : i32
      %gather3A_1435 = tpu.memref_slice %arg12[%gather3A_1432, %gather3A_1433, %gather3A_1434] : memref<8x32x128xf32, #tpu.memory_space<vmem>> -> memref<1x32x128xf32, #tpu.memory_space<vmem>>
      %gather3A_1436 = tpu.memref_squeeze %gather3A_1435 : memref<1x32x128xf32, #tpu.memory_space<vmem>> -> memref<32x128xf32, #tpu.memory_space<vmem>>
      %gather3A_1437 = tpu.vector_load_idx %gather3A_1436[%add3A_1431, %broadcast_in_dim3A_1407] : memref<32x128xf32, #tpu.memory_space<vmem>>[vector<16xi32>, vector<16xi32>], vector<16xf32>,
      %mul3A_1438 = arith.mulf %gather3A_1413, %gather3A_1428 : vector<16xf32>
      %mul3A_1439 = arith.mulf %gather3A_1422, %gather3A_1437 : vector<16xf32>
      %add3A_1440 = arith.addf %mul3A_1438, %mul3A_1439 : vector<16xf32>
      %swap3A_1441 = arith.constant 128 : index
      %swap3A_1442 = tpu.vector_load %arg15[%swap3A_1441] {strides = array<i32>} : memref<256xf32, #tpu.memory_space<vmem>>, vector<16xf32>,
      tpu.vector_store %arg15[%swap3A_1441], %add3A_1440 {strides = array<i32>} : memref<256xf32, #tpu.memory_space<vmem>>, vector<16xf32>,
      %lt3A = arith.constant 31 : i32
      %lt3A_1443 = arith.cmpi slt, %scan3A_422, %lt3A : i32
      %convert_element_type3A = arith.extui %lt3A_1443 : i1 to i32
      %cond3A = arith.constant 0 : i32
      %cond3A_1444 = arith.cmpi ne, %convert_element_type3A, %cond3A : i32
      scf.if %cond3A_1444 {
        %add3A_2160 = arith.constant 1 : i32
        %add3A_2161 = arith.addi %scan3A_422, %add3A_2160 : i32
        %mul3A_2162 = arith.constant 16 : i32
        %mul3A_2163 = arith.muli %add3A_2161, %mul3A_2162 : i32
        %get3A_2164 = arith.index_cast %mul3A_2163 : i32 to index
        %get3A_2165 = tpu.vector_load %arg9[%get3A_2164] {strides = array<i32>} : memref<512xi32, #tpu.memory_space<vmem>>, vector<16xi32>,
        %mul3A_2166 = arith.constant 16 : i32
        %mul3A_2167 = arith.muli %add3A_2161, %mul3A_2166 : i32
        %get3A_2168 = arith.index_cast %mul3A_2167 : i32 to index
        %get3A_2169 = tpu.vector_load %arg10[%get3A_2168] {strides = array<i32>} : memref<512xi32, #tpu.memory_space<vmem>>, vector<16xi32>,
        %shift_right_arithmetic3A_2170 = arith.constant 7 : i32
        %shift_right_arithmetic3A_2171 = vector.broadcast %shift_right_arithmetic3A_2170 : i32 to vector<16xi32>
        %shift_right_arithmetic3A_2172 = arith.shrsi %get3A_2165, %shift_right_arithmetic3A_2171 : vector<16xi32>
        %mul3A_2173 = arith.constant 128 : i32
        %mul3A_2174 = vector.broadcast %mul3A_2173 : i32 to vector<16xi32>
        %mul3A_2175 = arith.muli %shift_right_arithmetic3A_2172, %mul3A_2174 : vector<16xi32>
        %and3A_2176 = arith.constant 127 : i32
        %and3A_2177 = vector.broadcast %and3A_2176 : i32 to vector<16xi32>
        %and3A_2178 = arith.andi %get3A_2165, %and3A_2177 : vector<16xi32>
        %shift_right_arithmetic3A_2179 = arith.constant 7 : i32
        %shift_right_arithmetic3A_2180 = vector.broadcast %shift_right_arithmetic3A_2179 : i32 to vector<16xi32>
        %shift_right_arithmetic3A_2181 = arith.shrsi %get3A_2169, %shift_right_arithmetic3A_2180 : vector<16xi32>
        %mul3A_2182 = arith.constant 128 : i32
        %mul3A_2183 = vector.broadcast %mul3A_2182 : i32 to vector<16xi32>
        %mul3A_2184 = arith.muli %shift_right_arithmetic3A_2181, %mul3A_2183 : vector<16xi32>
        %and3A_2185 = arith.constant 127 : i32
        %and3A_2186 = vector.broadcast %and3A_2185 : i32 to vector<16xi32>
        %and3A_2187 = arith.andi %get3A_2169, %and3A_2186 : vector<16xi32>
        %slice3A_2188 = vector.extract_strided_slice %mul3A_2175 {offsets = [0], sizes = [1], strides = [1]} : vector<16xi32> to vector<1xi32>
        %squeeze3A_2189 = vector.extract %slice3A_2188[0] : i32 from vector<1xi32>
        %slice3A_2190 = vector.extract_strided_slice %mul3A_2184 {offsets = [0], sizes = [1], strides = [1]} : vector<16xi32> to vector<1xi32>
        %squeeze3A_2191 = vector.extract %slice3A_2190[0] : i32 from vector<1xi32>
        %multiple_of3A_2192 = tpu.assume_multiple %squeeze3A_2189, 128 : i32
        %dma_start3A_2193 = arith.constant 0 : i32
        %dma_start3A_2194 = arith.constant 0 : i32
        %dma_start3A_2195 = arith.constant 0 : i32
        %dma_start3A_2196 = arith.constant 0 : i32
        %dma_start3A_2197 = tpu.memref_slice %arg11[%dma_start3A_2193, %dma_start3A_2195, %dma_start3A_2196] : memref<8x32x128xf32, #tpu.memory_space<vmem>> -> memref<1x32x128xf32, #tpu.memory_space<vmem>>
        %dma_start3A_2198 = tpu.memref_squeeze %dma_start3A_2197 : memref<1x32x128xf32, #tpu.memory_space<vmem>> -> memref<32x128xf32, #tpu.memory_space<vmem>>
        %dma_start3A_2199 = arith.constant 0 : i32
        %dma_start3A_2200 = tpu.memref_slice %arg4[%dma_start3A_2199, %multiple_of3A_2192] : memref<32x1000000xf32, #tpu.memory_space<hbm>> -> memref<32x128xf32, #tpu.memory_space<hbm>>
        %dma_start3A_2201 = tpu.memref_slice %arg17[%dma_start3A_2194] : memref<8x!tpu.dma_semaphore, #tpu.memory_space<semaphore_mem>> -> memref<1x!tpu.dma_semaphore, #tpu.memory_space<semaphore_mem>>
        %dma_start3A_2202 = tpu.memref_squeeze %dma_start3A_2201 : memref<1x!tpu.dma_semaphore, #tpu.memory_space<semaphore_mem>> -> memref<!tpu.dma_semaphore, #tpu.memory_space<semaphore_mem>>
        %dma_start3A_2203 = arith.constant 0 : i32
        %dma_start3A_2204 = arith.constant 0 : i32
        %dma_start3A_2205 = tpu.memref_slice %arg11[%dma_start3A_2193, %dma_start3A_2203, %dma_start3A_2204] : memref<8x32x128xf32, #tpu.memory_space<vmem>> -> memref<1x32x128xf32, #tpu.memory_space<vmem>>
        %dma_start3A_2206 = tpu.memref_squeeze %dma_start3A_2205 : memref<1x32x128xf32, #tpu.memory_space<vmem>> -> memref<32x128xf32, #tpu.memory_space<vmem>>
        %dma_start3A_2207 = arith.constant 0 : i32
        %dma_start3A_2208 = tpu.memref_slice %arg4[%dma_start3A_2207, %multiple_of3A_2192] : memref<32x1000000xf32, #tpu.memory_space<hbm>> -> memref<32x128xf32, #tpu.memory_space<hbm>>
        tpu.enqueue_dma source(%dma_start3A_2208 : memref<32x128xf32, #tpu.memory_space<hbm>>) target(%dma_start3A_2206 : memref<32x128xf32, #tpu.memory_space<vmem>>) target_semaphore(%dma_start3A_2202 : memref<!tpu.dma_semaphore, #tpu.memory_space<semaphore_mem>>)
        %multiple_of3A_2209 = tpu.assume_multiple %squeeze3A_2191, 128 : i32
        %dma_start3A_2210 = arith.constant 0 : i32
        %dma_start3A_2211 = arith.constant 0 : i32
        %dma_start3A_2212 = arith.constant 0 : i32
        %dma_start3A_2213 = arith.constant 0 : i32
        %dma_start3A_2214 = tpu.memref_slice %arg12[%dma_start3A_2210, %dma_start3A_2212, %dma_start3A_2213] : memref<8x32x128xf32, #tpu.memory_space<vmem>> -> memref<1x32x128xf32, #tpu.memory_space<vmem>>
        %dma_start3A_2215 = tpu.memref_squeeze %dma_start3A_2214 : memref<1x32x128xf32, #tpu.memory_space<vmem>> -> memref<32x128xf32, #tpu.memory_space<vmem>>
        %dma_start3A_2216 = arith.constant 0 : i32
        %dma_start3A_2217 = tpu.memref_slice %arg5[%dma_start3A_2216, %multiple_of3A_2209] : memref<32x1000000xf32, #tpu.memory_space<hbm>> -> memref<32x128xf32, #tpu.memory_space<hbm>>
        %dma_start3A_2218 = tpu.memref_slice %arg18[%dma_start3A_2211] : memref<8x!tpu.dma_semaphore, #tpu.memory_space<semaphore_mem>> -> memref<1x!tpu.dma_semaphore, #tpu.memory_space<semaphore_mem>>
        %dma_start3A_2219 = tpu.memref_squeeze %dma_start3A_2218 : memref<1x!tpu.dma_semaphore, #tpu.memory_space<semaphore_mem>> -> memref<!tpu.dma_semaphore, #tpu.memory_space<semaphore_mem>>
        %dma_start3A_2220 = arith.constant 0 : i32
        %dma_start3A_2221 = arith.constant 0 : i32
        %dma_start3A_2222 = tpu.memref_slice %arg12[%dma_start3A_2210, %dma_start3A_2220, %dma_start3A_2221] : memref<8x32x128xf32, #tpu.memory_space<vmem>> -> memref<1x32x128xf32, #tpu.memory_space<vmem>>
        %dma_start3A_2223 = tpu.memref_squeeze %dma_start3A_2222 : memref<1x32x128xf32, #tpu.memory_space<vmem>> -> memref<32x128xf32, #tpu.memory_space<vmem>>
        %dma_start3A_2224 = arith.constant 0 : i32
        %dma_start3A_2225 = tpu.memref_slice %arg5[%dma_start3A_2224, %multiple_of3A_2209] : memref<32x1000000xf32, #tpu.memory_space<hbm>> -> memref<32x128xf32, #tpu.memory_space<hbm>>
        tpu.enqueue_dma source(%dma_start3A_2225 : memref<32x128xf32, #tpu.memory_space<hbm>>) target(%dma_start3A_2223 : memref<32x128xf32, #tpu.memory_space<vmem>>) target_semaphore(%dma_start3A_2219 : memref<!tpu.dma_semaphore, #tpu.memory_space<semaphore_mem>>)
      } else {
      }
      %dma_wait3A_1445 = arith.constant 1 : i32
      %dma_wait3A_1446 = arith.constant 1 : i32
      %dma_wait3A_1447 = arith.constant 0 : i32
      %dma_wait3A_1448 = arith.constant 0 : i32
      %dma_wait3A_1449 = tpu.memref_slice %arg11[%dma_wait3A_1445, %dma_wait3A_1447, %dma_wait3A_1448] : memref<8x32x128xf32, #tpu.memory_space<vmem>> -> memref<1x32x128xf32, #tpu.memory_space<vmem>>
      %dma_wait3A_1450 = tpu.memref_squeeze %dma_wait3A_1449 : memref<1x32x128xf32, #tpu.memory_space<vmem>> -> memref<32x128xf32, #tpu.memory_space<vmem>>
      %dma_wait3A_1451 = arith.constant 0 : i32
      %dma_wait3A_1452 = arith.constant 0 : i32
      %dma_wait3A_1453 = tpu.memref_slice %arg4[%dma_wait3A_1451, %dma_wait3A_1452] : memref<32x1000000xf32, #tpu.memory_space<hbm>> -> memref<32x128xf32, #tpu.memory_space<hbm>>
      %dma_wait3A_1454 = tpu.memref_slice %arg17[%dma_wait3A_1446] : memref<8x!tpu.dma_semaphore, #tpu.memory_space<semaphore_mem>> -> memref<1x!tpu.dma_semaphore, #tpu.memory_space<semaphore_mem>>
      %dma_wait3A_1455 = tpu.memref_squeeze %dma_wait3A_1454 : memref<1x!tpu.dma_semaphore, #tpu.memory_space<semaphore_mem>> -> memref<!tpu.dma_semaphore, #tpu.memory_space<semaphore_mem>>
      %dma_wait3A_1456 = arith.constant 0 : i32
      %dma_wait3A_1457 = arith.constant 0 : i32
      %dma_wait3A_1458 = tpu.memref_slice %arg11[%dma_wait3A_1445, %dma_wait3A_1456, %dma_wait3A_1457] : memref<8x32x128xf32, #tpu.memory_space<vmem>> -> memref<1x32x128xf32, #tpu.memory_space<vmem>>
      %dma_wait3A_1459 = tpu.memref_squeeze %dma_wait3A_1458 : memref<1x32x128xf32, #tpu.memory_space<vmem>> -> memref<32x128xf32, #tpu.memory_space<vmem>>
      %dma_wait3A_1460 = arith.constant 0 : i32
      %dma_wait3A_1461 = arith.constant 0 : i32
      %dma_wait3A_1462 = tpu.memref_slice %arg4[%dma_wait3A_1460, %dma_wait3A_1461] : memref<32x1000000xf32, #tpu.memory_space<hbm>> -> memref<32x128xf32, #tpu.memory_space<hbm>>
      tpu.wait_dma2 semaphore(%dma_wait3A_1455 : memref<!tpu.dma_semaphore, #tpu.memory_space<semaphore_mem>>) src(%dma_wait3A_1462 : memref<32x128xf32, #tpu.memory_space<hbm>>) dst(%dma_wait3A_1459 : memref<32x128xf32, #tpu.memory_space<vmem>>)
      %dma_wait3A_1463 = arith.constant 1 : i32
      %dma_wait3A_1464 = arith.constant 1 : i32
      %dma_wait3A_1465 = arith.constant 0 : i32
      %dma_wait3A_1466 = arith.constant 0 : i32
      %dma_wait3A_1467 = tpu.memref_slice %arg12[%dma_wait3A_1463, %dma_wait3A_1465, %dma_wait3A_1466] : memref<8x32x128xf32, #tpu.memory_space<vmem>> -> memref<1x32x128xf32, #tpu.memory_space<vmem>>
      %dma_wait3A_1468 = tpu.memref_squeeze %dma_wait3A_1467 : memref<1x32x128xf32, #tpu.memory_space<vmem>> -> memref<32x128xf32, #tpu.memory_space<vmem>>
      %dma_wait3A_1469 = arith.constant 0 : i32
      %dma_wait3A_1470 = arith.constant 0 : i32
      %dma_wait3A_1471 = tpu.memref_slice %arg5[%dma_wait3A_1469, %dma_wait3A_1470] : memref<32x1000000xf32, #tpu.memory_space<hbm>> -> memref<32x128xf32, #tpu.memory_space<hbm>>
      %dma_wait3A_1472 = tpu.memref_slice %arg18[%dma_wait3A_1464] : memref<8x!tpu.dma_semaphore, #tpu.memory_space<semaphore_mem>> -> memref<1x!tpu.dma_semaphore, #tpu.memory_space<semaphore_mem>>
      %dma_wait3A_1473 = tpu.memref_squeeze %dma_wait3A_1472 : memref<1x!tpu.dma_semaphore, #tpu.memory_space<semaphore_mem>> -> memref<!tpu.dma_semaphore, #tpu.memory_space<semaphore_mem>>
      %dma_wait3A_1474 = arith.constant 0 : i32
      %dma_wait3A_1475 = arith.constant 0 : i32
      %dma_wait3A_1476 = tpu.memref_slice %arg12[%dma_wait3A_1463, %dma_wait3A_1474, %dma_wait3A_1475] : memref<8x32x128xf32, #tpu.memory_space<vmem>> -> memref<1x32x128xf32, #tpu.memory_space<vmem>>
      %dma_wait3A_1477 = tpu.memref_squeeze %dma_wait3A_1476 : memref<1x32x128xf32, #tpu.memory_space<vmem>> -> memref<32x128xf32, #tpu.memory_space<vmem>>
      %dma_wait3A_1478 = arith.constant 0 : i32
      %dma_wait3A_1479 = arith.constant 0 : i32
      %dma_wait3A_1480 = tpu.memref_slice %arg5[%dma_wait3A_1478, %dma_wait3A_1479] : memref<32x1000000xf32, #tpu.memory_space<hbm>> -> memref<32x128xf32, #tpu.memory_space<hbm>>
      tpu.wait_dma2 semaphore(%dma_wait3A_1473 : memref<!tpu.dma_semaphore, #tpu.memory_space<semaphore_mem>>) src(%dma_wait3A_1480 : memref<32x128xf32, #tpu.memory_space<hbm>>) dst(%dma_wait3A_1477 : memref<32x128xf32, #tpu.memory_space<vmem>>)
      %slice3A_1481 = vector.extract_strided_slice %and3A_439 {offsets = [9], sizes = [1], strides = [1]} : vector<16xi32> to vector<1xi32>
      %squeeze3A_1482 = vector.extract %slice3A_1481[0] : i32 from vector<1xi32>
      %broadcast_in_dim3A_1483 = vector.broadcast %squeeze3A_1482 : i32 to vector<16xi32>
      %slice3A_1484 = vector.extract_strided_slice %and3A_448 {offsets = [9], sizes = [1], strides = [1]} : vector<16xi32> to vector<1xi32>
      %squeeze3A_1485 = vector.extract %slice3A_1484[0] : i32 from vector<1xi32>
      %broadcast_in_dim3A_1486 = vector.broadcast %squeeze3A_1485 : i32 to vector<16xi32>
      %gather3A_1487 = arith.constant 1 : i32
      %gather3A_1488 = arith.constant 0 : i32
      %gather3A_1489 = arith.constant 0 : i32
      %gather3A_1490 = tpu.memref_slice %arg11[%gather3A_1487, %gather3A_1488, %gather3A_1489] : memref<8x32x128xf32, #tpu.memory_space<vmem>> -> memref<1x32x128xf32, #tpu.memory_space<vmem>>
      %gather3A_1491 = tpu.memref_squeeze %gather3A_1490 : memref<1x32x128xf32, #tpu.memory_space<vmem>> -> memref<32x128xf32, #tpu.memory_space<vmem>>
      %gather3A_1492 = tpu.vector_load_idx %gather3A_1491[%iota3A, %broadcast_in_dim3A_1483] : memref<32x128xf32, #tpu.memory_space<vmem>>[vector<16xi32>, vector<16xi32>], vector<16xf32>,
      %add3A_1493 = arith.constant 16 : i32
      %add3A_1494 = vector.broadcast %add3A_1493 : i32 to vector<16xi32>
      %add3A_1495 = arith.addi %iota3A, %add3A_1494 : vector<16xi32>
      %gather3A_1496 = arith.constant 1 : i32
      %gather3A_1497 = arith.constant 0 : i32
      %gather3A_1498 = arith.constant 0 : i32
      %gather3A_1499 = tpu.memref_slice %arg11[%gather3A_1496, %gather3A_1497, %gather3A_1498] : memref<8x32x128xf32, #tpu.memory_space<vmem>> -> memref<1x32x128xf32, #tpu.memory_space<vmem>>
      %gather3A_1500 = tpu.memref_squeeze %gather3A_1499 : memref<1x32x128xf32, #tpu.memory_space<vmem>> -> memref<32x128xf32, #tpu.memory_space<vmem>>
      %gather3A_1501 = tpu.vector_load_idx %gather3A_1500[%add3A_1495, %broadcast_in_dim3A_1483] : memref<32x128xf32, #tpu.memory_space<vmem>>[vector<16xi32>, vector<16xi32>], vector<16xf32>,
      %gather3A_1502 = arith.constant 1 : i32
      %gather3A_1503 = arith.constant 0 : i32
      %gather3A_1504 = arith.constant 0 : i32
      %gather3A_1505 = tpu.memref_slice %arg12[%gather3A_1502, %gather3A_1503, %gather3A_1504] : memref<8x32x128xf32, #tpu.memory_space<vmem>> -> memref<1x32x128xf32, #tpu.memory_space<vmem>>
      %gather3A_1506 = tpu.memref_squeeze %gather3A_1505 : memref<1x32x128xf32, #tpu.memory_space<vmem>> -> memref<32x128xf32, #tpu.memory_space<vmem>>
      %gather3A_1507 = tpu.vector_load_idx %gather3A_1506[%iota3A, %broadcast_in_dim3A_1486] : memref<32x128xf32, #tpu.memory_space<vmem>>[vector<16xi32>, vector<16xi32>], vector<16xf32>,
      %add3A_1508 = arith.constant 16 : i32
      %add3A_1509 = vector.broadcast %add3A_1508 : i32 to vector<16xi32>
      %add3A_1510 = arith.addi %iota3A, %add3A_1509 : vector<16xi32>
      %gather3A_1511 = arith.constant 1 : i32
      %gather3A_1512 = arith.constant 0 : i32
      %gather3A_1513 = arith.constant 0 : i32
      %gather3A_1514 = tpu.memref_slice %arg12[%gather3A_1511, %gather3A_1512, %gather3A_1513] : memref<8x32x128xf32, #tpu.memory_space<vmem>> -> memref<1x32x128xf32, #tpu.memory_space<vmem>>
      %gather3A_1515 = tpu.memref_squeeze %gather3A_1514 : memref<1x32x128xf32, #tpu.memory_space<vmem>> -> memref<32x128xf32, #tpu.memory_space<vmem>>
      %gather3A_1516 = tpu.vector_load_idx %gather3A_1515[%add3A_1510, %broadcast_in_dim3A_1486] : memref<32x128xf32, #tpu.memory_space<vmem>>[vector<16xi32>, vector<16xi32>], vector<16xf32>,
      %mul3A_1517 = arith.mulf %gather3A_1492, %gather3A_1507 : vector<16xf32>
      %mul3A_1518 = arith.mulf %gather3A_1501, %gather3A_1516 : vector<16xf32>
      %add3A_1519 = arith.addf %mul3A_1517, %mul3A_1518 : vector<16xf32>
      %swap3A_1520 = arith.constant 144 : index
      %swap3A_1521 = tpu.vector_load %arg15[%swap3A_1520] {strides = array<i32>} : memref<256xf32, #tpu.memory_space<vmem>>, vector<16xf32>,
      tpu.vector_store %arg15[%swap3A_1520], %add3A_1519 {strides = array<i32>} : memref<256xf32, #tpu.memory_space<vmem>>, vector<16xf32>,
      %lt3A_1522 = arith.constant 31 : i32
      %lt3A_1523 = arith.cmpi slt, %scan3A_422, %lt3A_1522 : i32
      %convert_element_type3A_1524 = arith.extui %lt3A_1523 : i1 to i32
      %cond3A_1525 = arith.constant 0 : i32
      %cond3A_1526 = arith.cmpi ne, %convert_element_type3A_1524, %cond3A_1525 : i32
      scf.if %cond3A_1526 {
        %add3A_2160 = arith.constant 1 : i32
        %add3A_2161 = arith.addi %scan3A_422, %add3A_2160 : i32
        %mul3A_2162 = arith.constant 16 : i32
        %mul3A_2163 = arith.muli %add3A_2161, %mul3A_2162 : i32
        %get3A_2164 = arith.index_cast %mul3A_2163 : i32 to index
        %get3A_2165 = tpu.vector_load %arg9[%get3A_2164] {strides = array<i32>} : memref<512xi32, #tpu.memory_space<vmem>>, vector<16xi32>,
        %mul3A_2166 = arith.constant 16 : i32
        %mul3A_2167 = arith.muli %add3A_2161, %mul3A_2166 : i32
        %get3A_2168 = arith.index_cast %mul3A_2167 : i32 to index
        %get3A_2169 = tpu.vector_load %arg10[%get3A_2168] {strides = array<i32>} : memref<512xi32, #tpu.memory_space<vmem>>, vector<16xi32>,
        %shift_right_arithmetic3A_2170 = arith.constant 7 : i32
        %shift_right_arithmetic3A_2171 = vector.broadcast %shift_right_arithmetic3A_2170 : i32 to vector<16xi32>
        %shift_right_arithmetic3A_2172 = arith.shrsi %get3A_2165, %shift_right_arithmetic3A_2171 : vector<16xi32>
        %mul3A_2173 = arith.constant 128 : i32
        %mul3A_2174 = vector.broadcast %mul3A_2173 : i32 to vector<16xi32>
        %mul3A_2175 = arith.muli %shift_right_arithmetic3A_2172, %mul3A_2174 : vector<16xi32>
        %and3A_2176 = arith.constant 127 : i32
        %and3A_2177 = vector.broadcast %and3A_2176 : i32 to vector<16xi32>
        %and3A_2178 = arith.andi %get3A_2165, %and3A_2177 : vector<16xi32>
        %shift_right_arithmetic3A_2179 = arith.constant 7 : i32
        %shift_right_arithmetic3A_2180 = vector.broadcast %shift_right_arithmetic3A_2179 : i32 to vector<16xi32>
        %shift_right_arithmetic3A_2181 = arith.shrsi %get3A_2169, %shift_right_arithmetic3A_2180 : vector<16xi32>
        %mul3A_2182 = arith.constant 128 : i32
        %mul3A_2183 = vector.broadcast %mul3A_2182 : i32 to vector<16xi32>
        %mul3A_2184 = arith.muli %shift_right_arithmetic3A_2181, %mul3A_2183 : vector<16xi32>
        %and3A_2185 = arith.constant 127 : i32
        %and3A_2186 = vector.broadcast %and3A_2185 : i32 to vector<16xi32>
        %and3A_2187 = arith.andi %get3A_2169, %and3A_2186 : vector<16xi32>
        %slice3A_2188 = vector.extract_strided_slice %mul3A_2175 {offsets = [1], sizes = [1], strides = [1]} : vector<16xi32> to vector<1xi32>
        %squeeze3A_2189 = vector.extract %slice3A_2188[0] : i32 from vector<1xi32>
        %slice3A_2190 = vector.extract_strided_slice %mul3A_2184 {offsets = [1], sizes = [1], strides = [1]} : vector<16xi32> to vector<1xi32>
        %squeeze3A_2191 = vector.extract %slice3A_2190[0] : i32 from vector<1xi32>
        %multiple_of3A_2192 = tpu.assume_multiple %squeeze3A_2189, 128 : i32
        %dma_start3A_2193 = arith.constant 1 : i32
        %dma_start3A_2194 = arith.constant 1 : i32
        %dma_start3A_2195 = arith.constant 0 : i32
        %dma_start3A_2196 = arith.constant 0 : i32
        %dma_start3A_2197 = tpu.memref_slice %arg11[%dma_start3A_2193, %dma_start3A_2195, %dma_start3A_2196] : memref<8x32x128xf32, #tpu.memory_space<vmem>> -> memref<1x32x128xf32, #tpu.memory_space<vmem>>
        %dma_start3A_2198 = tpu.memref_squeeze %dma_start3A_2197 : memref<1x32x128xf32, #tpu.memory_space<vmem>> -> memref<32x128xf32, #tpu.memory_space<vmem>>
        %dma_start3A_2199 = arith.constant 0 : i32
        %dma_start3A_2200 = tpu.memref_slice %arg4[%dma_start3A_2199, %multiple_of3A_2192] : memref<32x1000000xf32, #tpu.memory_space<hbm>> -> memref<32x128xf32, #tpu.memory_space<hbm>>
        %dma_start3A_2201 = tpu.memref_slice %arg17[%dma_start3A_2194] : memref<8x!tpu.dma_semaphore, #tpu.memory_space<semaphore_mem>> -> memref<1x!tpu.dma_semaphore, #tpu.memory_space<semaphore_mem>>
        %dma_start3A_2202 = tpu.memref_squeeze %dma_start3A_2201 : memref<1x!tpu.dma_semaphore, #tpu.memory_space<semaphore_mem>> -> memref<!tpu.dma_semaphore, #tpu.memory_space<semaphore_mem>>
        %dma_start3A_2203 = arith.constant 0 : i32
        %dma_start3A_2204 = arith.constant 0 : i32
        %dma_start3A_2205 = tpu.memref_slice %arg11[%dma_start3A_2193, %dma_start3A_2203, %dma_start3A_2204] : memref<8x32x128xf32, #tpu.memory_space<vmem>> -> memref<1x32x128xf32, #tpu.memory_space<vmem>>
        %dma_start3A_2206 = tpu.memref_squeeze %dma_start3A_2205 : memref<1x32x128xf32, #tpu.memory_space<vmem>> -> memref<32x128xf32, #tpu.memory_space<vmem>>
        %dma_start3A_2207 = arith.constant 0 : i32
        %dma_start3A_2208 = tpu.memref_slice %arg4[%dma_start3A_2207, %multiple_of3A_2192] : memref<32x1000000xf32, #tpu.memory_space<hbm>> -> memref<32x128xf32, #tpu.memory_space<hbm>>
        tpu.enqueue_dma source(%dma_start3A_2208 : memref<32x128xf32, #tpu.memory_space<hbm>>) target(%dma_start3A_2206 : memref<32x128xf32, #tpu.memory_space<vmem>>) target_semaphore(%dma_start3A_2202 : memref<!tpu.dma_semaphore, #tpu.memory_space<semaphore_mem>>)
        %multiple_of3A_2209 = tpu.assume_multiple %squeeze3A_2191, 128 : i32
        %dma_start3A_2210 = arith.constant 1 : i32
        %dma_start3A_2211 = arith.constant 1 : i32
        %dma_start3A_2212 = arith.constant 0 : i32
        %dma_start3A_2213 = arith.constant 0 : i32
        %dma_start3A_2214 = tpu.memref_slice %arg12[%dma_start3A_2210, %dma_start3A_2212, %dma_start3A_2213] : memref<8x32x128xf32, #tpu.memory_space<vmem>> -> memref<1x32x128xf32, #tpu.memory_space<vmem>>
        %dma_start3A_2215 = tpu.memref_squeeze %dma_start3A_2214 : memref<1x32x128xf32, #tpu.memory_space<vmem>> -> memref<32x128xf32, #tpu.memory_space<vmem>>
        %dma_start3A_2216 = arith.constant 0 : i32
        %dma_start3A_2217 = tpu.memref_slice %arg5[%dma_start3A_2216, %multiple_of3A_2209] : memref<32x1000000xf32, #tpu.memory_space<hbm>> -> memref<32x128xf32, #tpu.memory_space<hbm>>
        %dma_start3A_2218 = tpu.memref_slice %arg18[%dma_start3A_2211] : memref<8x!tpu.dma_semaphore, #tpu.memory_space<semaphore_mem>> -> memref<1x!tpu.dma_semaphore, #tpu.memory_space<semaphore_mem>>
        %dma_start3A_2219 = tpu.memref_squeeze %dma_start3A_2218 : memref<1x!tpu.dma_semaphore, #tpu.memory_space<semaphore_mem>> -> memref<!tpu.dma_semaphore, #tpu.memory_space<semaphore_mem>>
        %dma_start3A_2220 = arith.constant 0 : i32
        %dma_start3A_2221 = arith.constant 0 : i32
        %dma_start3A_2222 = tpu.memref_slice %arg12[%dma_start3A_2210, %dma_start3A_2220, %dma_start3A_2221] : memref<8x32x128xf32, #tpu.memory_space<vmem>> -> memref<1x32x128xf32, #tpu.memory_space<vmem>>
        %dma_start3A_2223 = tpu.memref_squeeze %dma_start3A_2222 : memref<1x32x128xf32, #tpu.memory_space<vmem>> -> memref<32x128xf32, #tpu.memory_space<vmem>>
        %dma_start3A_2224 = arith.constant 0 : i32
        %dma_start3A_2225 = tpu.memref_slice %arg5[%dma_start3A_2224, %multiple_of3A_2209] : memref<32x1000000xf32, #tpu.memory_space<hbm>> -> memref<32x128xf32, #tpu.memory_space<hbm>>
        tpu.enqueue_dma source(%dma_start3A_2225 : memref<32x128xf32, #tpu.memory_space<hbm>>) target(%dma_start3A_2223 : memref<32x128xf32, #tpu.memory_space<vmem>>) target_semaphore(%dma_start3A_2219 : memref<!tpu.dma_semaphore, #tpu.memory_space<semaphore_mem>>)
      } else {
      }
      %dma_wait3A_1527 = arith.constant 2 : i32
      %dma_wait3A_1528 = arith.constant 2 : i32
      %dma_wait3A_1529 = arith.constant 0 : i32
      %dma_wait3A_1530 = arith.constant 0 : i32
      %dma_wait3A_1531 = tpu.memref_slice %arg11[%dma_wait3A_1527, %dma_wait3A_1529, %dma_wait3A_1530] : memref<8x32x128xf32, #tpu.memory_space<vmem>> -> memref<1x32x128xf32, #tpu.memory_space<vmem>>
      %dma_wait3A_1532 = tpu.memref_squeeze %dma_wait3A_1531 : memref<1x32x128xf32, #tpu.memory_space<vmem>> -> memref<32x128xf32, #tpu.memory_space<vmem>>
      %dma_wait3A_1533 = arith.constant 0 : i32
      %dma_wait3A_1534 = arith.constant 0 : i32
      %dma_wait3A_1535 = tpu.memref_slice %arg4[%dma_wait3A_1533, %dma_wait3A_1534] : memref<32x1000000xf32, #tpu.memory_space<hbm>> -> memref<32x128xf32, #tpu.memory_space<hbm>>
      %dma_wait3A_1536 = tpu.memref_slice %arg17[%dma_wait3A_1528] : memref<8x!tpu.dma_semaphore, #tpu.memory_space<semaphore_mem>> -> memref<1x!tpu.dma_semaphore, #tpu.memory_space<semaphore_mem>>
      %dma_wait3A_1537 = tpu.memref_squeeze %dma_wait3A_1536 : memref<1x!tpu.dma_semaphore, #tpu.memory_space<semaphore_mem>> -> memref<!tpu.dma_semaphore, #tpu.memory_space<semaphore_mem>>
      %dma_wait3A_1538 = arith.constant 0 : i32
      %dma_wait3A_1539 = arith.constant 0 : i32
      %dma_wait3A_1540 = tpu.memref_slice %arg11[%dma_wait3A_1527, %dma_wait3A_1538, %dma_wait3A_1539] : memref<8x32x128xf32, #tpu.memory_space<vmem>> -> memref<1x32x128xf32, #tpu.memory_space<vmem>>
      %dma_wait3A_1541 = tpu.memref_squeeze %dma_wait3A_1540 : memref<1x32x128xf32, #tpu.memory_space<vmem>> -> memref<32x128xf32, #tpu.memory_space<vmem>>
      %dma_wait3A_1542 = arith.constant 0 : i32
      %dma_wait3A_1543 = arith.constant 0 : i32
      %dma_wait3A_1544 = tpu.memref_slice %arg4[%dma_wait3A_1542, %dma_wait3A_1543] : memref<32x1000000xf32, #tpu.memory_space<hbm>> -> memref<32x128xf32, #tpu.memory_space<hbm>>
      tpu.wait_dma2 semaphore(%dma_wait3A_1537 : memref<!tpu.dma_semaphore, #tpu.memory_space<semaphore_mem>>) src(%dma_wait3A_1544 : memref<32x128xf32, #tpu.memory_space<hbm>>) dst(%dma_wait3A_1541 : memref<32x128xf32, #tpu.memory_space<vmem>>)
      %dma_wait3A_1545 = arith.constant 2 : i32
      %dma_wait3A_1546 = arith.constant 2 : i32
      %dma_wait3A_1547 = arith.constant 0 : i32
      %dma_wait3A_1548 = arith.constant 0 : i32
      %dma_wait3A_1549 = tpu.memref_slice %arg12[%dma_wait3A_1545, %dma_wait3A_1547, %dma_wait3A_1548] : memref<8x32x128xf32, #tpu.memory_space<vmem>> -> memref<1x32x128xf32, #tpu.memory_space<vmem>>
      %dma_wait3A_1550 = tpu.memref_squeeze %dma_wait3A_1549 : memref<1x32x128xf32, #tpu.memory_space<vmem>> -> memref<32x128xf32, #tpu.memory_space<vmem>>
      %dma_wait3A_1551 = arith.constant 0 : i32
      %dma_wait3A_1552 = arith.constant 0 : i32
      %dma_wait3A_1553 = tpu.memref_slice %arg5[%dma_wait3A_1551, %dma_wait3A_1552] : memref<32x1000000xf32, #tpu.memory_space<hbm>> -> memref<32x128xf32, #tpu.memory_space<hbm>>
      %dma_wait3A_1554 = tpu.memref_slice %arg18[%dma_wait3A_1546] : memref<8x!tpu.dma_semaphore, #tpu.memory_space<semaphore_mem>> -> memref<1x!tpu.dma_semaphore, #tpu.memory_space<semaphore_mem>>
      %dma_wait3A_1555 = tpu.memref_squeeze %dma_wait3A_1554 : memref<1x!tpu.dma_semaphore, #tpu.memory_space<semaphore_mem>> -> memref<!tpu.dma_semaphore, #tpu.memory_space<semaphore_mem>>
      %dma_wait3A_1556 = arith.constant 0 : i32
      %dma_wait3A_1557 = arith.constant 0 : i32
      %dma_wait3A_1558 = tpu.memref_slice %arg12[%dma_wait3A_1545, %dma_wait3A_1556, %dma_wait3A_1557] : memref<8x32x128xf32, #tpu.memory_space<vmem>> -> memref<1x32x128xf32, #tpu.memory_space<vmem>>
      %dma_wait3A_1559 = tpu.memref_squeeze %dma_wait3A_1558 : memref<1x32x128xf32, #tpu.memory_space<vmem>> -> memref<32x128xf32, #tpu.memory_space<vmem>>
      %dma_wait3A_1560 = arith.constant 0 : i32
      %dma_wait3A_1561 = arith.constant 0 : i32
      %dma_wait3A_1562 = tpu.memref_slice %arg5[%dma_wait3A_1560, %dma_wait3A_1561] : memref<32x1000000xf32, #tpu.memory_space<hbm>> -> memref<32x128xf32, #tpu.memory_space<hbm>>
      tpu.wait_dma2 semaphore(%dma_wait3A_1555 : memref<!tpu.dma_semaphore, #tpu.memory_space<semaphore_mem>>) src(%dma_wait3A_1562 : memref<32x128xf32, #tpu.memory_space<hbm>>) dst(%dma_wait3A_1559 : memref<32x128xf32, #tpu.memory_space<vmem>>)
      %slice3A_1563 = vector.extract_strided_slice %and3A_439 {offsets = [10], sizes = [1], strides = [1]} : vector<16xi32> to vector<1xi32>
      %squeeze3A_1564 = vector.extract %slice3A_1563[0] : i32 from vector<1xi32>
      %broadcast_in_dim3A_1565 = vector.broadcast %squeeze3A_1564 : i32 to vector<16xi32>
      %slice3A_1566 = vector.extract_strided_slice %and3A_448 {offsets = [10], sizes = [1], strides = [1]} : vector<16xi32> to vector<1xi32>
      %squeeze3A_1567 = vector.extract %slice3A_1566[0] : i32 from vector<1xi32>
      %broadcast_in_dim3A_1568 = vector.broadcast %squeeze3A_1567 : i32 to vector<16xi32>
      %gather3A_1569 = arith.constant 2 : i32
      %gather3A_1570 = arith.constant 0 : i32
      %gather3A_1571 = arith.constant 0 : i32
      %gather3A_1572 = tpu.memref_slice %arg11[%gather3A_1569, %gather3A_1570, %gather3A_1571] : memref<8x32x128xf32, #tpu.memory_space<vmem>> -> memref<1x32x128xf32, #tpu.memory_space<vmem>>
      %gather3A_1573 = tpu.memref_squeeze %gather3A_1572 : memref<1x32x128xf32, #tpu.memory_space<vmem>> -> memref<32x128xf32, #tpu.memory_space<vmem>>
      %gather3A_1574 = tpu.vector_load_idx %gather3A_1573[%iota3A, %broadcast_in_dim3A_1565] : memref<32x128xf32, #tpu.memory_space<vmem>>[vector<16xi32>, vector<16xi32>], vector<16xf32>,
      %add3A_1575 = arith.constant 16 : i32
      %add3A_1576 = vector.broadcast %add3A_1575 : i32 to vector<16xi32>
      %add3A_1577 = arith.addi %iota3A, %add3A_1576 : vector<16xi32>
      %gather3A_1578 = arith.constant 2 : i32
      %gather3A_1579 = arith.constant 0 : i32
      %gather3A_1580 = arith.constant 0 : i32
      %gather3A_1581 = tpu.memref_slice %arg11[%gather3A_1578, %gather3A_1579, %gather3A_1580] : memref<8x32x128xf32, #tpu.memory_space<vmem>> -> memref<1x32x128xf32, #tpu.memory_space<vmem>>
      %gather3A_1582 = tpu.memref_squeeze %gather3A_1581 : memref<1x32x128xf32, #tpu.memory_space<vmem>> -> memref<32x128xf32, #tpu.memory_space<vmem>>
      %gather3A_1583 = tpu.vector_load_idx %gather3A_1582[%add3A_1577, %broadcast_in_dim3A_1565] : memref<32x128xf32, #tpu.memory_space<vmem>>[vector<16xi32>, vector<16xi32>], vector<16xf32>,
      %gather3A_1584 = arith.constant 2 : i32
      %gather3A_1585 = arith.constant 0 : i32
      %gather3A_1586 = arith.constant 0 : i32
      %gather3A_1587 = tpu.memref_slice %arg12[%gather3A_1584, %gather3A_1585, %gather3A_1586] : memref<8x32x128xf32, #tpu.memory_space<vmem>> -> memref<1x32x128xf32, #tpu.memory_space<vmem>>
      %gather3A_1588 = tpu.memref_squeeze %gather3A_1587 : memref<1x32x128xf32, #tpu.memory_space<vmem>> -> memref<32x128xf32, #tpu.memory_space<vmem>>
      %gather3A_1589 = tpu.vector_load_idx %gather3A_1588[%iota3A, %broadcast_in_dim3A_1568] : memref<32x128xf32, #tpu.memory_space<vmem>>[vector<16xi32>, vector<16xi32>], vector<16xf32>,
      %add3A_1590 = arith.constant 16 : i32
      %add3A_1591 = vector.broadcast %add3A_1590 : i32 to vector<16xi32>
      %add3A_1592 = arith.addi %iota3A, %add3A_1591 : vector<16xi32>
      %gather3A_1593 = arith.constant 2 : i32
      %gather3A_1594 = arith.constant 0 : i32
      %gather3A_1595 = arith.constant 0 : i32
      %gather3A_1596 = tpu.memref_slice %arg12[%gather3A_1593, %gather3A_1594, %gather3A_1595] : memref<8x32x128xf32, #tpu.memory_space<vmem>> -> memref<1x32x128xf32, #tpu.memory_space<vmem>>
      %gather3A_1597 = tpu.memref_squeeze %gather3A_1596 : memref<1x32x128xf32, #tpu.memory_space<vmem>> -> memref<32x128xf32, #tpu.memory_space<vmem>>
      %gather3A_1598 = tpu.vector_load_idx %gather3A_1597[%add3A_1592, %broadcast_in_dim3A_1568] : memref<32x128xf32, #tpu.memory_space<vmem>>[vector<16xi32>, vector<16xi32>], vector<16xf32>,
      %mul3A_1599 = arith.mulf %gather3A_1574, %gather3A_1589 : vector<16xf32>
      %mul3A_1600 = arith.mulf %gather3A_1583, %gather3A_1598 : vector<16xf32>
      %add3A_1601 = arith.addf %mul3A_1599, %mul3A_1600 : vector<16xf32>
      %swap3A_1602 = arith.constant 160 : index
      %swap3A_1603 = tpu.vector_load %arg15[%swap3A_1602] {strides = array<i32>} : memref<256xf32, #tpu.memory_space<vmem>>, vector<16xf32>,
      tpu.vector_store %arg15[%swap3A_1602], %add3A_1601 {strides = array<i32>} : memref<256xf32, #tpu.memory_space<vmem>>, vector<16xf32>,
      %lt3A_1604 = arith.constant 31 : i32
      %lt3A_1605 = arith.cmpi slt, %scan3A_422, %lt3A_1604 : i32
      %convert_element_type3A_1606 = arith.extui %lt3A_1605 : i1 to i32
      %cond3A_1607 = arith.constant 0 : i32
      %cond3A_1608 = arith.cmpi ne, %convert_element_type3A_1606, %cond3A_1607 : i32
      scf.if %cond3A_1608 {
        %add3A_2160 = arith.constant 1 : i32
        %add3A_2161 = arith.addi %scan3A_422, %add3A_2160 : i32
        %mul3A_2162 = arith.constant 16 : i32
        %mul3A_2163 = arith.muli %add3A_2161, %mul3A_2162 : i32
        %get3A_2164 = arith.index_cast %mul3A_2163 : i32 to index
        %get3A_2165 = tpu.vector_load %arg9[%get3A_2164] {strides = array<i32>} : memref<512xi32, #tpu.memory_space<vmem>>, vector<16xi32>,
        %mul3A_2166 = arith.constant 16 : i32
        %mul3A_2167 = arith.muli %add3A_2161, %mul3A_2166 : i32
        %get3A_2168 = arith.index_cast %mul3A_2167 : i32 to index
        %get3A_2169 = tpu.vector_load %arg10[%get3A_2168] {strides = array<i32>} : memref<512xi32, #tpu.memory_space<vmem>>, vector<16xi32>,
        %shift_right_arithmetic3A_2170 = arith.constant 7 : i32
        %shift_right_arithmetic3A_2171 = vector.broadcast %shift_right_arithmetic3A_2170 : i32 to vector<16xi32>
        %shift_right_arithmetic3A_2172 = arith.shrsi %get3A_2165, %shift_right_arithmetic3A_2171 : vector<16xi32>
        %mul3A_2173 = arith.constant 128 : i32
        %mul3A_2174 = vector.broadcast %mul3A_2173 : i32 to vector<16xi32>
        %mul3A_2175 = arith.muli %shift_right_arithmetic3A_2172, %mul3A_2174 : vector<16xi32>
        %and3A_2176 = arith.constant 127 : i32
        %and3A_2177 = vector.broadcast %and3A_2176 : i32 to vector<16xi32>
        %and3A_2178 = arith.andi %get3A_2165, %and3A_2177 : vector<16xi32>
        %shift_right_arithmetic3A_2179 = arith.constant 7 : i32
        %shift_right_arithmetic3A_2180 = vector.broadcast %shift_right_arithmetic3A_2179 : i32 to vector<16xi32>
        %shift_right_arithmetic3A_2181 = arith.shrsi %get3A_2169, %shift_right_arithmetic3A_2180 : vector<16xi32>
        %mul3A_2182 = arith.constant 128 : i32
        %mul3A_2183 = vector.broadcast %mul3A_2182 : i32 to vector<16xi32>
        %mul3A_2184 = arith.muli %shift_right_arithmetic3A_2181, %mul3A_2183 : vector<16xi32>
        %and3A_2185 = arith.constant 127 : i32
        %and3A_2186 = vector.broadcast %and3A_2185 : i32 to vector<16xi32>
        %and3A_2187 = arith.andi %get3A_2169, %and3A_2186 : vector<16xi32>
        %slice3A_2188 = vector.extract_strided_slice %mul3A_2175 {offsets = [2], sizes = [1], strides = [1]} : vector<16xi32> to vector<1xi32>
        %squeeze3A_2189 = vector.extract %slice3A_2188[0] : i32 from vector<1xi32>
        %slice3A_2190 = vector.extract_strided_slice %mul3A_2184 {offsets = [2], sizes = [1], strides = [1]} : vector<16xi32> to vector<1xi32>
        %squeeze3A_2191 = vector.extract %slice3A_2190[0] : i32 from vector<1xi32>
        %multiple_of3A_2192 = tpu.assume_multiple %squeeze3A_2189, 128 : i32
        %dma_start3A_2193 = arith.constant 2 : i32
        %dma_start3A_2194 = arith.constant 2 : i32
        %dma_start3A_2195 = arith.constant 0 : i32
        %dma_start3A_2196 = arith.constant 0 : i32
        %dma_start3A_2197 = tpu.memref_slice %arg11[%dma_start3A_2193, %dma_start3A_2195, %dma_start3A_2196] : memref<8x32x128xf32, #tpu.memory_space<vmem>> -> memref<1x32x128xf32, #tpu.memory_space<vmem>>
        %dma_start3A_2198 = tpu.memref_squeeze %dma_start3A_2197 : memref<1x32x128xf32, #tpu.memory_space<vmem>> -> memref<32x128xf32, #tpu.memory_space<vmem>>
        %dma_start3A_2199 = arith.constant 0 : i32
        %dma_start3A_2200 = tpu.memref_slice %arg4[%dma_start3A_2199, %multiple_of3A_2192] : memref<32x1000000xf32, #tpu.memory_space<hbm>> -> memref<32x128xf32, #tpu.memory_space<hbm>>
        %dma_start3A_2201 = tpu.memref_slice %arg17[%dma_start3A_2194] : memref<8x!tpu.dma_semaphore, #tpu.memory_space<semaphore_mem>> -> memref<1x!tpu.dma_semaphore, #tpu.memory_space<semaphore_mem>>
        %dma_start3A_2202 = tpu.memref_squeeze %dma_start3A_2201 : memref<1x!tpu.dma_semaphore, #tpu.memory_space<semaphore_mem>> -> memref<!tpu.dma_semaphore, #tpu.memory_space<semaphore_mem>>
        %dma_start3A_2203 = arith.constant 0 : i32
        %dma_start3A_2204 = arith.constant 0 : i32
        %dma_start3A_2205 = tpu.memref_slice %arg11[%dma_start3A_2193, %dma_start3A_2203, %dma_start3A_2204] : memref<8x32x128xf32, #tpu.memory_space<vmem>> -> memref<1x32x128xf32, #tpu.memory_space<vmem>>
        %dma_start3A_2206 = tpu.memref_squeeze %dma_start3A_2205 : memref<1x32x128xf32, #tpu.memory_space<vmem>> -> memref<32x128xf32, #tpu.memory_space<vmem>>
        %dma_start3A_2207 = arith.constant 0 : i32
        %dma_start3A_2208 = tpu.memref_slice %arg4[%dma_start3A_2207, %multiple_of3A_2192] : memref<32x1000000xf32, #tpu.memory_space<hbm>> -> memref<32x128xf32, #tpu.memory_space<hbm>>
        tpu.enqueue_dma source(%dma_start3A_2208 : memref<32x128xf32, #tpu.memory_space<hbm>>) target(%dma_start3A_2206 : memref<32x128xf32, #tpu.memory_space<vmem>>) target_semaphore(%dma_start3A_2202 : memref<!tpu.dma_semaphore, #tpu.memory_space<semaphore_mem>>)
        %multiple_of3A_2209 = tpu.assume_multiple %squeeze3A_2191, 128 : i32
        %dma_start3A_2210 = arith.constant 2 : i32
        %dma_start3A_2211 = arith.constant 2 : i32
        %dma_start3A_2212 = arith.constant 0 : i32
        %dma_start3A_2213 = arith.constant 0 : i32
        %dma_start3A_2214 = tpu.memref_slice %arg12[%dma_start3A_2210, %dma_start3A_2212, %dma_start3A_2213] : memref<8x32x128xf32, #tpu.memory_space<vmem>> -> memref<1x32x128xf32, #tpu.memory_space<vmem>>
        %dma_start3A_2215 = tpu.memref_squeeze %dma_start3A_2214 : memref<1x32x128xf32, #tpu.memory_space<vmem>> -> memref<32x128xf32, #tpu.memory_space<vmem>>
        %dma_start3A_2216 = arith.constant 0 : i32
        %dma_start3A_2217 = tpu.memref_slice %arg5[%dma_start3A_2216, %multiple_of3A_2209] : memref<32x1000000xf32, #tpu.memory_space<hbm>> -> memref<32x128xf32, #tpu.memory_space<hbm>>
        %dma_start3A_2218 = tpu.memref_slice %arg18[%dma_start3A_2211] : memref<8x!tpu.dma_semaphore, #tpu.memory_space<semaphore_mem>> -> memref<1x!tpu.dma_semaphore, #tpu.memory_space<semaphore_mem>>
        %dma_start3A_2219 = tpu.memref_squeeze %dma_start3A_2218 : memref<1x!tpu.dma_semaphore, #tpu.memory_space<semaphore_mem>> -> memref<!tpu.dma_semaphore, #tpu.memory_space<semaphore_mem>>
        %dma_start3A_2220 = arith.constant 0 : i32
        %dma_start3A_2221 = arith.constant 0 : i32
        %dma_start3A_2222 = tpu.memref_slice %arg12[%dma_start3A_2210, %dma_start3A_2220, %dma_start3A_2221] : memref<8x32x128xf32, #tpu.memory_space<vmem>> -> memref<1x32x128xf32, #tpu.memory_space<vmem>>
        %dma_start3A_2223 = tpu.memref_squeeze %dma_start3A_2222 : memref<1x32x128xf32, #tpu.memory_space<vmem>> -> memref<32x128xf32, #tpu.memory_space<vmem>>
        %dma_start3A_2224 = arith.constant 0 : i32
        %dma_start3A_2225 = tpu.memref_slice %arg5[%dma_start3A_2224, %multiple_of3A_2209] : memref<32x1000000xf32, #tpu.memory_space<hbm>> -> memref<32x128xf32, #tpu.memory_space<hbm>>
        tpu.enqueue_dma source(%dma_start3A_2225 : memref<32x128xf32, #tpu.memory_space<hbm>>) target(%dma_start3A_2223 : memref<32x128xf32, #tpu.memory_space<vmem>>) target_semaphore(%dma_start3A_2219 : memref<!tpu.dma_semaphore, #tpu.memory_space<semaphore_mem>>)
      } else {
      }
      %dma_wait3A_1609 = arith.constant 3 : i32
      %dma_wait3A_1610 = arith.constant 3 : i32
      %dma_wait3A_1611 = arith.constant 0 : i32
      %dma_wait3A_1612 = arith.constant 0 : i32
      %dma_wait3A_1613 = tpu.memref_slice %arg11[%dma_wait3A_1609, %dma_wait3A_1611, %dma_wait3A_1612] : memref<8x32x128xf32, #tpu.memory_space<vmem>> -> memref<1x32x128xf32, #tpu.memory_space<vmem>>
      %dma_wait3A_1614 = tpu.memref_squeeze %dma_wait3A_1613 : memref<1x32x128xf32, #tpu.memory_space<vmem>> -> memref<32x128xf32, #tpu.memory_space<vmem>>
      %dma_wait3A_1615 = arith.constant 0 : i32
      %dma_wait3A_1616 = arith.constant 0 : i32
      %dma_wait3A_1617 = tpu.memref_slice %arg4[%dma_wait3A_1615, %dma_wait3A_1616] : memref<32x1000000xf32, #tpu.memory_space<hbm>> -> memref<32x128xf32, #tpu.memory_space<hbm>>
      %dma_wait3A_1618 = tpu.memref_slice %arg17[%dma_wait3A_1610] : memref<8x!tpu.dma_semaphore, #tpu.memory_space<semaphore_mem>> -> memref<1x!tpu.dma_semaphore, #tpu.memory_space<semaphore_mem>>
      %dma_wait3A_1619 = tpu.memref_squeeze %dma_wait3A_1618 : memref<1x!tpu.dma_semaphore, #tpu.memory_space<semaphore_mem>> -> memref<!tpu.dma_semaphore, #tpu.memory_space<semaphore_mem>>
      %dma_wait3A_1620 = arith.constant 0 : i32
      %dma_wait3A_1621 = arith.constant 0 : i32
      %dma_wait3A_1622 = tpu.memref_slice %arg11[%dma_wait3A_1609, %dma_wait3A_1620, %dma_wait3A_1621] : memref<8x32x128xf32, #tpu.memory_space<vmem>> -> memref<1x32x128xf32, #tpu.memory_space<vmem>>
      %dma_wait3A_1623 = tpu.memref_squeeze %dma_wait3A_1622 : memref<1x32x128xf32, #tpu.memory_space<vmem>> -> memref<32x128xf32, #tpu.memory_space<vmem>>
      %dma_wait3A_1624 = arith.constant 0 : i32
      %dma_wait3A_1625 = arith.constant 0 : i32
      %dma_wait3A_1626 = tpu.memref_slice %arg4[%dma_wait3A_1624, %dma_wait3A_1625] : memref<32x1000000xf32, #tpu.memory_space<hbm>> -> memref<32x128xf32, #tpu.memory_space<hbm>>
      tpu.wait_dma2 semaphore(%dma_wait3A_1619 : memref<!tpu.dma_semaphore, #tpu.memory_space<semaphore_mem>>) src(%dma_wait3A_1626 : memref<32x128xf32, #tpu.memory_space<hbm>>) dst(%dma_wait3A_1623 : memref<32x128xf32, #tpu.memory_space<vmem>>)
      %dma_wait3A_1627 = arith.constant 3 : i32
      %dma_wait3A_1628 = arith.constant 3 : i32
      %dma_wait3A_1629 = arith.constant 0 : i32
      %dma_wait3A_1630 = arith.constant 0 : i32
      %dma_wait3A_1631 = tpu.memref_slice %arg12[%dma_wait3A_1627, %dma_wait3A_1629, %dma_wait3A_1630] : memref<8x32x128xf32, #tpu.memory_space<vmem>> -> memref<1x32x128xf32, #tpu.memory_space<vmem>>
      %dma_wait3A_1632 = tpu.memref_squeeze %dma_wait3A_1631 : memref<1x32x128xf32, #tpu.memory_space<vmem>> -> memref<32x128xf32, #tpu.memory_space<vmem>>
      %dma_wait3A_1633 = arith.constant 0 : i32
      %dma_wait3A_1634 = arith.constant 0 : i32
      %dma_wait3A_1635 = tpu.memref_slice %arg5[%dma_wait3A_1633, %dma_wait3A_1634] : memref<32x1000000xf32, #tpu.memory_space<hbm>> -> memref<32x128xf32, #tpu.memory_space<hbm>>
      %dma_wait3A_1636 = tpu.memref_slice %arg18[%dma_wait3A_1628] : memref<8x!tpu.dma_semaphore, #tpu.memory_space<semaphore_mem>> -> memref<1x!tpu.dma_semaphore, #tpu.memory_space<semaphore_mem>>
      %dma_wait3A_1637 = tpu.memref_squeeze %dma_wait3A_1636 : memref<1x!tpu.dma_semaphore, #tpu.memory_space<semaphore_mem>> -> memref<!tpu.dma_semaphore, #tpu.memory_space<semaphore_mem>>
      %dma_wait3A_1638 = arith.constant 0 : i32
      %dma_wait3A_1639 = arith.constant 0 : i32
      %dma_wait3A_1640 = tpu.memref_slice %arg12[%dma_wait3A_1627, %dma_wait3A_1638, %dma_wait3A_1639] : memref<8x32x128xf32, #tpu.memory_space<vmem>> -> memref<1x32x128xf32, #tpu.memory_space<vmem>>
      %dma_wait3A_1641 = tpu.memref_squeeze %dma_wait3A_1640 : memref<1x32x128xf32, #tpu.memory_space<vmem>> -> memref<32x128xf32, #tpu.memory_space<vmem>>
      %dma_wait3A_1642 = arith.constant 0 : i32
      %dma_wait3A_1643 = arith.constant 0 : i32
      %dma_wait3A_1644 = tpu.memref_slice %arg5[%dma_wait3A_1642, %dma_wait3A_1643] : memref<32x1000000xf32, #tpu.memory_space<hbm>> -> memref<32x128xf32, #tpu.memory_space<hbm>>
      tpu.wait_dma2 semaphore(%dma_wait3A_1637 : memref<!tpu.dma_semaphore, #tpu.memory_space<semaphore_mem>>) src(%dma_wait3A_1644 : memref<32x128xf32, #tpu.memory_space<hbm>>) dst(%dma_wait3A_1641 : memref<32x128xf32, #tpu.memory_space<vmem>>)
      %slice3A_1645 = vector.extract_strided_slice %and3A_439 {offsets = [11], sizes = [1], strides = [1]} : vector<16xi32> to vector<1xi32>
      %squeeze3A_1646 = vector.extract %slice3A_1645[0] : i32 from vector<1xi32>
      %broadcast_in_dim3A_1647 = vector.broadcast %squeeze3A_1646 : i32 to vector<16xi32>
      %slice3A_1648 = vector.extract_strided_slice %and3A_448 {offsets = [11], sizes = [1], strides = [1]} : vector<16xi32> to vector<1xi32>
      %squeeze3A_1649 = vector.extract %slice3A_1648[0] : i32 from vector<1xi32>
      %broadcast_in_dim3A_1650 = vector.broadcast %squeeze3A_1649 : i32 to vector<16xi32>
      %gather3A_1651 = arith.constant 3 : i32
      %gather3A_1652 = arith.constant 0 : i32
      %gather3A_1653 = arith.constant 0 : i32
      %gather3A_1654 = tpu.memref_slice %arg11[%gather3A_1651, %gather3A_1652, %gather3A_1653] : memref<8x32x128xf32, #tpu.memory_space<vmem>> -> memref<1x32x128xf32, #tpu.memory_space<vmem>>
      %gather3A_1655 = tpu.memref_squeeze %gather3A_1654 : memref<1x32x128xf32, #tpu.memory_space<vmem>> -> memref<32x128xf32, #tpu.memory_space<vmem>>
      %gather3A_1656 = tpu.vector_load_idx %gather3A_1655[%iota3A, %broadcast_in_dim3A_1647] : memref<32x128xf32, #tpu.memory_space<vmem>>[vector<16xi32>, vector<16xi32>], vector<16xf32>,
      %add3A_1657 = arith.constant 16 : i32
      %add3A_1658 = vector.broadcast %add3A_1657 : i32 to vector<16xi32>
      %add3A_1659 = arith.addi %iota3A, %add3A_1658 : vector<16xi32>
      %gather3A_1660 = arith.constant 3 : i32
      %gather3A_1661 = arith.constant 0 : i32
      %gather3A_1662 = arith.constant 0 : i32
      %gather3A_1663 = tpu.memref_slice %arg11[%gather3A_1660, %gather3A_1661, %gather3A_1662] : memref<8x32x128xf32, #tpu.memory_space<vmem>> -> memref<1x32x128xf32, #tpu.memory_space<vmem>>
      %gather3A_1664 = tpu.memref_squeeze %gather3A_1663 : memref<1x32x128xf32, #tpu.memory_space<vmem>> -> memref<32x128xf32, #tpu.memory_space<vmem>>
      %gather3A_1665 = tpu.vector_load_idx %gather3A_1664[%add3A_1659, %broadcast_in_dim3A_1647] : memref<32x128xf32, #tpu.memory_space<vmem>>[vector<16xi32>, vector<16xi32>], vector<16xf32>,
      %gather3A_1666 = arith.constant 3 : i32
      %gather3A_1667 = arith.constant 0 : i32
      %gather3A_1668 = arith.constant 0 : i32
      %gather3A_1669 = tpu.memref_slice %arg12[%gather3A_1666, %gather3A_1667, %gather3A_1668] : memref<8x32x128xf32, #tpu.memory_space<vmem>> -> memref<1x32x128xf32, #tpu.memory_space<vmem>>
      %gather3A_1670 = tpu.memref_squeeze %gather3A_1669 : memref<1x32x128xf32, #tpu.memory_space<vmem>> -> memref<32x128xf32, #tpu.memory_space<vmem>>
      %gather3A_1671 = tpu.vector_load_idx %gather3A_1670[%iota3A, %broadcast_in_dim3A_1650] : memref<32x128xf32, #tpu.memory_space<vmem>>[vector<16xi32>, vector<16xi32>], vector<16xf32>,
      %add3A_1672 = arith.constant 16 : i32
      %add3A_1673 = vector.broadcast %add3A_1672 : i32 to vector<16xi32>
      %add3A_1674 = arith.addi %iota3A, %add3A_1673 : vector<16xi32>
      %gather3A_1675 = arith.constant 3 : i32
      %gather3A_1676 = arith.constant 0 : i32
      %gather3A_1677 = arith.constant 0 : i32
      %gather3A_1678 = tpu.memref_slice %arg12[%gather3A_1675, %gather3A_1676, %gather3A_1677] : memref<8x32x128xf32, #tpu.memory_space<vmem>> -> memref<1x32x128xf32, #tpu.memory_space<vmem>>
      %gather3A_1679 = tpu.memref_squeeze %gather3A_1678 : memref<1x32x128xf32, #tpu.memory_space<vmem>> -> memref<32x128xf32, #tpu.memory_space<vmem>>
      %gather3A_1680 = tpu.vector_load_idx %gather3A_1679[%add3A_1674, %broadcast_in_dim3A_1650] : memref<32x128xf32, #tpu.memory_space<vmem>>[vector<16xi32>, vector<16xi32>], vector<16xf32>,
      %mul3A_1681 = arith.mulf %gather3A_1656, %gather3A_1671 : vector<16xf32>
      %mul3A_1682 = arith.mulf %gather3A_1665, %gather3A_1680 : vector<16xf32>
      %add3A_1683 = arith.addf %mul3A_1681, %mul3A_1682 : vector<16xf32>
      %swap3A_1684 = arith.constant 176 : index
      %swap3A_1685 = tpu.vector_load %arg15[%swap3A_1684] {strides = array<i32>} : memref<256xf32, #tpu.memory_space<vmem>>, vector<16xf32>,
      tpu.vector_store %arg15[%swap3A_1684], %add3A_1683 {strides = array<i32>} : memref<256xf32, #tpu.memory_space<vmem>>, vector<16xf32>,
      %lt3A_1686 = arith.constant 31 : i32
      %lt3A_1687 = arith.cmpi slt, %scan3A_422, %lt3A_1686 : i32
      %convert_element_type3A_1688 = arith.extui %lt3A_1687 : i1 to i32
      %cond3A_1689 = arith.constant 0 : i32
      %cond3A_1690 = arith.cmpi ne, %convert_element_type3A_1688, %cond3A_1689 : i32
      scf.if %cond3A_1690 {
        %add3A_2160 = arith.constant 1 : i32
        %add3A_2161 = arith.addi %scan3A_422, %add3A_2160 : i32
        %mul3A_2162 = arith.constant 16 : i32
        %mul3A_2163 = arith.muli %add3A_2161, %mul3A_2162 : i32
        %get3A_2164 = arith.index_cast %mul3A_2163 : i32 to index
        %get3A_2165 = tpu.vector_load %arg9[%get3A_2164] {strides = array<i32>} : memref<512xi32, #tpu.memory_space<vmem>>, vector<16xi32>,
        %mul3A_2166 = arith.constant 16 : i32
        %mul3A_2167 = arith.muli %add3A_2161, %mul3A_2166 : i32
        %get3A_2168 = arith.index_cast %mul3A_2167 : i32 to index
        %get3A_2169 = tpu.vector_load %arg10[%get3A_2168] {strides = array<i32>} : memref<512xi32, #tpu.memory_space<vmem>>, vector<16xi32>,
        %shift_right_arithmetic3A_2170 = arith.constant 7 : i32
        %shift_right_arithmetic3A_2171 = vector.broadcast %shift_right_arithmetic3A_2170 : i32 to vector<16xi32>
        %shift_right_arithmetic3A_2172 = arith.shrsi %get3A_2165, %shift_right_arithmetic3A_2171 : vector<16xi32>
        %mul3A_2173 = arith.constant 128 : i32
        %mul3A_2174 = vector.broadcast %mul3A_2173 : i32 to vector<16xi32>
        %mul3A_2175 = arith.muli %shift_right_arithmetic3A_2172, %mul3A_2174 : vector<16xi32>
        %and3A_2176 = arith.constant 127 : i32
        %and3A_2177 = vector.broadcast %and3A_2176 : i32 to vector<16xi32>
        %and3A_2178 = arith.andi %get3A_2165, %and3A_2177 : vector<16xi32>
        %shift_right_arithmetic3A_2179 = arith.constant 7 : i32
        %shift_right_arithmetic3A_2180 = vector.broadcast %shift_right_arithmetic3A_2179 : i32 to vector<16xi32>
        %shift_right_arithmetic3A_2181 = arith.shrsi %get3A_2169, %shift_right_arithmetic3A_2180 : vector<16xi32>
        %mul3A_2182 = arith.constant 128 : i32
        %mul3A_2183 = vector.broadcast %mul3A_2182 : i32 to vector<16xi32>
        %mul3A_2184 = arith.muli %shift_right_arithmetic3A_2181, %mul3A_2183 : vector<16xi32>
        %and3A_2185 = arith.constant 127 : i32
        %and3A_2186 = vector.broadcast %and3A_2185 : i32 to vector<16xi32>
        %and3A_2187 = arith.andi %get3A_2169, %and3A_2186 : vector<16xi32>
        %slice3A_2188 = vector.extract_strided_slice %mul3A_2175 {offsets = [3], sizes = [1], strides = [1]} : vector<16xi32> to vector<1xi32>
        %squeeze3A_2189 = vector.extract %slice3A_2188[0] : i32 from vector<1xi32>
        %slice3A_2190 = vector.extract_strided_slice %mul3A_2184 {offsets = [3], sizes = [1], strides = [1]} : vector<16xi32> to vector<1xi32>
        %squeeze3A_2191 = vector.extract %slice3A_2190[0] : i32 from vector<1xi32>
        %multiple_of3A_2192 = tpu.assume_multiple %squeeze3A_2189, 128 : i32
        %dma_start3A_2193 = arith.constant 3 : i32
        %dma_start3A_2194 = arith.constant 3 : i32
        %dma_start3A_2195 = arith.constant 0 : i32
        %dma_start3A_2196 = arith.constant 0 : i32
        %dma_start3A_2197 = tpu.memref_slice %arg11[%dma_start3A_2193, %dma_start3A_2195, %dma_start3A_2196] : memref<8x32x128xf32, #tpu.memory_space<vmem>> -> memref<1x32x128xf32, #tpu.memory_space<vmem>>
        %dma_start3A_2198 = tpu.memref_squeeze %dma_start3A_2197 : memref<1x32x128xf32, #tpu.memory_space<vmem>> -> memref<32x128xf32, #tpu.memory_space<vmem>>
        %dma_start3A_2199 = arith.constant 0 : i32
        %dma_start3A_2200 = tpu.memref_slice %arg4[%dma_start3A_2199, %multiple_of3A_2192] : memref<32x1000000xf32, #tpu.memory_space<hbm>> -> memref<32x128xf32, #tpu.memory_space<hbm>>
        %dma_start3A_2201 = tpu.memref_slice %arg17[%dma_start3A_2194] : memref<8x!tpu.dma_semaphore, #tpu.memory_space<semaphore_mem>> -> memref<1x!tpu.dma_semaphore, #tpu.memory_space<semaphore_mem>>
        %dma_start3A_2202 = tpu.memref_squeeze %dma_start3A_2201 : memref<1x!tpu.dma_semaphore, #tpu.memory_space<semaphore_mem>> -> memref<!tpu.dma_semaphore, #tpu.memory_space<semaphore_mem>>
        %dma_start3A_2203 = arith.constant 0 : i32
        %dma_start3A_2204 = arith.constant 0 : i32
        %dma_start3A_2205 = tpu.memref_slice %arg11[%dma_start3A_2193, %dma_start3A_2203, %dma_start3A_2204] : memref<8x32x128xf32, #tpu.memory_space<vmem>> -> memref<1x32x128xf32, #tpu.memory_space<vmem>>
        %dma_start3A_2206 = tpu.memref_squeeze %dma_start3A_2205 : memref<1x32x128xf32, #tpu.memory_space<vmem>> -> memref<32x128xf32, #tpu.memory_space<vmem>>
        %dma_start3A_2207 = arith.constant 0 : i32
        %dma_start3A_2208 = tpu.memref_slice %arg4[%dma_start3A_2207, %multiple_of3A_2192] : memref<32x1000000xf32, #tpu.memory_space<hbm>> -> memref<32x128xf32, #tpu.memory_space<hbm>>
        tpu.enqueue_dma source(%dma_start3A_2208 : memref<32x128xf32, #tpu.memory_space<hbm>>) target(%dma_start3A_2206 : memref<32x128xf32, #tpu.memory_space<vmem>>) target_semaphore(%dma_start3A_2202 : memref<!tpu.dma_semaphore, #tpu.memory_space<semaphore_mem>>)
        %multiple_of3A_2209 = tpu.assume_multiple %squeeze3A_2191, 128 : i32
        %dma_start3A_2210 = arith.constant 3 : i32
        %dma_start3A_2211 = arith.constant 3 : i32
        %dma_start3A_2212 = arith.constant 0 : i32
        %dma_start3A_2213 = arith.constant 0 : i32
        %dma_start3A_2214 = tpu.memref_slice %arg12[%dma_start3A_2210, %dma_start3A_2212, %dma_start3A_2213] : memref<8x32x128xf32, #tpu.memory_space<vmem>> -> memref<1x32x128xf32, #tpu.memory_space<vmem>>
        %dma_start3A_2215 = tpu.memref_squeeze %dma_start3A_2214 : memref<1x32x128xf32, #tpu.memory_space<vmem>> -> memref<32x128xf32, #tpu.memory_space<vmem>>
        %dma_start3A_2216 = arith.constant 0 : i32
        %dma_start3A_2217 = tpu.memref_slice %arg5[%dma_start3A_2216, %multiple_of3A_2209] : memref<32x1000000xf32, #tpu.memory_space<hbm>> -> memref<32x128xf32, #tpu.memory_space<hbm>>
        %dma_start3A_2218 = tpu.memref_slice %arg18[%dma_start3A_2211] : memref<8x!tpu.dma_semaphore, #tpu.memory_space<semaphore_mem>> -> memref<1x!tpu.dma_semaphore, #tpu.memory_space<semaphore_mem>>
        %dma_start3A_2219 = tpu.memref_squeeze %dma_start3A_2218 : memref<1x!tpu.dma_semaphore, #tpu.memory_space<semaphore_mem>> -> memref<!tpu.dma_semaphore, #tpu.memory_space<semaphore_mem>>
        %dma_start3A_2220 = arith.constant 0 : i32
        %dma_start3A_2221 = arith.constant 0 : i32
        %dma_start3A_2222 = tpu.memref_slice %arg12[%dma_start3A_2210, %dma_start3A_2220, %dma_start3A_2221] : memref<8x32x128xf32, #tpu.memory_space<vmem>> -> memref<1x32x128xf32, #tpu.memory_space<vmem>>
        %dma_start3A_2223 = tpu.memref_squeeze %dma_start3A_2222 : memref<1x32x128xf32, #tpu.memory_space<vmem>> -> memref<32x128xf32, #tpu.memory_space<vmem>>
        %dma_start3A_2224 = arith.constant 0 : i32
        %dma_start3A_2225 = tpu.memref_slice %arg5[%dma_start3A_2224, %multiple_of3A_2209] : memref<32x1000000xf32, #tpu.memory_space<hbm>> -> memref<32x128xf32, #tpu.memory_space<hbm>>
        tpu.enqueue_dma source(%dma_start3A_2225 : memref<32x128xf32, #tpu.memory_space<hbm>>) target(%dma_start3A_2223 : memref<32x128xf32, #tpu.memory_space<vmem>>) target_semaphore(%dma_start3A_2219 : memref<!tpu.dma_semaphore, #tpu.memory_space<semaphore_mem>>)
      } else {
      }
      %dma_wait3A_1691 = arith.constant 4 : i32
      %dma_wait3A_1692 = arith.constant 4 : i32
      %dma_wait3A_1693 = arith.constant 0 : i32
      %dma_wait3A_1694 = arith.constant 0 : i32
      %dma_wait3A_1695 = tpu.memref_slice %arg11[%dma_wait3A_1691, %dma_wait3A_1693, %dma_wait3A_1694] : memref<8x32x128xf32, #tpu.memory_space<vmem>> -> memref<1x32x128xf32, #tpu.memory_space<vmem>>
      %dma_wait3A_1696 = tpu.memref_squeeze %dma_wait3A_1695 : memref<1x32x128xf32, #tpu.memory_space<vmem>> -> memref<32x128xf32, #tpu.memory_space<vmem>>
      %dma_wait3A_1697 = arith.constant 0 : i32
      %dma_wait3A_1698 = arith.constant 0 : i32
      %dma_wait3A_1699 = tpu.memref_slice %arg4[%dma_wait3A_1697, %dma_wait3A_1698] : memref<32x1000000xf32, #tpu.memory_space<hbm>> -> memref<32x128xf32, #tpu.memory_space<hbm>>
      %dma_wait3A_1700 = tpu.memref_slice %arg17[%dma_wait3A_1692] : memref<8x!tpu.dma_semaphore, #tpu.memory_space<semaphore_mem>> -> memref<1x!tpu.dma_semaphore, #tpu.memory_space<semaphore_mem>>
      %dma_wait3A_1701 = tpu.memref_squeeze %dma_wait3A_1700 : memref<1x!tpu.dma_semaphore, #tpu.memory_space<semaphore_mem>> -> memref<!tpu.dma_semaphore, #tpu.memory_space<semaphore_mem>>
      %dma_wait3A_1702 = arith.constant 0 : i32
      %dma_wait3A_1703 = arith.constant 0 : i32
      %dma_wait3A_1704 = tpu.memref_slice %arg11[%dma_wait3A_1691, %dma_wait3A_1702, %dma_wait3A_1703] : memref<8x32x128xf32, #tpu.memory_space<vmem>> -> memref<1x32x128xf32, #tpu.memory_space<vmem>>
      %dma_wait3A_1705 = tpu.memref_squeeze %dma_wait3A_1704 : memref<1x32x128xf32, #tpu.memory_space<vmem>> -> memref<32x128xf32, #tpu.memory_space<vmem>>
      %dma_wait3A_1706 = arith.constant 0 : i32
      %dma_wait3A_1707 = arith.constant 0 : i32
      %dma_wait3A_1708 = tpu.memref_slice %arg4[%dma_wait3A_1706, %dma_wait3A_1707] : memref<32x1000000xf32, #tpu.memory_space<hbm>> -> memref<32x128xf32, #tpu.memory_space<hbm>>
      tpu.wait_dma2 semaphore(%dma_wait3A_1701 : memref<!tpu.dma_semaphore, #tpu.memory_space<semaphore_mem>>) src(%dma_wait3A_1708 : memref<32x128xf32, #tpu.memory_space<hbm>>) dst(%dma_wait3A_1705 : memref<32x128xf32, #tpu.memory_space<vmem>>)
      %dma_wait3A_1709 = arith.constant 4 : i32
      %dma_wait3A_1710 = arith.constant 4 : i32
      %dma_wait3A_1711 = arith.constant 0 : i32
      %dma_wait3A_1712 = arith.constant 0 : i32
      %dma_wait3A_1713 = tpu.memref_slice %arg12[%dma_wait3A_1709, %dma_wait3A_1711, %dma_wait3A_1712] : memref<8x32x128xf32, #tpu.memory_space<vmem>> -> memref<1x32x128xf32, #tpu.memory_space<vmem>>
      %dma_wait3A_1714 = tpu.memref_squeeze %dma_wait3A_1713 : memref<1x32x128xf32, #tpu.memory_space<vmem>> -> memref<32x128xf32, #tpu.memory_space<vmem>>
      %dma_wait3A_1715 = arith.constant 0 : i32
      %dma_wait3A_1716 = arith.constant 0 : i32
      %dma_wait3A_1717 = tpu.memref_slice %arg5[%dma_wait3A_1715, %dma_wait3A_1716] : memref<32x1000000xf32, #tpu.memory_space<hbm>> -> memref<32x128xf32, #tpu.memory_space<hbm>>
      %dma_wait3A_1718 = tpu.memref_slice %arg18[%dma_wait3A_1710] : memref<8x!tpu.dma_semaphore, #tpu.memory_space<semaphore_mem>> -> memref<1x!tpu.dma_semaphore, #tpu.memory_space<semaphore_mem>>
      %dma_wait3A_1719 = tpu.memref_squeeze %dma_wait3A_1718 : memref<1x!tpu.dma_semaphore, #tpu.memory_space<semaphore_mem>> -> memref<!tpu.dma_semaphore, #tpu.memory_space<semaphore_mem>>
      %dma_wait3A_1720 = arith.constant 0 : i32
      %dma_wait3A_1721 = arith.constant 0 : i32
      %dma_wait3A_1722 = tpu.memref_slice %arg12[%dma_wait3A_1709, %dma_wait3A_1720, %dma_wait3A_1721] : memref<8x32x128xf32, #tpu.memory_space<vmem>> -> memref<1x32x128xf32, #tpu.memory_space<vmem>>
      %dma_wait3A_1723 = tpu.memref_squeeze %dma_wait3A_1722 : memref<1x32x128xf32, #tpu.memory_space<vmem>> -> memref<32x128xf32, #tpu.memory_space<vmem>>
      %dma_wait3A_1724 = arith.constant 0 : i32
      %dma_wait3A_1725 = arith.constant 0 : i32
      %dma_wait3A_1726 = tpu.memref_slice %arg5[%dma_wait3A_1724, %dma_wait3A_1725] : memref<32x1000000xf32, #tpu.memory_space<hbm>> -> memref<32x128xf32, #tpu.memory_space<hbm>>
      tpu.wait_dma2 semaphore(%dma_wait3A_1719 : memref<!tpu.dma_semaphore, #tpu.memory_space<semaphore_mem>>) src(%dma_wait3A_1726 : memref<32x128xf32, #tpu.memory_space<hbm>>) dst(%dma_wait3A_1723 : memref<32x128xf32, #tpu.memory_space<vmem>>)
      %slice3A_1727 = vector.extract_strided_slice %and3A_439 {offsets = [12], sizes = [1], strides = [1]} : vector<16xi32> to vector<1xi32>
      %squeeze3A_1728 = vector.extract %slice3A_1727[0] : i32 from vector<1xi32>
      %broadcast_in_dim3A_1729 = vector.broadcast %squeeze3A_1728 : i32 to vector<16xi32>
      %slice3A_1730 = vector.extract_strided_slice %and3A_448 {offsets = [12], sizes = [1], strides = [1]} : vector<16xi32> to vector<1xi32>
      %squeeze3A_1731 = vector.extract %slice3A_1730[0] : i32 from vector<1xi32>
      %broadcast_in_dim3A_1732 = vector.broadcast %squeeze3A_1731 : i32 to vector<16xi32>
      %gather3A_1733 = arith.constant 4 : i32
      %gather3A_1734 = arith.constant 0 : i32
      %gather3A_1735 = arith.constant 0 : i32
      %gather3A_1736 = tpu.memref_slice %arg11[%gather3A_1733, %gather3A_1734, %gather3A_1735] : memref<8x32x128xf32, #tpu.memory_space<vmem>> -> memref<1x32x128xf32, #tpu.memory_space<vmem>>
      %gather3A_1737 = tpu.memref_squeeze %gather3A_1736 : memref<1x32x128xf32, #tpu.memory_space<vmem>> -> memref<32x128xf32, #tpu.memory_space<vmem>>
      %gather3A_1738 = tpu.vector_load_idx %gather3A_1737[%iota3A, %broadcast_in_dim3A_1729] : memref<32x128xf32, #tpu.memory_space<vmem>>[vector<16xi32>, vector<16xi32>], vector<16xf32>,
      %add3A_1739 = arith.constant 16 : i32
      %add3A_1740 = vector.broadcast %add3A_1739 : i32 to vector<16xi32>
      %add3A_1741 = arith.addi %iota3A, %add3A_1740 : vector<16xi32>
      %gather3A_1742 = arith.constant 4 : i32
      %gather3A_1743 = arith.constant 0 : i32
      %gather3A_1744 = arith.constant 0 : i32
      %gather3A_1745 = tpu.memref_slice %arg11[%gather3A_1742, %gather3A_1743, %gather3A_1744] : memref<8x32x128xf32, #tpu.memory_space<vmem>> -> memref<1x32x128xf32, #tpu.memory_space<vmem>>
      %gather3A_1746 = tpu.memref_squeeze %gather3A_1745 : memref<1x32x128xf32, #tpu.memory_space<vmem>> -> memref<32x128xf32, #tpu.memory_space<vmem>>
      %gather3A_1747 = tpu.vector_load_idx %gather3A_1746[%add3A_1741, %broadcast_in_dim3A_1729] : memref<32x128xf32, #tpu.memory_space<vmem>>[vector<16xi32>, vector<16xi32>], vector<16xf32>,
      %gather3A_1748 = arith.constant 4 : i32
      %gather3A_1749 = arith.constant 0 : i32
      %gather3A_1750 = arith.constant 0 : i32
      %gather3A_1751 = tpu.memref_slice %arg12[%gather3A_1748, %gather3A_1749, %gather3A_1750] : memref<8x32x128xf32, #tpu.memory_space<vmem>> -> memref<1x32x128xf32, #tpu.memory_space<vmem>>
      %gather3A_1752 = tpu.memref_squeeze %gather3A_1751 : memref<1x32x128xf32, #tpu.memory_space<vmem>> -> memref<32x128xf32, #tpu.memory_space<vmem>>
      %gather3A_1753 = tpu.vector_load_idx %gather3A_1752[%iota3A, %broadcast_in_dim3A_1732] : memref<32x128xf32, #tpu.memory_space<vmem>>[vector<16xi32>, vector<16xi32>], vector<16xf32>,
      %add3A_1754 = arith.constant 16 : i32
      %add3A_1755 = vector.broadcast %add3A_1754 : i32 to vector<16xi32>
      %add3A_1756 = arith.addi %iota3A, %add3A_1755 : vector<16xi32>
      %gather3A_1757 = arith.constant 4 : i32
      %gather3A_1758 = arith.constant 0 : i32
      %gather3A_1759 = arith.constant 0 : i32
      %gather3A_1760 = tpu.memref_slice %arg12[%gather3A_1757, %gather3A_1758, %gather3A_1759] : memref<8x32x128xf32, #tpu.memory_space<vmem>> -> memref<1x32x128xf32, #tpu.memory_space<vmem>>
      %gather3A_1761 = tpu.memref_squeeze %gather3A_1760 : memref<1x32x128xf32, #tpu.memory_space<vmem>> -> memref<32x128xf32, #tpu.memory_space<vmem>>
      %gather3A_1762 = tpu.vector_load_idx %gather3A_1761[%add3A_1756, %broadcast_in_dim3A_1732] : memref<32x128xf32, #tpu.memory_space<vmem>>[vector<16xi32>, vector<16xi32>], vector<16xf32>,
      %mul3A_1763 = arith.mulf %gather3A_1738, %gather3A_1753 : vector<16xf32>
      %mul3A_1764 = arith.mulf %gather3A_1747, %gather3A_1762 : vector<16xf32>
      %add3A_1765 = arith.addf %mul3A_1763, %mul3A_1764 : vector<16xf32>
      %swap3A_1766 = arith.constant 192 : index
      %swap3A_1767 = tpu.vector_load %arg15[%swap3A_1766] {strides = array<i32>} : memref<256xf32, #tpu.memory_space<vmem>>, vector<16xf32>,
      tpu.vector_store %arg15[%swap3A_1766], %add3A_1765 {strides = array<i32>} : memref<256xf32, #tpu.memory_space<vmem>>, vector<16xf32>,
      %lt3A_1768 = arith.constant 31 : i32
      %lt3A_1769 = arith.cmpi slt, %scan3A_422, %lt3A_1768 : i32
      %convert_element_type3A_1770 = arith.extui %lt3A_1769 : i1 to i32
      %cond3A_1771 = arith.constant 0 : i32
      %cond3A_1772 = arith.cmpi ne, %convert_element_type3A_1770, %cond3A_1771 : i32
      scf.if %cond3A_1772 {
        %add3A_2160 = arith.constant 1 : i32
        %add3A_2161 = arith.addi %scan3A_422, %add3A_2160 : i32
        %mul3A_2162 = arith.constant 16 : i32
        %mul3A_2163 = arith.muli %add3A_2161, %mul3A_2162 : i32
        %get3A_2164 = arith.index_cast %mul3A_2163 : i32 to index
        %get3A_2165 = tpu.vector_load %arg9[%get3A_2164] {strides = array<i32>} : memref<512xi32, #tpu.memory_space<vmem>>, vector<16xi32>,
        %mul3A_2166 = arith.constant 16 : i32
        %mul3A_2167 = arith.muli %add3A_2161, %mul3A_2166 : i32
        %get3A_2168 = arith.index_cast %mul3A_2167 : i32 to index
        %get3A_2169 = tpu.vector_load %arg10[%get3A_2168] {strides = array<i32>} : memref<512xi32, #tpu.memory_space<vmem>>, vector<16xi32>,
        %shift_right_arithmetic3A_2170 = arith.constant 7 : i32
        %shift_right_arithmetic3A_2171 = vector.broadcast %shift_right_arithmetic3A_2170 : i32 to vector<16xi32>
        %shift_right_arithmetic3A_2172 = arith.shrsi %get3A_2165, %shift_right_arithmetic3A_2171 : vector<16xi32>
        %mul3A_2173 = arith.constant 128 : i32
        %mul3A_2174 = vector.broadcast %mul3A_2173 : i32 to vector<16xi32>
        %mul3A_2175 = arith.muli %shift_right_arithmetic3A_2172, %mul3A_2174 : vector<16xi32>
        %and3A_2176 = arith.constant 127 : i32
        %and3A_2177 = vector.broadcast %and3A_2176 : i32 to vector<16xi32>
        %and3A_2178 = arith.andi %get3A_2165, %and3A_2177 : vector<16xi32>
        %shift_right_arithmetic3A_2179 = arith.constant 7 : i32
        %shift_right_arithmetic3A_2180 = vector.broadcast %shift_right_arithmetic3A_2179 : i32 to vector<16xi32>
        %shift_right_arithmetic3A_2181 = arith.shrsi %get3A_2169, %shift_right_arithmetic3A_2180 : vector<16xi32>
        %mul3A_2182 = arith.constant 128 : i32
        %mul3A_2183 = vector.broadcast %mul3A_2182 : i32 to vector<16xi32>
        %mul3A_2184 = arith.muli %shift_right_arithmetic3A_2181, %mul3A_2183 : vector<16xi32>
        %and3A_2185 = arith.constant 127 : i32
        %and3A_2186 = vector.broadcast %and3A_2185 : i32 to vector<16xi32>
        %and3A_2187 = arith.andi %get3A_2169, %and3A_2186 : vector<16xi32>
        %slice3A_2188 = vector.extract_strided_slice %mul3A_2175 {offsets = [4], sizes = [1], strides = [1]} : vector<16xi32> to vector<1xi32>
        %squeeze3A_2189 = vector.extract %slice3A_2188[0] : i32 from vector<1xi32>
        %slice3A_2190 = vector.extract_strided_slice %mul3A_2184 {offsets = [4], sizes = [1], strides = [1]} : vector<16xi32> to vector<1xi32>
        %squeeze3A_2191 = vector.extract %slice3A_2190[0] : i32 from vector<1xi32>
        %multiple_of3A_2192 = tpu.assume_multiple %squeeze3A_2189, 128 : i32
        %dma_start3A_2193 = arith.constant 4 : i32
        %dma_start3A_2194 = arith.constant 4 : i32
        %dma_start3A_2195 = arith.constant 0 : i32
        %dma_start3A_2196 = arith.constant 0 : i32
        %dma_start3A_2197 = tpu.memref_slice %arg11[%dma_start3A_2193, %dma_start3A_2195, %dma_start3A_2196] : memref<8x32x128xf32, #tpu.memory_space<vmem>> -> memref<1x32x128xf32, #tpu.memory_space<vmem>>
        %dma_start3A_2198 = tpu.memref_squeeze %dma_start3A_2197 : memref<1x32x128xf32, #tpu.memory_space<vmem>> -> memref<32x128xf32, #tpu.memory_space<vmem>>
        %dma_start3A_2199 = arith.constant 0 : i32
        %dma_start3A_2200 = tpu.memref_slice %arg4[%dma_start3A_2199, %multiple_of3A_2192] : memref<32x1000000xf32, #tpu.memory_space<hbm>> -> memref<32x128xf32, #tpu.memory_space<hbm>>
        %dma_start3A_2201 = tpu.memref_slice %arg17[%dma_start3A_2194] : memref<8x!tpu.dma_semaphore, #tpu.memory_space<semaphore_mem>> -> memref<1x!tpu.dma_semaphore, #tpu.memory_space<semaphore_mem>>
        %dma_start3A_2202 = tpu.memref_squeeze %dma_start3A_2201 : memref<1x!tpu.dma_semaphore, #tpu.memory_space<semaphore_mem>> -> memref<!tpu.dma_semaphore, #tpu.memory_space<semaphore_mem>>
        %dma_start3A_2203 = arith.constant 0 : i32
        %dma_start3A_2204 = arith.constant 0 : i32
        %dma_start3A_2205 = tpu.memref_slice %arg11[%dma_start3A_2193, %dma_start3A_2203, %dma_start3A_2204] : memref<8x32x128xf32, #tpu.memory_space<vmem>> -> memref<1x32x128xf32, #tpu.memory_space<vmem>>
        %dma_start3A_2206 = tpu.memref_squeeze %dma_start3A_2205 : memref<1x32x128xf32, #tpu.memory_space<vmem>> -> memref<32x128xf32, #tpu.memory_space<vmem>>
        %dma_start3A_2207 = arith.constant 0 : i32
        %dma_start3A_2208 = tpu.memref_slice %arg4[%dma_start3A_2207, %multiple_of3A_2192] : memref<32x1000000xf32, #tpu.memory_space<hbm>> -> memref<32x128xf32, #tpu.memory_space<hbm>>
        tpu.enqueue_dma source(%dma_start3A_2208 : memref<32x128xf32, #tpu.memory_space<hbm>>) target(%dma_start3A_2206 : memref<32x128xf32, #tpu.memory_space<vmem>>) target_semaphore(%dma_start3A_2202 : memref<!tpu.dma_semaphore, #tpu.memory_space<semaphore_mem>>)
        %multiple_of3A_2209 = tpu.assume_multiple %squeeze3A_2191, 128 : i32
        %dma_start3A_2210 = arith.constant 4 : i32
        %dma_start3A_2211 = arith.constant 4 : i32
        %dma_start3A_2212 = arith.constant 0 : i32
        %dma_start3A_2213 = arith.constant 0 : i32
        %dma_start3A_2214 = tpu.memref_slice %arg12[%dma_start3A_2210, %dma_start3A_2212, %dma_start3A_2213] : memref<8x32x128xf32, #tpu.memory_space<vmem>> -> memref<1x32x128xf32, #tpu.memory_space<vmem>>
        %dma_start3A_2215 = tpu.memref_squeeze %dma_start3A_2214 : memref<1x32x128xf32, #tpu.memory_space<vmem>> -> memref<32x128xf32, #tpu.memory_space<vmem>>
        %dma_start3A_2216 = arith.constant 0 : i32
        %dma_start3A_2217 = tpu.memref_slice %arg5[%dma_start3A_2216, %multiple_of3A_2209] : memref<32x1000000xf32, #tpu.memory_space<hbm>> -> memref<32x128xf32, #tpu.memory_space<hbm>>
        %dma_start3A_2218 = tpu.memref_slice %arg18[%dma_start3A_2211] : memref<8x!tpu.dma_semaphore, #tpu.memory_space<semaphore_mem>> -> memref<1x!tpu.dma_semaphore, #tpu.memory_space<semaphore_mem>>
        %dma_start3A_2219 = tpu.memref_squeeze %dma_start3A_2218 : memref<1x!tpu.dma_semaphore, #tpu.memory_space<semaphore_mem>> -> memref<!tpu.dma_semaphore, #tpu.memory_space<semaphore_mem>>
        %dma_start3A_2220 = arith.constant 0 : i32
        %dma_start3A_2221 = arith.constant 0 : i32
        %dma_start3A_2222 = tpu.memref_slice %arg12[%dma_start3A_2210, %dma_start3A_2220, %dma_start3A_2221] : memref<8x32x128xf32, #tpu.memory_space<vmem>> -> memref<1x32x128xf32, #tpu.memory_space<vmem>>
        %dma_start3A_2223 = tpu.memref_squeeze %dma_start3A_2222 : memref<1x32x128xf32, #tpu.memory_space<vmem>> -> memref<32x128xf32, #tpu.memory_space<vmem>>
        %dma_start3A_2224 = arith.constant 0 : i32
        %dma_start3A_2225 = tpu.memref_slice %arg5[%dma_start3A_2224, %multiple_of3A_2209] : memref<32x1000000xf32, #tpu.memory_space<hbm>> -> memref<32x128xf32, #tpu.memory_space<hbm>>
        tpu.enqueue_dma source(%dma_start3A_2225 : memref<32x128xf32, #tpu.memory_space<hbm>>) target(%dma_start3A_2223 : memref<32x128xf32, #tpu.memory_space<vmem>>) target_semaphore(%dma_start3A_2219 : memref<!tpu.dma_semaphore, #tpu.memory_space<semaphore_mem>>)
      } else {
      }
      %dma_wait3A_1773 = arith.constant 5 : i32
      %dma_wait3A_1774 = arith.constant 5 : i32
      %dma_wait3A_1775 = arith.constant 0 : i32
      %dma_wait3A_1776 = arith.constant 0 : i32
      %dma_wait3A_1777 = tpu.memref_slice %arg11[%dma_wait3A_1773, %dma_wait3A_1775, %dma_wait3A_1776] : memref<8x32x128xf32, #tpu.memory_space<vmem>> -> memref<1x32x128xf32, #tpu.memory_space<vmem>>
      %dma_wait3A_1778 = tpu.memref_squeeze %dma_wait3A_1777 : memref<1x32x128xf32, #tpu.memory_space<vmem>> -> memref<32x128xf32, #tpu.memory_space<vmem>>
      %dma_wait3A_1779 = arith.constant 0 : i32
      %dma_wait3A_1780 = arith.constant 0 : i32
      %dma_wait3A_1781 = tpu.memref_slice %arg4[%dma_wait3A_1779, %dma_wait3A_1780] : memref<32x1000000xf32, #tpu.memory_space<hbm>> -> memref<32x128xf32, #tpu.memory_space<hbm>>
      %dma_wait3A_1782 = tpu.memref_slice %arg17[%dma_wait3A_1774] : memref<8x!tpu.dma_semaphore, #tpu.memory_space<semaphore_mem>> -> memref<1x!tpu.dma_semaphore, #tpu.memory_space<semaphore_mem>>
      %dma_wait3A_1783 = tpu.memref_squeeze %dma_wait3A_1782 : memref<1x!tpu.dma_semaphore, #tpu.memory_space<semaphore_mem>> -> memref<!tpu.dma_semaphore, #tpu.memory_space<semaphore_mem>>
      %dma_wait3A_1784 = arith.constant 0 : i32
      %dma_wait3A_1785 = arith.constant 0 : i32
      %dma_wait3A_1786 = tpu.memref_slice %arg11[%dma_wait3A_1773, %dma_wait3A_1784, %dma_wait3A_1785] : memref<8x32x128xf32, #tpu.memory_space<vmem>> -> memref<1x32x128xf32, #tpu.memory_space<vmem>>
      %dma_wait3A_1787 = tpu.memref_squeeze %dma_wait3A_1786 : memref<1x32x128xf32, #tpu.memory_space<vmem>> -> memref<32x128xf32, #tpu.memory_space<vmem>>
      %dma_wait3A_1788 = arith.constant 0 : i32
      %dma_wait3A_1789 = arith.constant 0 : i32
      %dma_wait3A_1790 = tpu.memref_slice %arg4[%dma_wait3A_1788, %dma_wait3A_1789] : memref<32x1000000xf32, #tpu.memory_space<hbm>> -> memref<32x128xf32, #tpu.memory_space<hbm>>
      tpu.wait_dma2 semaphore(%dma_wait3A_1783 : memref<!tpu.dma_semaphore, #tpu.memory_space<semaphore_mem>>) src(%dma_wait3A_1790 : memref<32x128xf32, #tpu.memory_space<hbm>>) dst(%dma_wait3A_1787 : memref<32x128xf32, #tpu.memory_space<vmem>>)
      %dma_wait3A_1791 = arith.constant 5 : i32
      %dma_wait3A_1792 = arith.constant 5 : i32
      %dma_wait3A_1793 = arith.constant 0 : i32
      %dma_wait3A_1794 = arith.constant 0 : i32
      %dma_wait3A_1795 = tpu.memref_slice %arg12[%dma_wait3A_1791, %dma_wait3A_1793, %dma_wait3A_1794] : memref<8x32x128xf32, #tpu.memory_space<vmem>> -> memref<1x32x128xf32, #tpu.memory_space<vmem>>
      %dma_wait3A_1796 = tpu.memref_squeeze %dma_wait3A_1795 : memref<1x32x128xf32, #tpu.memory_space<vmem>> -> memref<32x128xf32, #tpu.memory_space<vmem>>
      %dma_wait3A_1797 = arith.constant 0 : i32
      %dma_wait3A_1798 = arith.constant 0 : i32
      %dma_wait3A_1799 = tpu.memref_slice %arg5[%dma_wait3A_1797, %dma_wait3A_1798] : memref<32x1000000xf32, #tpu.memory_space<hbm>> -> memref<32x128xf32, #tpu.memory_space<hbm>>
      %dma_wait3A_1800 = tpu.memref_slice %arg18[%dma_wait3A_1792] : memref<8x!tpu.dma_semaphore, #tpu.memory_space<semaphore_mem>> -> memref<1x!tpu.dma_semaphore, #tpu.memory_space<semaphore_mem>>
      %dma_wait3A_1801 = tpu.memref_squeeze %dma_wait3A_1800 : memref<1x!tpu.dma_semaphore, #tpu.memory_space<semaphore_mem>> -> memref<!tpu.dma_semaphore, #tpu.memory_space<semaphore_mem>>
      %dma_wait3A_1802 = arith.constant 0 : i32
      %dma_wait3A_1803 = arith.constant 0 : i32
      %dma_wait3A_1804 = tpu.memref_slice %arg12[%dma_wait3A_1791, %dma_wait3A_1802, %dma_wait3A_1803] : memref<8x32x128xf32, #tpu.memory_space<vmem>> -> memref<1x32x128xf32, #tpu.memory_space<vmem>>
      %dma_wait3A_1805 = tpu.memref_squeeze %dma_wait3A_1804 : memref<1x32x128xf32, #tpu.memory_space<vmem>> -> memref<32x128xf32, #tpu.memory_space<vmem>>
      %dma_wait3A_1806 = arith.constant 0 : i32
      %dma_wait3A_1807 = arith.constant 0 : i32
      %dma_wait3A_1808 = tpu.memref_slice %arg5[%dma_wait3A_1806, %dma_wait3A_1807] : memref<32x1000000xf32, #tpu.memory_space<hbm>> -> memref<32x128xf32, #tpu.memory_space<hbm>>
      tpu.wait_dma2 semaphore(%dma_wait3A_1801 : memref<!tpu.dma_semaphore, #tpu.memory_space<semaphore_mem>>) src(%dma_wait3A_1808 : memref<32x128xf32, #tpu.memory_space<hbm>>) dst(%dma_wait3A_1805 : memref<32x128xf32, #tpu.memory_space<vmem>>)
      %slice3A_1809 = vector.extract_strided_slice %and3A_439 {offsets = [13], sizes = [1], strides = [1]} : vector<16xi32> to vector<1xi32>
      %squeeze3A_1810 = vector.extract %slice3A_1809[0] : i32 from vector<1xi32>
      %broadcast_in_dim3A_1811 = vector.broadcast %squeeze3A_1810 : i32 to vector<16xi32>
      %slice3A_1812 = vector.extract_strided_slice %and3A_448 {offsets = [13], sizes = [1], strides = [1]} : vector<16xi32> to vector<1xi32>
      %squeeze3A_1813 = vector.extract %slice3A_1812[0] : i32 from vector<1xi32>
      %broadcast_in_dim3A_1814 = vector.broadcast %squeeze3A_1813 : i32 to vector<16xi32>
      %gather3A_1815 = arith.constant 5 : i32
      %gather3A_1816 = arith.constant 0 : i32
      %gather3A_1817 = arith.constant 0 : i32
      %gather3A_1818 = tpu.memref_slice %arg11[%gather3A_1815, %gather3A_1816, %gather3A_1817] : memref<8x32x128xf32, #tpu.memory_space<vmem>> -> memref<1x32x128xf32, #tpu.memory_space<vmem>>
      %gather3A_1819 = tpu.memref_squeeze %gather3A_1818 : memref<1x32x128xf32, #tpu.memory_space<vmem>> -> memref<32x128xf32, #tpu.memory_space<vmem>>
      %gather3A_1820 = tpu.vector_load_idx %gather3A_1819[%iota3A, %broadcast_in_dim3A_1811] : memref<32x128xf32, #tpu.memory_space<vmem>>[vector<16xi32>, vector<16xi32>], vector<16xf32>,
      %add3A_1821 = arith.constant 16 : i32
      %add3A_1822 = vector.broadcast %add3A_1821 : i32 to vector<16xi32>
      %add3A_1823 = arith.addi %iota3A, %add3A_1822 : vector<16xi32>
      %gather3A_1824 = arith.constant 5 : i32
      %gather3A_1825 = arith.constant 0 : i32
      %gather3A_1826 = arith.constant 0 : i32
      %gather3A_1827 = tpu.memref_slice %arg11[%gather3A_1824, %gather3A_1825, %gather3A_1826] : memref<8x32x128xf32, #tpu.memory_space<vmem>> -> memref<1x32x128xf32, #tpu.memory_space<vmem>>
      %gather3A_1828 = tpu.memref_squeeze %gather3A_1827 : memref<1x32x128xf32, #tpu.memory_space<vmem>> -> memref<32x128xf32, #tpu.memory_space<vmem>>
      %gather3A_1829 = tpu.vector_load_idx %gather3A_1828[%add3A_1823, %broadcast_in_dim3A_1811] : memref<32x128xf32, #tpu.memory_space<vmem>>[vector<16xi32>, vector<16xi32>], vector<16xf32>,
      %gather3A_1830 = arith.constant 5 : i32
      %gather3A_1831 = arith.constant 0 : i32
      %gather3A_1832 = arith.constant 0 : i32
      %gather3A_1833 = tpu.memref_slice %arg12[%gather3A_1830, %gather3A_1831, %gather3A_1832] : memref<8x32x128xf32, #tpu.memory_space<vmem>> -> memref<1x32x128xf32, #tpu.memory_space<vmem>>
      %gather3A_1834 = tpu.memref_squeeze %gather3A_1833 : memref<1x32x128xf32, #tpu.memory_space<vmem>> -> memref<32x128xf32, #tpu.memory_space<vmem>>
      %gather3A_1835 = tpu.vector_load_idx %gather3A_1834[%iota3A, %broadcast_in_dim3A_1814] : memref<32x128xf32, #tpu.memory_space<vmem>>[vector<16xi32>, vector<16xi32>], vector<16xf32>,
      %add3A_1836 = arith.constant 16 : i32
      %add3A_1837 = vector.broadcast %add3A_1836 : i32 to vector<16xi32>
      %add3A_1838 = arith.addi %iota3A, %add3A_1837 : vector<16xi32>
      %gather3A_1839 = arith.constant 5 : i32
      %gather3A_1840 = arith.constant 0 : i32
      %gather3A_1841 = arith.constant 0 : i32
      %gather3A_1842 = tpu.memref_slice %arg12[%gather3A_1839, %gather3A_1840, %gather3A_1841] : memref<8x32x128xf32, #tpu.memory_space<vmem>> -> memref<1x32x128xf32, #tpu.memory_space<vmem>>
      %gather3A_1843 = tpu.memref_squeeze %gather3A_1842 : memref<1x32x128xf32, #tpu.memory_space<vmem>> -> memref<32x128xf32, #tpu.memory_space<vmem>>
      %gather3A_1844 = tpu.vector_load_idx %gather3A_1843[%add3A_1838, %broadcast_in_dim3A_1814] : memref<32x128xf32, #tpu.memory_space<vmem>>[vector<16xi32>, vector<16xi32>], vector<16xf32>,
      %mul3A_1845 = arith.mulf %gather3A_1820, %gather3A_1835 : vector<16xf32>
      %mul3A_1846 = arith.mulf %gather3A_1829, %gather3A_1844 : vector<16xf32>
      %add3A_1847 = arith.addf %mul3A_1845, %mul3A_1846 : vector<16xf32>
      %swap3A_1848 = arith.constant 208 : index
      %swap3A_1849 = tpu.vector_load %arg15[%swap3A_1848] {strides = array<i32>} : memref<256xf32, #tpu.memory_space<vmem>>, vector<16xf32>,
      tpu.vector_store %arg15[%swap3A_1848], %add3A_1847 {strides = array<i32>} : memref<256xf32, #tpu.memory_space<vmem>>, vector<16xf32>,
      %lt3A_1850 = arith.constant 31 : i32
      %lt3A_1851 = arith.cmpi slt, %scan3A_422, %lt3A_1850 : i32
      %convert_element_type3A_1852 = arith.extui %lt3A_1851 : i1 to i32
      %cond3A_1853 = arith.constant 0 : i32
      %cond3A_1854 = arith.cmpi ne, %convert_element_type3A_1852, %cond3A_1853 : i32
      scf.if %cond3A_1854 {
        %add3A_2160 = arith.constant 1 : i32
        %add3A_2161 = arith.addi %scan3A_422, %add3A_2160 : i32
        %mul3A_2162 = arith.constant 16 : i32
        %mul3A_2163 = arith.muli %add3A_2161, %mul3A_2162 : i32
        %get3A_2164 = arith.index_cast %mul3A_2163 : i32 to index
        %get3A_2165 = tpu.vector_load %arg9[%get3A_2164] {strides = array<i32>} : memref<512xi32, #tpu.memory_space<vmem>>, vector<16xi32>,
        %mul3A_2166 = arith.constant 16 : i32
        %mul3A_2167 = arith.muli %add3A_2161, %mul3A_2166 : i32
        %get3A_2168 = arith.index_cast %mul3A_2167 : i32 to index
        %get3A_2169 = tpu.vector_load %arg10[%get3A_2168] {strides = array<i32>} : memref<512xi32, #tpu.memory_space<vmem>>, vector<16xi32>,
        %shift_right_arithmetic3A_2170 = arith.constant 7 : i32
        %shift_right_arithmetic3A_2171 = vector.broadcast %shift_right_arithmetic3A_2170 : i32 to vector<16xi32>
        %shift_right_arithmetic3A_2172 = arith.shrsi %get3A_2165, %shift_right_arithmetic3A_2171 : vector<16xi32>
        %mul3A_2173 = arith.constant 128 : i32
        %mul3A_2174 = vector.broadcast %mul3A_2173 : i32 to vector<16xi32>
        %mul3A_2175 = arith.muli %shift_right_arithmetic3A_2172, %mul3A_2174 : vector<16xi32>
        %and3A_2176 = arith.constant 127 : i32
        %and3A_2177 = vector.broadcast %and3A_2176 : i32 to vector<16xi32>
        %and3A_2178 = arith.andi %get3A_2165, %and3A_2177 : vector<16xi32>
        %shift_right_arithmetic3A_2179 = arith.constant 7 : i32
        %shift_right_arithmetic3A_2180 = vector.broadcast %shift_right_arithmetic3A_2179 : i32 to vector<16xi32>
        %shift_right_arithmetic3A_2181 = arith.shrsi %get3A_2169, %shift_right_arithmetic3A_2180 : vector<16xi32>
        %mul3A_2182 = arith.constant 128 : i32
        %mul3A_2183 = vector.broadcast %mul3A_2182 : i32 to vector<16xi32>
        %mul3A_2184 = arith.muli %shift_right_arithmetic3A_2181, %mul3A_2183 : vector<16xi32>
        %and3A_2185 = arith.constant 127 : i32
        %and3A_2186 = vector.broadcast %and3A_2185 : i32 to vector<16xi32>
        %and3A_2187 = arith.andi %get3A_2169, %and3A_2186 : vector<16xi32>
        %slice3A_2188 = vector.extract_strided_slice %mul3A_2175 {offsets = [5], sizes = [1], strides = [1]} : vector<16xi32> to vector<1xi32>
        %squeeze3A_2189 = vector.extract %slice3A_2188[0] : i32 from vector<1xi32>
        %slice3A_2190 = vector.extract_strided_slice %mul3A_2184 {offsets = [5], sizes = [1], strides = [1]} : vector<16xi32> to vector<1xi32>
        %squeeze3A_2191 = vector.extract %slice3A_2190[0] : i32 from vector<1xi32>
        %multiple_of3A_2192 = tpu.assume_multiple %squeeze3A_2189, 128 : i32
        %dma_start3A_2193 = arith.constant 5 : i32
        %dma_start3A_2194 = arith.constant 5 : i32
        %dma_start3A_2195 = arith.constant 0 : i32
        %dma_start3A_2196 = arith.constant 0 : i32
        %dma_start3A_2197 = tpu.memref_slice %arg11[%dma_start3A_2193, %dma_start3A_2195, %dma_start3A_2196] : memref<8x32x128xf32, #tpu.memory_space<vmem>> -> memref<1x32x128xf32, #tpu.memory_space<vmem>>
        %dma_start3A_2198 = tpu.memref_squeeze %dma_start3A_2197 : memref<1x32x128xf32, #tpu.memory_space<vmem>> -> memref<32x128xf32, #tpu.memory_space<vmem>>
        %dma_start3A_2199 = arith.constant 0 : i32
        %dma_start3A_2200 = tpu.memref_slice %arg4[%dma_start3A_2199, %multiple_of3A_2192] : memref<32x1000000xf32, #tpu.memory_space<hbm>> -> memref<32x128xf32, #tpu.memory_space<hbm>>
        %dma_start3A_2201 = tpu.memref_slice %arg17[%dma_start3A_2194] : memref<8x!tpu.dma_semaphore, #tpu.memory_space<semaphore_mem>> -> memref<1x!tpu.dma_semaphore, #tpu.memory_space<semaphore_mem>>
        %dma_start3A_2202 = tpu.memref_squeeze %dma_start3A_2201 : memref<1x!tpu.dma_semaphore, #tpu.memory_space<semaphore_mem>> -> memref<!tpu.dma_semaphore, #tpu.memory_space<semaphore_mem>>
        %dma_start3A_2203 = arith.constant 0 : i32
        %dma_start3A_2204 = arith.constant 0 : i32
        %dma_start3A_2205 = tpu.memref_slice %arg11[%dma_start3A_2193, %dma_start3A_2203, %dma_start3A_2204] : memref<8x32x128xf32, #tpu.memory_space<vmem>> -> memref<1x32x128xf32, #tpu.memory_space<vmem>>
        %dma_start3A_2206 = tpu.memref_squeeze %dma_start3A_2205 : memref<1x32x128xf32, #tpu.memory_space<vmem>> -> memref<32x128xf32, #tpu.memory_space<vmem>>
        %dma_start3A_2207 = arith.constant 0 : i32
        %dma_start3A_2208 = tpu.memref_slice %arg4[%dma_start3A_2207, %multiple_of3A_2192] : memref<32x1000000xf32, #tpu.memory_space<hbm>> -> memref<32x128xf32, #tpu.memory_space<hbm>>
        tpu.enqueue_dma source(%dma_start3A_2208 : memref<32x128xf32, #tpu.memory_space<hbm>>) target(%dma_start3A_2206 : memref<32x128xf32, #tpu.memory_space<vmem>>) target_semaphore(%dma_start3A_2202 : memref<!tpu.dma_semaphore, #tpu.memory_space<semaphore_mem>>)
        %multiple_of3A_2209 = tpu.assume_multiple %squeeze3A_2191, 128 : i32
        %dma_start3A_2210 = arith.constant 5 : i32
        %dma_start3A_2211 = arith.constant 5 : i32
        %dma_start3A_2212 = arith.constant 0 : i32
        %dma_start3A_2213 = arith.constant 0 : i32
        %dma_start3A_2214 = tpu.memref_slice %arg12[%dma_start3A_2210, %dma_start3A_2212, %dma_start3A_2213] : memref<8x32x128xf32, #tpu.memory_space<vmem>> -> memref<1x32x128xf32, #tpu.memory_space<vmem>>
        %dma_start3A_2215 = tpu.memref_squeeze %dma_start3A_2214 : memref<1x32x128xf32, #tpu.memory_space<vmem>> -> memref<32x128xf32, #tpu.memory_space<vmem>>
        %dma_start3A_2216 = arith.constant 0 : i32
        %dma_start3A_2217 = tpu.memref_slice %arg5[%dma_start3A_2216, %multiple_of3A_2209] : memref<32x1000000xf32, #tpu.memory_space<hbm>> -> memref<32x128xf32, #tpu.memory_space<hbm>>
        %dma_start3A_2218 = tpu.memref_slice %arg18[%dma_start3A_2211] : memref<8x!tpu.dma_semaphore, #tpu.memory_space<semaphore_mem>> -> memref<1x!tpu.dma_semaphore, #tpu.memory_space<semaphore_mem>>
        %dma_start3A_2219 = tpu.memref_squeeze %dma_start3A_2218 : memref<1x!tpu.dma_semaphore, #tpu.memory_space<semaphore_mem>> -> memref<!tpu.dma_semaphore, #tpu.memory_space<semaphore_mem>>
        %dma_start3A_2220 = arith.constant 0 : i32
        %dma_start3A_2221 = arith.constant 0 : i32
        %dma_start3A_2222 = tpu.memref_slice %arg12[%dma_start3A_2210, %dma_start3A_2220, %dma_start3A_2221] : memref<8x32x128xf32, #tpu.memory_space<vmem>> -> memref<1x32x128xf32, #tpu.memory_space<vmem>>
        %dma_start3A_2223 = tpu.memref_squeeze %dma_start3A_2222 : memref<1x32x128xf32, #tpu.memory_space<vmem>> -> memref<32x128xf32, #tpu.memory_space<vmem>>
        %dma_start3A_2224 = arith.constant 0 : i32
        %dma_start3A_2225 = tpu.memref_slice %arg5[%dma_start3A_2224, %multiple_of3A_2209] : memref<32x1000000xf32, #tpu.memory_space<hbm>> -> memref<32x128xf32, #tpu.memory_space<hbm>>
        tpu.enqueue_dma source(%dma_start3A_2225 : memref<32x128xf32, #tpu.memory_space<hbm>>) target(%dma_start3A_2223 : memref<32x128xf32, #tpu.memory_space<vmem>>) target_semaphore(%dma_start3A_2219 : memref<!tpu.dma_semaphore, #tpu.memory_space<semaphore_mem>>)
      } else {
      }
      %dma_wait3A_1855 = arith.constant 6 : i32
      %dma_wait3A_1856 = arith.constant 6 : i32
      %dma_wait3A_1857 = arith.constant 0 : i32
      %dma_wait3A_1858 = arith.constant 0 : i32
      %dma_wait3A_1859 = tpu.memref_slice %arg11[%dma_wait3A_1855, %dma_wait3A_1857, %dma_wait3A_1858] : memref<8x32x128xf32, #tpu.memory_space<vmem>> -> memref<1x32x128xf32, #tpu.memory_space<vmem>>
      %dma_wait3A_1860 = tpu.memref_squeeze %dma_wait3A_1859 : memref<1x32x128xf32, #tpu.memory_space<vmem>> -> memref<32x128xf32, #tpu.memory_space<vmem>>
      %dma_wait3A_1861 = arith.constant 0 : i32
      %dma_wait3A_1862 = arith.constant 0 : i32
      %dma_wait3A_1863 = tpu.memref_slice %arg4[%dma_wait3A_1861, %dma_wait3A_1862] : memref<32x1000000xf32, #tpu.memory_space<hbm>> -> memref<32x128xf32, #tpu.memory_space<hbm>>
      %dma_wait3A_1864 = tpu.memref_slice %arg17[%dma_wait3A_1856] : memref<8x!tpu.dma_semaphore, #tpu.memory_space<semaphore_mem>> -> memref<1x!tpu.dma_semaphore, #tpu.memory_space<semaphore_mem>>
      %dma_wait3A_1865 = tpu.memref_squeeze %dma_wait3A_1864 : memref<1x!tpu.dma_semaphore, #tpu.memory_space<semaphore_mem>> -> memref<!tpu.dma_semaphore, #tpu.memory_space<semaphore_mem>>
      %dma_wait3A_1866 = arith.constant 0 : i32
      %dma_wait3A_1867 = arith.constant 0 : i32
      %dma_wait3A_1868 = tpu.memref_slice %arg11[%dma_wait3A_1855, %dma_wait3A_1866, %dma_wait3A_1867] : memref<8x32x128xf32, #tpu.memory_space<vmem>> -> memref<1x32x128xf32, #tpu.memory_space<vmem>>
      %dma_wait3A_1869 = tpu.memref_squeeze %dma_wait3A_1868 : memref<1x32x128xf32, #tpu.memory_space<vmem>> -> memref<32x128xf32, #tpu.memory_space<vmem>>
      %dma_wait3A_1870 = arith.constant 0 : i32
      %dma_wait3A_1871 = arith.constant 0 : i32
      %dma_wait3A_1872 = tpu.memref_slice %arg4[%dma_wait3A_1870, %dma_wait3A_1871] : memref<32x1000000xf32, #tpu.memory_space<hbm>> -> memref<32x128xf32, #tpu.memory_space<hbm>>
      tpu.wait_dma2 semaphore(%dma_wait3A_1865 : memref<!tpu.dma_semaphore, #tpu.memory_space<semaphore_mem>>) src(%dma_wait3A_1872 : memref<32x128xf32, #tpu.memory_space<hbm>>) dst(%dma_wait3A_1869 : memref<32x128xf32, #tpu.memory_space<vmem>>)
      %dma_wait3A_1873 = arith.constant 6 : i32
      %dma_wait3A_1874 = arith.constant 6 : i32
      %dma_wait3A_1875 = arith.constant 0 : i32
      %dma_wait3A_1876 = arith.constant 0 : i32
      %dma_wait3A_1877 = tpu.memref_slice %arg12[%dma_wait3A_1873, %dma_wait3A_1875, %dma_wait3A_1876] : memref<8x32x128xf32, #tpu.memory_space<vmem>> -> memref<1x32x128xf32, #tpu.memory_space<vmem>>
      %dma_wait3A_1878 = tpu.memref_squeeze %dma_wait3A_1877 : memref<1x32x128xf32, #tpu.memory_space<vmem>> -> memref<32x128xf32, #tpu.memory_space<vmem>>
      %dma_wait3A_1879 = arith.constant 0 : i32
      %dma_wait3A_1880 = arith.constant 0 : i32
      %dma_wait3A_1881 = tpu.memref_slice %arg5[%dma_wait3A_1879, %dma_wait3A_1880] : memref<32x1000000xf32, #tpu.memory_space<hbm>> -> memref<32x128xf32, #tpu.memory_space<hbm>>
      %dma_wait3A_1882 = tpu.memref_slice %arg18[%dma_wait3A_1874] : memref<8x!tpu.dma_semaphore, #tpu.memory_space<semaphore_mem>> -> memref<1x!tpu.dma_semaphore, #tpu.memory_space<semaphore_mem>>
      %dma_wait3A_1883 = tpu.memref_squeeze %dma_wait3A_1882 : memref<1x!tpu.dma_semaphore, #tpu.memory_space<semaphore_mem>> -> memref<!tpu.dma_semaphore, #tpu.memory_space<semaphore_mem>>
      %dma_wait3A_1884 = arith.constant 0 : i32
      %dma_wait3A_1885 = arith.constant 0 : i32
      %dma_wait3A_1886 = tpu.memref_slice %arg12[%dma_wait3A_1873, %dma_wait3A_1884, %dma_wait3A_1885] : memref<8x32x128xf32, #tpu.memory_space<vmem>> -> memref<1x32x128xf32, #tpu.memory_space<vmem>>
      %dma_wait3A_1887 = tpu.memref_squeeze %dma_wait3A_1886 : memref<1x32x128xf32, #tpu.memory_space<vmem>> -> memref<32x128xf32, #tpu.memory_space<vmem>>
      %dma_wait3A_1888 = arith.constant 0 : i32
      %dma_wait3A_1889 = arith.constant 0 : i32
      %dma_wait3A_1890 = tpu.memref_slice %arg5[%dma_wait3A_1888, %dma_wait3A_1889] : memref<32x1000000xf32, #tpu.memory_space<hbm>> -> memref<32x128xf32, #tpu.memory_space<hbm>>
      tpu.wait_dma2 semaphore(%dma_wait3A_1883 : memref<!tpu.dma_semaphore, #tpu.memory_space<semaphore_mem>>) src(%dma_wait3A_1890 : memref<32x128xf32, #tpu.memory_space<hbm>>) dst(%dma_wait3A_1887 : memref<32x128xf32, #tpu.memory_space<vmem>>)
      %slice3A_1891 = vector.extract_strided_slice %and3A_439 {offsets = [14], sizes = [1], strides = [1]} : vector<16xi32> to vector<1xi32>
      %squeeze3A_1892 = vector.extract %slice3A_1891[0] : i32 from vector<1xi32>
      %broadcast_in_dim3A_1893 = vector.broadcast %squeeze3A_1892 : i32 to vector<16xi32>
      %slice3A_1894 = vector.extract_strided_slice %and3A_448 {offsets = [14], sizes = [1], strides = [1]} : vector<16xi32> to vector<1xi32>
      %squeeze3A_1895 = vector.extract %slice3A_1894[0] : i32 from vector<1xi32>
      %broadcast_in_dim3A_1896 = vector.broadcast %squeeze3A_1895 : i32 to vector<16xi32>
      %gather3A_1897 = arith.constant 6 : i32
      %gather3A_1898 = arith.constant 0 : i32
      %gather3A_1899 = arith.constant 0 : i32
      %gather3A_1900 = tpu.memref_slice %arg11[%gather3A_1897, %gather3A_1898, %gather3A_1899] : memref<8x32x128xf32, #tpu.memory_space<vmem>> -> memref<1x32x128xf32, #tpu.memory_space<vmem>>
      %gather3A_1901 = tpu.memref_squeeze %gather3A_1900 : memref<1x32x128xf32, #tpu.memory_space<vmem>> -> memref<32x128xf32, #tpu.memory_space<vmem>>
      %gather3A_1902 = tpu.vector_load_idx %gather3A_1901[%iota3A, %broadcast_in_dim3A_1893] : memref<32x128xf32, #tpu.memory_space<vmem>>[vector<16xi32>, vector<16xi32>], vector<16xf32>,
      %add3A_1903 = arith.constant 16 : i32
      %add3A_1904 = vector.broadcast %add3A_1903 : i32 to vector<16xi32>
      %add3A_1905 = arith.addi %iota3A, %add3A_1904 : vector<16xi32>
      %gather3A_1906 = arith.constant 6 : i32
      %gather3A_1907 = arith.constant 0 : i32
      %gather3A_1908 = arith.constant 0 : i32
      %gather3A_1909 = tpu.memref_slice %arg11[%gather3A_1906, %gather3A_1907, %gather3A_1908] : memref<8x32x128xf32, #tpu.memory_space<vmem>> -> memref<1x32x128xf32, #tpu.memory_space<vmem>>
      %gather3A_1910 = tpu.memref_squeeze %gather3A_1909 : memref<1x32x128xf32, #tpu.memory_space<vmem>> -> memref<32x128xf32, #tpu.memory_space<vmem>>
      %gather3A_1911 = tpu.vector_load_idx %gather3A_1910[%add3A_1905, %broadcast_in_dim3A_1893] : memref<32x128xf32, #tpu.memory_space<vmem>>[vector<16xi32>, vector<16xi32>], vector<16xf32>,
      %gather3A_1912 = arith.constant 6 : i32
      %gather3A_1913 = arith.constant 0 : i32
      %gather3A_1914 = arith.constant 0 : i32
      %gather3A_1915 = tpu.memref_slice %arg12[%gather3A_1912, %gather3A_1913, %gather3A_1914] : memref<8x32x128xf32, #tpu.memory_space<vmem>> -> memref<1x32x128xf32, #tpu.memory_space<vmem>>
      %gather3A_1916 = tpu.memref_squeeze %gather3A_1915 : memref<1x32x128xf32, #tpu.memory_space<vmem>> -> memref<32x128xf32, #tpu.memory_space<vmem>>
      %gather3A_1917 = tpu.vector_load_idx %gather3A_1916[%iota3A, %broadcast_in_dim3A_1896] : memref<32x128xf32, #tpu.memory_space<vmem>>[vector<16xi32>, vector<16xi32>], vector<16xf32>,
      %add3A_1918 = arith.constant 16 : i32
      %add3A_1919 = vector.broadcast %add3A_1918 : i32 to vector<16xi32>
      %add3A_1920 = arith.addi %iota3A, %add3A_1919 : vector<16xi32>
      %gather3A_1921 = arith.constant 6 : i32
      %gather3A_1922 = arith.constant 0 : i32
      %gather3A_1923 = arith.constant 0 : i32
      %gather3A_1924 = tpu.memref_slice %arg12[%gather3A_1921, %gather3A_1922, %gather3A_1923] : memref<8x32x128xf32, #tpu.memory_space<vmem>> -> memref<1x32x128xf32, #tpu.memory_space<vmem>>
      %gather3A_1925 = tpu.memref_squeeze %gather3A_1924 : memref<1x32x128xf32, #tpu.memory_space<vmem>> -> memref<32x128xf32, #tpu.memory_space<vmem>>
      %gather3A_1926 = tpu.vector_load_idx %gather3A_1925[%add3A_1920, %broadcast_in_dim3A_1896] : memref<32x128xf32, #tpu.memory_space<vmem>>[vector<16xi32>, vector<16xi32>], vector<16xf32>,
      %mul3A_1927 = arith.mulf %gather3A_1902, %gather3A_1917 : vector<16xf32>
      %mul3A_1928 = arith.mulf %gather3A_1911, %gather3A_1926 : vector<16xf32>
      %add3A_1929 = arith.addf %mul3A_1927, %mul3A_1928 : vector<16xf32>
      %swap3A_1930 = arith.constant 224 : index
      %swap3A_1931 = tpu.vector_load %arg15[%swap3A_1930] {strides = array<i32>} : memref<256xf32, #tpu.memory_space<vmem>>, vector<16xf32>,
      tpu.vector_store %arg15[%swap3A_1930], %add3A_1929 {strides = array<i32>} : memref<256xf32, #tpu.memory_space<vmem>>, vector<16xf32>,
      %lt3A_1932 = arith.constant 31 : i32
      %lt3A_1933 = arith.cmpi slt, %scan3A_422, %lt3A_1932 : i32
      %convert_element_type3A_1934 = arith.extui %lt3A_1933 : i1 to i32
      %cond3A_1935 = arith.constant 0 : i32
      %cond3A_1936 = arith.cmpi ne, %convert_element_type3A_1934, %cond3A_1935 : i32
      scf.if %cond3A_1936 {
        %add3A_2160 = arith.constant 1 : i32
        %add3A_2161 = arith.addi %scan3A_422, %add3A_2160 : i32
        %mul3A_2162 = arith.constant 16 : i32
        %mul3A_2163 = arith.muli %add3A_2161, %mul3A_2162 : i32
        %get3A_2164 = arith.index_cast %mul3A_2163 : i32 to index
        %get3A_2165 = tpu.vector_load %arg9[%get3A_2164] {strides = array<i32>} : memref<512xi32, #tpu.memory_space<vmem>>, vector<16xi32>,
        %mul3A_2166 = arith.constant 16 : i32
        %mul3A_2167 = arith.muli %add3A_2161, %mul3A_2166 : i32
        %get3A_2168 = arith.index_cast %mul3A_2167 : i32 to index
        %get3A_2169 = tpu.vector_load %arg10[%get3A_2168] {strides = array<i32>} : memref<512xi32, #tpu.memory_space<vmem>>, vector<16xi32>,
        %shift_right_arithmetic3A_2170 = arith.constant 7 : i32
        %shift_right_arithmetic3A_2171 = vector.broadcast %shift_right_arithmetic3A_2170 : i32 to vector<16xi32>
        %shift_right_arithmetic3A_2172 = arith.shrsi %get3A_2165, %shift_right_arithmetic3A_2171 : vector<16xi32>
        %mul3A_2173 = arith.constant 128 : i32
        %mul3A_2174 = vector.broadcast %mul3A_2173 : i32 to vector<16xi32>
        %mul3A_2175 = arith.muli %shift_right_arithmetic3A_2172, %mul3A_2174 : vector<16xi32>
        %and3A_2176 = arith.constant 127 : i32
        %and3A_2177 = vector.broadcast %and3A_2176 : i32 to vector<16xi32>
        %and3A_2178 = arith.andi %get3A_2165, %and3A_2177 : vector<16xi32>
        %shift_right_arithmetic3A_2179 = arith.constant 7 : i32
        %shift_right_arithmetic3A_2180 = vector.broadcast %shift_right_arithmetic3A_2179 : i32 to vector<16xi32>
        %shift_right_arithmetic3A_2181 = arith.shrsi %get3A_2169, %shift_right_arithmetic3A_2180 : vector<16xi32>
        %mul3A_2182 = arith.constant 128 : i32
        %mul3A_2183 = vector.broadcast %mul3A_2182 : i32 to vector<16xi32>
        %mul3A_2184 = arith.muli %shift_right_arithmetic3A_2181, %mul3A_2183 : vector<16xi32>
        %and3A_2185 = arith.constant 127 : i32
        %and3A_2186 = vector.broadcast %and3A_2185 : i32 to vector<16xi32>
        %and3A_2187 = arith.andi %get3A_2169, %and3A_2186 : vector<16xi32>
        %slice3A_2188 = vector.extract_strided_slice %mul3A_2175 {offsets = [6], sizes = [1], strides = [1]} : vector<16xi32> to vector<1xi32>
        %squeeze3A_2189 = vector.extract %slice3A_2188[0] : i32 from vector<1xi32>
        %slice3A_2190 = vector.extract_strided_slice %mul3A_2184 {offsets = [6], sizes = [1], strides = [1]} : vector<16xi32> to vector<1xi32>
        %squeeze3A_2191 = vector.extract %slice3A_2190[0] : i32 from vector<1xi32>
        %multiple_of3A_2192 = tpu.assume_multiple %squeeze3A_2189, 128 : i32
        %dma_start3A_2193 = arith.constant 6 : i32
        %dma_start3A_2194 = arith.constant 6 : i32
        %dma_start3A_2195 = arith.constant 0 : i32
        %dma_start3A_2196 = arith.constant 0 : i32
        %dma_start3A_2197 = tpu.memref_slice %arg11[%dma_start3A_2193, %dma_start3A_2195, %dma_start3A_2196] : memref<8x32x128xf32, #tpu.memory_space<vmem>> -> memref<1x32x128xf32, #tpu.memory_space<vmem>>
        %dma_start3A_2198 = tpu.memref_squeeze %dma_start3A_2197 : memref<1x32x128xf32, #tpu.memory_space<vmem>> -> memref<32x128xf32, #tpu.memory_space<vmem>>
        %dma_start3A_2199 = arith.constant 0 : i32
        %dma_start3A_2200 = tpu.memref_slice %arg4[%dma_start3A_2199, %multiple_of3A_2192] : memref<32x1000000xf32, #tpu.memory_space<hbm>> -> memref<32x128xf32, #tpu.memory_space<hbm>>
        %dma_start3A_2201 = tpu.memref_slice %arg17[%dma_start3A_2194] : memref<8x!tpu.dma_semaphore, #tpu.memory_space<semaphore_mem>> -> memref<1x!tpu.dma_semaphore, #tpu.memory_space<semaphore_mem>>
        %dma_start3A_2202 = tpu.memref_squeeze %dma_start3A_2201 : memref<1x!tpu.dma_semaphore, #tpu.memory_space<semaphore_mem>> -> memref<!tpu.dma_semaphore, #tpu.memory_space<semaphore_mem>>
        %dma_start3A_2203 = arith.constant 0 : i32
        %dma_start3A_2204 = arith.constant 0 : i32
        %dma_start3A_2205 = tpu.memref_slice %arg11[%dma_start3A_2193, %dma_start3A_2203, %dma_start3A_2204] : memref<8x32x128xf32, #tpu.memory_space<vmem>> -> memref<1x32x128xf32, #tpu.memory_space<vmem>>
        %dma_start3A_2206 = tpu.memref_squeeze %dma_start3A_2205 : memref<1x32x128xf32, #tpu.memory_space<vmem>> -> memref<32x128xf32, #tpu.memory_space<vmem>>
        %dma_start3A_2207 = arith.constant 0 : i32
        %dma_start3A_2208 = tpu.memref_slice %arg4[%dma_start3A_2207, %multiple_of3A_2192] : memref<32x1000000xf32, #tpu.memory_space<hbm>> -> memref<32x128xf32, #tpu.memory_space<hbm>>
        tpu.enqueue_dma source(%dma_start3A_2208 : memref<32x128xf32, #tpu.memory_space<hbm>>) target(%dma_start3A_2206 : memref<32x128xf32, #tpu.memory_space<vmem>>) target_semaphore(%dma_start3A_2202 : memref<!tpu.dma_semaphore, #tpu.memory_space<semaphore_mem>>)
        %multiple_of3A_2209 = tpu.assume_multiple %squeeze3A_2191, 128 : i32
        %dma_start3A_2210 = arith.constant 6 : i32
        %dma_start3A_2211 = arith.constant 6 : i32
        %dma_start3A_2212 = arith.constant 0 : i32
        %dma_start3A_2213 = arith.constant 0 : i32
        %dma_start3A_2214 = tpu.memref_slice %arg12[%dma_start3A_2210, %dma_start3A_2212, %dma_start3A_2213] : memref<8x32x128xf32, #tpu.memory_space<vmem>> -> memref<1x32x128xf32, #tpu.memory_space<vmem>>
        %dma_start3A_2215 = tpu.memref_squeeze %dma_start3A_2214 : memref<1x32x128xf32, #tpu.memory_space<vmem>> -> memref<32x128xf32, #tpu.memory_space<vmem>>
        %dma_start3A_2216 = arith.constant 0 : i32
        %dma_start3A_2217 = tpu.memref_slice %arg5[%dma_start3A_2216, %multiple_of3A_2209] : memref<32x1000000xf32, #tpu.memory_space<hbm>> -> memref<32x128xf32, #tpu.memory_space<hbm>>
        %dma_start3A_2218 = tpu.memref_slice %arg18[%dma_start3A_2211] : memref<8x!tpu.dma_semaphore, #tpu.memory_space<semaphore_mem>> -> memref<1x!tpu.dma_semaphore, #tpu.memory_space<semaphore_mem>>
        %dma_start3A_2219 = tpu.memref_squeeze %dma_start3A_2218 : memref<1x!tpu.dma_semaphore, #tpu.memory_space<semaphore_mem>> -> memref<!tpu.dma_semaphore, #tpu.memory_space<semaphore_mem>>
        %dma_start3A_2220 = arith.constant 0 : i32
        %dma_start3A_2221 = arith.constant 0 : i32
        %dma_start3A_2222 = tpu.memref_slice %arg12[%dma_start3A_2210, %dma_start3A_2220, %dma_start3A_2221] : memref<8x32x128xf32, #tpu.memory_space<vmem>> -> memref<1x32x128xf32, #tpu.memory_space<vmem>>
        %dma_start3A_2223 = tpu.memref_squeeze %dma_start3A_2222 : memref<1x32x128xf32, #tpu.memory_space<vmem>> -> memref<32x128xf32, #tpu.memory_space<vmem>>
        %dma_start3A_2224 = arith.constant 0 : i32
        %dma_start3A_2225 = tpu.memref_slice %arg5[%dma_start3A_2224, %multiple_of3A_2209] : memref<32x1000000xf32, #tpu.memory_space<hbm>> -> memref<32x128xf32, #tpu.memory_space<hbm>>
        tpu.enqueue_dma source(%dma_start3A_2225 : memref<32x128xf32, #tpu.memory_space<hbm>>) target(%dma_start3A_2223 : memref<32x128xf32, #tpu.memory_space<vmem>>) target_semaphore(%dma_start3A_2219 : memref<!tpu.dma_semaphore, #tpu.memory_space<semaphore_mem>>)
      } else {
      }
      %dma_wait3A_1937 = arith.constant 7 : i32
      %dma_wait3A_1938 = arith.constant 7 : i32
      %dma_wait3A_1939 = arith.constant 0 : i32
      %dma_wait3A_1940 = arith.constant 0 : i32
      %dma_wait3A_1941 = tpu.memref_slice %arg11[%dma_wait3A_1937, %dma_wait3A_1939, %dma_wait3A_1940] : memref<8x32x128xf32, #tpu.memory_space<vmem>> -> memref<1x32x128xf32, #tpu.memory_space<vmem>>
      %dma_wait3A_1942 = tpu.memref_squeeze %dma_wait3A_1941 : memref<1x32x128xf32, #tpu.memory_space<vmem>> -> memref<32x128xf32, #tpu.memory_space<vmem>>
      %dma_wait3A_1943 = arith.constant 0 : i32
      %dma_wait3A_1944 = arith.constant 0 : i32
      %dma_wait3A_1945 = tpu.memref_slice %arg4[%dma_wait3A_1943, %dma_wait3A_1944] : memref<32x1000000xf32, #tpu.memory_space<hbm>> -> memref<32x128xf32, #tpu.memory_space<hbm>>
      %dma_wait3A_1946 = tpu.memref_slice %arg17[%dma_wait3A_1938] : memref<8x!tpu.dma_semaphore, #tpu.memory_space<semaphore_mem>> -> memref<1x!tpu.dma_semaphore, #tpu.memory_space<semaphore_mem>>
      %dma_wait3A_1947 = tpu.memref_squeeze %dma_wait3A_1946 : memref<1x!tpu.dma_semaphore, #tpu.memory_space<semaphore_mem>> -> memref<!tpu.dma_semaphore, #tpu.memory_space<semaphore_mem>>
      %dma_wait3A_1948 = arith.constant 0 : i32
      %dma_wait3A_1949 = arith.constant 0 : i32
      %dma_wait3A_1950 = tpu.memref_slice %arg11[%dma_wait3A_1937, %dma_wait3A_1948, %dma_wait3A_1949] : memref<8x32x128xf32, #tpu.memory_space<vmem>> -> memref<1x32x128xf32, #tpu.memory_space<vmem>>
      %dma_wait3A_1951 = tpu.memref_squeeze %dma_wait3A_1950 : memref<1x32x128xf32, #tpu.memory_space<vmem>> -> memref<32x128xf32, #tpu.memory_space<vmem>>
      %dma_wait3A_1952 = arith.constant 0 : i32
      %dma_wait3A_1953 = arith.constant 0 : i32
      %dma_wait3A_1954 = tpu.memref_slice %arg4[%dma_wait3A_1952, %dma_wait3A_1953] : memref<32x1000000xf32, #tpu.memory_space<hbm>> -> memref<32x128xf32, #tpu.memory_space<hbm>>
      tpu.wait_dma2 semaphore(%dma_wait3A_1947 : memref<!tpu.dma_semaphore, #tpu.memory_space<semaphore_mem>>) src(%dma_wait3A_1954 : memref<32x128xf32, #tpu.memory_space<hbm>>) dst(%dma_wait3A_1951 : memref<32x128xf32, #tpu.memory_space<vmem>>)
      %dma_wait3A_1955 = arith.constant 7 : i32
      %dma_wait3A_1956 = arith.constant 7 : i32
      %dma_wait3A_1957 = arith.constant 0 : i32
      %dma_wait3A_1958 = arith.constant 0 : i32
      %dma_wait3A_1959 = tpu.memref_slice %arg12[%dma_wait3A_1955, %dma_wait3A_1957, %dma_wait3A_1958] : memref<8x32x128xf32, #tpu.memory_space<vmem>> -> memref<1x32x128xf32, #tpu.memory_space<vmem>>
      %dma_wait3A_1960 = tpu.memref_squeeze %dma_wait3A_1959 : memref<1x32x128xf32, #tpu.memory_space<vmem>> -> memref<32x128xf32, #tpu.memory_space<vmem>>
      %dma_wait3A_1961 = arith.constant 0 : i32
      %dma_wait3A_1962 = arith.constant 0 : i32
      %dma_wait3A_1963 = tpu.memref_slice %arg5[%dma_wait3A_1961, %dma_wait3A_1962] : memref<32x1000000xf32, #tpu.memory_space<hbm>> -> memref<32x128xf32, #tpu.memory_space<hbm>>
      %dma_wait3A_1964 = tpu.memref_slice %arg18[%dma_wait3A_1956] : memref<8x!tpu.dma_semaphore, #tpu.memory_space<semaphore_mem>> -> memref<1x!tpu.dma_semaphore, #tpu.memory_space<semaphore_mem>>
      %dma_wait3A_1965 = tpu.memref_squeeze %dma_wait3A_1964 : memref<1x!tpu.dma_semaphore, #tpu.memory_space<semaphore_mem>> -> memref<!tpu.dma_semaphore, #tpu.memory_space<semaphore_mem>>
      %dma_wait3A_1966 = arith.constant 0 : i32
      %dma_wait3A_1967 = arith.constant 0 : i32
      %dma_wait3A_1968 = tpu.memref_slice %arg12[%dma_wait3A_1955, %dma_wait3A_1966, %dma_wait3A_1967] : memref<8x32x128xf32, #tpu.memory_space<vmem>> -> memref<1x32x128xf32, #tpu.memory_space<vmem>>
      %dma_wait3A_1969 = tpu.memref_squeeze %dma_wait3A_1968 : memref<1x32x128xf32, #tpu.memory_space<vmem>> -> memref<32x128xf32, #tpu.memory_space<vmem>>
      %dma_wait3A_1970 = arith.constant 0 : i32
      %dma_wait3A_1971 = arith.constant 0 : i32
      %dma_wait3A_1972 = tpu.memref_slice %arg5[%dma_wait3A_1970, %dma_wait3A_1971] : memref<32x1000000xf32, #tpu.memory_space<hbm>> -> memref<32x128xf32, #tpu.memory_space<hbm>>
      tpu.wait_dma2 semaphore(%dma_wait3A_1965 : memref<!tpu.dma_semaphore, #tpu.memory_space<semaphore_mem>>) src(%dma_wait3A_1972 : memref<32x128xf32, #tpu.memory_space<hbm>>) dst(%dma_wait3A_1969 : memref<32x128xf32, #tpu.memory_space<vmem>>)
      %slice3A_1973 = vector.extract_strided_slice %and3A_439 {offsets = [15], sizes = [1], strides = [1]} : vector<16xi32> to vector<1xi32>
      %squeeze3A_1974 = vector.extract %slice3A_1973[0] : i32 from vector<1xi32>
      %broadcast_in_dim3A_1975 = vector.broadcast %squeeze3A_1974 : i32 to vector<16xi32>
      %slice3A_1976 = vector.extract_strided_slice %and3A_448 {offsets = [15], sizes = [1], strides = [1]} : vector<16xi32> to vector<1xi32>
      %squeeze3A_1977 = vector.extract %slice3A_1976[0] : i32 from vector<1xi32>
      %broadcast_in_dim3A_1978 = vector.broadcast %squeeze3A_1977 : i32 to vector<16xi32>
      %gather3A_1979 = arith.constant 7 : i32
      %gather3A_1980 = arith.constant 0 : i32
      %gather3A_1981 = arith.constant 0 : i32
      %gather3A_1982 = tpu.memref_slice %arg11[%gather3A_1979, %gather3A_1980, %gather3A_1981] : memref<8x32x128xf32, #tpu.memory_space<vmem>> -> memref<1x32x128xf32, #tpu.memory_space<vmem>>
      %gather3A_1983 = tpu.memref_squeeze %gather3A_1982 : memref<1x32x128xf32, #tpu.memory_space<vmem>> -> memref<32x128xf32, #tpu.memory_space<vmem>>
      %gather3A_1984 = tpu.vector_load_idx %gather3A_1983[%iota3A, %broadcast_in_dim3A_1975] : memref<32x128xf32, #tpu.memory_space<vmem>>[vector<16xi32>, vector<16xi32>], vector<16xf32>,
      %add3A_1985 = arith.constant 16 : i32
      %add3A_1986 = vector.broadcast %add3A_1985 : i32 to vector<16xi32>
      %add3A_1987 = arith.addi %iota3A, %add3A_1986 : vector<16xi32>
      %gather3A_1988 = arith.constant 7 : i32
      %gather3A_1989 = arith.constant 0 : i32
      %gather3A_1990 = arith.constant 0 : i32
      %gather3A_1991 = tpu.memref_slice %arg11[%gather3A_1988, %gather3A_1989, %gather3A_1990] : memref<8x32x128xf32, #tpu.memory_space<vmem>> -> memref<1x32x128xf32, #tpu.memory_space<vmem>>
      %gather3A_1992 = tpu.memref_squeeze %gather3A_1991 : memref<1x32x128xf32, #tpu.memory_space<vmem>> -> memref<32x128xf32, #tpu.memory_space<vmem>>
      %gather3A_1993 = tpu.vector_load_idx %gather3A_1992[%add3A_1987, %broadcast_in_dim3A_1975] : memref<32x128xf32, #tpu.memory_space<vmem>>[vector<16xi32>, vector<16xi32>], vector<16xf32>,
      %gather3A_1994 = arith.constant 7 : i32
      %gather3A_1995 = arith.constant 0 : i32
      %gather3A_1996 = arith.constant 0 : i32
      %gather3A_1997 = tpu.memref_slice %arg12[%gather3A_1994, %gather3A_1995, %gather3A_1996] : memref<8x32x128xf32, #tpu.memory_space<vmem>> -> memref<1x32x128xf32, #tpu.memory_space<vmem>>
      %gather3A_1998 = tpu.memref_squeeze %gather3A_1997 : memref<1x32x128xf32, #tpu.memory_space<vmem>> -> memref<32x128xf32, #tpu.memory_space<vmem>>
      %gather3A_1999 = tpu.vector_load_idx %gather3A_1998[%iota3A, %broadcast_in_dim3A_1978] : memref<32x128xf32, #tpu.memory_space<vmem>>[vector<16xi32>, vector<16xi32>], vector<16xf32>,
      %add3A_2000 = arith.constant 16 : i32
      %add3A_2001 = vector.broadcast %add3A_2000 : i32 to vector<16xi32>
      %add3A_2002 = arith.addi %iota3A, %add3A_2001 : vector<16xi32>
      %gather3A_2003 = arith.constant 7 : i32
      %gather3A_2004 = arith.constant 0 : i32
      %gather3A_2005 = arith.constant 0 : i32
      %gather3A_2006 = tpu.memref_slice %arg12[%gather3A_2003, %gather3A_2004, %gather3A_2005] : memref<8x32x128xf32, #tpu.memory_space<vmem>> -> memref<1x32x128xf32, #tpu.memory_space<vmem>>
      %gather3A_2007 = tpu.memref_squeeze %gather3A_2006 : memref<1x32x128xf32, #tpu.memory_space<vmem>> -> memref<32x128xf32, #tpu.memory_space<vmem>>
      %gather3A_2008 = tpu.vector_load_idx %gather3A_2007[%add3A_2002, %broadcast_in_dim3A_1978] : memref<32x128xf32, #tpu.memory_space<vmem>>[vector<16xi32>, vector<16xi32>], vector<16xf32>,
      %mul3A_2009 = arith.mulf %gather3A_1984, %gather3A_1999 : vector<16xf32>
      %mul3A_2010 = arith.mulf %gather3A_1993, %gather3A_2008 : vector<16xf32>
      %add3A_2011 = arith.addf %mul3A_2009, %mul3A_2010 : vector<16xf32>
      %swap3A_2012 = arith.constant 240 : index
      %swap3A_2013 = tpu.vector_load %arg15[%swap3A_2012] {strides = array<i32>} : memref<256xf32, #tpu.memory_space<vmem>>, vector<16xf32>,
      tpu.vector_store %arg15[%swap3A_2012], %add3A_2011 {strides = array<i32>} : memref<256xf32, #tpu.memory_space<vmem>>, vector<16xf32>,
      %lt3A_2014 = arith.constant 31 : i32
      %lt3A_2015 = arith.cmpi slt, %scan3A_422, %lt3A_2014 : i32
      %convert_element_type3A_2016 = arith.extui %lt3A_2015 : i1 to i32
      %cond3A_2017 = arith.constant 0 : i32
      %cond3A_2018 = arith.cmpi ne, %convert_element_type3A_2016, %cond3A_2017 : i32
      scf.if %cond3A_2018 {
        %add3A_2160 = arith.constant 1 : i32
        %add3A_2161 = arith.addi %scan3A_422, %add3A_2160 : i32
        %mul3A_2162 = arith.constant 16 : i32
        %mul3A_2163 = arith.muli %add3A_2161, %mul3A_2162 : i32
        %get3A_2164 = arith.index_cast %mul3A_2163 : i32 to index
        %get3A_2165 = tpu.vector_load %arg9[%get3A_2164] {strides = array<i32>} : memref<512xi32, #tpu.memory_space<vmem>>, vector<16xi32>,
        %mul3A_2166 = arith.constant 16 : i32
        %mul3A_2167 = arith.muli %add3A_2161, %mul3A_2166 : i32
        %get3A_2168 = arith.index_cast %mul3A_2167 : i32 to index
        %get3A_2169 = tpu.vector_load %arg10[%get3A_2168] {strides = array<i32>} : memref<512xi32, #tpu.memory_space<vmem>>, vector<16xi32>,
        %shift_right_arithmetic3A_2170 = arith.constant 7 : i32
        %shift_right_arithmetic3A_2171 = vector.broadcast %shift_right_arithmetic3A_2170 : i32 to vector<16xi32>
        %shift_right_arithmetic3A_2172 = arith.shrsi %get3A_2165, %shift_right_arithmetic3A_2171 : vector<16xi32>
        %mul3A_2173 = arith.constant 128 : i32
        %mul3A_2174 = vector.broadcast %mul3A_2173 : i32 to vector<16xi32>
        %mul3A_2175 = arith.muli %shift_right_arithmetic3A_2172, %mul3A_2174 : vector<16xi32>
        %and3A_2176 = arith.constant 127 : i32
        %and3A_2177 = vector.broadcast %and3A_2176 : i32 to vector<16xi32>
        %and3A_2178 = arith.andi %get3A_2165, %and3A_2177 : vector<16xi32>
        %shift_right_arithmetic3A_2179 = arith.constant 7 : i32
        %shift_right_arithmetic3A_2180 = vector.broadcast %shift_right_arithmetic3A_2179 : i32 to vector<16xi32>
        %shift_right_arithmetic3A_2181 = arith.shrsi %get3A_2169, %shift_right_arithmetic3A_2180 : vector<16xi32>
        %mul3A_2182 = arith.constant 128 : i32
        %mul3A_2183 = vector.broadcast %mul3A_2182 : i32 to vector<16xi32>
        %mul3A_2184 = arith.muli %shift_right_arithmetic3A_2181, %mul3A_2183 : vector<16xi32>
        %and3A_2185 = arith.constant 127 : i32
        %and3A_2186 = vector.broadcast %and3A_2185 : i32 to vector<16xi32>
        %and3A_2187 = arith.andi %get3A_2169, %and3A_2186 : vector<16xi32>
        %slice3A_2188 = vector.extract_strided_slice %mul3A_2175 {offsets = [7], sizes = [1], strides = [1]} : vector<16xi32> to vector<1xi32>
        %squeeze3A_2189 = vector.extract %slice3A_2188[0] : i32 from vector<1xi32>
        %slice3A_2190 = vector.extract_strided_slice %mul3A_2184 {offsets = [7], sizes = [1], strides = [1]} : vector<16xi32> to vector<1xi32>
        %squeeze3A_2191 = vector.extract %slice3A_2190[0] : i32 from vector<1xi32>
        %multiple_of3A_2192 = tpu.assume_multiple %squeeze3A_2189, 128 : i32
        %dma_start3A_2193 = arith.constant 7 : i32
        %dma_start3A_2194 = arith.constant 7 : i32
        %dma_start3A_2195 = arith.constant 0 : i32
        %dma_start3A_2196 = arith.constant 0 : i32
        %dma_start3A_2197 = tpu.memref_slice %arg11[%dma_start3A_2193, %dma_start3A_2195, %dma_start3A_2196] : memref<8x32x128xf32, #tpu.memory_space<vmem>> -> memref<1x32x128xf32, #tpu.memory_space<vmem>>
        %dma_start3A_2198 = tpu.memref_squeeze %dma_start3A_2197 : memref<1x32x128xf32, #tpu.memory_space<vmem>> -> memref<32x128xf32, #tpu.memory_space<vmem>>
        %dma_start3A_2199 = arith.constant 0 : i32
        %dma_start3A_2200 = tpu.memref_slice %arg4[%dma_start3A_2199, %multiple_of3A_2192] : memref<32x1000000xf32, #tpu.memory_space<hbm>> -> memref<32x128xf32, #tpu.memory_space<hbm>>
        %dma_start3A_2201 = tpu.memref_slice %arg17[%dma_start3A_2194] : memref<8x!tpu.dma_semaphore, #tpu.memory_space<semaphore_mem>> -> memref<1x!tpu.dma_semaphore, #tpu.memory_space<semaphore_mem>>
        %dma_start3A_2202 = tpu.memref_squeeze %dma_start3A_2201 : memref<1x!tpu.dma_semaphore, #tpu.memory_space<semaphore_mem>> -> memref<!tpu.dma_semaphore, #tpu.memory_space<semaphore_mem>>
        %dma_start3A_2203 = arith.constant 0 : i32
        %dma_start3A_2204 = arith.constant 0 : i32
        %dma_start3A_2205 = tpu.memref_slice %arg11[%dma_start3A_2193, %dma_start3A_2203, %dma_start3A_2204] : memref<8x32x128xf32, #tpu.memory_space<vmem>> -> memref<1x32x128xf32, #tpu.memory_space<vmem>>
        %dma_start3A_2206 = tpu.memref_squeeze %dma_start3A_2205 : memref<1x32x128xf32, #tpu.memory_space<vmem>> -> memref<32x128xf32, #tpu.memory_space<vmem>>
        %dma_start3A_2207 = arith.constant 0 : i32
        %dma_start3A_2208 = tpu.memref_slice %arg4[%dma_start3A_2207, %multiple_of3A_2192] : memref<32x1000000xf32, #tpu.memory_space<hbm>> -> memref<32x128xf32, #tpu.memory_space<hbm>>
        tpu.enqueue_dma source(%dma_start3A_2208 : memref<32x128xf32, #tpu.memory_space<hbm>>) target(%dma_start3A_2206 : memref<32x128xf32, #tpu.memory_space<vmem>>) target_semaphore(%dma_start3A_2202 : memref<!tpu.dma_semaphore, #tpu.memory_space<semaphore_mem>>)
        %multiple_of3A_2209 = tpu.assume_multiple %squeeze3A_2191, 128 : i32
        %dma_start3A_2210 = arith.constant 7 : i32
        %dma_start3A_2211 = arith.constant 7 : i32
        %dma_start3A_2212 = arith.constant 0 : i32
        %dma_start3A_2213 = arith.constant 0 : i32
        %dma_start3A_2214 = tpu.memref_slice %arg12[%dma_start3A_2210, %dma_start3A_2212, %dma_start3A_2213] : memref<8x32x128xf32, #tpu.memory_space<vmem>> -> memref<1x32x128xf32, #tpu.memory_space<vmem>>
        %dma_start3A_2215 = tpu.memref_squeeze %dma_start3A_2214 : memref<1x32x128xf32, #tpu.memory_space<vmem>> -> memref<32x128xf32, #tpu.memory_space<vmem>>
        %dma_start3A_2216 = arith.constant 0 : i32
        %dma_start3A_2217 = tpu.memref_slice %arg5[%dma_start3A_2216, %multiple_of3A_2209] : memref<32x1000000xf32, #tpu.memory_space<hbm>> -> memref<32x128xf32, #tpu.memory_space<hbm>>
        %dma_start3A_2218 = tpu.memref_slice %arg18[%dma_start3A_2211] : memref<8x!tpu.dma_semaphore, #tpu.memory_space<semaphore_mem>> -> memref<1x!tpu.dma_semaphore, #tpu.memory_space<semaphore_mem>>
        %dma_start3A_2219 = tpu.memref_squeeze %dma_start3A_2218 : memref<1x!tpu.dma_semaphore, #tpu.memory_space<semaphore_mem>> -> memref<!tpu.dma_semaphore, #tpu.memory_space<semaphore_mem>>
        %dma_start3A_2220 = arith.constant 0 : i32
        %dma_start3A_2221 = arith.constant 0 : i32
        %dma_start3A_2222 = tpu.memref_slice %arg12[%dma_start3A_2210, %dma_start3A_2220, %dma_start3A_2221] : memref<8x32x128xf32, #tpu.memory_space<vmem>> -> memref<1x32x128xf32, #tpu.memory_space<vmem>>
        %dma_start3A_2223 = tpu.memref_squeeze %dma_start3A_2222 : memref<1x32x128xf32, #tpu.memory_space<vmem>> -> memref<32x128xf32, #tpu.memory_space<vmem>>
        %dma_start3A_2224 = arith.constant 0 : i32
        %dma_start3A_2225 = tpu.memref_slice %arg5[%dma_start3A_2224, %multiple_of3A_2209] : memref<32x1000000xf32, #tpu.memory_space<hbm>> -> memref<32x128xf32, #tpu.memory_space<hbm>>
        tpu.enqueue_dma source(%dma_start3A_2225 : memref<32x128xf32, #tpu.memory_space<hbm>>) target(%dma_start3A_2223 : memref<32x128xf32, #tpu.memory_space<vmem>>) target_semaphore(%dma_start3A_2219 : memref<!tpu.dma_semaphore, #tpu.memory_space<semaphore_mem>>)
      } else {
      }
      %mul3A_2019 = arith.constant 16 : i32
      %mul3A_2020 = arith.muli %scan3A_422, %mul3A_2019 : i32
      %get3A_2021 = arith.index_cast %mul3A_2020 : i32 to index
      %get3A_2022 = tpu.vector_load %arg13[%get3A_2021] {strides = array<i32>} : memref<512xf32, #tpu.memory_space<vmem>>, vector<16xf32>,
      %mul3A_2023 = arith.constant 16 : i32
      %mul3A_2024 = arith.muli %scan3A_422, %mul3A_2023 : i32
      %get3A_2025 = arith.index_cast %mul3A_2024 : i32 to index
      %get3A_2026 = tpu.vector_load %arg14[%get3A_2025] {strides = array<i32>} : memref<512xf32, #tpu.memory_space<vmem>>, vector<16xf32>,
      %add3A_2027 = arith.addf %get3A_2022, %get3A_2026 : vector<16xf32>
      %mul3A_2028 = arith.constant 16 : i32
      %mul3A_2029 = vector.broadcast %mul3A_2028 : i32 to vector<16xi32>
      %mul3A_2030 = arith.muli %iota3A, %mul3A_2029 : vector<16xi32>
      %add3A_2031 = arith.constant 0 : i32
      %add3A_2032 = vector.broadcast %add3A_2031 : i32 to vector<16xi32>
      %add3A_2033 = arith.addi %mul3A_2030, %add3A_2032 : vector<16xi32>
      %gather3A_2034 = tpu.vector_load_idx %arg15[%add3A_2033] : memref<256xf32, #tpu.memory_space<vmem>>[vector<16xi32>], vector<16xf32>,
      %add3A_2035 = arith.addf %add3A_2027, %gather3A_2034 : vector<16xf32>
      %mul3A_2036 = arith.constant 16 : i32
      %mul3A_2037 = vector.broadcast %mul3A_2036 : i32 to vector<16xi32>
      %mul3A_2038 = arith.muli %iota3A, %mul3A_2037 : vector<16xi32>
      %add3A_2039 = arith.constant 1 : i32
      %add3A_2040 = vector.broadcast %add3A_2039 : i32 to vector<16xi32>
      %add3A_2041 = arith.addi %mul3A_2038, %add3A_2040 : vector<16xi32>
      %gather3A_2042 = tpu.vector_load_idx %arg15[%add3A_2041] : memref<256xf32, #tpu.memory_space<vmem>>[vector<16xi32>], vector<16xf32>,
      %add3A_2043 = arith.addf %add3A_2035, %gather3A_2042 : vector<16xf32>
      %mul3A_2044 = arith.constant 16 : i32
      %mul3A_2045 = vector.broadcast %mul3A_2044 : i32 to vector<16xi32>
      %mul3A_2046 = arith.muli %iota3A, %mul3A_2045 : vector<16xi32>
      %add3A_2047 = arith.constant 2 : i32
      %add3A_2048 = vector.broadcast %add3A_2047 : i32 to vector<16xi32>
      %add3A_2049 = arith.addi %mul3A_2046, %add3A_2048 : vector<16xi32>
      %gather3A_2050 = tpu.vector_load_idx %arg15[%add3A_2049] : memref<256xf32, #tpu.memory_space<vmem>>[vector<16xi32>], vector<16xf32>,
      %add3A_2051 = arith.addf %add3A_2043, %gather3A_2050 : vector<16xf32>
      %mul3A_2052 = arith.constant 16 : i32
      %mul3A_2053 = vector.broadcast %mul3A_2052 : i32 to vector<16xi32>
      %mul3A_2054 = arith.muli %iota3A, %mul3A_2053 : vector<16xi32>
      %add3A_2055 = arith.constant 3 : i32
      %add3A_2056 = vector.broadcast %add3A_2055 : i32 to vector<16xi32>
      %add3A_2057 = arith.addi %mul3A_2054, %add3A_2056 : vector<16xi32>
      %gather3A_2058 = tpu.vector_load_idx %arg15[%add3A_2057] : memref<256xf32, #tpu.memory_space<vmem>>[vector<16xi32>], vector<16xf32>,
      %add3A_2059 = arith.addf %add3A_2051, %gather3A_2058 : vector<16xf32>
      %mul3A_2060 = arith.constant 16 : i32
      %mul3A_2061 = vector.broadcast %mul3A_2060 : i32 to vector<16xi32>
      %mul3A_2062 = arith.muli %iota3A, %mul3A_2061 : vector<16xi32>
      %add3A_2063 = arith.constant 4 : i32
      %add3A_2064 = vector.broadcast %add3A_2063 : i32 to vector<16xi32>
      %add3A_2065 = arith.addi %mul3A_2062, %add3A_2064 : vector<16xi32>
      %gather3A_2066 = tpu.vector_load_idx %arg15[%add3A_2065] : memref<256xf32, #tpu.memory_space<vmem>>[vector<16xi32>], vector<16xf32>,
      %add3A_2067 = arith.addf %add3A_2059, %gather3A_2066 : vector<16xf32>
      %mul3A_2068 = arith.constant 16 : i32
      %mul3A_2069 = vector.broadcast %mul3A_2068 : i32 to vector<16xi32>
      %mul3A_2070 = arith.muli %iota3A, %mul3A_2069 : vector<16xi32>
      %add3A_2071 = arith.constant 5 : i32
      %add3A_2072 = vector.broadcast %add3A_2071 : i32 to vector<16xi32>
      %add3A_2073 = arith.addi %mul3A_2070, %add3A_2072 : vector<16xi32>
      %gather3A_2074 = tpu.vector_load_idx %arg15[%add3A_2073] : memref<256xf32, #tpu.memory_space<vmem>>[vector<16xi32>], vector<16xf32>,
      %add3A_2075 = arith.addf %add3A_2067, %gather3A_2074 : vector<16xf32>
      %mul3A_2076 = arith.constant 16 : i32
      %mul3A_2077 = vector.broadcast %mul3A_2076 : i32 to vector<16xi32>
      %mul3A_2078 = arith.muli %iota3A, %mul3A_2077 : vector<16xi32>
      %add3A_2079 = arith.constant 6 : i32
      %add3A_2080 = vector.broadcast %add3A_2079 : i32 to vector<16xi32>
      %add3A_2081 = arith.addi %mul3A_2078, %add3A_2080 : vector<16xi32>
      %gather3A_2082 = tpu.vector_load_idx %arg15[%add3A_2081] : memref<256xf32, #tpu.memory_space<vmem>>[vector<16xi32>], vector<16xf32>,
      %add3A_2083 = arith.addf %add3A_2075, %gather3A_2082 : vector<16xf32>
      %mul3A_2084 = arith.constant 16 : i32
      %mul3A_2085 = vector.broadcast %mul3A_2084 : i32 to vector<16xi32>
      %mul3A_2086 = arith.muli %iota3A, %mul3A_2085 : vector<16xi32>
      %add3A_2087 = arith.constant 7 : i32
      %add3A_2088 = vector.broadcast %add3A_2087 : i32 to vector<16xi32>
      %add3A_2089 = arith.addi %mul3A_2086, %add3A_2088 : vector<16xi32>
      %gather3A_2090 = tpu.vector_load_idx %arg15[%add3A_2089] : memref<256xf32, #tpu.memory_space<vmem>>[vector<16xi32>], vector<16xf32>,
      %add3A_2091 = arith.addf %add3A_2083, %gather3A_2090 : vector<16xf32>
      %mul3A_2092 = arith.constant 16 : i32
      %mul3A_2093 = vector.broadcast %mul3A_2092 : i32 to vector<16xi32>
      %mul3A_2094 = arith.muli %iota3A, %mul3A_2093 : vector<16xi32>
      %add3A_2095 = arith.constant 8 : i32
      %add3A_2096 = vector.broadcast %add3A_2095 : i32 to vector<16xi32>
      %add3A_2097 = arith.addi %mul3A_2094, %add3A_2096 : vector<16xi32>
      %gather3A_2098 = tpu.vector_load_idx %arg15[%add3A_2097] : memref<256xf32, #tpu.memory_space<vmem>>[vector<16xi32>], vector<16xf32>,
      %add3A_2099 = arith.addf %add3A_2091, %gather3A_2098 : vector<16xf32>
      %mul3A_2100 = arith.constant 16 : i32
      %mul3A_2101 = vector.broadcast %mul3A_2100 : i32 to vector<16xi32>
      %mul3A_2102 = arith.muli %iota3A, %mul3A_2101 : vector<16xi32>
      %add3A_2103 = arith.constant 9 : i32
      %add3A_2104 = vector.broadcast %add3A_2103 : i32 to vector<16xi32>
      %add3A_2105 = arith.addi %mul3A_2102, %add3A_2104 : vector<16xi32>
      %gather3A_2106 = tpu.vector_load_idx %arg15[%add3A_2105] : memref<256xf32, #tpu.memory_space<vmem>>[vector<16xi32>], vector<16xf32>,
      %add3A_2107 = arith.addf %add3A_2099, %gather3A_2106 : vector<16xf32>
      %mul3A_2108 = arith.constant 16 : i32
      %mul3A_2109 = vector.broadcast %mul3A_2108 : i32 to vector<16xi32>
      %mul3A_2110 = arith.muli %iota3A, %mul3A_2109 : vector<16xi32>
      %add3A_2111 = arith.constant 10 : i32
      %add3A_2112 = vector.broadcast %add3A_2111 : i32 to vector<16xi32>
      %add3A_2113 = arith.addi %mul3A_2110, %add3A_2112 : vector<16xi32>
      %gather3A_2114 = tpu.vector_load_idx %arg15[%add3A_2113] : memref<256xf32, #tpu.memory_space<vmem>>[vector<16xi32>], vector<16xf32>,
      %add3A_2115 = arith.addf %add3A_2107, %gather3A_2114 : vector<16xf32>
      %mul3A_2116 = arith.constant 16 : i32
      %mul3A_2117 = vector.broadcast %mul3A_2116 : i32 to vector<16xi32>
      %mul3A_2118 = arith.muli %iota3A, %mul3A_2117 : vector<16xi32>
      %add3A_2119 = arith.constant 11 : i32
      %add3A_2120 = vector.broadcast %add3A_2119 : i32 to vector<16xi32>
      %add3A_2121 = arith.addi %mul3A_2118, %add3A_2120 : vector<16xi32>
      %gather3A_2122 = tpu.vector_load_idx %arg15[%add3A_2121] : memref<256xf32, #tpu.memory_space<vmem>>[vector<16xi32>], vector<16xf32>,
      %add3A_2123 = arith.addf %add3A_2115, %gather3A_2122 : vector<16xf32>
      %mul3A_2124 = arith.constant 16 : i32
      %mul3A_2125 = vector.broadcast %mul3A_2124 : i32 to vector<16xi32>
      %mul3A_2126 = arith.muli %iota3A, %mul3A_2125 : vector<16xi32>
      %add3A_2127 = arith.constant 12 : i32
      %add3A_2128 = vector.broadcast %add3A_2127 : i32 to vector<16xi32>
      %add3A_2129 = arith.addi %mul3A_2126, %add3A_2128 : vector<16xi32>
      %gather3A_2130 = tpu.vector_load_idx %arg15[%add3A_2129] : memref<256xf32, #tpu.memory_space<vmem>>[vector<16xi32>], vector<16xf32>,
      %add3A_2131 = arith.addf %add3A_2123, %gather3A_2130 : vector<16xf32>
      %mul3A_2132 = arith.constant 16 : i32
      %mul3A_2133 = vector.broadcast %mul3A_2132 : i32 to vector<16xi32>
      %mul3A_2134 = arith.muli %iota3A, %mul3A_2133 : vector<16xi32>
      %add3A_2135 = arith.constant 13 : i32
      %add3A_2136 = vector.broadcast %add3A_2135 : i32 to vector<16xi32>
      %add3A_2137 = arith.addi %mul3A_2134, %add3A_2136 : vector<16xi32>
      %gather3A_2138 = tpu.vector_load_idx %arg15[%add3A_2137] : memref<256xf32, #tpu.memory_space<vmem>>[vector<16xi32>], vector<16xf32>,
      %add3A_2139 = arith.addf %add3A_2131, %gather3A_2138 : vector<16xf32>
      %mul3A_2140 = arith.constant 16 : i32
      %mul3A_2141 = vector.broadcast %mul3A_2140 : i32 to vector<16xi32>
      %mul3A_2142 = arith.muli %iota3A, %mul3A_2141 : vector<16xi32>
      %add3A_2143 = arith.constant 14 : i32
      %add3A_2144 = vector.broadcast %add3A_2143 : i32 to vector<16xi32>
      %add3A_2145 = arith.addi %mul3A_2142, %add3A_2144 : vector<16xi32>
      %gather3A_2146 = tpu.vector_load_idx %arg15[%add3A_2145] : memref<256xf32, #tpu.memory_space<vmem>>[vector<16xi32>], vector<16xf32>,
      %add3A_2147 = arith.addf %add3A_2139, %gather3A_2146 : vector<16xf32>
      %mul3A_2148 = arith.constant 16 : i32
      %mul3A_2149 = vector.broadcast %mul3A_2148 : i32 to vector<16xi32>
      %mul3A_2150 = arith.muli %iota3A, %mul3A_2149 : vector<16xi32>
      %add3A_2151 = arith.constant 15 : i32
      %add3A_2152 = vector.broadcast %add3A_2151 : i32 to vector<16xi32>
      %add3A_2153 = arith.addi %mul3A_2150, %add3A_2152 : vector<16xi32>
      %gather3A_2154 = tpu.vector_load_idx %arg15[%add3A_2153] : memref<256xf32, #tpu.memory_space<vmem>>[vector<16xi32>], vector<16xf32>,
      %add3A_2155 = arith.addf %add3A_2147, %gather3A_2154 : vector<16xf32>
      %mul3A_2156 = arith.constant 16 : i32
      %mul3A_2157 = arith.muli %scan3A_422, %mul3A_2156 : i32
      %swap3A_2158 = arith.index_cast %mul3A_2157 : i32 to index
      %swap3A_2159 = tpu.vector_load %arg16[%swap3A_2158] {strides = array<i32>} : memref<512xf32, #tpu.memory_space<vmem>>, vector<16xf32>,
      tpu.vector_store %arg16[%swap3A_2158], %add3A_2155 {strides = array<i32>} : memref<512xf32, #tpu.memory_space<vmem>>, vector<16xf32>,
    }
    %scan3A_419 = arith.constant 32 : i32
    %mul3A_420 = arith.constant 512 : i32
    %mul3A_421 = arith.muli %add3A, %mul3A_420 : i32
    "tpu.region"() ({
      %run_scoped3A = tpu.sem_alloc : memref<!tpu.dma_semaphore, #tpu.memory_space<semaphore_mem>>
      %dma_start3A_422 = tpu.memref_slice %arg8[%mul3A_421] : memref<16384xf32, #tpu.memory_space<hbm>> -> memref<512xf32, #tpu.memory_space<hbm>>
      %dma_start3A_423 = tpu.memref_slice %arg8[%mul3A_421] : memref<16384xf32, #tpu.memory_space<hbm>> -> memref<512xf32, #tpu.memory_space<hbm>>
      tpu.enqueue_dma source(%arg16 : memref<512xf32, #tpu.memory_space<vmem>>) target(%dma_start3A_423 : memref<512xf32, #tpu.memory_space<hbm>>) target_semaphore(%run_scoped3A : memref<!tpu.dma_semaphore, #tpu.memory_space<semaphore_mem>>)
      %dma_wait3A_424 = tpu.memref_slice %arg8[%mul3A_421] : memref<16384xf32, #tpu.memory_space<hbm>> -> memref<512xf32, #tpu.memory_space<hbm>>
      %dma_wait3A_425 = tpu.memref_slice %arg8[%mul3A_421] : memref<16384xf32, #tpu.memory_space<hbm>> -> memref<512xf32, #tpu.memory_space<hbm>>
      tpu.wait_dma2 semaphore(%run_scoped3A : memref<!tpu.dma_semaphore, #tpu.memory_space<semaphore_mem>>) src(%arg16 : memref<512xf32, #tpu.memory_space<vmem>>) dst(%dma_wait3A_425 : memref<512xf32, #tpu.memory_space<hbm>>)
      tpu.yield
    }) : () -> ()
    return
  }
}

</mosaic_0001>

<sc_bundles>
// kernel: kernel.3.cloned.1.call-start
scs
__scs_entry_jumppad:
0x0: {  	(pc) =	sbr.rel $0x88, $3  }
0x1: {  	(tag) =	ssettag $0x0;
	lr =	simm.s32 $0x1  }
0x2: {  	[smem:$0x3F9C] =	sst lr;
	_ =	strace $0xD0000000  }
0x3: {  	_ = 	snop  }
0x4: {  	_ = 	snop  }
0x5: {  	_ = 	snop  }
0x6: {  	_ = 	snop  }
0x7: {  	_ = 	snop  }
__scs_overlays_trampoline_lowered:
0x8: {  	[smem:$0x3FAB] =	sst s0  }
0x9: {  	[smem:$0x3FAC] =	sst s1  }
0xa: {  	[smem:$0x3FAD] =	sst s2  }
0xb: {  	[smem:$0x3FAE] =	sst s3  }
0xc: {  	[smem:$0x3FAF] =	sst s4  }
0xd: {  	[smem:$0x3FB0] =	sst s5  }
0xe: {  	[smem:$0x3FB1] =	sst s6  }
0xf: {  	[smem:$0x3FB2] =	sst s7  }
0x10: {  	[smem:$0x3FB3] =	sst s8  }
0x11: {  	[smem:$0x3FB4] =	sst s9;
	s0 =	simm.s32 @!p0 $0x0  }
0x12: {  	s1 =	sld [smem:$0x3F9A];
	s0 =	simm.s32 @p0 $0x1  }
0x13: {  	[smem:$0x3FB5] =	sst s0;
	s0 =	simm.s32 @!p1 $0x0  }
0x14: {  	s2 =	sld [smem:$0x3F99];
	s0 =	simm.s32 @p1 $0x1  }
0x15: {  	[smem:$0x3FB6] =	sst s0;
	s0 =	simm.s32 @!p2 $0x0  }
0x16: {  	s3 =	sld [smem:$0x3FDB];
	s0 =	simm.s32 @p2 $0x1  }
0x17: {  	s4 =	simm.s32 $0x1BF5;
	[smem:$0x3FB8] =	sst s0  }
0x18: {  	s0 =	sld [smem:$0x3F9B];
	_ =	swait.ge [sflag:s4], $0x0  }
0x19: {  	s7 =	sld [smem:$0x3F9C]  }
0x1a: {  	s8 =	sadd.s32 $0xFFFFE003, lr  }
0x1b: {  	s9 =	sadd.s32 $0xFFFFFEF7, lr;
	s5 =	simm.s32 $0xFFFFFFFF;
	p2 =	slt.u32 s8, $0xFFFFF086  }
0x1c: {  	p1 =	slt.u32 s9, $0xF7A;
	s5 =	simm.s32 @!p2 $0x0  }
0x1d: {  	s5 =	simm.s32 @p1 $0x1;
	p0 =	seq.s32 s7, s2  }
0x1e: {  	s7 =	smul.u32 @!p0 $0xF7A, s2;
	p2 =	seq.s32 @!p0 s5, $0x0  }
0x1f: {  	s9 =	smul.u32 $0xF7A, s1;
	s8 =	simm.s32 @!p0 $0x1BF5;
	p2 =	por !p2, p0  }
0x20: {  	[sflag:s8] =	ssyncset.s32 @!p0 $0xFFFFF086;
	s6 =	sadd.s32 @!p0 s3, s7;
	s7 =	simm.s32 @!p0 $0x108  }
0x21: {  	s3 =	sadd.s32 s3, s9;
	s6 =	sadd.s32 @!p0 $0x88, s6;
	s7 =	simm.s32 @p2 $0x1082  }
0x22: {  	[simem:s7], [sflag:s8] =	dma.local @!p0 [hbm:s6], $0xF7A  }
0x23: {  	s9 =	sor.u32 $0xD0000000, s2;
	s6 =	simm.s32 $0x108;
	_ =	swait.ge @!p0 [sflag:s8], $0x0  }
0x24: {  	s3 =	sadd.s32 $0x88, s3;
	s6 =	simm.s32 @!p1 $0x1082;
	[sflag:s4] =	ssyncset.s32 $0xFFFFF086  }
0x25: {  	[simem:s6], [sflag:s4] =	dma.local [hbm:s3], $0xF7A  }
0x26: {  	[smem:$0x3F9C] =	sst s1;
	(tag) =	ssettag s2;
	_ =	strace s9  }
0x27: {  	s1 =	sld [smem:$0x3FAC]  }
0x28: {  	s2 =	sld [smem:$0x3FAD]  }
0x29: {  	s4 =	sld [smem:$0x3FAF]  }
0x2a: {  	p0 =	seq.s32 s5, $0x0;
	s5 =	sld [smem:$0x3FB0]  }
0x2b: {  	s6 =	sld [smem:$0x3FB1]  }
0x2c: {  	s7 =	sld [smem:$0x3FB2]  }
0x2d: {  	s3 =	simm.s32 $0x108;
	s8 =	sld [smem:$0x3FB3]  }
0x2e: {  	s3 =	simm.s32 @!p0 $0x1082;
	s9 =	sld [smem:$0x3FB4]  }
0x2f: {  	lr =	sadd.s32 s0, s3;
	s0 =	sld [smem:$0x3FAB]  }
0x30: {  	s3 =	sld [smem:$0x3FAE]  }
0x31: {  	[smem:$0x3FB7] =	sst s10  }
0x32: {  	s10 =	sld [smem:$0x3FB5];
	_ =	sdelay $0x3  }
0x33: {  	p0 =	seq.s32 s10, $0x1;
	s10 =	sld [smem:$0x3FB7];
	_ =	sdelay $0x3  }
0x34: {  	[smem:$0x3FB7] =	sst s10  }
0x35: {  	s10 =	sld [smem:$0x3FB6];
	_ =	sdelay $0x3  }
0x36: {  	p1 =	seq.s32 s10, $0x1;
	s10 =	sld [smem:$0x3FB7];
	_ =	sdelay $0x3  }
0x37: {  	[smem:$0x3FB7] =	sst s10  }
0x38: {  	s10 =	sld [smem:$0x3FB8]  }
0x39: {  	_ = 	snop;
	(pc) =	sbr.ind lr, $3  }
0x3a: {  	_ = 	snop  }
0x3b: {  	_ = 	snop  }
0x3c: {  	p2 =	seq.s32 s10, $0x1;
	s10 =	sld [smem:$0x3FB7]  }
0x3d: {  	_ =	shalt  }
0x3e: {  	_ =	shalt  }
0x3f: {  	_ =	shalt  }
0x40: {  	_ =	shalt  }
0x41: {  	_ =	shalt  }
0x42: {  	_ =	shalt  }
0x43: {  	_ =	shalt  }
0x44: {  	_ =	shalt  }
0x45: {  	_ =	shalt  }
0x46: {  	_ =	shalt  }
0x47: {  	_ =	shalt  }
0x48: {  	_ =	shalt  }
0x49: {  	_ =	shalt  }
0x4a: {  	_ =	shalt  }
0x4b: {  	_ =	shalt  }
0x4c: {  	_ =	shalt  }
0x4d: {  	_ =	shalt  }
0x4e: {  	_ =	shalt  }
0x4f: {  	_ =	shalt  }
0x50: {  	_ =	shalt  }
0x51: {  	_ =	shalt  }
0x52: {  	_ =	shalt  }
0x53: {  	_ =	shalt  }
0x54: {  	_ =	shalt  }
0x55: {  	_ =	shalt  }
0x56: {  	_ =	shalt  }
0x57: {  	_ =	shalt  }
0x58: {  	_ =	shalt  }
0x59: {  	_ =	shalt  }
0x5a: {  	_ =	shalt  }
0x5b: {  	_ =	shalt  }
0x5c: {  	_ =	shalt  }
0x5d: {  	_ =	shalt  }
0x5e: {  	_ =	shalt  }
0x5f: {  	_ =	shalt  }
0x60: {  	_ =	shalt  }
0x61: {  	_ =	shalt  }
0x62: {  	_ =	shalt  }
0x63: {  	_ =	shalt  }
0x64: {  	_ =	shalt  }
0x65: {  	_ =	shalt  }
0x66: {  	_ =	shalt  }
0x67: {  	_ =	shalt  }
0x68: {  	_ =	shalt  }
0x69: {  	_ =	shalt  }
0x6a: {  	_ =	shalt  }
0x6b: {  	_ =	shalt  }
0x6c: {  	_ =	shalt  }
0x6d: {  	_ =	shalt  }
0x6e: {  	_ =	shalt  }
0x6f: {  	_ =	shalt  }
0x70: {  	_ =	shalt  }
0x71: {  	_ =	shalt  }
0x72: {  	_ =	shalt  }
0x73: {  	_ =	shalt  }
0x74: {  	_ =	shalt  }
0x75: {  	_ =	shalt  }
0x76: {  	_ =	shalt  }
0x77: {  	_ =	shalt  }
0x78: {  	_ =	shalt  }
0x79: {  	_ =	shalt  }
0x7a: {  	_ =	shalt  }
0x7b: {  	_ =	shalt  }
0x7c: {  	_ =	shalt  }
0x7d: {  	_ =	shalt  }
0x7e: {  	_ =	shalt  }
0x7f: {  	_ =	shalt  }
0x80: {  	_ =	shalt  }
0x81: {  	_ =	shalt  }
0x82: {  	_ =	shalt  }
0x83: {  	_ =	shalt  }
0x84: {  	_ =	shalt  }
0x85: {  	_ =	shalt  }
0x86: {  	_ =	shalt  }
0x87: {  	_ =	shalt  }
.Lfunc_end0:
.L_simem_size_0:
called_computation_lowered:
.L_overlay_start_0:
0x88: {  	s2 =	sld [smem:$0x3FD9]  }
0x89: {  	s3 =	sld [smem:$0x3FFE];
	_ =	sdelay $0x1  }
0x8a: {  	s1 =	srdreg.scid  }
0x8b: {  	s0 =	sand.u32 $0x1, s1  }
0x8c: {  	s17 =	sshll.u32 s0, $0xA;
	s2 =	sadd.s32 s3, s2  }
0x8d: {  	s2 =	sadd.s32 s2, s17  }
0x8e: {  	[smem:$0x3FC3] =	sst s2  }
0x8f: {  	_ = 	snop  }
0x90: {  	s2 =	sld [smem:$0x3FC8]  }
0x91: {  	s18 =	sld [smem:$0x3FC7]  }
0x92: {  	s4 =	sld [smem:$0x3FD0];
	(tm) =	ssettm $0x1  }
0x93: {  	s5 =	sld [smem:$0x3FFB];
	_ =	sdelay $0x3  }
0x94: {  	_ =	strace s5  }
0x95: {  	s5 =	sld [smem:$0x3FFC];
	_ =	sdelay $0x3  }
0x96: {  	_ =	strace s5  }
0x97: {  	s5 =	sld [smem:$0x3FFD];
	_ =	sdelay $0x3  }
0x98: {  	_ =	strace s5  }
0x99: {  	_ =	strace $0x8FFFFFFF  }
0x9a: {  	s19 =	sld [smem:$0x3FDB];
	_ =	sdelay $0x1  }
0x9b: {  	s6 =	simm.s32 $_scs_section_size  }
0x9c: {  	s7 =	simm.s32 $_size__tile_overlayer_lowered;
	s8 =	simm.s32 $_tile_overlayer_lowered  }
0x9d: {  	s22 =	simm.s32 $0x1BFF;
	s21 =	sshll.u32 s8, $0x1;
	s5 =	sadd.s32 s6, s19  }
0x9e: {  	s9 =	simm.s32 $0x0;
	s20 =	sshll.u32 s7, $0x1;
	s7 =	sadd.s32 s21, s5  }
0x9f: {  	[timem:s9], [sflag:s22] =	dma.local [hbm:s7], s20  }
0xa0: {  	_ =	swait.ge [sflag:s22], s20  }
0xa1: {  	s6 =	ssub.s32 $0x0, s20;
	[sflag:s22] =	ssyncset.done $0x0  }
0xa2: {  	[sflag:s22] =	ssyncadd.s32 s6;
	_ =	sdelay $0x1  }
0xa3: {  	s23 =	simm.s32 $0x1B8B  }
0xa4: {  	_ =	swait.ge [sflag:s23], $0x1  }
0xa5: {  	[sflag:s23] =	ssyncset.done $0x0  }
0xa6: {  	s25 =	simm.s32 $0x1B8E;
	s24 =	sld [smem:$0x3FFE];
	[sflag:s23] =	ssyncadd.s32 $0xFFFFFFFF  }
0xa7: {  	s26 =	simm.s32 $execute0_lowered;
	[smem:$0x3FD2] =	sst s25  }
0xa8: {  	s7 =	sshll.u32 s26, $0x1;
	_ =	strace $0x80000046;
	[dreg:$0x1] =	wrdreg $0xFFFFFFFF  }
0xa9: {  	s28 =	simm.s32 $_size_execute0_lowered;
	s5 =	sadd.s32 s5, s7;
	[dreg:$0x0] =	wrdreg $0x0  }
0xaa: {  	s7 =	sshll.u32 s28, $0x1;
	[dreg:$0x2] =	wrdreg s5  }
0xab: {  	[dreg:$0x3] =	wrdreg s7  }
0xac: {  	[dreg:$0x4] =	wrdreg $0xC0  }
0xad: {  	_ =	task [dreg:s9], $0x5FFFF  }
0xae: {  	[dreg:$0x1] =	wrdreg $0xFFFFFFFF  }
0xaf: {  	[dreg:$0x0] =	wrdreg $0x60  }
0xb0: {  	[dreg:$0x2] =	wrdreg s24  }
0xb1: {  	[dreg:$0x3] =	wrdreg s2  }
0xb2: {  	[dreg:$0x4] =	wrdreg s18  }
0xb3: {  	[dreg:$0x5] =	wrdreg s4  }
0xb4: {  	[dreg:$0x6] =	wrdreg $0x9  }
0xb5: {  	_ =	task.clear_ibuf [dreg:s9], $0x7FFFF;
	_ =	strace $0x90000046  }
0xb6: {  	s29 =	simm.s32 $0x9;
	_ =	strace $0x80000048  }
0xb7: {  	_ =	swait.ge [sflag:s29], $0x1  }
0xb8: {  	[sflag:s29] =	ssyncadd.s32 $0xFFFFFFFF  }
0xb9: {  	_ =	strace $0x90000048  }
0xba: {  	_ =	sfence  }
0xbb: {  	s30 =	sld [smem:$0x0];
	_ =	sdelay $0x2  }
0xbc: {  	s31 =	sshll.u32 s1, $0xD;
	s1 =	sshrl.u32 s1, $0x2  }
0xbd: {  	s3 =	sand.u32 $0x4000, s31;
	s1 =	sadd.s32 s1, s30  }
0xbe: {  	s0 =	sor.u32 s3, s0;
	s1 =	sshll.u32 s1, $0x11  }
0xbf: {  	s0 =	sor.u32 s1, s0  }
0xc0: {  	s0 =	sadd.s32 $0x8F2B, s0  }
0xc1: {  	[sflag:s0] =	ssyncadd.remote.s32 $0x1  }
0xc2: {  	_ =	sfence.sel $0xFFFF  }
0xc3: {  	[dreg:$0x0] =	wrdreg $0xFFFFFFFF;
	(pc) =	sbr.abs _section_cstart, $3  }
0xc4: {  	[dreg:$0x1] =	wrdreg $0xFFFFFFFF  }
0xc5: {  	_ =	task.clear_ibuf [dreg:s9], $0x2FFFF;
	_ =	strace $0x9FFFFFFF  }
0xc6: {  	(tm) =	ssettm $0x7FFFFFFF  }
0xc7: {  	_ =	shalt  }
tec
execute0_lowered:
.L_overlay_start_1:
0x0: {  	(tag) =	ssettag $0x1  }
0x1: {  	s0 =	rddreg [dreg:$0x0]  }
0x2: {  	s1 =	rddreg [dreg:$0x1]  }
0x3: {  	s3 =	rddreg [dreg:$0x2];
	s2 =	srdreg.scid  }
0x4: {  	s6 =	stileid.u32;
	s4 =	rddreg [dreg:$0x3];
	s16 =	simm.s32 $0x0  }
0x5: {  	s12 =	simm.s32 $0x400;
	s19 =	simm.s32 $0x12;
	s9 =	simm.s32 $0x7A1400  }
0x6: {  	s21 =	simm.s32 $0x8400;
	s10 =	simm.s32 $0x3;
	s15 =	simm.s32 $0x10800  }
0x7: {  	s18 =	simm.s32 $0x0;
	s30 =	simm.s32 $0x2;
	s31 =	simm.s32 $0xA  }
0x8: {  	s29 =	simm.s32 $0xD;
	s11 =	simm.s32 $0x6;
	s13 =	simm.s32 $0xF  }
0x9: {  	s28 =	simm.s32 $0x10;
	s2 =	sand.u32 $0x1, s2;
	s5 =	sshll.u32 s6, $0x1  }
0xa: {  	[smem:$0x7FF] =	sst s16;
	s6 =	sshll.u32 s6, $0x7;
	s8 =	sadd.s32 $0x1000, s0  }
0xb: {  	v1 =	vlaneseq.u32;
	s22 =	sadd.s32 $0x1FA00, s0;
	_ =	strace $0x80000047;
	[dreg:$0x5] =	wrdreg s8  }
0xc: {  	v0 =	vmul.u32 $0x80, v1;
	s5 =	sor.u32 s2, s5;
	[dreg:$0x6] =	wrdreg s22;
	s2 =	ssub.s32 $0x2, s2  }
0xd: {  	v1 =	vmul.u32 $0x10, v1;
	s22 =	simm.s32 $0x1400;
	s7 =	sshll.u32 s5, $0x4;
	s23 =	sshrl.u32 s2, $0x1  }
0xe: {  	s24 =	sshll.u32 s5, $0x6;
	v2 =	vor.u32 $0x800, v0;
	s6 =	sor.u32 s6, s7;
	s2 =	ssub.s32 s2, s23  }
0xf: {  	v3 =	vor.u32 $0x1, v1;
	v4 =	vor.u32 $0x2, v1;
	v5 =	vor.u32 $0x3, v1;
	s23 =	simm.s32 $0x9400;
	s6 =	sand.u32 $0x670, s6;
	s26 =	smax.u32 s2, $0x1  }
0x10: {  	v6 =	vor.u32 $0x4, v1;
	v7 =	vor.u32 $0x5, v1;
	v8 =	vor.u32 $0x6, v1;
	s7 =	simm.s32 $0xB;
	s6 =	sadd.s32 s0, s6;
	[dreg:$0xa] =	wrdreg s26  }
0x11: {  	v9 =	vor.u32 $0x7, v1;
	v10 =	vor.u32 $0x8, v1;
	v11 =	vor.u32 $0x9, v1;
	s2 =	simm.s32 $0x4;
	s0 =	sadd.s32 s4, s24;
	[dreg:$0x7] =	wrdreg s6  }
0x12: {  	v12 =	vor.u32 $0xA, v1;
	v13 =	vor.u32 $0xB, v1;
	v14 =	vor.u32 $0xC, v1;
	s24 =	simm.s32 $0x4400;
	s25 =	sadd.s32 $0x800, s6;
	[dreg:$0x9] =	wrdreg s0  }
0x13: {  	v15 =	vor.u32 $0xD, v1;
	v16 =	vor.u32 $0xE, v1;
	v17 =	vor.u32 $0xF, v1;
	s26 =	simm.s32 $0xE;
	[dreg:$0x8] =	wrdreg s25;
	s25 =	simm.s32 $0x5  }
.LBB2_1:
0x14: {  	[dreg:$0xb] =	wrdreg s18  }
0x15: {  	s17 =	rddreg [dreg:$0x8];
	s18 =	simm.s32 $0x80  }
0x16: {  	[tilespmem:s16], [sflag:$0x12] =	stream.strided.gather [hbm4b:s17+s18], $0x200, s12, s18, $0x38;
	[tilespmem:$0x10B00] =	vst v63  }
0x17: {  	_ =	swait.ge [sflag:s19], $0x200  }
0x18: {  	[sflag:s19] =	ssyncset.done $0x0  }
0x19: {  	s20 =	simm.s32 $0x200;
	s6 =	rddreg [dreg:$0x7];
	[sflag:s19] =	ssyncadd.s32 $0xFFFFFE00  }
0x1a: {  	[tilespmem:s20], [sflag:$0x12] =	stream.strided.gather [hbm4b:s6+s18], $0x200, s12, s18, $0x38;
	[tilespmem:$0x10B00] =	vst v63  }
0x1b: {  	_ =	swait.ge [sflag:s19], $0x200  }
0x1c: {  	[sflag:s19] =	ssyncset.done $0x0  }
0x1d: {  	s8 =	simm.s32 $0x10400;
	s17 =	rddreg [dreg:$0x5];
	[sflag:s19] =	ssyncadd.s32 $0xFFFFFE00  }
0x1e: {  	[tilespmem:s8], [sflag:$0x11] =	stream.indirect.gather [hbm4b:s17+s18], $0x1, s16, s18, $0xb8;
	[tilespmem:$0x10B00] =	vst v63  }
0x1f: {  	s14 =	simm.s32 $0x10600;
	s16 =	rddreg [dreg:$0x6]  }
0x20: {  	[tilespmem:s14], [sflag:$0x11] =	stream.indirect.gather [hbm4b:s16+s18], $0x1, s20, s18, $0xb8;
	[tilespmem:$0x10B00] =	vst v63  }
0x21: {  	s20 =	simm.s32 $0x10480  }
0x22: {  	[tilespmem:s20], [sflag:$0x11] =	stream.indirect.gather [hbm4b:s17+s18], $0x1, s18, s18, $0xb8;
	[tilespmem:$0x10B00] =	vst v63  }
0x23: {  	s0 =	simm.s32 $0x280;
	s4 =	simm.s32 $0x10680  }
0x24: {  	[tilespmem:s4], [sflag:$0x11] =	stream.indirect.gather [hbm4b:s16+s18], $0x1, s0, s18, $0xb8;
	[tilespmem:$0x10B00] =	vst v63  }
0x25: {  	s5 =	simm.s32 $0x100;
	s6 =	simm.s32 $0x10500  }
0x26: {  	[tilespmem:s6], [sflag:$0x11] =	stream.indirect.gather [hbm4b:s17+s18], $0x1, s5, s18, $0xb8;
	[tilespmem:$0x10B00] =	vst v63  }
0x27: {  	s8 =	simm.s32 $0x300;
	s14 =	simm.s32 $0x10700  }
0x28: {  	[tilespmem:s14], [sflag:$0x11] =	stream.indirect.gather [hbm4b:s16+s18], $0x1, s8, s18, $0xb8;
	[tilespmem:$0x10B00] =	vst v63  }
0x29: {  	s0 =	simm.s32 $0x180;
	s4 =	simm.s32 $0x10580  }
0x2a: {  	[tilespmem:s4], [sflag:$0x11] =	stream.indirect.gather [hbm4b:s17+s18], $0x1, s0, s18, $0xb8;
	[tilespmem:$0x10B00] =	vst v63  }
0x2b: {  	s5 =	simm.s32 $0x380;
	s6 =	simm.s32 $0x10780  }
0x2c: {  	[tilespmem:s6], [sflag:$0x11] =	stream.indirect.gather [hbm4b:s16+s18], $0x1, s5, s18, $0xb8;
	[tilespmem:$0x10B00] =	vst v63  }
0x2d: {  	v18 =	vld [tilespmem:$0x0];
	_ =	sdelay $0x1  }
0x2e: {  	v19 =	vld [tilespmem:$0x200];
	_ =	sdelay $0x2  }
0x2f: {  	v18 =	vand.u32 $0xFFFFFF80, v18  }
0x30: {  	v18 =	vadd.s32 s1, v18  }
0x31: {  	v19 =	vand.u32 $0xFFFFFF80, v19;
	(v2sf) =	vpush v18, $0x0  }
0x32: {  	v19 =	vadd.s32 s3, v19  }
0x33: {  	(v2sf) =	vpush v19, $0x0;
	_ =	sdelay $0x1  }
0x34: {  	(v2sf) =	vpush v18, $0x1;
	_ =	sdelay $0x1  }
0x35: {  	(v2sf) =	vpush v19, $0x1;
	_ =	sdelay $0x1  }
0x36: {  	(v2sf) =	vpush v18, $0x2;
	_ =	sdelay $0x1  }
0x37: {  	(v2sf) =	vpush v19, $0x2;
	_ =	sdelay $0x1  }
0x38: {  	(v2sf) =	vpush v18, $0x3;
	_ =	sdelay $0x1  }
0x39: {  	(v2sf) =	vpush v19, $0x3  }
0x3a: {  	s8 =	spop (v2sf)  }
0x3b: {  	(v2sf) =	vpush v18, $0x4;
	[tilespmem:s12], [sflag:$0x1] =	stream.strided.gather [hbm4b:s8+s12], $0x1000, s9, s12, $0x38;
	[tilespmem:$0x10B00] =	vst v63  }
0x3c: {  	s14 =	spop (v2sf)  }
0x3d: {  	(v2sf) =	vpush v19, $0x4;
	[tilespmem:s21], [sflag:$0x9] =	stream.strided.gather [hbm4b:s14+s12], $0x1000, s9, s12, $0x38;
	[tilespmem:$0x10B00] =	vst v63  }
0x3e: {  	s17 =	spop (v2sf)  }
0x3f: {  	(v2sf) =	vpush v18, $0x5;
	[tilespmem:s22], [sflag:$0x2] =	stream.strided.gather [hbm4b:s17+s12], $0x1000, s9, s12, $0x38;
	[tilespmem:$0x10B00] =	vst v63  }
0x40: {  	s18 =	spop (v2sf)  }
0x41: {  	(v2sf) =	vpush v19, $0x5;
	[tilespmem:s23], [sflag:$0xA] =	stream.strided.gather [hbm4b:s18+s12], $0x1000, s9, s12, $0x38;
	[tilespmem:$0x10B00] =	vst v63  }
0x42: {  	s14 =	simm.s32 $0x2400;
	s19 =	spop (v2sf)  }
0x43: {  	(v2sf) =	vpush v18, $0x6;
	[tilespmem:s14], [sflag:$0x3] =	stream.strided.gather [hbm4b:s19+s12], $0x1000, s9, s12, $0x38;
	[tilespmem:$0x10B00] =	vst v63  }
0x44: {  	s8 =	simm.s32 $0xA400;
	s20 =	spop (v2sf)  }
0x45: {  	(v2sf) =	vpush v19, $0x6;
	[tilespmem:s8], [sflag:$0xB] =	stream.strided.gather [hbm4b:s20+s12], $0x1000, s9, s12, $0x38;
	[tilespmem:$0x10B00] =	vst v63  }
0x46: {  	s4 =	simm.s32 $0x3400;
	s0 =	spop (v2sf)  }
0x47: {  	(v2sf) =	vpush v18, $0x7;
	[tilespmem:s4], [sflag:$0x4] =	stream.strided.gather [hbm4b:s0+s12], $0x1000, s9, s12, $0x38;
	[tilespmem:$0x10B00] =	vst v63  }
0x48: {  	s5 =	spop (v2sf);
	s4 =	simm.s32 $0xB400  }
0x49: {  	(v2sf) =	vpush v19, $0x7;
	[tilespmem:s4], [sflag:$0xC] =	stream.strided.gather [hbm4b:s5+s12], $0x1000, s9, s12, $0x38;
	[tilespmem:$0x10B00] =	vst v63  }
0x4a: {  	s0 =	simm.s32 $0x4400;
	s6 =	spop (v2sf)  }
0x4b: {  	[tilespmem:s0], [sflag:$0x5] =	stream.strided.gather [hbm4b:s6+s12], $0x1000, s9, s12, $0x38;
	[tilespmem:$0x10B00] =	vst v63  }
0x4c: {  	s14 =	simm.s32 $0xC400;
	s8 =	spop (v2sf)  }
0x4d: {  	[tilespmem:s14], [sflag:$0xD] =	stream.strided.gather [hbm4b:s8+s12], $0x1000, s9, s12, $0x38;
	[tilespmem:$0x10B00] =	vst v63  }
0x4e: {  	s18 =	simm.s32 $0x5400;
	s17 =	spop (v2sf)  }
0x4f: {  	[tilespmem:s18], [sflag:$0x6] =	stream.strided.gather [hbm4b:s17+s12], $0x1000, s9, s12, $0x38;
	[tilespmem:$0x10B00] =	vst v63  }
0x50: {  	s20 =	simm.s32 $0xD400;
	s19 =	spop (v2sf)  }
0x51: {  	[tilespmem:s20], [sflag:$0xE] =	stream.strided.gather [hbm4b:s19+s12], $0x1000, s9, s12, $0x38;
	[tilespmem:$0x10B00] =	vst v63  }
0x52: {  	s5 =	simm.s32 $0x6400;
	s4 =	spop (v2sf)  }
0x53: {  	[tilespmem:s5], [sflag:$0x7] =	stream.strided.gather [hbm4b:s4+s12], $0x1000, s9, s12, $0x38;
	[tilespmem:$0x10B00] =	vst v63  }
0x54: {  	s8 =	simm.s32 $0xE400;
	s6 =	spop (v2sf)  }
0x55: {  	[tilespmem:s8], [sflag:$0xF] =	stream.strided.gather [hbm4b:s6+s12], $0x1000, s9, s12, $0x38;
	[tilespmem:$0x10B00] =	vst v63  }
0x56: {  	s14 =	spop (v2sf);
	s17 =	simm.s32 $0x7400  }
0x57: {  	[tilespmem:s17], [sflag:$0x8] =	stream.strided.gather [hbm4b:s14+s12], $0x1000, s9, s12, $0x38;
	[tilespmem:$0x10B00] =	vst v63  }
0x58: {  	s18 =	spop (v2sf);
	s19 =	simm.s32 $0xF400;
	s20 =	simm.s32 $0x11  }
0x59: {  	[tilespmem:s19], [sflag:$0x10] =	stream.strided.gather [hbm4b:s18+s12], $0x1000, s9, s12, $0x38;
	[tilespmem:$0x10B00] =	vst v63  }
0x5a: {  	_ =	swait.ge [sflag:s20], $0x80  }
0x5b: {  	[sflag:s20] =	ssyncset.done $0x0  }
0x5c: {  	[sflag:s20] =	ssyncadd.s32 $0xFFFFFF80  }
0x5d: {  	_ =	swait.ge [sflag:s20], $0x80  }
0x5e: {  	[sflag:s20] =	ssyncset.done $0x0  }
0x5f: {  	[sflag:s20] =	ssyncadd.s32 $0xFFFFFF80  }
0x60: {  	_ =	swait.ge [sflag:s20], $0x80  }
0x61: {  	[sflag:s20] =	ssyncset.done $0x0  }
0x62: {  	[sflag:s20] =	ssyncadd.s32 $0xFFFFFF80  }
0x63: {  	_ =	swait.ge [sflag:s20], $0x80  }
0x64: {  	[sflag:s20] =	ssyncset.done $0x0  }
0x65: {  	[sflag:s20] =	ssyncadd.s32 $0xFFFFFF80  }
0x66: {  	_ =	swait.ge [sflag:s20], $0x80  }
0x67: {  	[sflag:s20] =	ssyncset.done $0x0  }
0x68: {  	[sflag:s20] =	ssyncadd.s32 $0xFFFFFF80  }
0x69: {  	_ =	swait.ge [sflag:s20], $0x80  }
0x6a: {  	[sflag:s20] =	ssyncset.done $0x0  }
0x6b: {  	[sflag:s20] =	ssyncadd.s32 $0xFFFFFF80  }
0x6c: {  	_ =	swait.ge [sflag:s20], $0x80  }
0x6d: {  	[sflag:s20] =	ssyncset.done $0x0  }
0x6e: {  	[sflag:s20] =	ssyncadd.s32 $0xFFFFFF80  }
0x6f: {  	_ =	swait.ge [sflag:s20], $0x80  }
0x70: {  	[sflag:s20] =	ssyncset.done $0x0  }
0x71: {  	s16 =	simm.s32 $0x0;
	[sflag:s20] =	ssyncadd.s32 $0xFFFFFF80  }
.LBB2_2:
0x72: {  	s0 =	sshra.s32 s16, $0x2  }
0x73: {  	v20 =	vld [tilespmem:s0+$0x0];
	_ =	sdelay $0x1  }
0x74: {  	v21 =	vld [tilespmem:s0+$0x200];
	_ =	sdelay $0x2  }
0x75: {  	s19 =	simm.s32 $0x1;
	[dreg:$0xc] =	wrdreg s0;
	v18 =	vand.u32 $0x7F, v20  }
0x76: {  	_ =	swait.ge [sflag:s19], $0x1000;
	v22 =	vbroadcast v18, $0x0  }
0x77: {  	[sflag:s19] =	ssyncset.done $0x0;
	v19 =	vand.u32 $0x7F, v21  }
0x78: {  	s20 =	simm.s32 $0x9;
	[sflag:s19] =	ssyncadd.s32 $0xFFFFF000;
	v20 =	vand.u32 $0xFFFFFF80, v20;
	v23 =	vbroadcast v19, $0x0;
	v24 =	vor.u32 v0, v22  }
0x79: {  	_ =	swait.ge [sflag:s20], $0x1000;
	v20 =	vadd.s32 s1, v20;
	v22 =	vor.u32 v2, v22  }
0x7a: {  	v21 =	vand.u32 $0xFFFFFF80, v21;
	(v2sf) =	vpush v20, $0x8;
	v25 =	vor.u32 v0, v23  }
0x7b: {  	[sflag:s20] =	ssyncset.done $0x0;
	v21 =	vadd.s32 s3, v21;
	v23 =	vor.u32 v2, v23  }
0x7c: {  	[sflag:s20] =	ssyncadd.s32 $0xFFFFF000;
	(v2sf) =	vpush v21, $0x8  }
0x7d: {  	v24 =	vld.idx.msk [tilespmem:v24+s12+$0x0], $0xffff  }
0x7e: {  	v22 =	vld.idx.msk [tilespmem:v22+s12+$0x0], $0xffff  }
0x7f: {  	v25 =	vld.idx.msk [tilespmem:v25+s21+$0x0], $0xffff  }
0x80: {  	v23 =	vld.idx.msk [tilespmem:v23+s21+$0x0], $0xffff;
	_ =	sdelay $0x4  }
0x81: {  	v24 =	vmul.f32 v25, v24;
	v22 =	vmul.f32 v23, v22;
	_ =	sdelay $0x1  }
0x82: {  	v22 =	vadd.f32 v22, v24;
	_ =	sdelay $0x1  }
0x83: {  	[tilespmem:$0x10800] =	vst v22;
	s18 =	spop (v2sf)  }
0x84: {  	[tilespmem:s12], [sflag:$0x1] =	stream.strided.gather [hbm4b:s18+s12], $0x1000, s9, s12, $0x38;
	[tilespmem:$0x10B00] =	vst v63  }
0x85: {  	s5 =	spop (v2sf)  }
0x86: {  	[tilespmem:s21], [sflag:$0x9] =	stream.strided.gather [hbm4b:s5+s12], $0x1000, s9, s12, $0x38;
	[tilespmem:$0x10B00] =	vst v63  }
0x87: {  	v32 =	vbroadcast v18, $0x1;
	_ =	swait.ge [sflag:s30], $0x1000  }
0x88: {  	[sflag:s30] =	ssyncset.done $0x0  }
0x89: {  	v33 =	vbroadcast v19, $0x1;
	v34 =	vor.u32 v0, v32;
	[sflag:s30] =	ssyncadd.s32 $0xFFFFF000  }
0x8a: {  	v22 =	vor.u32 v2, v32;
	_ =	swait.ge [sflag:s31], $0x1000  }
0x8b: {  	v35 =	vor.u32 v0, v33;
	(v2sf) =	vpush v20, $0x9  }
0x8c: {  	v23 =	vor.u32 v2, v33;
	[sflag:s31] =	ssyncset.done $0x0  }
0x8d: {  	[sflag:s31] =	ssyncadd.s32 $0xFFFFF000;
	(v2sf) =	vpush v21, $0x9  }
0x8e: {  	v24 =	vld.idx.msk [tilespmem:v34+s22+$0x0], $0xffff  }
0x8f: {  	v22 =	vld.idx.msk [tilespmem:v22+s22+$0x0], $0xffff  }
0x90: {  	v25 =	vld.idx.msk [tilespmem:v35+s23+$0x0], $0xffff  }
0x91: {  	v23 =	vld.idx.msk [tilespmem:v23+s23+$0x0], $0xffff;
	_ =	sdelay $0x4  }
0x92: {  	v24 =	vmul.f32 v25, v24;
	v22 =	vmul.f32 v23, v22;
	_ =	sdelay $0x1  }
0x93: {  	v22 =	vadd.f32 v22, v24;
	_ =	sdelay $0x1  }
0x94: {  	[tilespmem:$0x10810] =	vst v22;
	s6 =	spop (v2sf)  }
0x95: {  	[tilespmem:s22], [sflag:$0x2] =	stream.strided.gather [hbm4b:s6+s12], $0x1000, s9, s12, $0x38;
	[tilespmem:$0x10B00] =	vst v63  }
0x96: {  	s8 =	spop (v2sf)  }
0x97: {  	[tilespmem:s23], [sflag:$0xA] =	stream.strided.gather [hbm4b:s8+s12], $0x1000, s9, s12, $0x38;
	[tilespmem:$0x10B00] =	vst v63  }
0x98: {  	v36 =	vbroadcast v18, $0x2;
	_ =	swait.ge [sflag:s10], $0x1000  }
0x99: {  	[sflag:s10] =	ssyncset.done $0x0  }
0x9a: {  	v37 =	vbroadcast v19, $0x2;
	v38 =	vor.u32 v0, v36;
	[sflag:s10] =	ssyncadd.s32 $0xFFFFF000  }
0x9b: {  	v22 =	vor.u32 v2, v36;
	_ =	swait.ge [sflag:s7], $0x1000  }
0x9c: {  	v39 =	vor.u32 v0, v37;
	(v2sf) =	vpush v20, $0xA  }
0x9d: {  	v23 =	vor.u32 v2, v37;
	[sflag:s7] =	ssyncset.done $0x0  }
0x9e: {  	s14 =	simm.s32 $0x2400;
	[sflag:s7] =	ssyncadd.s32 $0xFFFFF000;
	(v2sf) =	vpush v21, $0xA  }
0x9f: {  	v24 =	vld.idx.msk [tilespmem:v38+s14+$0x0], $0xffff  }
0xa0: {  	s8 =	simm.s32 $0xA400;
	v22 =	vld.idx.msk [tilespmem:v22+s14+$0x0], $0xffff  }
0xa1: {  	v25 =	vld.idx.msk [tilespmem:v39+s8+$0x0], $0xffff  }
0xa2: {  	v23 =	vld.idx.msk [tilespmem:v23+s8+$0x0], $0xffff;
	_ =	sdelay $0x4  }
0xa3: {  	v24 =	vmul.f32 v25, v24;
	v22 =	vmul.f32 v23, v22;
	_ =	sdelay $0x1  }
0xa4: {  	v22 =	vadd.f32 v22, v24;
	_ =	sdelay $0x1  }
0xa5: {  	[tilespmem:$0x10820] =	vst v22;
	s10 =	spop (v2sf)  }
0xa6: {  	[tilespmem:s14], [sflag:$0x3] =	stream.strided.gather [hbm4b:s10+s12], $0x1000, s9, s12, $0x38;
	[tilespmem:$0x10B00] =	vst v63  }
0xa7: {  	s17 =	spop (v2sf)  }
0xa8: {  	[tilespmem:s8], [sflag:$0xB] =	stream.strided.gather [hbm4b:s17+s12], $0x1000, s9, s12, $0x38;
	[tilespmem:$0x10B00] =	vst v63  }
0xa9: {  	v40 =	vbroadcast v18, $0x3;
	_ =	swait.ge [sflag:s2], $0x1000  }
0xaa: {  	[sflag:s2] =	ssyncset.done $0x0  }
0xab: {  	s0 =	simm.s32 $0xC;
	v41 =	vbroadcast v19, $0x3;
	v42 =	vor.u32 v0, v40;
	[sflag:s2] =	ssyncadd.s32 $0xFFFFF000  }
0xac: {  	v22 =	vor.u32 v2, v40;
	_ =	swait.ge [sflag:s0], $0x1000  }
0xad: {  	v43 =	vor.u32 v0, v41;
	(v2sf) =	vpush v20, $0xB  }
0xae: {  	v23 =	vor.u32 v2, v41;
	[sflag:s0] =	ssyncset.done $0x0  }
0xaf: {  	s10 =	simm.s32 $0x3400;
	[sflag:s0] =	ssyncadd.s32 $0xFFFFF000;
	(v2sf) =	vpush v21, $0xB  }
0xb0: {  	v24 =	vld.idx.msk [tilespmem:v42+s10+$0x0], $0xffff  }
0xb1: {  	s4 =	simm.s32 $0xB400;
	v22 =	vld.idx.msk [tilespmem:v22+s10+$0x0], $0xffff  }
0xb2: {  	v25 =	vld.idx.msk [tilespmem:v43+s4+$0x0], $0xffff  }
0xb3: {  	v23 =	vld.idx.msk [tilespmem:v23+s4+$0x0], $0xffff;
	_ =	sdelay $0x4  }
0xb4: {  	v24 =	vmul.f32 v25, v24;
	v22 =	vmul.f32 v23, v22;
	_ =	sdelay $0x1  }
0xb5: {  	v22 =	vadd.f32 v22, v24;
	_ =	sdelay $0x1  }
0xb6: {  	[tilespmem:$0x10830] =	vst v22;
	s22 =	spop (v2sf)  }
0xb7: {  	[tilespmem:s10], [sflag:$0x4] =	stream.strided.gather [hbm4b:s22+s12], $0x1000, s9, s12, $0x38;
	[tilespmem:$0x10B00] =	vst v63  }
0xb8: {  	s23 =	spop (v2sf)  }
0xb9: {  	[tilespmem:s4], [sflag:$0xC] =	stream.strided.gather [hbm4b:s23+s12], $0x1000, s9, s12, $0x38;
	[tilespmem:$0x10B00] =	vst v63  }
0xba: {  	v44 =	vbroadcast v18, $0x4;
	_ =	swait.ge [sflag:s25], $0x1000  }
0xbb: {  	[sflag:s25] =	ssyncset.done $0x0  }
0xbc: {  	v45 =	vbroadcast v19, $0x4;
	v46 =	vor.u32 v0, v44;
	[sflag:s25] =	ssyncadd.s32 $0xFFFFF000  }
0xbd: {  	v22 =	vor.u32 v2, v44;
	_ =	swait.ge [sflag:s29], $0x1000  }
0xbe: {  	v47 =	vor.u32 v0, v45;
	(v2sf) =	vpush v20, $0xC  }
0xbf: {  	v23 =	vor.u32 v2, v45;
	[sflag:s29] =	ssyncset.done $0x0  }
0xc0: {  	[sflag:s29] =	ssyncadd.s32 $0xFFFFF000;
	(v2sf) =	vpush v21, $0xC  }
0xc1: {  	v24 =	vld.idx.msk [tilespmem:v46+s24+$0x0], $0xffff  }
0xc2: {  	s17 =	simm.s32 $0xC400;
	v22 =	vld.idx.msk [tilespmem:v22+s24+$0x0], $0xffff  }
0xc3: {  	v25 =	vld.idx.msk [tilespmem:v47+s17+$0x0], $0xffff  }
0xc4: {  	v23 =	vld.idx.msk [tilespmem:v23+s17+$0x0], $0xffff;
	_ =	sdelay $0x4  }
0xc5: {  	v24 =	vmul.f32 v25, v24;
	v22 =	vmul.f32 v23, v22;
	_ =	sdelay $0x1  }
0xc6: {  	v22 =	vadd.f32 v22, v24;
	_ =	sdelay $0x1  }
0xc7: {  	[tilespmem:$0x10840] =	vst v22;
	s5 =	spop (v2sf)  }
0xc8: {  	[tilespmem:s24], [sflag:$0x5] =	stream.strided.gather [hbm4b:s5+s12], $0x1000, s9, s12, $0x38;
	[tilespmem:$0x10B00] =	vst v63  }
0xc9: {  	s6 =	spop (v2sf)  }
0xca: {  	[tilespmem:s17], [sflag:$0xD] =	stream.strided.gather [hbm4b:s6+s12], $0x1000, s9, s12, $0x38;
	[tilespmem:$0x10B00] =	vst v63  }
0xcb: {  	v48 =	vbroadcast v18, $0x5;
	_ =	swait.ge [sflag:s11], $0x1000  }
0xcc: {  	[sflag:s11] =	ssyncset.done $0x0  }
0xcd: {  	v49 =	vbroadcast v19, $0x5;
	v50 =	vor.u32 v0, v48;
	[sflag:s11] =	ssyncadd.s32 $0xFFFFF000  }
0xce: {  	v22 =	vor.u32 v2, v48;
	_ =	swait.ge [sflag:s26], $0x1000  }
0xcf: {  	v51 =	vor.u32 v0, v49;
	(v2sf) =	vpush v20, $0xD  }
0xd0: {  	v23 =	vor.u32 v2, v49;
	[sflag:s26] =	ssyncset.done $0x0  }
0xd1: {  	s5 =	simm.s32 $0x5400;
	[sflag:s26] =	ssyncadd.s32 $0xFFFFF000;
	(v2sf) =	vpush v21, $0xD  }
0xd2: {  	v24 =	vld.idx.msk [tilespmem:v50+s5+$0x0], $0xffff  }
0xd3: {  	s22 =	simm.s32 $0xD400;
	v22 =	vld.idx.msk [tilespmem:v22+s5+$0x0], $0xffff  }
0xd4: {  	v25 =	vld.idx.msk [tilespmem:v51+s22+$0x0], $0xffff  }
0xd5: {  	v23 =	vld.idx.msk [tilespmem:v23+s22+$0x0], $0xffff;
	_ =	sdelay $0x4  }
0xd6: {  	v24 =	vmul.f32 v25, v24;
	v22 =	vmul.f32 v23, v22;
	_ =	sdelay $0x1  }
0xd7: {  	v22 =	vadd.f32 v22, v24;
	_ =	sdelay $0x1  }
0xd8: {  	s6 =	simm.s32 $0x5400;
	[tilespmem:$0x10850] =	vst v22;
	s23 =	spop (v2sf)  }
0xd9: {  	[tilespmem:s6], [sflag:$0x6] =	stream.strided.gather [hbm4b:s23+s12], $0x1000, s9, s12, $0x38;
	[tilespmem:$0x10B00] =	vst v63  }
0xda: {  	s5 =	simm.s32 $0xD400;
	s22 =	spop (v2sf);
	s6 =	simm.s32 $0x7  }
0xdb: {  	[tilespmem:s5], [sflag:$0xE] =	stream.strided.gather [hbm4b:s22+s12], $0x1000, s9, s12, $0x38;
	[tilespmem:$0x10B00] =	vst v63  }
0xdc: {  	v52 =	vbroadcast v18, $0x6;
	_ =	swait.ge [sflag:s6], $0x1000  }
0xdd: {  	[sflag:s6] =	ssyncset.done $0x0  }
0xde: {  	v53 =	vbroadcast v19, $0x6;
	v54 =	vor.u32 v0, v52;
	[sflag:s6] =	ssyncadd.s32 $0xFFFFF000  }
0xdf: {  	v22 =	vor.u32 v2, v52;
	_ =	swait.ge [sflag:s13], $0x1000  }
0xe0: {  	v55 =	vor.u32 v0, v53;
	(v2sf) =	vpush v20, $0xE  }
0xe1: {  	v23 =	vor.u32 v2, v53;
	[sflag:s13] =	ssyncset.done $0x0  }
0xe2: {  	s23 =	simm.s32 $0x6400;
	[sflag:s13] =	ssyncadd.s32 $0xFFFFF000;
	(v2sf) =	vpush v21, $0xE  }
0xe3: {  	v24 =	vld.idx.msk [tilespmem:v54+s23+$0x0], $0xffff  }
0xe4: {  	s18 =	simm.s32 $0xE400;
	v22 =	vld.idx.msk [tilespmem:v22+s23+$0x0], $0xffff  }
0xe5: {  	v25 =	vld.idx.msk [tilespmem:v55+s18+$0x0], $0xffff  }
0xe6: {  	v23 =	vld.idx.msk [tilespmem:v23+s18+$0x0], $0xffff;
	_ =	sdelay $0x4  }
0xe7: {  	v24 =	vmul.f32 v25, v24;
	v22 =	vmul.f32 v23, v22;
	_ =	sdelay $0x1  }
0xe8: {  	v22 =	vadd.f32 v22, v24;
	_ =	sdelay $0x1  }
0xe9: {  	s22 =	simm.s32 $0x6400;
	[tilespmem:$0x10860] =	vst v22;
	s23 =	spop (v2sf)  }
0xea: {  	[tilespmem:s22], [sflag:$0x7] =	stream.strided.gather [hbm4b:s23+s12], $0x1000, s9, s12, $0x38;
	[tilespmem:$0x10B00] =	vst v63  }
0xeb: {  	s5 =	simm.s32 $0xE400;
	s23 =	spop (v2sf)  }
0xec: {  	[tilespmem:s5], [sflag:$0xF] =	stream.strided.gather [hbm4b:s23+s12], $0x1000, s9, s12, $0x38;
	[tilespmem:$0x10B00] =	vst v63  }
0xed: {  	s5 =	simm.s32 $0x8  }
0xee: {  	v56 =	vbroadcast v18, $0x7;
	_ =	swait.ge [sflag:s5], $0x1000  }
0xef: {  	[sflag:s5] =	ssyncset.done $0x0  }
0xf0: {  	v57 =	vbroadcast v19, $0x7;
	v58 =	vor.u32 v0, v56;
	[sflag:s5] =	ssyncadd.s32 $0xFFFFF000  }
0xf1: {  	v22 =	vor.u32 v2, v56;
	_ =	swait.ge [sflag:s28], $0x1000  }
0xf2: {  	v59 =	vor.u32 v0, v57;
	(v2sf) =	vpush v20, $0xF  }
0xf3: {  	v60 =	vor.u32 v2, v57;
	[sflag:s28] =	ssyncset.done $0x0  }
0xf4: {  	s22 =	simm.s32 $0x7400;
	[sflag:s28] =	ssyncadd.s32 $0xFFFFF000;
	(v2sf) =	vpush v21, $0xF  }
0xf5: {  	v61 =	vld.idx.msk [tilespmem:v58+s22+$0x0], $0xffff  }
0xf6: {  	s23 =	simm.s32 $0xF400;
	v22 =	vld.idx.msk [tilespmem:v22+s22+$0x0], $0xffff  }
0xf7: {  	v62 =	vld.idx.msk [tilespmem:v59+s23+$0x0], $0xffff  }
0xf8: {  	v20 =	vld.idx.msk [tilespmem:v60+s23+$0x0], $0xffff;
	_ =	sdelay $0x4  }
0xf9: {  	v21 =	vmul.f32 v62, v61;
	v20 =	vmul.f32 v20, v22;
	_ =	sdelay $0x1  }
0xfa: {  	v20 =	vadd.f32 v20, v21;
	_ =	sdelay $0x1  }
0xfb: {  	s22 =	simm.s32 $0x7400;
	[tilespmem:$0x10870] =	vst v20;
	s18 =	spop (v2sf)  }
0xfc: {  	[tilespmem:s22], [sflag:$0x8] =	stream.strided.gather [hbm4b:s18+s12], $0x1000, s9, s12, $0x38;
	[tilespmem:$0x10B00] =	vst v63  }
0xfd: {  	s23 =	simm.s32 $0xF400;
	s22 =	spop (v2sf)  }
0xfe: {  	v63 =	vbroadcast v18, $0x8;
	[tilespmem:s23], [sflag:$0x10] =	stream.strided.gather [hbm4b:s22+s12], $0x1000, s9, s12, $0x38;
	[tilespmem:$0x10B00] =	vst v63  }
0xff: {  	_ =	swait.ge [sflag:s19], $0x1000  }
0x100: {  	v25 =	vor.u32 v0, v63;
	v24 =	vbroadcast v19, $0x8;
	[sflag:s19] =	ssyncset.done $0x0  }
0x101: {  	v20 =	vor.u32 v2, v63;
	[sflag:s19] =	ssyncadd.s32 $0xFFFFF000  }
0x102: {  	v26 =	vor.u32 v0, v24;
	_ =	swait.ge [sflag:s20], $0x1000  }
0x103: {  	v21 =	vor.u32 v2, v24;
	[sflag:s20] =	ssyncset.done $0x0  }
0x104: {  	[sflag:s20] =	ssyncadd.s32 $0xFFFFF000  }
0x105: {  	v22 =	vld.idx.msk [tilespmem:v25+s12+$0x0], $0xffff  }
0x106: {  	v20 =	vld.idx.msk [tilespmem:v20+s12+$0x0], $0xffff  }
0x107: {  	v23 =	vld.idx.msk [tilespmem:v26+s21+$0x0], $0xffff  }
0x108: {  	v21 =	vld.idx.msk [tilespmem:v21+s21+$0x0], $0xffff;
	_ =	sdelay $0x4  }
0x109: {  	v22 =	vmul.f32 v23, v22;
	v20 =	vmul.f32 v21, v20;
	_ =	sdelay $0x1  }
0x10a: {  	v20 =	vadd.f32 v20, v22  }
0x10b: {  	p0 =	seq.s32 s16, $0x7C0  }
0x10c: {  	s20 =	sshra.s32 @!p0 s16, $0x2;
	[tilespmem:$0x10880] =	vst v20  }
0x10d: {  	v20 =	vld @!p0 [tilespmem:s20+$0x10];
	_ =	sdelay $0x3  }
0x10e: {  	v21 =	vld @!p0 [tilespmem:s20+$0x210]  }
0x10f: {  	(v2sf) =	vpush @!p0 v20, $0x0;
	_ =	sdelay $0x3  }
0x110: {  	(v2sf) =	vpush @!p0 v21, $0x0;
	_ =	sdelay $0xa  }
0x111: {  	s18 =	spop @!p0 (v2sf)  }
0x112: {  	s18 =	sand.u32 @!p0 $0xFFFFF80, s18  }
0x113: {  	s19 =	simm.s32 @!p0 $0x400;
	s21 =	sadd.s32 @!p0 s1, s18;
	s18 =	simm.s32 @!p0 $0x7A1400  }
0x114: {  	[tilespmem:s19], [sflag:$0x1] =	stream.strided.gather @!p0 [hbm4b:s21+s19], $0x1000, s18, s19, $0x38;
	[tilespmem:$0x10B00] =	vst v63  }
0x115: {  	s21 =	spop @!p0 (v2sf)  }
0x116: {  	s21 =	sand.u32 @!p0 $0xFFFFF80, s21  }
0x117: {  	s22 =	simm.s32 @!p0 $0x8400;
	s21 =	sadd.s32 @!p0 s3, s21  }
0x118: {  	v27 =	vbroadcast v18, $0x9;
	[tilespmem:s22], [sflag:$0x9] =	stream.strided.gather @!p0 [hbm4b:s21+s19], $0x1000, s18, s19, $0x38;
	[tilespmem:$0x10B00] =	vst v63  }
0x119: {  	_ =	swait.ge [sflag:s30], $0x1000  }
0x11a: {  	v28 =	vbroadcast v19, $0x9;
	v29 =	vor.u32 v0, v27;
	[sflag:s30] =	ssyncset.done $0x0  }
0x11b: {  	v20 =	vor.u32 v2, v27;
	[sflag:s30] =	ssyncadd.s32 $0xFFFFF000  }
0x11c: {  	v30 =	vor.u32 v0, v28;
	_ =	swait.ge [sflag:s31], $0x1000  }
0x11d: {  	v21 =	vor.u32 v2, v28;
	[sflag:s31] =	ssyncset.done $0x0  }
0x11e: {  	s23 =	simm.s32 $0x1400;
	[sflag:s31] =	ssyncadd.s32 $0xFFFFF000  }
0x11f: {  	v22 =	vld.idx.msk [tilespmem:v29+s23+$0x0], $0xffff  }
0x120: {  	v20 =	vld.idx.msk [tilespmem:v20+s23+$0x0], $0xffff;
	s23 =	simm.s32 $0x9400  }
0x121: {  	v23 =	vld.idx.msk [tilespmem:v30+s23+$0x0], $0xffff  }
0x122: {  	v21 =	vld.idx.msk [tilespmem:v21+s23+$0x0], $0xffff;
	_ =	sdelay $0x4  }
0x123: {  	v22 =	vmul.f32 v23, v22;
	v20 =	vmul.f32 v21, v20;
	_ =	sdelay $0x1  }
0x124: {  	v20 =	vadd.f32 v20, v22;
	_ =	sdelay $0x1  }
0x125: {  	[tilespmem:$0x10890] =	vst v20  }
0x126: {  	v20 =	vld @!p0 [tilespmem:s20+$0x10];
	_ =	sdelay $0x3  }
0x127: {  	v21 =	vld @!p0 [tilespmem:s20+$0x210]  }
0x128: {  	(v2sf) =	vpush @!p0 v20, $0x1;
	_ =	sdelay $0x3  }
0x129: {  	(v2sf) =	vpush @!p0 v21, $0x1;
	_ =	sdelay $0xa  }
0x12a: {  	s21 =	spop @!p0 (v2sf)  }
0x12b: {  	s21 =	sand.u32 @!p0 $0xFFFFF80, s21  }
0x12c: {  	s22 =	simm.s32 @!p0 $0x1400;
	s21 =	sadd.s32 @!p0 s1, s21  }
0x12d: {  	[tilespmem:s22], [sflag:$0x2] =	stream.strided.gather @!p0 [hbm4b:s21+s19], $0x1000, s18, s19, $0x38;
	[tilespmem:$0x10B00] =	vst v63  }
0x12e: {  	s21 =	spop @!p0 (v2sf)  }
0x12f: {  	s21 =	sand.u32 @!p0 $0xFFFFF80, s21  }
0x130: {  	s7 =	simm.s32 $0x3;
	s22 =	simm.s32 @!p0 $0x9400;
	s21 =	sadd.s32 @!p0 s3, s21  }
0x131: {  	v31 =	vbroadcast v18, $0xA;
	[tilespmem:s22], [sflag:$0xA] =	stream.strided.gather @!p0 [hbm4b:s21+s19], $0x1000, s18, s19, $0x38;
	[tilespmem:$0x10B00] =	vst v63  }
0x132: {  	_ =	swait.ge [sflag:s7], $0x1000  }
0x133: {  	v33 =	vor.u32 v0, v31;
	v32 =	vbroadcast v19, $0xA;
	[sflag:s7] =	ssyncset.done $0x0  }
0x134: {  	v20 =	vor.u32 v2, v31;
	[sflag:s7] =	ssyncadd.s32 $0xFFFFF000;
	s7 =	simm.s32 $0xB  }
0x135: {  	v34 =	vor.u32 v0, v32;
	_ =	swait.ge [sflag:s7], $0x1000  }
0x136: {  	v21 =	vor.u32 v2, v32;
	[sflag:s7] =	ssyncset.done $0x0  }
0x137: {  	[sflag:s7] =	ssyncadd.s32 $0xFFFFF000  }
0x138: {  	v22 =	vld.idx.msk [tilespmem:v33+s14+$0x0], $0xffff  }
0x139: {  	v20 =	vld.idx.msk [tilespmem:v20+s14+$0x0], $0xffff  }
0x13a: {  	v23 =	vld.idx.msk [tilespmem:v34+s8+$0x0], $0xffff  }
0x13b: {  	v21 =	vld.idx.msk [tilespmem:v21+s8+$0x0], $0xffff;
	_ =	sdelay $0x4  }
0x13c: {  	v22 =	vmul.f32 v23, v22;
	v20 =	vmul.f32 v21, v20;
	_ =	sdelay $0x1  }
0x13d: {  	v20 =	vadd.f32 v20, v22;
	_ =	sdelay $0x1  }
0x13e: {  	[tilespmem:$0x108A0] =	vst v20  }
0x13f: {  	v20 =	vld @!p0 [tilespmem:s20+$0x10];
	_ =	sdelay $0x3  }
0x140: {  	v21 =	vld @!p0 [tilespmem:s20+$0x210]  }
0x141: {  	(v2sf) =	vpush @!p0 v20, $0x2;
	_ =	sdelay $0x3  }
0x142: {  	(v2sf) =	vpush @!p0 v21, $0x2;
	_ =	sdelay $0xa  }
0x143: {  	s21 =	spop @!p0 (v2sf)  }
0x144: {  	s21 =	sand.u32 @!p0 $0xFFFFF80, s21  }
0x145: {  	s22 =	simm.s32 @!p0 $0x2400;
	s21 =	sadd.s32 @!p0 s1, s21  }
0x146: {  	[tilespmem:s22], [sflag:$0x3] =	stream.strided.gather @!p0 [hbm4b:s21+s19], $0x1000, s18, s19, $0x38;
	[tilespmem:$0x10B00] =	vst v63  }
0x147: {  	s21 =	spop @!p0 (v2sf)  }
0x148: {  	s21 =	sand.u32 @!p0 $0xFFFFF80, s21  }
0x149: {  	s22 =	simm.s32 @!p0 $0xA400;
	s21 =	sadd.s32 @!p0 s3, s21  }
0x14a: {  	v35 =	vbroadcast v18, $0xB;
	[tilespmem:s22], [sflag:$0xB] =	stream.strided.gather @!p0 [hbm4b:s21+s19], $0x1000, s18, s19, $0x38;
	[tilespmem:$0x10B00] =	vst v63  }
0x14b: {  	_ =	swait.ge [sflag:s2], $0x1000  }
0x14c: {  	v37 =	vor.u32 v0, v35;
	v36 =	vbroadcast v19, $0xB;
	[sflag:s2] =	ssyncset.done $0x0  }
0x14d: {  	v20 =	vor.u32 v2, v35;
	[sflag:s2] =	ssyncadd.s32 $0xFFFFF000  }
0x14e: {  	v38 =	vor.u32 v0, v36;
	_ =	swait.ge [sflag:s0], $0x1000  }
0x14f: {  	v21 =	vor.u32 v2, v36;
	[sflag:s0] =	ssyncset.done $0x0  }
0x150: {  	[sflag:s0] =	ssyncadd.s32 $0xFFFFF000  }
0x151: {  	v22 =	vld.idx.msk [tilespmem:v37+s10+$0x0], $0xffff  }
0x152: {  	v20 =	vld.idx.msk [tilespmem:v20+s10+$0x0], $0xffff  }
0x153: {  	v23 =	vld.idx.msk [tilespmem:v38+s4+$0x0], $0xffff  }
0x154: {  	v21 =	vld.idx.msk [tilespmem:v21+s4+$0x0], $0xffff;
	_ =	sdelay $0x4  }
0x155: {  	v22 =	vmul.f32 v23, v22;
	v20 =	vmul.f32 v21, v20;
	_ =	sdelay $0x1  }
0x156: {  	v20 =	vadd.f32 v20, v22;
	_ =	sdelay $0x1  }
0x157: {  	[tilespmem:$0x108B0] =	vst v20  }
0x158: {  	v20 =	vld @!p0 [tilespmem:s20+$0x10];
	_ =	sdelay $0x3  }
0x159: {  	v21 =	vld @!p0 [tilespmem:s20+$0x210]  }
0x15a: {  	(v2sf) =	vpush @!p0 v20, $0x3;
	_ =	sdelay $0x3  }
0x15b: {  	(v2sf) =	vpush @!p0 v21, $0x3;
	_ =	sdelay $0xa  }
0x15c: {  	s21 =	spop @!p0 (v2sf)  }
0x15d: {  	s21 =	sand.u32 @!p0 $0xFFFFF80, s21  }
0x15e: {  	s22 =	simm.s32 @!p0 $0x3400;
	s21 =	sadd.s32 @!p0 s1, s21  }
0x15f: {  	[tilespmem:s22], [sflag:$0x4] =	stream.strided.gather @!p0 [hbm4b:s21+s19], $0x1000, s18, s19, $0x38;
	[tilespmem:$0x10B00] =	vst v63  }
0x160: {  	s21 =	spop @!p0 (v2sf)  }
0x161: {  	s21 =	sand.u32 @!p0 $0xFFFFF80, s21  }
0x162: {  	s22 =	simm.s32 @!p0 $0xB400;
	s21 =	sadd.s32 @!p0 s3, s21  }
0x163: {  	v39 =	vbroadcast v18, $0xC;
	[tilespmem:s22], [sflag:$0xC] =	stream.strided.gather @!p0 [hbm4b:s21+s19], $0x1000, s18, s19, $0x38;
	[tilespmem:$0x10B00] =	vst v63  }
0x164: {  	_ =	swait.ge [sflag:s25], $0x1000  }
0x165: {  	v41 =	vor.u32 v0, v39;
	v40 =	vbroadcast v19, $0xC;
	[sflag:s25] =	ssyncset.done $0x0  }
0x166: {  	v20 =	vor.u32 v2, v39;
	[sflag:s25] =	ssyncadd.s32 $0xFFFFF000  }
0x167: {  	v42 =	vor.u32 v0, v40;
	_ =	swait.ge [sflag:s29], $0x1000  }
0x168: {  	v21 =	vor.u32 v2, v40;
	[sflag:s29] =	ssyncset.done $0x0  }
0x169: {  	[sflag:s29] =	ssyncadd.s32 $0xFFFFF000  }
0x16a: {  	v22 =	vld.idx.msk [tilespmem:v41+s24+$0x0], $0xffff  }
0x16b: {  	v20 =	vld.idx.msk [tilespmem:v20+s24+$0x0], $0xffff  }
0x16c: {  	v23 =	vld.idx.msk [tilespmem:v42+s17+$0x0], $0xffff  }
0x16d: {  	v21 =	vld.idx.msk [tilespmem:v21+s17+$0x0], $0xffff;
	_ =	sdelay $0x4  }
0x16e: {  	v22 =	vmul.f32 v23, v22;
	v20 =	vmul.f32 v21, v20;
	_ =	sdelay $0x1  }
0x16f: {  	v20 =	vadd.f32 v20, v22;
	_ =	sdelay $0x1  }
0x170: {  	[tilespmem:$0x108C0] =	vst v20  }
0x171: {  	v20 =	vld @!p0 [tilespmem:s20+$0x10];
	_ =	sdelay $0x3  }
0x172: {  	v21 =	vld @!p0 [tilespmem:s20+$0x210]  }
0x173: {  	(v2sf) =	vpush @!p0 v20, $0x4;
	_ =	sdelay $0x3  }
0x174: {  	(v2sf) =	vpush @!p0 v21, $0x4;
	_ =	sdelay $0xa  }
0x175: {  	s21 =	spop @!p0 (v2sf)  }
0x176: {  	s21 =	sand.u32 @!p0 $0xFFFFF80, s21  }
0x177: {  	s22 =	simm.s32 @!p0 $0x4400;
	s21 =	sadd.s32 @!p0 s1, s21  }
0x178: {  	[tilespmem:s22], [sflag:$0x5] =	stream.strided.gather @!p0 [hbm4b:s21+s19], $0x1000, s18, s19, $0x38;
	[tilespmem:$0x10B00] =	vst v63  }
0x179: {  	s21 =	spop @!p0 (v2sf)  }
0x17a: {  	s21 =	sand.u32 @!p0 $0xFFFFF80, s21  }
0x17b: {  	s22 =	simm.s32 @!p0 $0xC400;
	s21 =	sadd.s32 @!p0 s3, s21  }
0x17c: {  	v43 =	vbroadcast v18, $0xD;
	[tilespmem:s22], [sflag:$0xD] =	stream.strided.gather @!p0 [hbm4b:s21+s19], $0x1000, s18, s19, $0x38;
	[tilespmem:$0x10B00] =	vst v63  }
0x17d: {  	_ =	swait.ge [sflag:s11], $0x1000  }
0x17e: {  	v45 =	vor.u32 v0, v43;
	v44 =	vbroadcast v19, $0xD;
	[sflag:s11] =	ssyncset.done $0x0  }
0x17f: {  	v20 =	vor.u32 v2, v43;
	[sflag:s11] =	ssyncadd.s32 $0xFFFFF000  }
0x180: {  	v46 =	vor.u32 v0, v44;
	_ =	swait.ge [sflag:s26], $0x1000  }
0x181: {  	v21 =	vor.u32 v2, v44;
	[sflag:s26] =	ssyncset.done $0x0  }
0x182: {  	s22 =	simm.s32 $0x5400;
	[sflag:s26] =	ssyncadd.s32 $0xFFFFF000  }
0x183: {  	v22 =	vld.idx.msk [tilespmem:v45+s22+$0x0], $0xffff  }
0x184: {  	s4 =	simm.s32 $0xD400;
	v20 =	vld.idx.msk [tilespmem:v20+s22+$0x0], $0xffff  }
0x185: {  	v23 =	vld.idx.msk [tilespmem:v46+s4+$0x0], $0xffff  }
0x186: {  	v21 =	vld.idx.msk [tilespmem:v21+s4+$0x0], $0xffff;
	_ =	sdelay $0x4  }
0x187: {  	v22 =	vmul.f32 v23, v22;
	v20 =	vmul.f32 v21, v20;
	_ =	sdelay $0x1  }
0x188: {  	v20 =	vadd.f32 v20, v22;
	_ =	sdelay $0x1  }
0x189: {  	[tilespmem:$0x108D0] =	vst v20  }
0x18a: {  	v20 =	vld @!p0 [tilespmem:s20+$0x10];
	_ =	sdelay $0x3  }
0x18b: {  	v21 =	vld @!p0 [tilespmem:s20+$0x210]  }
0x18c: {  	(v2sf) =	vpush @!p0 v20, $0x5;
	_ =	sdelay $0x3  }
0x18d: {  	(v2sf) =	vpush @!p0 v21, $0x5;
	_ =	sdelay $0xa  }
0x18e: {  	s21 =	spop @!p0 (v2sf)  }
0x18f: {  	s21 =	sand.u32 @!p0 $0xFFFFF80, s21  }
0x190: {  	s22 =	simm.s32 @!p0 $0x5400;
	s21 =	sadd.s32 @!p0 s1, s21  }
0x191: {  	[tilespmem:s22], [sflag:$0x6] =	stream.strided.gather @!p0 [hbm4b:s21+s19], $0x1000, s18, s19, $0x38;
	[tilespmem:$0x10B00] =	vst v63  }
0x192: {  	s21 =	spop @!p0 (v2sf)  }
0x193: {  	s21 =	sand.u32 @!p0 $0xFFFFF80, s21  }
0x194: {  	s22 =	simm.s32 @!p0 $0xD400;
	s21 =	sadd.s32 @!p0 s3, s21  }
0x195: {  	v47 =	vbroadcast v18, $0xE;
	[tilespmem:s22], [sflag:$0xE] =	stream.strided.gather @!p0 [hbm4b:s21+s19], $0x1000, s18, s19, $0x38;
	[tilespmem:$0x10B00] =	vst v63  }
0x196: {  	_ =	swait.ge [sflag:s6], $0x1000  }
0x197: {  	v49 =	vor.u32 v0, v47;
	v48 =	vbroadcast v19, $0xE;
	[sflag:s6] =	ssyncset.done $0x0  }
0x198: {  	v20 =	vor.u32 v2, v47;
	[sflag:s6] =	ssyncadd.s32 $0xFFFFF000  }
0x199: {  	v50 =	vor.u32 v0, v48;
	_ =	swait.ge [sflag:s13], $0x1000  }
0x19a: {  	v21 =	vor.u32 v2, v48;
	[sflag:s13] =	ssyncset.done $0x0  }
0x19b: {  	s6 =	simm.s32 $0x6400;
	[sflag:s13] =	ssyncadd.s32 $0xFFFFF000  }
0x19c: {  	v22 =	vld.idx.msk [tilespmem:v49+s6+$0x0], $0xffff  }
0x19d: {  	s8 =	simm.s32 $0xE400;
	v20 =	vld.idx.msk [tilespmem:v20+s6+$0x0], $0xffff  }
0x19e: {  	v23 =	vld.idx.msk [tilespmem:v50+s8+$0x0], $0xffff  }
0x19f: {  	v21 =	vld.idx.msk [tilespmem:v21+s8+$0x0], $0xffff;
	_ =	sdelay $0x4  }
0x1a0: {  	v22 =	vmul.f32 v23, v22;
	v20 =	vmul.f32 v21, v20;
	_ =	sdelay $0x1  }
0x1a1: {  	v20 =	vadd.f32 v20, v22;
	_ =	sdelay $0x1  }
0x1a2: {  	[tilespmem:$0x108E0] =	vst v20  }
0x1a3: {  	v20 =	vld @!p0 [tilespmem:s20+$0x10];
	_ =	sdelay $0x3  }
0x1a4: {  	v21 =	vld @!p0 [tilespmem:s20+$0x210]  }
0x1a5: {  	(v2sf) =	vpush @!p0 v20, $0x6;
	_ =	sdelay $0x3  }
0x1a6: {  	(v2sf) =	vpush @!p0 v21, $0x6;
	_ =	sdelay $0xa  }
0x1a7: {  	s21 =	spop @!p0 (v2sf)  }
0x1a8: {  	s21 =	sand.u32 @!p0 $0xFFFFF80, s21  }
0x1a9: {  	s22 =	simm.s32 @!p0 $0x6400;
	s21 =	sadd.s32 @!p0 s1, s21  }
0x1aa: {  	[tilespmem:s22], [sflag:$0x7] =	stream.strided.gather @!p0 [hbm4b:s21+s19], $0x1000, s18, s19, $0x38;
	[tilespmem:$0x10B00] =	vst v63  }
0x1ab: {  	s21 =	spop @!p0 (v2sf)  }
0x1ac: {  	s21 =	sand.u32 @!p0 $0xFFFFF80, s21  }
0x1ad: {  	s22 =	simm.s32 @!p0 $0xE400;
	s21 =	sadd.s32 @!p0 s3, s21  }
0x1ae: {  	v18 =	vbroadcast v18, $0xF;
	[tilespmem:s22], [sflag:$0xF] =	stream.strided.gather @!p0 [hbm4b:s21+s19], $0x1000, s18, s19, $0x38;
	[tilespmem:$0x10B00] =	vst v63  }
0x1af: {  	_ =	swait.ge [sflag:s5], $0x1000  }
0x1b0: {  	v51 =	vor.u32 v0, v18;
	v19 =	vbroadcast v19, $0xF;
	[sflag:s5] =	ssyncset.done $0x0  }
0x1b1: {  	v18 =	vor.u32 v2, v18;
	[sflag:s5] =	ssyncadd.s32 $0xFFFFF000  }
0x1b2: {  	v52 =	vor.u32 v0, v19;
	_ =	swait.ge [sflag:s28], $0x1000  }
0x1b3: {  	v19 =	vor.u32 v2, v19;
	[sflag:s28] =	ssyncset.done $0x0  }
0x1b4: {  	s14 =	simm.s32 $0x7400;
	[sflag:s28] =	ssyncadd.s32 $0xFFFFF000  }
0x1b5: {  	v20 =	vld.idx.msk [tilespmem:v51+s14+$0x0], $0xffff  }
0x1b6: {  	s17 =	simm.s32 $0xF400;
	v18 =	vld.idx.msk [tilespmem:v18+s14+$0x0], $0xffff  }
0x1b7: {  	v21 =	vld.idx.msk [tilespmem:v52+s17+$0x0], $0xffff  }
0x1b8: {  	v19 =	vld.idx.msk [tilespmem:v19+s17+$0x0], $0xffff;
	_ =	sdelay $0x4  }
0x1b9: {  	v20 =	vmul.f32 v21, v20;
	v18 =	vmul.f32 v19, v18;
	_ =	sdelay $0x1  }
0x1ba: {  	v18 =	vadd.f32 v18, v20;
	_ =	sdelay $0x1  }
0x1bb: {  	[tilespmem:$0x108F0] =	vst v18  }
0x1bc: {  	v18 =	vld @!p0 [tilespmem:s20+$0x10];
	_ =	sdelay $0x3  }
0x1bd: {  	v19 =	vld @!p0 [tilespmem:s20+$0x210]  }
0x1be: {  	(v2sf) =	vpush @!p0 v18, $0x7;
	_ =	sdelay $0x3  }
0x1bf: {  	(v2sf) =	vpush @!p0 v19, $0x7;
	_ =	sdelay $0xa  }
0x1c0: {  	s20 =	spop @!p0 (v2sf)  }
0x1c1: {  	s20 =	sand.u32 @!p0 $0xFFFFF80, s20  }
0x1c2: {  	s21 =	simm.s32 @!p0 $0x7400;
	s20 =	sadd.s32 @!p0 s1, s20  }
0x1c3: {  	[tilespmem:s21], [sflag:$0x8] =	stream.strided.gather @!p0 [hbm4b:s20+s19], $0x1000, s18, s19, $0x38;
	[tilespmem:$0x10B00] =	vst v63  }
0x1c4: {  	s20 =	spop @!p0 (v2sf)  }
0x1c5: {  	s20 =	sand.u32 @!p0 $0xFFFFF80, s20  }
0x1c6: {  	s21 =	simm.s32 @!p0 $0xF400;
	s20 =	sadd.s32 @!p0 s3, s20  }
0x1c7: {  	[tilespmem:s21], [sflag:$0x10] =	stream.strided.gather @!p0 [hbm4b:s20+s19], $0x1000, s18, s19, $0x38;
	[tilespmem:$0x10B00] =	vst v63  }
0x1c8: {  	s20 =	rddreg [dreg:$0xc]  }
0x1c9: {  	v18 =	vld [tilespmem:s20+$0x10400]  }
0x1ca: {  	v19 =	vld [tilespmem:s20+$0x10600];
	_ =	sdelay $0x1  }
0x1cb: {  	v53 =	vld.idx.msk [tilespmem:v1+s15+$0x0], $0xffff;
	_ =	sdelay $0x1  }
0x1cc: {  	v54 =	vld.idx.msk [tilespmem:v3+s15+$0x0], $0xffff  }
0x1cd: {  	v18 =	vadd.f32 v19, v18  }
0x1ce: {  	v19 =	vld.idx.msk [tilespmem:v4+s15+$0x0], $0xffff  }
0x1cf: {  	v18 =	vadd.f32 v53, v18  }
0x1d0: {  	v55 =	vld.idx.msk [tilespmem:v5+s15+$0x0], $0xffff  }
0x1d1: {  	v18 =	vadd.f32 v54, v18  }
0x1d2: {  	v56 =	vld.idx.msk [tilespmem:v6+s15+$0x0], $0xffff  }
0x1d3: {  	v18 =	vadd.f32 v19, v18  }
0x1d4: {  	v19 =	vld.idx.msk [tilespmem:v7+s15+$0x0], $0xffff  }
0x1d5: {  	v18 =	vadd.f32 v55, v18  }
0x1d6: {  	v57 =	vld.idx.msk [tilespmem:v8+s15+$0x0], $0xffff  }
0x1d7: {  	v18 =	vadd.f32 v56, v18  }
0x1d8: {  	v58 =	vld.idx.msk [tilespmem:v9+s15+$0x0], $0xffff  }
0x1d9: {  	v18 =	vadd.f32 v19, v18  }
0x1da: {  	v19 =	vld.idx.msk [tilespmem:v10+s15+$0x0], $0xffff  }
0x1db: {  	v18 =	vadd.f32 v57, v18  }
0x1dc: {  	v59 =	vld.idx.msk [tilespmem:v11+s15+$0x0], $0xffff  }
0x1dd: {  	v18 =	vadd.f32 v58, v18  }
0x1de: {  	v60 =	vld.idx.msk [tilespmem:v12+s15+$0x0], $0xffff  }
0x1df: {  	v18 =	vadd.f32 v19, v18  }
0x1e0: {  	v19 =	vld.idx.msk [tilespmem:v13+s15+$0x0], $0xffff  }
0x1e1: {  	v18 =	vadd.f32 v59, v18  }
0x1e2: {  	v61 =	vld.idx.msk [tilespmem:v14+s15+$0x0], $0xffff  }
0x1e3: {  	v18 =	vadd.f32 v60, v18  }
0x1e4: {  	v62 =	vld.idx.msk [tilespmem:v15+s15+$0x0], $0xffff  }
0x1e5: {  	v18 =	vadd.f32 v19, v18  }
0x1e6: {  	v19 =	vld.idx.msk [tilespmem:v16+s15+$0x0], $0xffff  }
0x1e7: {  	v18 =	vadd.f32 v61, v18  }
0x1e8: {  	v63 =	vld.idx.msk [tilespmem:v17+s15+$0x0], $0xffff  }
0x1e9: {  	s16 =	sadd.s32 $0x40, s16;
	v18 =	vadd.f32 v62, v18  }
0x1ea: {  	p0 =	sne.s32 s16, $0x800  }
.Ltmp0:
0x1eb: {  	v18 =	vadd.f32 v19, v18;
	(pc) =	sbr.rel @p0 .LBB2_2-.Ltmp0, $3  }
0x1ec: {  	_ = 	snop  }
0x1ed: {  	v18 =	vadd.f32 v63, v18;
	_ =	sdelay $0x1  }
0x1ee: {  	s10 =	simm.s32 $0x3;
	s22 =	simm.s32 $0x1400;
	s21 =	simm.s32 $0x8400;
	[tilespmem:s20+$0x10900] =	vst v18  }
0x1ef: {  	s16 =	simm.s32 $0x0  }
0x1f0: {  	s17 =	rddreg [dreg:$0x9];
	s18 =	simm.s32 $0x10900;
	s19 =	simm.s32 $0x12  }
0x1f1: {  	[hbm4b:s17+s16] =	stream.linear.scatter [tilespmem:s18], [sflag:$0x12], $0x200, $0x38;
	[tilespmem:$0x10B00] =	vst v63  }
0x1f2: {  	_ =	swait.ge [sflag:s19], $0x200  }
0x1f3: {  	s17 =	rddreg [dreg:$0xb]  }
0x1f4: {  	s20 =	rddreg [dreg:$0xa];
	s18 =	sadd.s32 $0x1, s17  }
0x1f5: {  	p0 =	sne.s32 s18, s20  }
.Ltmp1:
0x1f6: {  	_ = 	snop;
	(pc) =	sbr.rel @p0 .LBB2_1-.Ltmp1, $3  }
0x1f7: {  	_ =	sdelay $0x1  }
0x1f8: {  	[sflag:s19] =	ssyncset.done $0x0  }
0x1f9: {  	[sflag:s19] =	ssyncadd.s32 $0xFFFFFE00  }
0x1fa: {  	_ =	sfence.sel $0x180000  }
0x1fb: {  	[bflag:$0x0] =	sbarrier.arrive $0xFFFF  }
0x1fc: {  	_ =	strace $0x90000047  }
0x1fd: {  	s0 =	stileid.u32;
	[bflag:$0x2] =	sbarrier.arrive $0xFFFF  }
0x1fe: {  	p0 =	sne.s32 s0, $0x0;
	s0 =	rddreg [dreg:$0x4]  }
0x1ff: {  	s0 =	sadd.s32 @!p0 $0x100000, s0  }
0x200: {  	[sflag:s0] =	ssyncadd.tile.s32 @!p0 $0x1;
	_ =	shalt  }
.Lfunc_end2:
_tile_overlayer_lowered:
.L_overlay_start_2:
0x201: {  	(tag) =	ssettag $0x2  }
0x202: {  	s0 =	rddreg [dreg:$0x0];
	s2 =	stileid.u32  }
0x203: {  	s1 =	rddreg [dreg:$0x1];
	p0 =	sne.s32 s2, $0x0  }
0x204: {  	s3 =	rddreg [dreg:$0x2];
	[bflag:$0x3] =	sbarrier.arrive $0xFFFF;
	s2 =	simm.s32 @!p0 $0x1C12  }
0x205: {  	[timem:s3], [sflag:s2] =	dma.local @!p0 [hbm:s0], s1  }
0x206: {  	s0 =	simm.s32 @!p0 $0x12  }
0x207: {  	_ =	swait.ge @!p0 [sflag:s0], s1  }
0x208: {  	s1 =	ssub.s32 @!p0 $0x0, s1;
	[sflag:s0] =	ssyncset.done @!p0 $0x0  }
0x209: {  	[sflag:s0] =	ssyncadd.s32 @!p0 s1  }
0x20a: {  	[bflag:$0x3] =	sbarrier.arrive $0xFFFF  }
0x20b: {  	_ =	shalt  }

</sc_bundles>
